<compile_context>
chip_gen: v7x
topology: tpu7x:2x2x1
jax: 0.10.2.dev20260603
libtpu: 0.0.44.dev20260713+nightly
codegen_flags: <defaults>
</compile_context>

<pallas_src>
import functools

import jax
import jax.numpy as jnp
from jax import lax
from jax.experimental import pallas as pl
from jax.experimental.pallas import tpu as pltpu
from jax.experimental.pallas import tpu_sc as plsc

_N = 10000
_E = 320000
_HID = 256
_ALPHA = 0.3
_EPS = 1e-5

_NC = 2
_NS = 16
_CH = 128
_NPAD = 10240
_EP = 327680
_DUMP = 10016
_SEG_CPS = _EP // _CH // _NS
_HIST_CPS = _EP // _CH // _NC // _NS

_B = 1000


def _vsmesh():
    return plsc.VectorSubcoreMesh(core_axis_name="c", subcore_axis_name="s")


def _fill(ref, rows, value):
    @pl.loop(0, rows)
    def _(i):
        ref[pl.ds(i, 1), :] = jnp.full((1, 16), value, jnp.float32)


def _fill_wide(ref, rows, cols, value):
    @pl.loop(0, rows)
    def _(i):
        @pl.loop(0, cols, step=16)
        def _(j):
            ref[pl.ds(i, 1), pl.ds(j, 16)] = jnp.full((1, 16), value, jnp.float32)


def _writeback(acc_sh, out_hbm, c, s):
    @pl.when(s < _NS - 1)
    def _():
        for j in range(5):
            pltpu.sync_copy(
                acc_sh.at[pl.ds(s * 640 + j * 128, 128)],
                out_hbm.at[pl.ds(c * _N + s * 640 + j * 128, 128)],
            )

    @pl.when(s == _NS - 1)
    def _():
        for j in range(3):
            pltpu.sync_copy(
                acc_sh.at[pl.ds(9600 + j * 128, 128)],
                out_hbm.at[pl.ds(c * _N + 9600 + j * 128, 128)],
            )
        pltpu.sync_copy(acc_sh.at[pl.ds(9984, 16)],
                        out_hbm.at[pl.ds(c * _N + 9984, 16)])


def _sc_hist(dst_p):

    @functools.partial(
        pl.kernel,
        out_type=jax.ShapeDtypeStruct((_NC * _N, 128), jnp.float32),
        mesh=_vsmesh(),
        scratch_types=[
            pltpu.VMEM((_CH,), jnp.int32),
            pltpu.VMEM((_CH, 128), jnp.float32),
            pltpu.VMEM((128, 128), jnp.float32),
            pltpu.VMEM_SHARED((_NPAD, 128), jnp.float32),
        ],
    )
    def hist(dst_hbm, out_hbm, idx_v, ones_v, zer_v, acc_sh):
        c = lax.axis_index("c")
        s = lax.axis_index("s")
        _fill_wide(ones_v, _CH, 128, 1.0)
        _fill_wide(zer_v, 128, 128, 0.0)

        @pl.loop(0, 5)
        def _(j):
            pltpu.sync_copy(zer_v, acc_sh.at[pl.ds(s * 640 + j * 128, 128)])

        plsc.subcore_barrier()
        per_core = _E // _CH // _NC
        max_iters = (per_core + _NS - 1) // _NS

        @pl.loop(0, max_iters)
        def _(k):
            idx = s + k * _NS

            @pl.when(idx < per_core)
            def _():
                off = (c * per_core + idx) * _CH
                pltpu.sync_copy(dst_hbm.at[pl.ds(off, _CH)], idx_v)
                pltpu.sync_copy(ones_v, acc_sh.at[idx_v], add=True)

        plsc.subcore_barrier()
        _writeback(acc_sh, out_hbm, c, s)

    return hist(dst_p)


def _sc_segsum(table2, src0_2d, dst_2d):
    n_chunks = _E // _CH
    max_iters = (n_chunks + _NS - 1) // _NS

    @functools.partial(
        pl.kernel,
        out_type=jax.ShapeDtypeStruct((_NC * _N, 128), jnp.float32),
        mesh=_vsmesh(),
        scratch_types=[
            pltpu.VMEM((_CH,), jnp.int32),
            pltpu.VMEM((_CH,), jnp.int32),
            pltpu.VMEM((_CH, 128), jnp.float32),
            pltpu.VMEM((128, 128), jnp.float32),
            pltpu.VMEM_SHARED((_NPAD, 128), jnp.float32),
        ],
    )
    def segsum(t_hbm, src_hbm, d_hbm, out_hbm, src_v, dst_v, rows_v, zer_v,
               acc_sh):
        c = lax.axis_index("c")
        s = lax.axis_index("s")
        _fill_wide(zer_v, 128, 128, 0.0)

        @pl.loop(0, 5)
        def _(j):
            pltpu.sync_copy(zer_v, acc_sh.at[pl.ds(s * 640 + j * 128, 128)])

        plsc.subcore_barrier()

        @pl.loop(0, max_iters)
        def _(k):
            idx = s + k * _NS

            @pl.when(idx < n_chunks)
            def _():
                off = idx * _CH
                pltpu.sync_copy(src_hbm.at[pl.ds(off, _CH)], src_v)
                pltpu.sync_copy(d_hbm.at[pl.ds(off, _CH)], dst_v)

                @pl.loop(0, _CH, step=16)
                def _(j):
                    src_v[pl.ds(j, 16)] = src_v[pl.ds(j, 16)] + c * _N

                pltpu.sync_copy(t_hbm.at[src_v], rows_v)
                pltpu.sync_copy(rows_v, acc_sh.at[dst_v], add=True)

        plsc.subcore_barrier()
        _writeback(acc_sh, out_hbm, c, s)

    return segsum(table2, src0_2d, dst_2d)


def _dinv_of(degp_ref):
    deg = 1.0 + degp_ref[0, :, 0:1] + degp_ref[1, :, 0:1]
    return lax.rsqrt(deg)


def _tc_proj(x, projW, projB):
    def body(x_ref, w_ref, b_ref, o_ref):
        o_ref[...] = (
            jnp.dot(x_ref[...], w_ref[...], preferred_element_type=jnp.float32)
            + b_ref[...][None, :]
        )

    return pl.pallas_call(
        body,
        grid=(_N // _B,),
        in_specs=[
            pl.BlockSpec((_B, 128), lambda i: (i, 0)),
            pl.BlockSpec((128, _HID), lambda i: (0, 0)),
            pl.BlockSpec((_HID,), lambda i: (0,)),
        ],
        out_specs=pl.BlockSpec((_B, _HID), lambda i: (i, 0)),
        out_shape=jax.ShapeDtypeStruct((_N, _HID), jnp.float32),
    )(x, projW, projB)


def _tc_msg0(h0, convW0, degp):
    def body(h_ref, w_ref, degp_ref, o_ref):
        dinv = _dinv_of(degp_ref)
        hw = jnp.dot(h_ref[...], w_ref[...], preferred_element_type=jnp.float32)
        o_ref[0, :, :] = hw[:, :128] * dinv
        o_ref[1, :, :] = hw[:, 128:] * dinv

    return pl.pallas_call(
        body,
        grid=(_N // _B,),
        in_specs=[
            pl.BlockSpec((_B, _HID), lambda i: (i, 0)),
            pl.BlockSpec((_HID, _HID), lambda i: (0, 0)),
            pl.BlockSpec((2, _B, 128), lambda i: (0, i, 0)),
        ],
        out_specs=pl.BlockSpec((2, _B, 128), lambda i: (0, i, 0)),
        out_shape=jax.ShapeDtypeStruct((2, _N, 128), jnp.float32),
    )(h0, convW0, degp)


def _update_core(s_ref, t_ref, h_ref, h0_ref, degp_ref, cb_ref, nzG_ref, nzB_ref,
                 w1_ref, b1_ref, w2_ref, b2_ref, tau_ref, npG_ref, npB_ref):
    dinv = _dinv_of(degp_ref)
    h = h_ref[...]
    h0 = h0_ref[...]
    t = jnp.concatenate([t_ref[0, :, :], t_ref[1, :, :]], axis=1)
    ssum = jnp.concatenate([s_ref[0, :, :], s_ref[1, :, :]], axis=1)
    raw = dinv * (ssum + t) + cb_ref[...][None, :] + _ALPHA * h0

    mu = (jnp.sum(raw, axis=1, keepdims=True) + jnp.sum(h, axis=1, keepdims=True)) / (2 * _HID)
    dr = raw - mu
    dh = h - mu
    var = (jnp.sum(dr * dr, axis=1, keepdims=True)
           + jnp.sum(dh * dh, axis=1, keepdims=True)) / (2 * _HID)
    rstd = lax.rsqrt(var + _EPS)
    nzG = nzG_ref[...]
    nzB = nzB_ref[...]
    zr = dr * rstd * nzG[None, :_HID] + nzB[None, :_HID]
    zh = dh * rstd * nzG[None, _HID:] + nzB[None, _HID:]

    w1 = w1_ref[...]
    g1 = (jnp.dot(zr, w1[:_HID, :], preferred_element_type=jnp.float32)
          + jnp.dot(zh, w1[_HID:, :], preferred_element_type=jnp.float32)
          + b1_ref[...][None, :])
    g1 = jnp.maximum(g1, 0.0)
    gl = jnp.sum(g1 * w2_ref[...][None, :], axis=1, keepdims=True) + b2_ref[0]
    gate = jax.nn.sigmoid(gl / tau_ref[0])

    hn = gate * raw + (1.0 - gate) * (h + _ALPHA * h0)
    mu2 = jnp.mean(hn, axis=1, keepdims=True)
    d2 = hn - mu2
    var2 = jnp.mean(d2 * d2, axis=1, keepdims=True)
    hn = d2 * lax.rsqrt(var2 + _EPS) * npG_ref[...][None, :] + npB_ref[...][None, :]
    return jnp.maximum(hn, 0.0), dinv


def _layer_in_specs():
    return [
        pl.BlockSpec((2, _B, 128), lambda i: (0, i, 0)),
        pl.BlockSpec((2, _B, 128), lambda i: (0, i, 0)),
        pl.BlockSpec((_B, _HID), lambda i: (i, 0)),
        pl.BlockSpec((_B, _HID), lambda i: (i, 0)),
        pl.BlockSpec((2, _B, 128), lambda i: (0, i, 0)),
        pl.BlockSpec((_HID,), lambda i: (0,)),
        pl.BlockSpec((2 * _HID,), lambda i: (0,)),
        pl.BlockSpec((2 * _HID,), lambda i: (0,)),
        pl.BlockSpec((2 * _HID, 128), lambda i: (0, 0)),
        pl.BlockSpec((128,), lambda i: (0,)),
        pl.BlockSpec((128,), lambda i: (0,)),
        pl.BlockSpec((1,), lambda i: (0,)),
        pl.BlockSpec((1,), lambda i: (0,)),
        pl.BlockSpec((_HID,), lambda i: (0,)),
        pl.BlockSpec((_HID,), lambda i: (0,)),
        pl.BlockSpec((_HID, _HID), lambda i: (0, 0)),
    ]


def _tc_update(s2, t2, h, h0, degp, convBl, nzG, nzB, gateW1, gateB1, gateW2v,
               gateB2, tau1, npG, npB, convW_next):
    def body(s_ref, t_ref, h_ref, h0_ref, degp_ref, cb_ref, nzG_ref, nzB_ref,
             w1_ref, b1_ref, w2_ref, b2_ref, tau_ref, npG_ref, npB_ref,
             wn_ref, oh_ref, ot_ref):
        hr, dinv = _update_core(s_ref, t_ref, h_ref, h0_ref, degp_ref, cb_ref,
                                nzG_ref, nzB_ref, w1_ref, b1_ref, w2_ref,
                                b2_ref, tau_ref, npG_ref, npB_ref)
        oh_ref[...] = hr
        hw = jnp.dot(hr, wn_ref[...], preferred_element_type=jnp.float32)
        ot_ref[0, :, :] = hw[:, :128] * dinv
        ot_ref[1, :, :] = hw[:, 128:] * dinv

    return pl.pallas_call(
        body,
        grid=(_N // _B,),
        in_specs=_layer_in_specs(),
        out_specs=[
            pl.BlockSpec((_B, _HID), lambda i: (i, 0)),
            pl.BlockSpec((2, _B, 128), lambda i: (0, i, 0)),
        ],
        out_shape=[
            jax.ShapeDtypeStruct((_N, _HID), jnp.float32),
            jax.ShapeDtypeStruct((2, _N, 128), jnp.float32),
        ],
    )(s2, t2, h, h0, degp, convBl, nzG, nzB, gateW1, gateB1, gateW2v, gateB2,
      tau1, npG, npB, convW_next)


def _tc_update_final(s2, t2, h, h0, degp, convBl, nzG, nzB, gateW1, gateB1,
                     gateW2v, gateB2, tau1, npG, npB, outW, outB):
    def body(s_ref, t_ref, h_ref, h0_ref, degp_ref, cb_ref, nzG_ref, nzB_ref,
             w1_ref, b1_ref, w2_ref, b2_ref, tau_ref, npG_ref, npB_ref,
             wo_ref, bo_ref, o_ref):
        hr, _ = _update_core(s_ref, t_ref, h_ref, h0_ref, degp_ref, cb_ref,
                             nzG_ref, nzB_ref, w1_ref, b1_ref, w2_ref,
                             b2_ref, tau_ref, npG_ref, npB_ref)
        o_ref[...] = (
            jnp.dot(hr, wo_ref[...], preferred_element_type=jnp.float32)
            + bo_ref[...][None, :]
        )

    in_specs = _layer_in_specs()[:-1] + [
        pl.BlockSpec((_HID, 64), lambda i: (0, 0)),
        pl.BlockSpec((64,), lambda i: (0,)),
    ]
    return pl.pallas_call(
        body,
        grid=(_N // _B,),
        in_specs=in_specs,
        out_specs=pl.BlockSpec((_B, 64), lambda i: (i, 0)),
        out_shape=jax.ShapeDtypeStruct((_N, 64), jnp.float32),
    )(s2, t2, h, h0, degp, convBl, nzG, nzB, gateW1, gateB1, gateW2v, gateB2,
      tau1, npG, npB, outW, outB)


def kernel(x, edge_index, projW, projB, convW, convB, gateW1, gateB1, gateW2,
           gateB2, nzG, nzB, npG, npB, outW, outB, tau):
    src = edge_index[0]
    dst = edge_index[1]
    gateW2v = jnp.reshape(gateW2, (128,))
    tau1 = jnp.reshape(tau, (1,))

    pad = _EP - _E
    src_p = jnp.concatenate([src, jnp.zeros((pad,), jnp.int32)])
    dst_p = jnp.concatenate([dst, jnp.full((pad,), _DUMP, jnp.int32)])
    src0_2d = src
    dst_2d = dst

    degp_flat = _sc_hist(dst)
    degp = jnp.reshape(degp_flat, (2, _N, 128))
    h0 = _tc_proj(x, projW, projB)
    t = _tc_msg0(h0, convW[0], degp)

    h = h0
    for l in range(4):
        s2_flat = _sc_segsum(jnp.reshape(t, (2 * _N, 128)), src0_2d, dst_2d)
        s2 = jnp.reshape(s2_flat, (2, _N, 128))
        if l < 3:
            h, t = _tc_update(s2, t, h, h0, degp, convB[l], nzG, nzB, gateW1,
                              gateB1, gateW2v, gateB2, tau1, npG, npB,
                              convW[l + 1])
        else:
            out = _tc_update_final(s2, t, h, h0, degp, convB[l], nzG, nzB,
                                   gateW1, gateB1, gateW2v, gateB2, tau1,
                                   npG, npB, outW, outB)
    return out

# --- scband reference (transcript-rebuilt; emitter-appended) ---
"""Pipeline reference for scband-argc-730144440425 (READ-ONLY COPY).

The authoritative reference and input builder live on the scoring server;
editing this copy changes nothing except your own understanding.
"""

import jax, jax.numpy as jnp
import numpy as np

N = 10000
E = 320000
IN_C = 128
HID = 256
OUT_C = 64
L = 4
ALPHA = 0.3
EPS = 1e-5


def setup_inputs(seed: int = 0) -> dict:
    key = jax.random.key(seed)
    ks = jax.random.split(key, 10)

    def p(k, shape, fan_in):
        return jax.random.normal(k, shape, dtype=jnp.float32) * (1.0 / np.sqrt(fan_in))

    x = jax.random.normal(ks[0], (N, IN_C), dtype=jnp.float32)
    edge_index = jax.random.randint(ks[1], (2, E), 0, N, dtype=jnp.int32)
    projW = p(ks[2], (IN_C, HID), IN_C)
    projB = jnp.zeros((HID,), dtype=jnp.float32)
    convW = p(ks[3], (L, HID, HID), HID)
    convB = jnp.zeros((L, HID), dtype=jnp.float32)
    gateW1 = p(ks[4], (2 * HID, HID // 2), 2 * HID)
    gateB1 = jnp.zeros((HID // 2,), dtype=jnp.float32)
    gateW2 = p(ks[5], (HID // 2, 1), HID // 2)
    gateB2 = jnp.full((1,), 5.0, dtype=jnp.float32)
    nzG = jnp.ones((2 * HID,), dtype=jnp.float32)
    nzB = jnp.zeros((2 * HID,), dtype=jnp.float32)
    npG = jnp.ones((HID,), dtype=jnp.float32)
    npB = jnp.zeros((HID,), dtype=jnp.float32)
    outW = p(ks[6], (HID, OUT_C), HID)
    outB = jnp.zeros((OUT_C,), dtype=jnp.float32)
    tau = jnp.asarray(0.5, dtype=jnp.float32)
    return {"x": x, "edge_index": edge_index, "projW": projW, "projB": projB,
            "convW": convW, "convB": convB, "gateW1": gateW1, "gateB1": gateB1,
            "gateW2": gateW2, "gateB2": gateB2, "nzG": nzG, "nzB": nzB,
            "npG": npG, "npB": npB, "outW": outW, "outB": outB, "tau": tau}


def _ln(x, g, b):
    mu = jnp.mean(x, axis=-1, keepdims=True)
    var = jnp.mean((x - mu) ** 2, axis=-1, keepdims=True)
    return (x - mu) / jnp.sqrt(var + EPS) * g + b


def _gcn(h, src, dst, W, b):
    # GCNConv: lin -> symmetric-normalized sum aggregation (self loops added by caller)
    hw = h @ W
    deg = jnp.zeros((N,), dtype=hw.dtype).at[dst].add(1.0)
    dinv = jnp.where(deg > 0, 1.0 / jnp.sqrt(deg), 0.0)
    norm = dinv[src] * dinv[dst]
    msg = hw[src] * norm[:, None]
    agg = jnp.zeros_like(hw).at[dst].add(msg)
    return agg + b


def reference(x, edge_index, projW, projB, convW, convB, gateW1, gateB1, gateW2, gateB2, nzG, nzB, npG, npB, outW, outB, tau):
    loop = jnp.arange(N, dtype=edge_index.dtype)
    src = jnp.concatenate([edge_index[0], loop])
    dst = jnp.concatenate([edge_index[1], loop])
    h0 = x @ projW + projB
    h = h0
    for l in range(L):
        raw = _gcn(h, src, dst, convW[l], convB[l])
        raw = raw + ALPHA * h0
        z = _ln(jnp.concatenate([raw, h], axis=-1), nzG, nzB)
        gl = jax.nn.relu(z @ gateW1 + gateB1) @ gateW2 + gateB2
        gate = jax.nn.sigmoid(gl / tau)
        h = gate * raw + (1.0 - gate) * (h + ALPHA * h0)
        h = _ln(h, npG, npB)
        # dropout is identity in eval mode
        h = jax.nn.relu(h)
    return h @ outW + outB

if __name__ == "__main__":
    import jax
    _d = setup_inputs()
    print(jax.jit(kernel)(*tuple(_d.values())))

</pallas_src>

<mosaic_0001>
#map = affine_map<(d0, d1) -> (0)>
#map1 = affine_map<(d0, d1) -> (0, 0)>
module attributes {stable_mosaic.version = 14 : i64} {
  func.func @hist(%arg0: i32, %arg1: i32, %arg2: memref<320000xi32, #tpu.memory_space<hbm>>, %arg3: memref<20000x128xf32, #tpu.memory_space<hbm>>, %arg4: memref<128xi32, #tpu.memory_space<vmem>>, %arg5: memref<128x128xf32, #tpu.memory_space<vmem>>, %arg6: memref<128x128xf32, #tpu.memory_space<vmem>>, %arg7: memref<10240x128xf32, #tpu.memory_space<vmem_shared>>) attributes {dimension_semantics = [#tpu.dimension_semantics<core_parallel>, #tpu.dimension_semantics<subcore_parallel>], iteration_bounds = array<i64: 2, 16>, scalar_prefetch = 0 : i64, scratch_operands = 4 : i64, tpu.core_type = #tpu.core_type<sc_vector_subcore>, window_params = [{transform_indices = #map}, {transform_indices = #map1}]} {
    %scan3A = arith.constant 0 : i32
    %scan3A_0 = arith.constant 128 : i32
    %scan3A_1 = arith.addi %scan3A, %scan3A_0 : i32
    %scan3A_2 = arith.constant 1 : i32
    scf.for %scan3A_26 = %scan3A to %scan3A_1 step %scan3A_2  : i32 {
      %mul3A = arith.constant 1 : i32
      %mul3A_27 = arith.muli %scan3A_26, %mul3A : i32
      %add3A = arith.constant 0 : i32
      %add3A_28 = arith.addi %add3A, %mul3A_27 : i32
      %scan3A_29 = arith.constant 0 : i32
      %scan3A_30 = arith.constant 8 : i32
      %scan3A_31 = arith.addi %scan3A_29, %scan3A_30 : i32
      %scan3A_32 = arith.constant 1 : i32
      scf.for %scan3A_34 = %scan3A_29 to %scan3A_31 step %scan3A_32  : i32 {
        %mul3A_35 = arith.constant 16 : i32
        %mul3A_36 = arith.muli %scan3A_34, %mul3A_35 : i32
        %add3A_37 = arith.constant 0 : i32
        %add3A_38 = arith.addi %add3A_37, %mul3A_36 : i32
        %broadcast_in_dim3A = arith.constant 1.000000e+00 : f32
        %broadcast_in_dim3A_39 = vector.broadcast %broadcast_in_dim3A : f32 to vector<1x16xf32>
        %swap3A = arith.index_cast %add3A_28 : i32 to index
        %swap3A_40 = arith.index_cast %add3A_38 : i32 to index
        %swap3A_41 = tpu.vector_load %arg5[%swap3A, %swap3A_40] {strides = array<i32>} : memref<128x128xf32, #tpu.memory_space<vmem>>, vector<1x16xf32>,
        %swap3A_42 = vector.shape_cast %swap3A_41 : vector<1x16xf32> to vector<1x16xf32>
        %swap3A_43 = vector.shape_cast %broadcast_in_dim3A_39 : vector<1x16xf32> to vector<1x16xf32>
        tpu.vector_store %arg5[%swap3A, %swap3A_40], %swap3A_43 {strides = array<i32>} : memref<128x128xf32, #tpu.memory_space<vmem>>, vector<1x16xf32>,
      }
      %scan3A_33 = arith.constant 8 : i32
    }
    %scan3A_3 = arith.constant 128 : i32
    %scan3A_4 = arith.constant 0 : i32
    %scan3A_5 = arith.constant 128 : i32
    %scan3A_6 = arith.addi %scan3A_4, %scan3A_5 : i32
    %scan3A_7 = arith.constant 1 : i32
    scf.for %scan3A_26 = %scan3A_4 to %scan3A_6 step %scan3A_7  : i32 {
      %mul3A = arith.constant 1 : i32
      %mul3A_27 = arith.muli %scan3A_26, %mul3A : i32
      %add3A = arith.constant 0 : i32
      %add3A_28 = arith.addi %add3A, %mul3A_27 : i32
      %scan3A_29 = arith.constant 0 : i32
      %scan3A_30 = arith.constant 8 : i32
      %scan3A_31 = arith.addi %scan3A_29, %scan3A_30 : i32
      %scan3A_32 = arith.constant 1 : i32
      scf.for %scan3A_34 = %scan3A_29 to %scan3A_31 step %scan3A_32  : i32 {
        %mul3A_35 = arith.constant 16 : i32
        %mul3A_36 = arith.muli %scan3A_34, %mul3A_35 : i32
        %add3A_37 = arith.constant 0 : i32
        %add3A_38 = arith.addi %add3A_37, %mul3A_36 : i32
        %broadcast_in_dim3A = arith.constant 0.000000e+00 : f32
        %broadcast_in_dim3A_39 = vector.broadcast %broadcast_in_dim3A : f32 to vector<1x16xf32>
        %swap3A = arith.index_cast %add3A_28 : i32 to index
        %swap3A_40 = arith.index_cast %add3A_38 : i32 to index
        %swap3A_41 = tpu.vector_load %arg6[%swap3A, %swap3A_40] {strides = array<i32>} : memref<128x128xf32, #tpu.memory_space<vmem>>, vector<1x16xf32>,
        %swap3A_42 = vector.shape_cast %swap3A_41 : vector<1x16xf32> to vector<1x16xf32>
        %swap3A_43 = vector.shape_cast %broadcast_in_dim3A_39 : vector<1x16xf32> to vector<1x16xf32>
        tpu.vector_store %arg6[%swap3A, %swap3A_40], %swap3A_43 {strides = array<i32>} : memref<128x128xf32, #tpu.memory_space<vmem>>, vector<1x16xf32>,
      }
      %scan3A_33 = arith.constant 8 : i32
    }
    %scan3A_8 = arith.constant 128 : i32
    %scan3A_9 = arith.constant 0 : i32
    %scan3A_10 = arith.constant 5 : i32
    %scan3A_11 = arith.addi %scan3A_9, %scan3A_10 : i32
    %scan3A_12 = arith.constant 1 : i32
    scf.for %scan3A_26 = %scan3A_9 to %scan3A_11 step %scan3A_12  : i32 {
      %mul3A = arith.constant 1 : i32
      %mul3A_27 = arith.muli %scan3A_26, %mul3A : i32
      %add3A = arith.constant 0 : i32
      %add3A_28 = arith.addi %add3A, %mul3A_27 : i32
      %mul3A_29 = arith.constant 640 : i32
      %mul3A_30 = arith.muli %arg1, %mul3A_29 : i32
      %mul3A_31 = arith.constant 128 : i32
      %mul3A_32 = arith.muli %add3A_28, %mul3A_31 : i32
      %add3A_33 = arith.addi %mul3A_30, %mul3A_32 : i32
      "tpu.region"() ({
        %run_scoped3A = tpu.sem_alloc : memref<!tpu.dma_semaphore, #tpu.memory_space<semaphore_mem>>
        %dma_start3A = arith.constant 0 : i32
        %dma_start3A_34 = tpu.memref_slice %arg7[%add3A_33, %dma_start3A] : memref<10240x128xf32, #tpu.memory_space<vmem_shared>> -> memref<128x128xf32, #tpu.memory_space<vmem_shared>>
        %dma_start3A_35 = arith.constant 0 : i32
        %dma_start3A_36 = tpu.memref_slice %arg7[%add3A_33, %dma_start3A_35] : memref<10240x128xf32, #tpu.memory_space<vmem_shared>> -> memref<128x128xf32, #tpu.memory_space<vmem_shared>>
        tpu.enqueue_dma source(%arg6 : memref<128x128xf32, #tpu.memory_space<vmem>>) target(%dma_start3A_36 : memref<128x128xf32, #tpu.memory_space<vmem_shared>>) target_semaphore(%run_scoped3A : memref<!tpu.dma_semaphore, #tpu.memory_space<semaphore_mem>>)
        %dma_wait3A = arith.constant 0 : i32
        %dma_wait3A_37 = tpu.memref_slice %arg7[%add3A_33, %dma_wait3A] : memref<10240x128xf32, #tpu.memory_space<vmem_shared>> -> memref<128x128xf32, #tpu.memory_space<vmem_shared>>
        %dma_wait3A_38 = arith.constant 0 : i32
        %dma_wait3A_39 = tpu.memref_slice %arg7[%add3A_33, %dma_wait3A_38] : memref<10240x128xf32, #tpu.memory_space<vmem_shared>> -> memref<128x128xf32, #tpu.memory_space<vmem_shared>>
        tpu.wait_dma2 semaphore(%run_scoped3A : memref<!tpu.dma_semaphore, #tpu.memory_space<semaphore_mem>>) src(%arg6 : memref<128x128xf32, #tpu.memory_space<vmem>>) dst(%dma_wait3A_39 : memref<128x128xf32, #tpu.memory_space<vmem_shared>>)
        tpu.yield
      }) : () -> ()
    }
    %scan3A_13 = arith.constant 5 : i32
    %barrier3A = arith.constant 0 : index
    tpu.barrier barrier_id(%barrier3A)
    %scan3A_14 = arith.constant 0 : i32
    %scan3A_15 = arith.constant 79 : i32
    %scan3A_16 = arith.addi %scan3A_14, %scan3A_15 : i32
    %scan3A_17 = arith.constant 1 : i32
    scf.for %scan3A_26 = %scan3A_14 to %scan3A_16 step %scan3A_17  : i32 {
      %mul3A = arith.constant 1 : i32
      %mul3A_27 = arith.muli %scan3A_26, %mul3A : i32
      %add3A = arith.constant 0 : i32
      %add3A_28 = arith.addi %add3A, %mul3A_27 : i32
      %mul3A_29 = arith.constant 16 : i32
      %mul3A_30 = arith.muli %add3A_28, %mul3A_29 : i32
      %add3A_31 = arith.addi %arg1, %mul3A_30 : i32
      %lt3A_32 = arith.constant 1250 : i32
      %lt3A_33 = arith.cmpi slt, %add3A_31, %lt3A_32 : i32
      %convert_element_type3A_34 = arith.extui %lt3A_33 : i1 to i32
      %cond3A_35 = arith.constant 0 : i32
      %cond3A_36 = arith.cmpi ne, %convert_element_type3A_34, %cond3A_35 : i32
      scf.if %cond3A_36 {
        %mul3A_37 = arith.constant 1250 : i32
        %mul3A_38 = arith.muli %arg0, %mul3A_37 : i32
        %add3A_39 = arith.addi %mul3A_38, %add3A_31 : i32
        %mul3A_40 = arith.constant 128 : i32
        %mul3A_41 = arith.muli %add3A_39, %mul3A_40 : i32
        "tpu.region"() ({
          %run_scoped3A = tpu.sem_alloc : memref<!tpu.dma_semaphore, #tpu.memory_space<semaphore_mem>>
          %dma_start3A = tpu.memref_slice %arg2[%mul3A_41] : memref<320000xi32, #tpu.memory_space<hbm>> -> memref<128xi32, #tpu.memory_space<hbm>>
          %dma_start3A_42 = tpu.memref_slice %arg2[%mul3A_41] : memref<320000xi32, #tpu.memory_space<hbm>> -> memref<128xi32, #tpu.memory_space<hbm>>
          tpu.enqueue_dma source(%dma_start3A_42 : memref<128xi32, #tpu.memory_space<hbm>>) target(%arg4 : memref<128xi32, #tpu.memory_space<vmem>>) target_semaphore(%run_scoped3A : memref<!tpu.dma_semaphore, #tpu.memory_space<semaphore_mem>>)
          %dma_wait3A = tpu.memref_slice %arg2[%mul3A_41] : memref<320000xi32, #tpu.memory_space<hbm>> -> memref<128xi32, #tpu.memory_space<hbm>>
          %dma_wait3A_43 = tpu.memref_slice %arg2[%mul3A_41] : memref<320000xi32, #tpu.memory_space<hbm>> -> memref<128xi32, #tpu.memory_space<hbm>>
          tpu.wait_dma2 semaphore(%run_scoped3A : memref<!tpu.dma_semaphore, #tpu.memory_space<semaphore_mem>>) src(%dma_wait3A_43 : memref<128xi32, #tpu.memory_space<hbm>>) dst(%arg4 : memref<128xi32, #tpu.memory_space<vmem>>)
          tpu.yield
        }) : () -> ()
        "tpu.region"() ({
          %run_scoped3A = tpu.sem_alloc : memref<!tpu.dma_semaphore, #tpu.memory_space<semaphore_mem>>
          %dma_start3A = arith.constant 0 : i32
          %dma_start3A_42 = arith.constant 0 : i32
          %dma_start3A_43 = tpu.memref_slice %arg7[%dma_start3A, %dma_start3A_42] : memref<10240x128xf32, #tpu.memory_space<vmem_shared>> -> memref<10240x128xf32, #tpu.memory_space<vmem_shared>>
          tpu.enqueue_indirect_dma source(%arg5 : memref<128x128xf32, #tpu.memory_space<vmem>>) target(%dma_start3A_43 : memref<10240x128xf32, #tpu.memory_space<vmem_shared>>) offsets(%arg4 : memref<128xi32, #tpu.memory_space<vmem>>) semaphore(%run_scoped3A : memref<!tpu.dma_semaphore, #tpu.memory_space<semaphore_mem>>) {add = true}
          %dma_wait3A = arith.constant 0 : i32
          %dma_wait3A_44 = arith.constant 0 : i32
          %dma_wait3A_45 = tpu.memref_slice %arg7[%dma_wait3A, %dma_wait3A_44] : memref<10240x128xf32, #tpu.memory_space<vmem_shared>> -> memref<10240x128xf32, #tpu.memory_space<vmem_shared>>
          tpu.wait_indirect_dma semaphore(%run_scoped3A : memref<!tpu.dma_semaphore, #tpu.memory_space<semaphore_mem>>) src(%arg5 : memref<128x128xf32, #tpu.memory_space<vmem>>) dst(%dma_wait3A_45 : memref<10240x128xf32, #tpu.memory_space<vmem_shared>>)
          tpu.yield
        }) : () -> ()
      } else {
      }
    }
    %scan3A_18 = arith.constant 79 : i32
    %barrier3A_19 = arith.constant 0 : index
    tpu.barrier barrier_id(%barrier3A_19)
    %lt3A = arith.constant 15 : i32
    %lt3A_20 = arith.cmpi slt, %arg1, %lt3A : i32
    %convert_element_type3A = arith.extui %lt3A_20 : i1 to i32
    %cond3A = arith.constant 0 : i32
    %cond3A_21 = arith.cmpi ne, %convert_element_type3A, %cond3A : i32
    scf.if %cond3A_21 {
      %mul3A = arith.constant 640 : i32
      %mul3A_26 = arith.muli %arg1, %mul3A : i32
      %add3A = arith.constant 0 : i32
      %add3A_27 = arith.addi %mul3A_26, %add3A : i32
      %mul3A_28 = arith.constant 10000 : i32
      %mul3A_29 = arith.muli %arg0, %mul3A_28 : i32
      %mul3A_30 = arith.constant 640 : i32
      %mul3A_31 = arith.muli %arg1, %mul3A_30 : i32
      %add3A_32 = arith.addi %mul3A_29, %mul3A_31 : i32
      %add3A_33 = arith.constant 0 : i32
      %add3A_34 = arith.addi %add3A_32, %add3A_33 : i32
      "tpu.region"() ({
        %run_scoped3A = tpu.sem_alloc : memref<!tpu.dma_semaphore, #tpu.memory_space<semaphore_mem>>
        %dma_start3A = arith.constant 0 : i32
        %dma_start3A_79 = tpu.memref_slice %arg3[%add3A_34, %dma_start3A] : memref<20000x128xf32, #tpu.memory_space<hbm>> -> memref<128x128xf32, #tpu.memory_space<hbm>>
        %dma_start3A_80 = arith.constant 0 : i32
        %dma_start3A_81 = tpu.memref_slice %arg7[%add3A_27, %dma_start3A_80] : memref<10240x128xf32, #tpu.memory_space<vmem_shared>> -> memref<128x128xf32, #tpu.memory_space<vmem_shared>>
        tpu.enqueue_dma source(%dma_start3A_81 : memref<128x128xf32, #tpu.memory_space<vmem_shared>>) target(%dma_start3A_79 : memref<128x128xf32, #tpu.memory_space<hbm>>) target_semaphore(%run_scoped3A : memref<!tpu.dma_semaphore, #tpu.memory_space<semaphore_mem>>)
        %dma_wait3A = arith.constant 0 : i32
        %dma_wait3A_82 = tpu.memref_slice %arg3[%add3A_34, %dma_wait3A] : memref<20000x128xf32, #tpu.memory_space<hbm>> -> memref<128x128xf32, #tpu.memory_space<hbm>>
        %dma_wait3A_83 = arith.constant 0 : i32
        %dma_wait3A_84 = tpu.memref_slice %arg7[%add3A_27, %dma_wait3A_83] : memref<10240x128xf32, #tpu.memory_space<vmem_shared>> -> memref<128x128xf32, #tpu.memory_space<vmem_shared>>
        tpu.wait_dma2 semaphore(%run_scoped3A : memref<!tpu.dma_semaphore, #tpu.memory_space<semaphore_mem>>) src(%dma_wait3A_84 : memref<128x128xf32, #tpu.memory_space<vmem_shared>>) dst(%dma_wait3A_82 : memref<128x128xf32, #tpu.memory_space<hbm>>)
        tpu.yield
      }) : () -> ()
      %mul3A_35 = arith.constant 640 : i32
      %mul3A_36 = arith.muli %arg1, %mul3A_35 : i32
      %add3A_37 = arith.constant 128 : i32
      %add3A_38 = arith.addi %mul3A_36, %add3A_37 : i32
      %mul3A_39 = arith.constant 10000 : i32
      %mul3A_40 = arith.muli %arg0, %mul3A_39 : i32
      %mul3A_41 = arith.constant 640 : i32
      %mul3A_42 = arith.muli %arg1, %mul3A_41 : i32
      %add3A_43 = arith.addi %mul3A_40, %mul3A_42 : i32
      %add3A_44 = arith.constant 128 : i32
      %add3A_45 = arith.addi %add3A_43, %add3A_44 : i32
      "tpu.region"() ({
        %run_scoped3A = tpu.sem_alloc : memref<!tpu.dma_semaphore, #tpu.memory_space<semaphore_mem>>
        %dma_start3A = arith.constant 0 : i32
        %dma_start3A_79 = tpu.memref_slice %arg3[%add3A_45, %dma_start3A] : memref<20000x128xf32, #tpu.memory_space<hbm>> -> memref<128x128xf32, #tpu.memory_space<hbm>>
        %dma_start3A_80 = arith.constant 0 : i32
        %dma_start3A_81 = tpu.memref_slice %arg7[%add3A_38, %dma_start3A_80] : memref<10240x128xf32, #tpu.memory_space<vmem_shared>> -> memref<128x128xf32, #tpu.memory_space<vmem_shared>>
        tpu.enqueue_dma source(%dma_start3A_81 : memref<128x128xf32, #tpu.memory_space<vmem_shared>>) target(%dma_start3A_79 : memref<128x128xf32, #tpu.memory_space<hbm>>) target_semaphore(%run_scoped3A : memref<!tpu.dma_semaphore, #tpu.memory_space<semaphore_mem>>)
        %dma_wait3A = arith.constant 0 : i32
        %dma_wait3A_82 = tpu.memref_slice %arg3[%add3A_45, %dma_wait3A] : memref<20000x128xf32, #tpu.memory_space<hbm>> -> memref<128x128xf32, #tpu.memory_space<hbm>>
        %dma_wait3A_83 = arith.constant 0 : i32
        %dma_wait3A_84 = tpu.memref_slice %arg7[%add3A_38, %dma_wait3A_83] : memref<10240x128xf32, #tpu.memory_space<vmem_shared>> -> memref<128x128xf32, #tpu.memory_space<vmem_shared>>
        tpu.wait_dma2 semaphore(%run_scoped3A : memref<!tpu.dma_semaphore, #tpu.memory_space<semaphore_mem>>) src(%dma_wait3A_84 : memref<128x128xf32, #tpu.memory_space<vmem_shared>>) dst(%dma_wait3A_82 : memref<128x128xf32, #tpu.memory_space<hbm>>)
        tpu.yield
      }) : () -> ()
      %mul3A_46 = arith.constant 640 : i32
      %mul3A_47 = arith.muli %arg1, %mul3A_46 : i32
      %add3A_48 = arith.constant 256 : i32
      %add3A_49 = arith.addi %mul3A_47, %add3A_48 : i32
      %mul3A_50 = arith.constant 10000 : i32
      %mul3A_51 = arith.muli %arg0, %mul3A_50 : i32
      %mul3A_52 = arith.constant 640 : i32
      %mul3A_53 = arith.muli %arg1, %mul3A_52 : i32
      %add3A_54 = arith.addi %mul3A_51, %mul3A_53 : i32
      %add3A_55 = arith.constant 256 : i32
      %add3A_56 = arith.addi %add3A_54, %add3A_55 : i32
      "tpu.region"() ({
        %run_scoped3A = tpu.sem_alloc : memref<!tpu.dma_semaphore, #tpu.memory_space<semaphore_mem>>
        %dma_start3A = arith.constant 0 : i32
        %dma_start3A_79 = tpu.memref_slice %arg3[%add3A_56, %dma_start3A] : memref<20000x128xf32, #tpu.memory_space<hbm>> -> memref<128x128xf32, #tpu.memory_space<hbm>>
        %dma_start3A_80 = arith.constant 0 : i32
        %dma_start3A_81 = tpu.memref_slice %arg7[%add3A_49, %dma_start3A_80] : memref<10240x128xf32, #tpu.memory_space<vmem_shared>> -> memref<128x128xf32, #tpu.memory_space<vmem_shared>>
        tpu.enqueue_dma source(%dma_start3A_81 : memref<128x128xf32, #tpu.memory_space<vmem_shared>>) target(%dma_start3A_79 : memref<128x128xf32, #tpu.memory_space<hbm>>) target_semaphore(%run_scoped3A : memref<!tpu.dma_semaphore, #tpu.memory_space<semaphore_mem>>)
        %dma_wait3A = arith.constant 0 : i32
        %dma_wait3A_82 = tpu.memref_slice %arg3[%add3A_56, %dma_wait3A] : memref<20000x128xf32, #tpu.memory_space<hbm>> -> memref<128x128xf32, #tpu.memory_space<hbm>>
        %dma_wait3A_83 = arith.constant 0 : i32
        %dma_wait3A_84 = tpu.memref_slice %arg7[%add3A_49, %dma_wait3A_83] : memref<10240x128xf32, #tpu.memory_space<vmem_shared>> -> memref<128x128xf32, #tpu.memory_space<vmem_shared>>
        tpu.wait_dma2 semaphore(%run_scoped3A : memref<!tpu.dma_semaphore, #tpu.memory_space<semaphore_mem>>) src(%dma_wait3A_84 : memref<128x128xf32, #tpu.memory_space<vmem_shared>>) dst(%dma_wait3A_82 : memref<128x128xf32, #tpu.memory_space<hbm>>)
        tpu.yield
      }) : () -> ()
      %mul3A_57 = arith.constant 640 : i32
      %mul3A_58 = arith.muli %arg1, %mul3A_57 : i32
      %add3A_59 = arith.constant 384 : i32
      %add3A_60 = arith.addi %mul3A_58, %add3A_59 : i32
      %mul3A_61 = arith.constant 10000 : i32
      %mul3A_62 = arith.muli %arg0, %mul3A_61 : i32
      %mul3A_63 = arith.constant 640 : i32
      %mul3A_64 = arith.muli %arg1, %mul3A_63 : i32
      %add3A_65 = arith.addi %mul3A_62, %mul3A_64 : i32
      %add3A_66 = arith.constant 384 : i32
      %add3A_67 = arith.addi %add3A_65, %add3A_66 : i32
      "tpu.region"() ({
        %run_scoped3A = tpu.sem_alloc : memref<!tpu.dma_semaphore, #tpu.memory_space<semaphore_mem>>
        %dma_start3A = arith.constant 0 : i32
        %dma_start3A_79 = tpu.memref_slice %arg3[%add3A_67, %dma_start3A] : memref<20000x128xf32, #tpu.memory_space<hbm>> -> memref<128x128xf32, #tpu.memory_space<hbm>>
        %dma_start3A_80 = arith.constant 0 : i32
        %dma_start3A_81 = tpu.memref_slice %arg7[%add3A_60, %dma_start3A_80] : memref<10240x128xf32, #tpu.memory_space<vmem_shared>> -> memref<128x128xf32, #tpu.memory_space<vmem_shared>>
        tpu.enqueue_dma source(%dma_start3A_81 : memref<128x128xf32, #tpu.memory_space<vmem_shared>>) target(%dma_start3A_79 : memref<128x128xf32, #tpu.memory_space<hbm>>) target_semaphore(%run_scoped3A : memref<!tpu.dma_semaphore, #tpu.memory_space<semaphore_mem>>)
        %dma_wait3A = arith.constant 0 : i32
        %dma_wait3A_82 = tpu.memref_slice %arg3[%add3A_67, %dma_wait3A] : memref<20000x128xf32, #tpu.memory_space<hbm>> -> memref<128x128xf32, #tpu.memory_space<hbm>>
        %dma_wait3A_83 = arith.constant 0 : i32
        %dma_wait3A_84 = tpu.memref_slice %arg7[%add3A_60, %dma_wait3A_83] : memref<10240x128xf32, #tpu.memory_space<vmem_shared>> -> memref<128x128xf32, #tpu.memory_space<vmem_shared>>
        tpu.wait_dma2 semaphore(%run_scoped3A : memref<!tpu.dma_semaphore, #tpu.memory_space<semaphore_mem>>) src(%dma_wait3A_84 : memref<128x128xf32, #tpu.memory_space<vmem_shared>>) dst(%dma_wait3A_82 : memref<128x128xf32, #tpu.memory_space<hbm>>)
        tpu.yield
      }) : () -> ()
      %mul3A_68 = arith.constant 640 : i32
      %mul3A_69 = arith.muli %arg1, %mul3A_68 : i32
      %add3A_70 = arith.constant 512 : i32
      %add3A_71 = arith.addi %mul3A_69, %add3A_70 : i32
      %mul3A_72 = arith.constant 10000 : i32
      %mul3A_73 = arith.muli %arg0, %mul3A_72 : i32
      %mul3A_74 = arith.constant 640 : i32
      %mul3A_75 = arith.muli %arg1, %mul3A_74 : i32
      %add3A_76 = arith.addi %mul3A_73, %mul3A_75 : i32
      %add3A_77 = arith.constant 512 : i32
      %add3A_78 = arith.addi %add3A_76, %add3A_77 : i32
      "tpu.region"() ({
        %run_scoped3A = tpu.sem_alloc : memref<!tpu.dma_semaphore, #tpu.memory_space<semaphore_mem>>
        %dma_start3A = arith.constant 0 : i32
        %dma_start3A_79 = tpu.memref_slice %arg3[%add3A_78, %dma_start3A] : memref<20000x128xf32, #tpu.memory_space<hbm>> -> memref<128x128xf32, #tpu.memory_space<hbm>>
        %dma_start3A_80 = arith.constant 0 : i32
        %dma_start3A_81 = tpu.memref_slice %arg7[%add3A_71, %dma_start3A_80] : memref<10240x128xf32, #tpu.memory_space<vmem_shared>> -> memref<128x128xf32, #tpu.memory_space<vmem_shared>>
        tpu.enqueue_dma source(%dma_start3A_81 : memref<128x128xf32, #tpu.memory_space<vmem_shared>>) target(%dma_start3A_79 : memref<128x128xf32, #tpu.memory_space<hbm>>) target_semaphore(%run_scoped3A : memref<!tpu.dma_semaphore, #tpu.memory_space<semaphore_mem>>)
        %dma_wait3A = arith.constant 0 : i32
        %dma_wait3A_82 = tpu.memref_slice %arg3[%add3A_78, %dma_wait3A] : memref<20000x128xf32, #tpu.memory_space<hbm>> -> memref<128x128xf32, #tpu.memory_space<hbm>>
        %dma_wait3A_83 = arith.constant 0 : i32
        %dma_wait3A_84 = tpu.memref_slice %arg7[%add3A_71, %dma_wait3A_83] : memref<10240x128xf32, #tpu.memory_space<vmem_shared>> -> memref<128x128xf32, #tpu.memory_space<vmem_shared>>
        tpu.wait_dma2 semaphore(%run_scoped3A : memref<!tpu.dma_semaphore, #tpu.memory_space<semaphore_mem>>) src(%dma_wait3A_84 : memref<128x128xf32, #tpu.memory_space<vmem_shared>>) dst(%dma_wait3A_82 : memref<128x128xf32, #tpu.memory_space<hbm>>)
        tpu.yield
      }) : () -> ()
    } else {
    }
    %eq3A = arith.constant 15 : i32
    %eq3A_22 = arith.cmpi eq, %arg1, %eq3A : i32
    %convert_element_type3A_23 = arith.extui %eq3A_22 : i1 to i32
    %cond3A_24 = arith.constant 0 : i32
    %cond3A_25 = arith.cmpi ne, %convert_element_type3A_23, %cond3A_24 : i32
    scf.if %cond3A_25 {
      %mul3A = arith.constant 10000 : i32
      %mul3A_26 = arith.muli %arg0, %mul3A : i32
      %add3A = arith.constant 9600 : i32
      %add3A_27 = arith.addi %mul3A_26, %add3A : i32
      %add3A_28 = arith.constant 0 : i32
      %add3A_29 = arith.addi %add3A_27, %add3A_28 : i32
      "tpu.region"() ({
        %run_scoped3A = tpu.sem_alloc : memref<!tpu.dma_semaphore, #tpu.memory_space<semaphore_mem>>
        %dma_start3A = arith.constant 0 : i32
        %dma_start3A_46 = tpu.memref_slice %arg3[%add3A_29, %dma_start3A] : memref<20000x128xf32, #tpu.memory_space<hbm>> -> memref<128x128xf32, #tpu.memory_space<hbm>>
        %dma_start3A_47 = arith.constant 9600 : i32
        %dma_start3A_48 = arith.constant 0 : i32
        %dma_start3A_49 = tpu.memref_slice %arg7[%dma_start3A_47, %dma_start3A_48] : memref<10240x128xf32, #tpu.memory_space<vmem_shared>> -> memref<128x128xf32, #tpu.memory_space<vmem_shared>>
        tpu.enqueue_dma source(%dma_start3A_49 : memref<128x128xf32, #tpu.memory_space<vmem_shared>>) target(%dma_start3A_46 : memref<128x128xf32, #tpu.memory_space<hbm>>) target_semaphore(%run_scoped3A : memref<!tpu.dma_semaphore, #tpu.memory_space<semaphore_mem>>)
        %dma_wait3A = arith.constant 0 : i32
        %dma_wait3A_50 = tpu.memref_slice %arg3[%add3A_29, %dma_wait3A] : memref<20000x128xf32, #tpu.memory_space<hbm>> -> memref<128x128xf32, #tpu.memory_space<hbm>>
        %dma_wait3A_51 = arith.constant 9600 : i32
        %dma_wait3A_52 = arith.constant 0 : i32
        %dma_wait3A_53 = tpu.memref_slice %arg7[%dma_wait3A_51, %dma_wait3A_52] : memref<10240x128xf32, #tpu.memory_space<vmem_shared>> -> memref<128x128xf32, #tpu.memory_space<vmem_shared>>
        tpu.wait_dma2 semaphore(%run_scoped3A : memref<!tpu.dma_semaphore, #tpu.memory_space<semaphore_mem>>) src(%dma_wait3A_53 : memref<128x128xf32, #tpu.memory_space<vmem_shared>>) dst(%dma_wait3A_50 : memref<128x128xf32, #tpu.memory_space<hbm>>)
        tpu.yield
      }) : () -> ()
      %mul3A_30 = arith.constant 10000 : i32
      %mul3A_31 = arith.muli %arg0, %mul3A_30 : i32
      %add3A_32 = arith.constant 9600 : i32
      %add3A_33 = arith.addi %mul3A_31, %add3A_32 : i32
      %add3A_34 = arith.constant 128 : i32
      %add3A_35 = arith.addi %add3A_33, %add3A_34 : i32
      "tpu.region"() ({
        %run_scoped3A = tpu.sem_alloc : memref<!tpu.dma_semaphore, #tpu.memory_space<semaphore_mem>>
        %dma_start3A = arith.constant 0 : i32
        %dma_start3A_46 = tpu.memref_slice %arg3[%add3A_35, %dma_start3A] : memref<20000x128xf32, #tpu.memory_space<hbm>> -> memref<128x128xf32, #tpu.memory_space<hbm>>
        %dma_start3A_47 = arith.constant 9728 : i32
        %dma_start3A_48 = arith.constant 0 : i32
        %dma_start3A_49 = tpu.memref_slice %arg7[%dma_start3A_47, %dma_start3A_48] : memref<10240x128xf32, #tpu.memory_space<vmem_shared>> -> memref<128x128xf32, #tpu.memory_space<vmem_shared>>
        tpu.enqueue_dma source(%dma_start3A_49 : memref<128x128xf32, #tpu.memory_space<vmem_shared>>) target(%dma_start3A_46 : memref<128x128xf32, #tpu.memory_space<hbm>>) target_semaphore(%run_scoped3A : memref<!tpu.dma_semaphore, #tpu.memory_space<semaphore_mem>>)
        %dma_wait3A = arith.constant 0 : i32
        %dma_wait3A_50 = tpu.memref_slice %arg3[%add3A_35, %dma_wait3A] : memref<20000x128xf32, #tpu.memory_space<hbm>> -> memref<128x128xf32, #tpu.memory_space<hbm>>
        %dma_wait3A_51 = arith.constant 9728 : i32
        %dma_wait3A_52 = arith.constant 0 : i32
        %dma_wait3A_53 = tpu.memref_slice %arg7[%dma_wait3A_51, %dma_wait3A_52] : memref<10240x128xf32, #tpu.memory_space<vmem_shared>> -> memref<128x128xf32, #tpu.memory_space<vmem_shared>>
        tpu.wait_dma2 semaphore(%run_scoped3A : memref<!tpu.dma_semaphore, #tpu.memory_space<semaphore_mem>>) src(%dma_wait3A_53 : memref<128x128xf32, #tpu.memory_space<vmem_shared>>) dst(%dma_wait3A_50 : memref<128x128xf32, #tpu.memory_space<hbm>>)
        tpu.yield
      }) : () -> ()
      %mul3A_36 = arith.constant 10000 : i32
      %mul3A_37 = arith.muli %arg0, %mul3A_36 : i32
      %add3A_38 = arith.constant 9600 : i32
      %add3A_39 = arith.addi %mul3A_37, %add3A_38 : i32
      %add3A_40 = arith.constant 256 : i32
      %add3A_41 = arith.addi %add3A_39, %add3A_40 : i32
      "tpu.region"() ({
        %run_scoped3A = tpu.sem_alloc : memref<!tpu.dma_semaphore, #tpu.memory_space<semaphore_mem>>
        %dma_start3A = arith.constant 0 : i32
        %dma_start3A_46 = tpu.memref_slice %arg3[%add3A_41, %dma_start3A] : memref<20000x128xf32, #tpu.memory_space<hbm>> -> memref<128x128xf32, #tpu.memory_space<hbm>>
        %dma_start3A_47 = arith.constant 9856 : i32
        %dma_start3A_48 = arith.constant 0 : i32
        %dma_start3A_49 = tpu.memref_slice %arg7[%dma_start3A_47, %dma_start3A_48] : memref<10240x128xf32, #tpu.memory_space<vmem_shared>> -> memref<128x128xf32, #tpu.memory_space<vmem_shared>>
        tpu.enqueue_dma source(%dma_start3A_49 : memref<128x128xf32, #tpu.memory_space<vmem_shared>>) target(%dma_start3A_46 : memref<128x128xf32, #tpu.memory_space<hbm>>) target_semaphore(%run_scoped3A : memref<!tpu.dma_semaphore, #tpu.memory_space<semaphore_mem>>)
        %dma_wait3A = arith.constant 0 : i32
        %dma_wait3A_50 = tpu.memref_slice %arg3[%add3A_41, %dma_wait3A] : memref<20000x128xf32, #tpu.memory_space<hbm>> -> memref<128x128xf32, #tpu.memory_space<hbm>>
        %dma_wait3A_51 = arith.constant 9856 : i32
        %dma_wait3A_52 = arith.constant 0 : i32
        %dma_wait3A_53 = tpu.memref_slice %arg7[%dma_wait3A_51, %dma_wait3A_52] : memref<10240x128xf32, #tpu.memory_space<vmem_shared>> -> memref<128x128xf32, #tpu.memory_space<vmem_shared>>
        tpu.wait_dma2 semaphore(%run_scoped3A : memref<!tpu.dma_semaphore, #tpu.memory_space<semaphore_mem>>) src(%dma_wait3A_53 : memref<128x128xf32, #tpu.memory_space<vmem_shared>>) dst(%dma_wait3A_50 : memref<128x128xf32, #tpu.memory_space<hbm>>)
        tpu.yield
      }) : () -> ()
      %mul3A_42 = arith.constant 10000 : i32
      %mul3A_43 = arith.muli %arg0, %mul3A_42 : i32
      %add3A_44 = arith.constant 9984 : i32
      %add3A_45 = arith.addi %mul3A_43, %add3A_44 : i32
      "tpu.region"() ({
        %run_scoped3A = tpu.sem_alloc : memref<!tpu.dma_semaphore, #tpu.memory_space<semaphore_mem>>
        %dma_start3A = arith.constant 0 : i32
        %dma_start3A_46 = tpu.memref_slice %arg3[%add3A_45, %dma_start3A] : memref<20000x128xf32, #tpu.memory_space<hbm>> -> memref<16x128xf32, #tpu.memory_space<hbm>>
        %dma_start3A_47 = arith.constant 9984 : i32
        %dma_start3A_48 = arith.constant 0 : i32
        %dma_start3A_49 = tpu.memref_slice %arg7[%dma_start3A_47, %dma_start3A_48] : memref<10240x128xf32, #tpu.memory_space<vmem_shared>> -> memref<16x128xf32, #tpu.memory_space<vmem_shared>>
        tpu.enqueue_dma source(%dma_start3A_49 : memref<16x128xf32, #tpu.memory_space<vmem_shared>>) target(%dma_start3A_46 : memref<16x128xf32, #tpu.memory_space<hbm>>) target_semaphore(%run_scoped3A : memref<!tpu.dma_semaphore, #tpu.memory_space<semaphore_mem>>)
        %dma_wait3A = arith.constant 0 : i32
        %dma_wait3A_50 = tpu.memref_slice %arg3[%add3A_45, %dma_wait3A] : memref<20000x128xf32, #tpu.memory_space<hbm>> -> memref<16x128xf32, #tpu.memory_space<hbm>>
        %dma_wait3A_51 = arith.constant 9984 : i32
        %dma_wait3A_52 = arith.constant 0 : i32
        %dma_wait3A_53 = tpu.memref_slice %arg7[%dma_wait3A_51, %dma_wait3A_52] : memref<10240x128xf32, #tpu.memory_space<vmem_shared>> -> memref<16x128xf32, #tpu.memory_space<vmem_shared>>
        tpu.wait_dma2 semaphore(%run_scoped3A : memref<!tpu.dma_semaphore, #tpu.memory_space<semaphore_mem>>) src(%dma_wait3A_53 : memref<16x128xf32, #tpu.memory_space<vmem_shared>>) dst(%dma_wait3A_50 : memref<16x128xf32, #tpu.memory_space<hbm>>)
        tpu.yield
      }) : () -> ()
    } else {
    }
    return
  }
}

#map = affine_map<(d0, d1) -> (0, 0)>
#map1 = affine_map<(d0, d1) -> (0)>
module attributes {stable_mosaic.version = 14 : i64} {
  func.func @segsum(%arg0: i32, %arg1: i32, %arg2: memref<20000x128xf32, #tpu.memory_space<hbm>>, %arg3: memref<320000xi32, #tpu.memory_space<hbm>>, %arg4: memref<320000xi32, #tpu.memory_space<hbm>>, %arg5: memref<20000x128xf32, #tpu.memory_space<hbm>>, %arg6: memref<128xi32, #tpu.memory_space<vmem>>, %arg7: memref<128xi32, #tpu.memory_space<vmem>>, %arg8: memref<128x128xf32, #tpu.memory_space<vmem>>, %arg9: memref<128x128xf32, #tpu.memory_space<vmem>>, %arg10: memref<10240x128xf32, #tpu.memory_space<vmem_shared>>) attributes {dimension_semantics = [#tpu.dimension_semantics<core_parallel>, #tpu.dimension_semantics<subcore_parallel>], iteration_bounds = array<i64: 2, 16>, scalar_prefetch = 0 : i64, scratch_operands = 5 : i64, tpu.core_type = #tpu.core_type<sc_vector_subcore>, window_params = [{transform_indices = #map}, {transform_indices = #map1}, {transform_indices = #map1}, {transform_indices = #map}]} {
    %scan3A = arith.constant 0 : i32
    %scan3A_0 = arith.constant 128 : i32
    %scan3A_1 = arith.addi %scan3A, %scan3A_0 : i32
    %scan3A_2 = arith.constant 1 : i32
    scf.for %scan3A_21 = %scan3A to %scan3A_1 step %scan3A_2  : i32 {
      %mul3A = arith.constant 1 : i32
      %mul3A_22 = arith.muli %scan3A_21, %mul3A : i32
      %add3A = arith.constant 0 : i32
      %add3A_23 = arith.addi %add3A, %mul3A_22 : i32
      %scan3A_24 = arith.constant 0 : i32
      %scan3A_25 = arith.constant 8 : i32
      %scan3A_26 = arith.addi %scan3A_24, %scan3A_25 : i32
      %scan3A_27 = arith.constant 1 : i32
      scf.for %scan3A_29 = %scan3A_24 to %scan3A_26 step %scan3A_27  : i32 {
        %mul3A_30 = arith.constant 16 : i32
        %mul3A_31 = arith.muli %scan3A_29, %mul3A_30 : i32
        %add3A_32 = arith.constant 0 : i32
        %add3A_33 = arith.addi %add3A_32, %mul3A_31 : i32
        %broadcast_in_dim3A = arith.constant 0.000000e+00 : f32
        %broadcast_in_dim3A_34 = vector.broadcast %broadcast_in_dim3A : f32 to vector<1x16xf32>
        %swap3A = arith.index_cast %add3A_23 : i32 to index
        %swap3A_35 = arith.index_cast %add3A_33 : i32 to index
        %swap3A_36 = tpu.vector_load %arg9[%swap3A, %swap3A_35] {strides = array<i32>} : memref<128x128xf32, #tpu.memory_space<vmem>>, vector<1x16xf32>,
        %swap3A_37 = vector.shape_cast %swap3A_36 : vector<1x16xf32> to vector<1x16xf32>
        %swap3A_38 = vector.shape_cast %broadcast_in_dim3A_34 : vector<1x16xf32> to vector<1x16xf32>
        tpu.vector_store %arg9[%swap3A, %swap3A_35], %swap3A_38 {strides = array<i32>} : memref<128x128xf32, #tpu.memory_space<vmem>>, vector<1x16xf32>,
      }
      %scan3A_28 = arith.constant 8 : i32
    }
    %scan3A_3 = arith.constant 128 : i32
    %scan3A_4 = arith.constant 0 : i32
    %scan3A_5 = arith.constant 5 : i32
    %scan3A_6 = arith.addi %scan3A_4, %scan3A_5 : i32
    %scan3A_7 = arith.constant 1 : i32
    scf.for %scan3A_21 = %scan3A_4 to %scan3A_6 step %scan3A_7  : i32 {
      %mul3A = arith.constant 1 : i32
      %mul3A_22 = arith.muli %scan3A_21, %mul3A : i32
      %add3A = arith.constant 0 : i32
      %add3A_23 = arith.addi %add3A, %mul3A_22 : i32
      %mul3A_24 = arith.constant 640 : i32
      %mul3A_25 = arith.muli %arg1, %mul3A_24 : i32
      %mul3A_26 = arith.constant 128 : i32
      %mul3A_27 = arith.muli %add3A_23, %mul3A_26 : i32
      %add3A_28 = arith.addi %mul3A_25, %mul3A_27 : i32
      "tpu.region"() ({
        %run_scoped3A = tpu.sem_alloc : memref<!tpu.dma_semaphore, #tpu.memory_space<semaphore_mem>>
        %dma_start3A = arith.constant 0 : i32
        %dma_start3A_29 = tpu.memref_slice %arg10[%add3A_28, %dma_start3A] : memref<10240x128xf32, #tpu.memory_space<vmem_shared>> -> memref<128x128xf32, #tpu.memory_space<vmem_shared>>
        %dma_start3A_30 = arith.constant 0 : i32
        %dma_start3A_31 = tpu.memref_slice %arg10[%add3A_28, %dma_start3A_30] : memref<10240x128xf32, #tpu.memory_space<vmem_shared>> -> memref<128x128xf32, #tpu.memory_space<vmem_shared>>
        tpu.enqueue_dma source(%arg9 : memref<128x128xf32, #tpu.memory_space<vmem>>) target(%dma_start3A_31 : memref<128x128xf32, #tpu.memory_space<vmem_shared>>) target_semaphore(%run_scoped3A : memref<!tpu.dma_semaphore, #tpu.memory_space<semaphore_mem>>)
        %dma_wait3A = arith.constant 0 : i32
        %dma_wait3A_32 = tpu.memref_slice %arg10[%add3A_28, %dma_wait3A] : memref<10240x128xf32, #tpu.memory_space<vmem_shared>> -> memref<128x128xf32, #tpu.memory_space<vmem_shared>>
        %dma_wait3A_33 = arith.constant 0 : i32
        %dma_wait3A_34 = tpu.memref_slice %arg10[%add3A_28, %dma_wait3A_33] : memref<10240x128xf32, #tpu.memory_space<vmem_shared>> -> memref<128x128xf32, #tpu.memory_space<vmem_shared>>
        tpu.wait_dma2 semaphore(%run_scoped3A : memref<!tpu.dma_semaphore, #tpu.memory_space<semaphore_mem>>) src(%arg9 : memref<128x128xf32, #tpu.memory_space<vmem>>) dst(%dma_wait3A_34 : memref<128x128xf32, #tpu.memory_space<vmem_shared>>)
        tpu.yield
      }) : () -> ()
    }
    %scan3A_8 = arith.constant 5 : i32
    %barrier3A = arith.constant 0 : index
    tpu.barrier barrier_id(%barrier3A)
    %scan3A_9 = arith.constant 0 : i32
    %scan3A_10 = arith.constant 157 : i32
    %scan3A_11 = arith.addi %scan3A_9, %scan3A_10 : i32
    %scan3A_12 = arith.constant 1 : i32
    scf.for %scan3A_21 = %scan3A_9 to %scan3A_11 step %scan3A_12  : i32 {
      %mul3A = arith.constant 1 : i32
      %mul3A_22 = arith.muli %scan3A_21, %mul3A : i32
      %add3A = arith.constant 0 : i32
      %add3A_23 = arith.addi %add3A, %mul3A_22 : i32
      %mul3A_24 = arith.constant 16 : i32
      %mul3A_25 = arith.muli %add3A_23, %mul3A_24 : i32
      %add3A_26 = arith.addi %arg1, %mul3A_25 : i32
      %lt3A_27 = arith.constant 2500 : i32
      %lt3A_28 = arith.cmpi slt, %add3A_26, %lt3A_27 : i32
      %convert_element_type3A_29 = arith.extui %lt3A_28 : i1 to i32
      %cond3A_30 = arith.constant 0 : i32
      %cond3A_31 = arith.cmpi ne, %convert_element_type3A_29, %cond3A_30 : i32
      scf.if %cond3A_31 {
        %mul3A_32 = arith.constant 128 : i32
        %mul3A_33 = arith.muli %add3A_26, %mul3A_32 : i32
        "tpu.region"() ({
          %run_scoped3A = tpu.sem_alloc : memref<!tpu.dma_semaphore, #tpu.memory_space<semaphore_mem>>
          %dma_start3A = tpu.memref_slice %arg3[%mul3A_33] : memref<320000xi32, #tpu.memory_space<hbm>> -> memref<128xi32, #tpu.memory_space<hbm>>
          %dma_start3A_39 = tpu.memref_slice %arg3[%mul3A_33] : memref<320000xi32, #tpu.memory_space<hbm>> -> memref<128xi32, #tpu.memory_space<hbm>>
          tpu.enqueue_dma source(%dma_start3A_39 : memref<128xi32, #tpu.memory_space<hbm>>) target(%arg6 : memref<128xi32, #tpu.memory_space<vmem>>) target_semaphore(%run_scoped3A : memref<!tpu.dma_semaphore, #tpu.memory_space<semaphore_mem>>)
          %dma_wait3A = tpu.memref_slice %arg3[%mul3A_33] : memref<320000xi32, #tpu.memory_space<hbm>> -> memref<128xi32, #tpu.memory_space<hbm>>
          %dma_wait3A_40 = tpu.memref_slice %arg3[%mul3A_33] : memref<320000xi32, #tpu.memory_space<hbm>> -> memref<128xi32, #tpu.memory_space<hbm>>
          tpu.wait_dma2 semaphore(%run_scoped3A : memref<!tpu.dma_semaphore, #tpu.memory_space<semaphore_mem>>) src(%dma_wait3A_40 : memref<128xi32, #tpu.memory_space<hbm>>) dst(%arg6 : memref<128xi32, #tpu.memory_space<vmem>>)
          tpu.yield
        }) : () -> ()
        "tpu.region"() ({
          %run_scoped3A = tpu.sem_alloc : memref<!tpu.dma_semaphore, #tpu.memory_space<semaphore_mem>>
          %dma_start3A = tpu.memref_slice %arg4[%mul3A_33] : memref<320000xi32, #tpu.memory_space<hbm>> -> memref<128xi32, #tpu.memory_space<hbm>>
          %dma_start3A_39 = tpu.memref_slice %arg4[%mul3A_33] : memref<320000xi32, #tpu.memory_space<hbm>> -> memref<128xi32, #tpu.memory_space<hbm>>
          tpu.enqueue_dma source(%dma_start3A_39 : memref<128xi32, #tpu.memory_space<hbm>>) target(%arg7 : memref<128xi32, #tpu.memory_space<vmem>>) target_semaphore(%run_scoped3A : memref<!tpu.dma_semaphore, #tpu.memory_space<semaphore_mem>>)
          %dma_wait3A = tpu.memref_slice %arg4[%mul3A_33] : memref<320000xi32, #tpu.memory_space<hbm>> -> memref<128xi32, #tpu.memory_space<hbm>>
          %dma_wait3A_40 = tpu.memref_slice %arg4[%mul3A_33] : memref<320000xi32, #tpu.memory_space<hbm>> -> memref<128xi32, #tpu.memory_space<hbm>>
          tpu.wait_dma2 semaphore(%run_scoped3A : memref<!tpu.dma_semaphore, #tpu.memory_space<semaphore_mem>>) src(%dma_wait3A_40 : memref<128xi32, #tpu.memory_space<hbm>>) dst(%arg7 : memref<128xi32, #tpu.memory_space<vmem>>)
          tpu.yield
        }) : () -> ()
        %scan3A_34 = arith.constant 0 : i32
        %scan3A_35 = arith.constant 8 : i32
        %scan3A_36 = arith.addi %scan3A_34, %scan3A_35 : i32
        %scan3A_37 = arith.constant 1 : i32
        scf.for %scan3A_39 = %scan3A_34 to %scan3A_36 step %scan3A_37  : i32 {
          %mul3A_40 = arith.constant 16 : i32
          %mul3A_41 = arith.muli %scan3A_39, %mul3A_40 : i32
          %add3A_42 = arith.constant 0 : i32
          %add3A_43 = arith.addi %add3A_42, %mul3A_41 : i32
          %get3A = arith.index_cast %add3A_43 : i32 to index
          %get3A_44 = tpu.vector_load %arg6[%get3A] {strides = array<i32>} : memref<128xi32, #tpu.memory_space<vmem>>, vector<16xi32>,
          %get3A_45 = vector.shape_cast %get3A_44 : vector<16xi32> to vector<16xi32>
          %mul3A_46 = arith.constant 10000 : i32
          %mul3A_47 = arith.muli %arg0, %mul3A_46 : i32
          %add3A_48 = vector.broadcast %mul3A_47 : i32 to vector<16xi32>
          %add3A_49 = arith.addi %get3A_45, %add3A_48 : vector<16xi32>
          %swap3A = arith.index_cast %add3A_43 : i32 to index
          %swap3A_50 = tpu.vector_load %arg6[%swap3A] {strides = array<i32>} : memref<128xi32, #tpu.memory_space<vmem>>, vector<16xi32>,
          %swap3A_51 = vector.shape_cast %swap3A_50 : vector<16xi32> to vector<16xi32>
          %swap3A_52 = vector.shape_cast %add3A_49 : vector<16xi32> to vector<16xi32>
          tpu.vector_store %arg6[%swap3A], %swap3A_52 {strides = array<i32>} : memref<128xi32, #tpu.memory_space<vmem>>, vector<16xi32>,
        }
        %scan3A_38 = arith.constant 8 : i32
        "tpu.region"() ({
          %run_scoped3A = tpu.sem_alloc : memref<!tpu.dma_semaphore, #tpu.memory_space<semaphore_mem>>
          %dma_start3A = arith.constant 0 : i32
          %dma_start3A_39 = arith.constant 0 : i32
          %dma_start3A_40 = tpu.memref_slice %arg2[%dma_start3A, %dma_start3A_39] : memref<20000x128xf32, #tpu.memory_space<hbm>> -> memref<20000x128xf32, #tpu.memory_space<hbm>>
          tpu.enqueue_indirect_dma source(%dma_start3A_40 : memref<20000x128xf32, #tpu.memory_space<hbm>>) target(%arg8 : memref<128x128xf32, #tpu.memory_space<vmem>>) offsets(%arg6 : memref<128xi32, #tpu.memory_space<vmem>>) semaphore(%run_scoped3A : memref<!tpu.dma_semaphore, #tpu.memory_space<semaphore_mem>>)
          %dma_wait3A = arith.constant 0 : i32
          %dma_wait3A_41 = arith.constant 0 : i32
          %dma_wait3A_42 = tpu.memref_slice %arg2[%dma_wait3A, %dma_wait3A_41] : memref<20000x128xf32, #tpu.memory_space<hbm>> -> memref<20000x128xf32, #tpu.memory_space<hbm>>
          tpu.wait_indirect_dma semaphore(%run_scoped3A : memref<!tpu.dma_semaphore, #tpu.memory_space<semaphore_mem>>) src(%dma_wait3A_42 : memref<20000x128xf32, #tpu.memory_space<hbm>>) dst(%arg8 : memref<128x128xf32, #tpu.memory_space<vmem>>)
          tpu.yield
        }) : () -> ()
        "tpu.region"() ({
          %run_scoped3A = tpu.sem_alloc : memref<!tpu.dma_semaphore, #tpu.memory_space<semaphore_mem>>
          %dma_start3A = arith.constant 0 : i32
          %dma_start3A_39 = arith.constant 0 : i32
          %dma_start3A_40 = tpu.memref_slice %arg10[%dma_start3A, %dma_start3A_39] : memref<10240x128xf32, #tpu.memory_space<vmem_shared>> -> memref<10240x128xf32, #tpu.memory_space<vmem_shared>>
          tpu.enqueue_indirect_dma source(%arg8 : memref<128x128xf32, #tpu.memory_space<vmem>>) target(%dma_start3A_40 : memref<10240x128xf32, #tpu.memory_space<vmem_shared>>) offsets(%arg7 : memref<128xi32, #tpu.memory_space<vmem>>) semaphore(%run_scoped3A : memref<!tpu.dma_semaphore, #tpu.memory_space<semaphore_mem>>) {add = true}
          %dma_wait3A = arith.constant 0 : i32
          %dma_wait3A_41 = arith.constant 0 : i32
          %dma_wait3A_42 = tpu.memref_slice %arg10[%dma_wait3A, %dma_wait3A_41] : memref<10240x128xf32, #tpu.memory_space<vmem_shared>> -> memref<10240x128xf32, #tpu.memory_space<vmem_shared>>
          tpu.wait_indirect_dma semaphore(%run_scoped3A : memref<!tpu.dma_semaphore, #tpu.memory_space<semaphore_mem>>) src(%arg8 : memref<128x128xf32, #tpu.memory_space<vmem>>) dst(%dma_wait3A_42 : memref<10240x128xf32, #tpu.memory_space<vmem_shared>>)
          tpu.yield
        }) : () -> ()
      } else {
      }
    }
    %scan3A_13 = arith.constant 157 : i32
    %barrier3A_14 = arith.constant 0 : index
    tpu.barrier barrier_id(%barrier3A_14)
    %lt3A = arith.constant 15 : i32
    %lt3A_15 = arith.cmpi slt, %arg1, %lt3A : i32
    %convert_element_type3A = arith.extui %lt3A_15 : i1 to i32
    %cond3A = arith.constant 0 : i32
    %cond3A_16 = arith.cmpi ne, %convert_element_type3A, %cond3A : i32
    scf.if %cond3A_16 {
      %mul3A = arith.constant 640 : i32
      %mul3A_21 = arith.muli %arg1, %mul3A : i32
      %add3A = arith.constant 0 : i32
      %add3A_22 = arith.addi %mul3A_21, %add3A : i32
      %mul3A_23 = arith.constant 10000 : i32
      %mul3A_24 = arith.muli %arg0, %mul3A_23 : i32
      %mul3A_25 = arith.constant 640 : i32
      %mul3A_26 = arith.muli %arg1, %mul3A_25 : i32
      %add3A_27 = arith.addi %mul3A_24, %mul3A_26 : i32
      %add3A_28 = arith.constant 0 : i32
      %add3A_29 = arith.addi %add3A_27, %add3A_28 : i32
      "tpu.region"() ({
        %run_scoped3A = tpu.sem_alloc : memref<!tpu.dma_semaphore, #tpu.memory_space<semaphore_mem>>
        %dma_start3A = arith.constant 0 : i32
        %dma_start3A_74 = tpu.memref_slice %arg5[%add3A_29, %dma_start3A] : memref<20000x128xf32, #tpu.memory_space<hbm>> -> memref<128x128xf32, #tpu.memory_space<hbm>>
        %dma_start3A_75 = arith.constant 0 : i32
        %dma_start3A_76 = tpu.memref_slice %arg10[%add3A_22, %dma_start3A_75] : memref<10240x128xf32, #tpu.memory_space<vmem_shared>> -> memref<128x128xf32, #tpu.memory_space<vmem_shared>>
        tpu.enqueue_dma source(%dma_start3A_76 : memref<128x128xf32, #tpu.memory_space<vmem_shared>>) target(%dma_start3A_74 : memref<128x128xf32, #tpu.memory_space<hbm>>) target_semaphore(%run_scoped3A : memref<!tpu.dma_semaphore, #tpu.memory_space<semaphore_mem>>)
        %dma_wait3A = arith.constant 0 : i32
        %dma_wait3A_77 = tpu.memref_slice %arg5[%add3A_29, %dma_wait3A] : memref<20000x128xf32, #tpu.memory_space<hbm>> -> memref<128x128xf32, #tpu.memory_space<hbm>>
        %dma_wait3A_78 = arith.constant 0 : i32
        %dma_wait3A_79 = tpu.memref_slice %arg10[%add3A_22, %dma_wait3A_78] : memref<10240x128xf32, #tpu.memory_space<vmem_shared>> -> memref<128x128xf32, #tpu.memory_space<vmem_shared>>
        tpu.wait_dma2 semaphore(%run_scoped3A : memref<!tpu.dma_semaphore, #tpu.memory_space<semaphore_mem>>) src(%dma_wait3A_79 : memref<128x128xf32, #tpu.memory_space<vmem_shared>>) dst(%dma_wait3A_77 : memref<128x128xf32, #tpu.memory_space<hbm>>)
        tpu.yield
      }) : () -> ()
      %mul3A_30 = arith.constant 640 : i32
      %mul3A_31 = arith.muli %arg1, %mul3A_30 : i32
      %add3A_32 = arith.constant 128 : i32
      %add3A_33 = arith.addi %mul3A_31, %add3A_32 : i32
      %mul3A_34 = arith.constant 10000 : i32
      %mul3A_35 = arith.muli %arg0, %mul3A_34 : i32
      %mul3A_36 = arith.constant 640 : i32
      %mul3A_37 = arith.muli %arg1, %mul3A_36 : i32
      %add3A_38 = arith.addi %mul3A_35, %mul3A_37 : i32
      %add3A_39 = arith.constant 128 : i32
      %add3A_40 = arith.addi %add3A_38, %add3A_39 : i32
      "tpu.region"() ({
        %run_scoped3A = tpu.sem_alloc : memref<!tpu.dma_semaphore, #tpu.memory_space<semaphore_mem>>
        %dma_start3A = arith.constant 0 : i32
        %dma_start3A_74 = tpu.memref_slice %arg5[%add3A_40, %dma_start3A] : memref<20000x128xf32, #tpu.memory_space<hbm>> -> memref<128x128xf32, #tpu.memory_space<hbm>>
        %dma_start3A_75 = arith.constant 0 : i32
        %dma_start3A_76 = tpu.memref_slice %arg10[%add3A_33, %dma_start3A_75] : memref<10240x128xf32, #tpu.memory_space<vmem_shared>> -> memref<128x128xf32, #tpu.memory_space<vmem_shared>>
        tpu.enqueue_dma source(%dma_start3A_76 : memref<128x128xf32, #tpu.memory_space<vmem_shared>>) target(%dma_start3A_74 : memref<128x128xf32, #tpu.memory_space<hbm>>) target_semaphore(%run_scoped3A : memref<!tpu.dma_semaphore, #tpu.memory_space<semaphore_mem>>)
        %dma_wait3A = arith.constant 0 : i32
        %dma_wait3A_77 = tpu.memref_slice %arg5[%add3A_40, %dma_wait3A] : memref<20000x128xf32, #tpu.memory_space<hbm>> -> memref<128x128xf32, #tpu.memory_space<hbm>>
        %dma_wait3A_78 = arith.constant 0 : i32
        %dma_wait3A_79 = tpu.memref_slice %arg10[%add3A_33, %dma_wait3A_78] : memref<10240x128xf32, #tpu.memory_space<vmem_shared>> -> memref<128x128xf32, #tpu.memory_space<vmem_shared>>
        tpu.wait_dma2 semaphore(%run_scoped3A : memref<!tpu.dma_semaphore, #tpu.memory_space<semaphore_mem>>) src(%dma_wait3A_79 : memref<128x128xf32, #tpu.memory_space<vmem_shared>>) dst(%dma_wait3A_77 : memref<128x128xf32, #tpu.memory_space<hbm>>)
        tpu.yield
      }) : () -> ()
      %mul3A_41 = arith.constant 640 : i32
      %mul3A_42 = arith.muli %arg1, %mul3A_41 : i32
      %add3A_43 = arith.constant 256 : i32
      %add3A_44 = arith.addi %mul3A_42, %add3A_43 : i32
      %mul3A_45 = arith.constant 10000 : i32
      %mul3A_46 = arith.muli %arg0, %mul3A_45 : i32
      %mul3A_47 = arith.constant 640 : i32
      %mul3A_48 = arith.muli %arg1, %mul3A_47 : i32
      %add3A_49 = arith.addi %mul3A_46, %mul3A_48 : i32
      %add3A_50 = arith.constant 256 : i32
      %add3A_51 = arith.addi %add3A_49, %add3A_50 : i32
      "tpu.region"() ({
        %run_scoped3A = tpu.sem_alloc : memref<!tpu.dma_semaphore, #tpu.memory_space<semaphore_mem>>
        %dma_start3A = arith.constant 0 : i32
        %dma_start3A_74 = tpu.memref_slice %arg5[%add3A_51, %dma_start3A] : memref<20000x128xf32, #tpu.memory_space<hbm>> -> memref<128x128xf32, #tpu.memory_space<hbm>>
        %dma_start3A_75 = arith.constant 0 : i32
        %dma_start3A_76 = tpu.memref_slice %arg10[%add3A_44, %dma_start3A_75] : memref<10240x128xf32, #tpu.memory_space<vmem_shared>> -> memref<128x128xf32, #tpu.memory_space<vmem_shared>>
        tpu.enqueue_dma source(%dma_start3A_76 : memref<128x128xf32, #tpu.memory_space<vmem_shared>>) target(%dma_start3A_74 : memref<128x128xf32, #tpu.memory_space<hbm>>) target_semaphore(%run_scoped3A : memref<!tpu.dma_semaphore, #tpu.memory_space<semaphore_mem>>)
        %dma_wait3A = arith.constant 0 : i32
        %dma_wait3A_77 = tpu.memref_slice %arg5[%add3A_51, %dma_wait3A] : memref<20000x128xf32, #tpu.memory_space<hbm>> -> memref<128x128xf32, #tpu.memory_space<hbm>>
        %dma_wait3A_78 = arith.constant 0 : i32
        %dma_wait3A_79 = tpu.memref_slice %arg10[%add3A_44, %dma_wait3A_78] : memref<10240x128xf32, #tpu.memory_space<vmem_shared>> -> memref<128x128xf32, #tpu.memory_space<vmem_shared>>
        tpu.wait_dma2 semaphore(%run_scoped3A : memref<!tpu.dma_semaphore, #tpu.memory_space<semaphore_mem>>) src(%dma_wait3A_79 : memref<128x128xf32, #tpu.memory_space<vmem_shared>>) dst(%dma_wait3A_77 : memref<128x128xf32, #tpu.memory_space<hbm>>)
        tpu.yield
      }) : () -> ()
      %mul3A_52 = arith.constant 640 : i32
      %mul3A_53 = arith.muli %arg1, %mul3A_52 : i32
      %add3A_54 = arith.constant 384 : i32
      %add3A_55 = arith.addi %mul3A_53, %add3A_54 : i32
      %mul3A_56 = arith.constant 10000 : i32
      %mul3A_57 = arith.muli %arg0, %mul3A_56 : i32
      %mul3A_58 = arith.constant 640 : i32
      %mul3A_59 = arith.muli %arg1, %mul3A_58 : i32
      %add3A_60 = arith.addi %mul3A_57, %mul3A_59 : i32
      %add3A_61 = arith.constant 384 : i32
      %add3A_62 = arith.addi %add3A_60, %add3A_61 : i32
      "tpu.region"() ({
        %run_scoped3A = tpu.sem_alloc : memref<!tpu.dma_semaphore, #tpu.memory_space<semaphore_mem>>
        %dma_start3A = arith.constant 0 : i32
        %dma_start3A_74 = tpu.memref_slice %arg5[%add3A_62, %dma_start3A] : memref<20000x128xf32, #tpu.memory_space<hbm>> -> memref<128x128xf32, #tpu.memory_space<hbm>>
        %dma_start3A_75 = arith.constant 0 : i32
        %dma_start3A_76 = tpu.memref_slice %arg10[%add3A_55, %dma_start3A_75] : memref<10240x128xf32, #tpu.memory_space<vmem_shared>> -> memref<128x128xf32, #tpu.memory_space<vmem_shared>>
        tpu.enqueue_dma source(%dma_start3A_76 : memref<128x128xf32, #tpu.memory_space<vmem_shared>>) target(%dma_start3A_74 : memref<128x128xf32, #tpu.memory_space<hbm>>) target_semaphore(%run_scoped3A : memref<!tpu.dma_semaphore, #tpu.memory_space<semaphore_mem>>)
        %dma_wait3A = arith.constant 0 : i32
        %dma_wait3A_77 = tpu.memref_slice %arg5[%add3A_62, %dma_wait3A] : memref<20000x128xf32, #tpu.memory_space<hbm>> -> memref<128x128xf32, #tpu.memory_space<hbm>>
        %dma_wait3A_78 = arith.constant 0 : i32
        %dma_wait3A_79 = tpu.memref_slice %arg10[%add3A_55, %dma_wait3A_78] : memref<10240x128xf32, #tpu.memory_space<vmem_shared>> -> memref<128x128xf32, #tpu.memory_space<vmem_shared>>
        tpu.wait_dma2 semaphore(%run_scoped3A : memref<!tpu.dma_semaphore, #tpu.memory_space<semaphore_mem>>) src(%dma_wait3A_79 : memref<128x128xf32, #tpu.memory_space<vmem_shared>>) dst(%dma_wait3A_77 : memref<128x128xf32, #tpu.memory_space<hbm>>)
        tpu.yield
      }) : () -> ()
      %mul3A_63 = arith.constant 640 : i32
      %mul3A_64 = arith.muli %arg1, %mul3A_63 : i32
      %add3A_65 = arith.constant 512 : i32
      %add3A_66 = arith.addi %mul3A_64, %add3A_65 : i32
      %mul3A_67 = arith.constant 10000 : i32
      %mul3A_68 = arith.muli %arg0, %mul3A_67 : i32
      %mul3A_69 = arith.constant 640 : i32
      %mul3A_70 = arith.muli %arg1, %mul3A_69 : i32
      %add3A_71 = arith.addi %mul3A_68, %mul3A_70 : i32
      %add3A_72 = arith.constant 512 : i32
      %add3A_73 = arith.addi %add3A_71, %add3A_72 : i32
      "tpu.region"() ({
        %run_scoped3A = tpu.sem_alloc : memref<!tpu.dma_semaphore, #tpu.memory_space<semaphore_mem>>
        %dma_start3A = arith.constant 0 : i32
        %dma_start3A_74 = tpu.memref_slice %arg5[%add3A_73, %dma_start3A] : memref<20000x128xf32, #tpu.memory_space<hbm>> -> memref<128x128xf32, #tpu.memory_space<hbm>>
        %dma_start3A_75 = arith.constant 0 : i32
        %dma_start3A_76 = tpu.memref_slice %arg10[%add3A_66, %dma_start3A_75] : memref<10240x128xf32, #tpu.memory_space<vmem_shared>> -> memref<128x128xf32, #tpu.memory_space<vmem_shared>>
        tpu.enqueue_dma source(%dma_start3A_76 : memref<128x128xf32, #tpu.memory_space<vmem_shared>>) target(%dma_start3A_74 : memref<128x128xf32, #tpu.memory_space<hbm>>) target_semaphore(%run_scoped3A : memref<!tpu.dma_semaphore, #tpu.memory_space<semaphore_mem>>)
        %dma_wait3A = arith.constant 0 : i32
        %dma_wait3A_77 = tpu.memref_slice %arg5[%add3A_73, %dma_wait3A] : memref<20000x128xf32, #tpu.memory_space<hbm>> -> memref<128x128xf32, #tpu.memory_space<hbm>>
        %dma_wait3A_78 = arith.constant 0 : i32
        %dma_wait3A_79 = tpu.memref_slice %arg10[%add3A_66, %dma_wait3A_78] : memref<10240x128xf32, #tpu.memory_space<vmem_shared>> -> memref<128x128xf32, #tpu.memory_space<vmem_shared>>
        tpu.wait_dma2 semaphore(%run_scoped3A : memref<!tpu.dma_semaphore, #tpu.memory_space<semaphore_mem>>) src(%dma_wait3A_79 : memref<128x128xf32, #tpu.memory_space<vmem_shared>>) dst(%dma_wait3A_77 : memref<128x128xf32, #tpu.memory_space<hbm>>)
        tpu.yield
      }) : () -> ()
    } else {
    }
    %eq3A = arith.constant 15 : i32
    %eq3A_17 = arith.cmpi eq, %arg1, %eq3A : i32
    %convert_element_type3A_18 = arith.extui %eq3A_17 : i1 to i32
    %cond3A_19 = arith.constant 0 : i32
    %cond3A_20 = arith.cmpi ne, %convert_element_type3A_18, %cond3A_19 : i32
    scf.if %cond3A_20 {
      %mul3A = arith.constant 10000 : i32
      %mul3A_21 = arith.muli %arg0, %mul3A : i32
      %add3A = arith.constant 9600 : i32
      %add3A_22 = arith.addi %mul3A_21, %add3A : i32
      %add3A_23 = arith.constant 0 : i32
      %add3A_24 = arith.addi %add3A_22, %add3A_23 : i32
      "tpu.region"() ({
        %run_scoped3A = tpu.sem_alloc : memref<!tpu.dma_semaphore, #tpu.memory_space<semaphore_mem>>
        %dma_start3A = arith.constant 0 : i32
        %dma_start3A_41 = tpu.memref_slice %arg5[%add3A_24, %dma_start3A] : memref<20000x128xf32, #tpu.memory_space<hbm>> -> memref<128x128xf32, #tpu.memory_space<hbm>>
        %dma_start3A_42 = arith.constant 9600 : i32
        %dma_start3A_43 = arith.constant 0 : i32
        %dma_start3A_44 = tpu.memref_slice %arg10[%dma_start3A_42, %dma_start3A_43] : memref<10240x128xf32, #tpu.memory_space<vmem_shared>> -> memref<128x128xf32, #tpu.memory_space<vmem_shared>>
        tpu.enqueue_dma source(%dma_start3A_44 : memref<128x128xf32, #tpu.memory_space<vmem_shared>>) target(%dma_start3A_41 : memref<128x128xf32, #tpu.memory_space<hbm>>) target_semaphore(%run_scoped3A : memref<!tpu.dma_semaphore, #tpu.memory_space<semaphore_mem>>)
        %dma_wait3A = arith.constant 0 : i32
        %dma_wait3A_45 = tpu.memref_slice %arg5[%add3A_24, %dma_wait3A] : memref<20000x128xf32, #tpu.memory_space<hbm>> -> memref<128x128xf32, #tpu.memory_space<hbm>>
        %dma_wait3A_46 = arith.constant 9600 : i32
        %dma_wait3A_47 = arith.constant 0 : i32
        %dma_wait3A_48 = tpu.memref_slice %arg10[%dma_wait3A_46, %dma_wait3A_47] : memref<10240x128xf32, #tpu.memory_space<vmem_shared>> -> memref<128x128xf32, #tpu.memory_space<vmem_shared>>
        tpu.wait_dma2 semaphore(%run_scoped3A : memref<!tpu.dma_semaphore, #tpu.memory_space<semaphore_mem>>) src(%dma_wait3A_48 : memref<128x128xf32, #tpu.memory_space<vmem_shared>>) dst(%dma_wait3A_45 : memref<128x128xf32, #tpu.memory_space<hbm>>)
        tpu.yield
      }) : () -> ()
      %mul3A_25 = arith.constant 10000 : i32
      %mul3A_26 = arith.muli %arg0, %mul3A_25 : i32
      %add3A_27 = arith.constant 9600 : i32
      %add3A_28 = arith.addi %mul3A_26, %add3A_27 : i32
      %add3A_29 = arith.constant 128 : i32
      %add3A_30 = arith.addi %add3A_28, %add3A_29 : i32
      "tpu.region"() ({
        %run_scoped3A = tpu.sem_alloc : memref<!tpu.dma_semaphore, #tpu.memory_space<semaphore_mem>>
        %dma_start3A = arith.constant 0 : i32
        %dma_start3A_41 = tpu.memref_slice %arg5[%add3A_30, %dma_start3A] : memref<20000x128xf32, #tpu.memory_space<hbm>> -> memref<128x128xf32, #tpu.memory_space<hbm>>
        %dma_start3A_42 = arith.constant 9728 : i32
        %dma_start3A_43 = arith.constant 0 : i32
        %dma_start3A_44 = tpu.memref_slice %arg10[%dma_start3A_42, %dma_start3A_43] : memref<10240x128xf32, #tpu.memory_space<vmem_shared>> -> memref<128x128xf32, #tpu.memory_space<vmem_shared>>
        tpu.enqueue_dma source(%dma_start3A_44 : memref<128x128xf32, #tpu.memory_space<vmem_shared>>) target(%dma_start3A_41 : memref<128x128xf32, #tpu.memory_space<hbm>>) target_semaphore(%run_scoped3A : memref<!tpu.dma_semaphore, #tpu.memory_space<semaphore_mem>>)
        %dma_wait3A = arith.constant 0 : i32
        %dma_wait3A_45 = tpu.memref_slice %arg5[%add3A_30, %dma_wait3A] : memref<20000x128xf32, #tpu.memory_space<hbm>> -> memref<128x128xf32, #tpu.memory_space<hbm>>
        %dma_wait3A_46 = arith.constant 9728 : i32
        %dma_wait3A_47 = arith.constant 0 : i32
        %dma_wait3A_48 = tpu.memref_slice %arg10[%dma_wait3A_46, %dma_wait3A_47] : memref<10240x128xf32, #tpu.memory_space<vmem_shared>> -> memref<128x128xf32, #tpu.memory_space<vmem_shared>>
        tpu.wait_dma2 semaphore(%run_scoped3A : memref<!tpu.dma_semaphore, #tpu.memory_space<semaphore_mem>>) src(%dma_wait3A_48 : memref<128x128xf32, #tpu.memory_space<vmem_shared>>) dst(%dma_wait3A_45 : memref<128x128xf32, #tpu.memory_space<hbm>>)
        tpu.yield
      }) : () -> ()
      %mul3A_31 = arith.constant 10000 : i32
      %mul3A_32 = arith.muli %arg0, %mul3A_31 : i32
      %add3A_33 = arith.constant 9600 : i32
      %add3A_34 = arith.addi %mul3A_32, %add3A_33 : i32
      %add3A_35 = arith.constant 256 : i32
      %add3A_36 = arith.addi %add3A_34, %add3A_35 : i32
      "tpu.region"() ({
        %run_scoped3A = tpu.sem_alloc : memref<!tpu.dma_semaphore, #tpu.memory_space<semaphore_mem>>
        %dma_start3A = arith.constant 0 : i32
        %dma_start3A_41 = tpu.memref_slice %arg5[%add3A_36, %dma_start3A] : memref<20000x128xf32, #tpu.memory_space<hbm>> -> memref<128x128xf32, #tpu.memory_space<hbm>>
        %dma_start3A_42 = arith.constant 9856 : i32
        %dma_start3A_43 = arith.constant 0 : i32
        %dma_start3A_44 = tpu.memref_slice %arg10[%dma_start3A_42, %dma_start3A_43] : memref<10240x128xf32, #tpu.memory_space<vmem_shared>> -> memref<128x128xf32, #tpu.memory_space<vmem_shared>>
        tpu.enqueue_dma source(%dma_start3A_44 : memref<128x128xf32, #tpu.memory_space<vmem_shared>>) target(%dma_start3A_41 : memref<128x128xf32, #tpu.memory_space<hbm>>) target_semaphore(%run_scoped3A : memref<!tpu.dma_semaphore, #tpu.memory_space<semaphore_mem>>)
        %dma_wait3A = arith.constant 0 : i32
        %dma_wait3A_45 = tpu.memref_slice %arg5[%add3A_36, %dma_wait3A] : memref<20000x128xf32, #tpu.memory_space<hbm>> -> memref<128x128xf32, #tpu.memory_space<hbm>>
        %dma_wait3A_46 = arith.constant 9856 : i32
        %dma_wait3A_47 = arith.constant 0 : i32
        %dma_wait3A_48 = tpu.memref_slice %arg10[%dma_wait3A_46, %dma_wait3A_47] : memref<10240x128xf32, #tpu.memory_space<vmem_shared>> -> memref<128x128xf32, #tpu.memory_space<vmem_shared>>
        tpu.wait_dma2 semaphore(%run_scoped3A : memref<!tpu.dma_semaphore, #tpu.memory_space<semaphore_mem>>) src(%dma_wait3A_48 : memref<128x128xf32, #tpu.memory_space<vmem_shared>>) dst(%dma_wait3A_45 : memref<128x128xf32, #tpu.memory_space<hbm>>)
        tpu.yield
      }) : () -> ()
      %mul3A_37 = arith.constant 10000 : i32
      %mul3A_38 = arith.muli %arg0, %mul3A_37 : i32
      %add3A_39 = arith.constant 9984 : i32
      %add3A_40 = arith.addi %mul3A_38, %add3A_39 : i32
      "tpu.region"() ({
        %run_scoped3A = tpu.sem_alloc : memref<!tpu.dma_semaphore, #tpu.memory_space<semaphore_mem>>
        %dma_start3A = arith.constant 0 : i32
        %dma_start3A_41 = tpu.memref_slice %arg5[%add3A_40, %dma_start3A] : memref<20000x128xf32, #tpu.memory_space<hbm>> -> memref<16x128xf32, #tpu.memory_space<hbm>>
        %dma_start3A_42 = arith.constant 9984 : i32
        %dma_start3A_43 = arith.constant 0 : i32
        %dma_start3A_44 = tpu.memref_slice %arg10[%dma_start3A_42, %dma_start3A_43] : memref<10240x128xf32, #tpu.memory_space<vmem_shared>> -> memref<16x128xf32, #tpu.memory_space<vmem_shared>>
        tpu.enqueue_dma source(%dma_start3A_44 : memref<16x128xf32, #tpu.memory_space<vmem_shared>>) target(%dma_start3A_41 : memref<16x128xf32, #tpu.memory_space<hbm>>) target_semaphore(%run_scoped3A : memref<!tpu.dma_semaphore, #tpu.memory_space<semaphore_mem>>)
        %dma_wait3A = arith.constant 0 : i32
        %dma_wait3A_45 = tpu.memref_slice %arg5[%add3A_40, %dma_wait3A] : memref<20000x128xf32, #tpu.memory_space<hbm>> -> memref<16x128xf32, #tpu.memory_space<hbm>>
        %dma_wait3A_46 = arith.constant 9984 : i32
        %dma_wait3A_47 = arith.constant 0 : i32
        %dma_wait3A_48 = tpu.memref_slice %arg10[%dma_wait3A_46, %dma_wait3A_47] : memref<10240x128xf32, #tpu.memory_space<vmem_shared>> -> memref<16x128xf32, #tpu.memory_space<vmem_shared>>
        tpu.wait_dma2 semaphore(%run_scoped3A : memref<!tpu.dma_semaphore, #tpu.memory_space<semaphore_mem>>) src(%dma_wait3A_48 : memref<16x128xf32, #tpu.memory_space<vmem_shared>>) dst(%dma_wait3A_45 : memref<16x128xf32, #tpu.memory_space<hbm>>)
        tpu.yield
      }) : () -> ()
    } else {
    }
    return
  }
}

#map = affine_map<(d0, d1) -> (0, 0)>
#map1 = affine_map<(d0, d1) -> (0)>
module attributes {stable_mosaic.version = 14 : i64} {
  func.func @segsum(%arg0: i32, %arg1: i32, %arg2: memref<20000x128xf32, #tpu.memory_space<hbm>>, %arg3: memref<320000xi32, #tpu.memory_space<hbm>>, %arg4: memref<320000xi32, #tpu.memory_space<hbm>>, %arg5: memref<20000x128xf32, #tpu.memory_space<hbm>>, %arg6: memref<128xi32, #tpu.memory_space<vmem>>, %arg7: memref<128xi32, #tpu.memory_space<vmem>>, %arg8: memref<128x128xf32, #tpu.memory_space<vmem>>, %arg9: memref<128x128xf32, #tpu.memory_space<vmem>>, %arg10: memref<10240x128xf32, #tpu.memory_space<vmem_shared>>) attributes {dimension_semantics = [#tpu.dimension_semantics<core_parallel>, #tpu.dimension_semantics<subcore_parallel>], iteration_bounds = array<i64: 2, 16>, scalar_prefetch = 0 : i64, scratch_operands = 5 : i64, tpu.core_type = #tpu.core_type<sc_vector_subcore>, window_params = [{transform_indices = #map}, {transform_indices = #map1}, {transform_indices = #map1}, {transform_indices = #map}]} {
    %scan3A = arith.constant 0 : i32
    %scan3A_0 = arith.constant 128 : i32
    %scan3A_1 = arith.addi %scan3A, %scan3A_0 : i32
    %scan3A_2 = arith.constant 1 : i32
    scf.for %scan3A_21 = %scan3A to %scan3A_1 step %scan3A_2  : i32 {
      %mul3A = arith.constant 1 : i32
      %mul3A_22 = arith.muli %scan3A_21, %mul3A : i32
      %add3A = arith.constant 0 : i32
      %add3A_23 = arith.addi %add3A, %mul3A_22 : i32
      %scan3A_24 = arith.constant 0 : i32
      %scan3A_25 = arith.constant 8 : i32
      %scan3A_26 = arith.addi %scan3A_24, %scan3A_25 : i32
      %scan3A_27 = arith.constant 1 : i32
      scf.for %scan3A_29 = %scan3A_24 to %scan3A_26 step %scan3A_27  : i32 {
        %mul3A_30 = arith.constant 16 : i32
        %mul3A_31 = arith.muli %scan3A_29, %mul3A_30 : i32
        %add3A_32 = arith.constant 0 : i32
        %add3A_33 = arith.addi %add3A_32, %mul3A_31 : i32
        %broadcast_in_dim3A = arith.constant 0.000000e+00 : f32
        %broadcast_in_dim3A_34 = vector.broadcast %broadcast_in_dim3A : f32 to vector<1x16xf32>
        %swap3A = arith.index_cast %add3A_23 : i32 to index
        %swap3A_35 = arith.index_cast %add3A_33 : i32 to index
        %swap3A_36 = tpu.vector_load %arg9[%swap3A, %swap3A_35] {strides = array<i32>} : memref<128x128xf32, #tpu.memory_space<vmem>>, vector<1x16xf32>,
        %swap3A_37 = vector.shape_cast %swap3A_36 : vector<1x16xf32> to vector<1x16xf32>
        %swap3A_38 = vector.shape_cast %broadcast_in_dim3A_34 : vector<1x16xf32> to vector<1x16xf32>
        tpu.vector_store %arg9[%swap3A, %swap3A_35], %swap3A_38 {strides = array<i32>} : memref<128x128xf32, #tpu.memory_space<vmem>>, vector<1x16xf32>,
      }
      %scan3A_28 = arith.constant 8 : i32
    }
    %scan3A_3 = arith.constant 128 : i32
    %scan3A_4 = arith.constant 0 : i32
    %scan3A_5 = arith.constant 5 : i32
    %scan3A_6 = arith.addi %scan3A_4, %scan3A_5 : i32
    %scan3A_7 = arith.constant 1 : i32
    scf.for %scan3A_21 = %scan3A_4 to %scan3A_6 step %scan3A_7  : i32 {
      %mul3A = arith.constant 1 : i32
      %mul3A_22 = arith.muli %scan3A_21, %mul3A : i32
      %add3A = arith.constant 0 : i32
      %add3A_23 = arith.addi %add3A, %mul3A_22 : i32
      %mul3A_24 = arith.constant 640 : i32
      %mul3A_25 = arith.muli %arg1, %mul3A_24 : i32
      %mul3A_26 = arith.constant 128 : i32
      %mul3A_27 = arith.muli %add3A_23, %mul3A_26 : i32
      %add3A_28 = arith.addi %mul3A_25, %mul3A_27 : i32
      "tpu.region"() ({
        %run_scoped3A = tpu.sem_alloc : memref<!tpu.dma_semaphore, #tpu.memory_space<semaphore_mem>>
        %dma_start3A = arith.constant 0 : i32
        %dma_start3A_29 = tpu.memref_slice %arg10[%add3A_28, %dma_start3A] : memref<10240x128xf32, #tpu.memory_space<vmem_shared>> -> memref<128x128xf32, #tpu.memory_space<vmem_shared>>
        %dma_start3A_30 = arith.constant 0 : i32
        %dma_start3A_31 = tpu.memref_slice %arg10[%add3A_28, %dma_start3A_30] : memref<10240x128xf32, #tpu.memory_space<vmem_shared>> -> memref<128x128xf32, #tpu.memory_space<vmem_shared>>
        tpu.enqueue_dma source(%arg9 : memref<128x128xf32, #tpu.memory_space<vmem>>) target(%dma_start3A_31 : memref<128x128xf32, #tpu.memory_space<vmem_shared>>) target_semaphore(%run_scoped3A : memref<!tpu.dma_semaphore, #tpu.memory_space<semaphore_mem>>)
        %dma_wait3A = arith.constant 0 : i32
        %dma_wait3A_32 = tpu.memref_slice %arg10[%add3A_28, %dma_wait3A] : memref<10240x128xf32, #tpu.memory_space<vmem_shared>> -> memref<128x128xf32, #tpu.memory_space<vmem_shared>>
        %dma_wait3A_33 = arith.constant 0 : i32
        %dma_wait3A_34 = tpu.memref_slice %arg10[%add3A_28, %dma_wait3A_33] : memref<10240x128xf32, #tpu.memory_space<vmem_shared>> -> memref<128x128xf32, #tpu.memory_space<vmem_shared>>
        tpu.wait_dma2 semaphore(%run_scoped3A : memref<!tpu.dma_semaphore, #tpu.memory_space<semaphore_mem>>) src(%arg9 : memref<128x128xf32, #tpu.memory_space<vmem>>) dst(%dma_wait3A_34 : memref<128x128xf32, #tpu.memory_space<vmem_shared>>)
        tpu.yield
      }) : () -> ()
    }
    %scan3A_8 = arith.constant 5 : i32
    %barrier3A = arith.constant 0 : index
    tpu.barrier barrier_id(%barrier3A)
    %scan3A_9 = arith.constant 0 : i32
    %scan3A_10 = arith.constant 157 : i32
    %scan3A_11 = arith.addi %scan3A_9, %scan3A_10 : i32
    %scan3A_12 = arith.constant 1 : i32
    scf.for %scan3A_21 = %scan3A_9 to %scan3A_11 step %scan3A_12  : i32 {
      %mul3A = arith.constant 1 : i32
      %mul3A_22 = arith.muli %scan3A_21, %mul3A : i32
      %add3A = arith.constant 0 : i32
      %add3A_23 = arith.addi %add3A, %mul3A_22 : i32
      %mul3A_24 = arith.constant 16 : i32
      %mul3A_25 = arith.muli %add3A_23, %mul3A_24 : i32
      %add3A_26 = arith.addi %arg1, %mul3A_25 : i32
      %lt3A_27 = arith.constant 2500 : i32
      %lt3A_28 = arith.cmpi slt, %add3A_26, %lt3A_27 : i32
      %convert_element_type3A_29 = arith.extui %lt3A_28 : i1 to i32
      %cond3A_30 = arith.constant 0 : i32
      %cond3A_31 = arith.cmpi ne, %convert_element_type3A_29, %cond3A_30 : i32
      scf.if %cond3A_31 {
        %mul3A_32 = arith.constant 128 : i32
        %mul3A_33 = arith.muli %add3A_26, %mul3A_32 : i32
        "tpu.region"() ({
          %run_scoped3A = tpu.sem_alloc : memref<!tpu.dma_semaphore, #tpu.memory_space<semaphore_mem>>
          %dma_start3A = tpu.memref_slice %arg3[%mul3A_33] : memref<320000xi32, #tpu.memory_space<hbm>> -> memref<128xi32, #tpu.memory_space<hbm>>
          %dma_start3A_39 = tpu.memref_slice %arg3[%mul3A_33] : memref<320000xi32, #tpu.memory_space<hbm>> -> memref<128xi32, #tpu.memory_space<hbm>>
          tpu.enqueue_dma source(%dma_start3A_39 : memref<128xi32, #tpu.memory_space<hbm>>) target(%arg6 : memref<128xi32, #tpu.memory_space<vmem>>) target_semaphore(%run_scoped3A : memref<!tpu.dma_semaphore, #tpu.memory_space<semaphore_mem>>)
          %dma_wait3A = tpu.memref_slice %arg3[%mul3A_33] : memref<320000xi32, #tpu.memory_space<hbm>> -> memref<128xi32, #tpu.memory_space<hbm>>
          %dma_wait3A_40 = tpu.memref_slice %arg3[%mul3A_33] : memref<320000xi32, #tpu.memory_space<hbm>> -> memref<128xi32, #tpu.memory_space<hbm>>
          tpu.wait_dma2 semaphore(%run_scoped3A : memref<!tpu.dma_semaphore, #tpu.memory_space<semaphore_mem>>) src(%dma_wait3A_40 : memref<128xi32, #tpu.memory_space<hbm>>) dst(%arg6 : memref<128xi32, #tpu.memory_space<vmem>>)
          tpu.yield
        }) : () -> ()
        "tpu.region"() ({
          %run_scoped3A = tpu.sem_alloc : memref<!tpu.dma_semaphore, #tpu.memory_space<semaphore_mem>>
          %dma_start3A = tpu.memref_slice %arg4[%mul3A_33] : memref<320000xi32, #tpu.memory_space<hbm>> -> memref<128xi32, #tpu.memory_space<hbm>>
          %dma_start3A_39 = tpu.memref_slice %arg4[%mul3A_33] : memref<320000xi32, #tpu.memory_space<hbm>> -> memref<128xi32, #tpu.memory_space<hbm>>
          tpu.enqueue_dma source(%dma_start3A_39 : memref<128xi32, #tpu.memory_space<hbm>>) target(%arg7 : memref<128xi32, #tpu.memory_space<vmem>>) target_semaphore(%run_scoped3A : memref<!tpu.dma_semaphore, #tpu.memory_space<semaphore_mem>>)
          %dma_wait3A = tpu.memref_slice %arg4[%mul3A_33] : memref<320000xi32, #tpu.memory_space<hbm>> -> memref<128xi32, #tpu.memory_space<hbm>>
          %dma_wait3A_40 = tpu.memref_slice %arg4[%mul3A_33] : memref<320000xi32, #tpu.memory_space<hbm>> -> memref<128xi32, #tpu.memory_space<hbm>>
          tpu.wait_dma2 semaphore(%run_scoped3A : memref<!tpu.dma_semaphore, #tpu.memory_space<semaphore_mem>>) src(%dma_wait3A_40 : memref<128xi32, #tpu.memory_space<hbm>>) dst(%arg7 : memref<128xi32, #tpu.memory_space<vmem>>)
          tpu.yield
        }) : () -> ()
        %scan3A_34 = arith.constant 0 : i32
        %scan3A_35 = arith.constant 8 : i32
        %scan3A_36 = arith.addi %scan3A_34, %scan3A_35 : i32
        %scan3A_37 = arith.constant 1 : i32
        scf.for %scan3A_39 = %scan3A_34 to %scan3A_36 step %scan3A_37  : i32 {
          %mul3A_40 = arith.constant 16 : i32
          %mul3A_41 = arith.muli %scan3A_39, %mul3A_40 : i32
          %add3A_42 = arith.constant 0 : i32
          %add3A_43 = arith.addi %add3A_42, %mul3A_41 : i32
          %get3A = arith.index_cast %add3A_43 : i32 to index
          %get3A_44 = tpu.vector_load %arg6[%get3A] {strides = array<i32>} : memref<128xi32, #tpu.memory_space<vmem>>, vector<16xi32>,
          %get3A_45 = vector.shape_cast %get3A_44 : vector<16xi32> to vector<16xi32>
          %mul3A_46 = arith.constant 10000 : i32
          %mul3A_47 = arith.muli %arg0, %mul3A_46 : i32
          %add3A_48 = vector.broadcast %mul3A_47 : i32 to vector<16xi32>
          %add3A_49 = arith.addi %get3A_45, %add3A_48 : vector<16xi32>
          %swap3A = arith.index_cast %add3A_43 : i32 to index
          %swap3A_50 = tpu.vector_load %arg6[%swap3A] {strides = array<i32>} : memref<128xi32, #tpu.memory_space<vmem>>, vector<16xi32>,
          %swap3A_51 = vector.shape_cast %swap3A_50 : vector<16xi32> to vector<16xi32>
          %swap3A_52 = vector.shape_cast %add3A_49 : vector<16xi32> to vector<16xi32>
          tpu.vector_store %arg6[%swap3A], %swap3A_52 {strides = array<i32>} : memref<128xi32, #tpu.memory_space<vmem>>, vector<16xi32>,
        }
        %scan3A_38 = arith.constant 8 : i32
        "tpu.region"() ({
          %run_scoped3A = tpu.sem_alloc : memref<!tpu.dma_semaphore, #tpu.memory_space<semaphore_mem>>
          %dma_start3A = arith.constant 0 : i32
          %dma_start3A_39 = arith.constant 0 : i32
          %dma_start3A_40 = tpu.memref_slice %arg2[%dma_start3A, %dma_start3A_39] : memref<20000x128xf32, #tpu.memory_space<hbm>> -> memref<20000x128xf32, #tpu.memory_space<hbm>>
          tpu.enqueue_indirect_dma source(%dma_start3A_40 : memref<20000x128xf32, #tpu.memory_space<hbm>>) target(%arg8 : memref<128x128xf32, #tpu.memory_space<vmem>>) offsets(%arg6 : memref<128xi32, #tpu.memory_space<vmem>>) semaphore(%run_scoped3A : memref<!tpu.dma_semaphore, #tpu.memory_space<semaphore_mem>>)
          %dma_wait3A = arith.constant 0 : i32
          %dma_wait3A_41 = arith.constant 0 : i32
          %dma_wait3A_42 = tpu.memref_slice %arg2[%dma_wait3A, %dma_wait3A_41] : memref<20000x128xf32, #tpu.memory_space<hbm>> -> memref<20000x128xf32, #tpu.memory_space<hbm>>
          tpu.wait_indirect_dma semaphore(%run_scoped3A : memref<!tpu.dma_semaphore, #tpu.memory_space<semaphore_mem>>) src(%dma_wait3A_42 : memref<20000x128xf32, #tpu.memory_space<hbm>>) dst(%arg8 : memref<128x128xf32, #tpu.memory_space<vmem>>)
          tpu.yield
        }) : () -> ()
        "tpu.region"() ({
          %run_scoped3A = tpu.sem_alloc : memref<!tpu.dma_semaphore, #tpu.memory_space<semaphore_mem>>
          %dma_start3A = arith.constant 0 : i32
          %dma_start3A_39 = arith.constant 0 : i32
          %dma_start3A_40 = tpu.memref_slice %arg10[%dma_start3A, %dma_start3A_39] : memref<10240x128xf32, #tpu.memory_space<vmem_shared>> -> memref<10240x128xf32, #tpu.memory_space<vmem_shared>>
          tpu.enqueue_indirect_dma source(%arg8 : memref<128x128xf32, #tpu.memory_space<vmem>>) target(%dma_start3A_40 : memref<10240x128xf32, #tpu.memory_space<vmem_shared>>) offsets(%arg7 : memref<128xi32, #tpu.memory_space<vmem>>) semaphore(%run_scoped3A : memref<!tpu.dma_semaphore, #tpu.memory_space<semaphore_mem>>) {add = true}
          %dma_wait3A = arith.constant 0 : i32
          %dma_wait3A_41 = arith.constant 0 : i32
          %dma_wait3A_42 = tpu.memref_slice %arg10[%dma_wait3A, %dma_wait3A_41] : memref<10240x128xf32, #tpu.memory_space<vmem_shared>> -> memref<10240x128xf32, #tpu.memory_space<vmem_shared>>
          tpu.wait_indirect_dma semaphore(%run_scoped3A : memref<!tpu.dma_semaphore, #tpu.memory_space<semaphore_mem>>) src(%arg8 : memref<128x128xf32, #tpu.memory_space<vmem>>) dst(%dma_wait3A_42 : memref<10240x128xf32, #tpu.memory_space<vmem_shared>>)
          tpu.yield
        }) : () -> ()
      } else {
      }
    }
    %scan3A_13 = arith.constant 157 : i32
    %barrier3A_14 = arith.constant 0 : index
    tpu.barrier barrier_id(%barrier3A_14)
    %lt3A = arith.constant 15 : i32
    %lt3A_15 = arith.cmpi slt, %arg1, %lt3A : i32
    %convert_element_type3A = arith.extui %lt3A_15 : i1 to i32
    %cond3A = arith.constant 0 : i32
    %cond3A_16 = arith.cmpi ne, %convert_element_type3A, %cond3A : i32
    scf.if %cond3A_16 {
      %mul3A = arith.constant 640 : i32
      %mul3A_21 = arith.muli %arg1, %mul3A : i32
      %add3A = arith.constant 0 : i32
      %add3A_22 = arith.addi %mul3A_21, %add3A : i32
      %mul3A_23 = arith.constant 10000 : i32
      %mul3A_24 = arith.muli %arg0, %mul3A_23 : i32
      %mul3A_25 = arith.constant 640 : i32
      %mul3A_26 = arith.muli %arg1, %mul3A_25 : i32
      %add3A_27 = arith.addi %mul3A_24, %mul3A_26 : i32
      %add3A_28 = arith.constant 0 : i32
      %add3A_29 = arith.addi %add3A_27, %add3A_28 : i32
      "tpu.region"() ({
        %run_scoped3A = tpu.sem_alloc : memref<!tpu.dma_semaphore, #tpu.memory_space<semaphore_mem>>
        %dma_start3A = arith.constant 0 : i32
        %dma_start3A_74 = tpu.memref_slice %arg5[%add3A_29, %dma_start3A] : memref<20000x128xf32, #tpu.memory_space<hbm>> -> memref<128x128xf32, #tpu.memory_space<hbm>>
        %dma_start3A_75 = arith.constant 0 : i32
        %dma_start3A_76 = tpu.memref_slice %arg10[%add3A_22, %dma_start3A_75] : memref<10240x128xf32, #tpu.memory_space<vmem_shared>> -> memref<128x128xf32, #tpu.memory_space<vmem_shared>>
        tpu.enqueue_dma source(%dma_start3A_76 : memref<128x128xf32, #tpu.memory_space<vmem_shared>>) target(%dma_start3A_74 : memref<128x128xf32, #tpu.memory_space<hbm>>) target_semaphore(%run_scoped3A : memref<!tpu.dma_semaphore, #tpu.memory_space<semaphore_mem>>)
        %dma_wait3A = arith.constant 0 : i32
        %dma_wait3A_77 = tpu.memref_slice %arg5[%add3A_29, %dma_wait3A] : memref<20000x128xf32, #tpu.memory_space<hbm>> -> memref<128x128xf32, #tpu.memory_space<hbm>>
        %dma_wait3A_78 = arith.constant 0 : i32
        %dma_wait3A_79 = tpu.memref_slice %arg10[%add3A_22, %dma_wait3A_78] : memref<10240x128xf32, #tpu.memory_space<vmem_shared>> -> memref<128x128xf32, #tpu.memory_space<vmem_shared>>
        tpu.wait_dma2 semaphore(%run_scoped3A : memref<!tpu.dma_semaphore, #tpu.memory_space<semaphore_mem>>) src(%dma_wait3A_79 : memref<128x128xf32, #tpu.memory_space<vmem_shared>>) dst(%dma_wait3A_77 : memref<128x128xf32, #tpu.memory_space<hbm>>)
        tpu.yield
      }) : () -> ()
      %mul3A_30 = arith.constant 640 : i32
      %mul3A_31 = arith.muli %arg1, %mul3A_30 : i32
      %add3A_32 = arith.constant 128 : i32
      %add3A_33 = arith.addi %mul3A_31, %add3A_32 : i32
      %mul3A_34 = arith.constant 10000 : i32
      %mul3A_35 = arith.muli %arg0, %mul3A_34 : i32
      %mul3A_36 = arith.constant 640 : i32
      %mul3A_37 = arith.muli %arg1, %mul3A_36 : i32
      %add3A_38 = arith.addi %mul3A_35, %mul3A_37 : i32
      %add3A_39 = arith.constant 128 : i32
      %add3A_40 = arith.addi %add3A_38, %add3A_39 : i32
      "tpu.region"() ({
        %run_scoped3A = tpu.sem_alloc : memref<!tpu.dma_semaphore, #tpu.memory_space<semaphore_mem>>
        %dma_start3A = arith.constant 0 : i32
        %dma_start3A_74 = tpu.memref_slice %arg5[%add3A_40, %dma_start3A] : memref<20000x128xf32, #tpu.memory_space<hbm>> -> memref<128x128xf32, #tpu.memory_space<hbm>>
        %dma_start3A_75 = arith.constant 0 : i32
        %dma_start3A_76 = tpu.memref_slice %arg10[%add3A_33, %dma_start3A_75] : memref<10240x128xf32, #tpu.memory_space<vmem_shared>> -> memref<128x128xf32, #tpu.memory_space<vmem_shared>>
        tpu.enqueue_dma source(%dma_start3A_76 : memref<128x128xf32, #tpu.memory_space<vmem_shared>>) target(%dma_start3A_74 : memref<128x128xf32, #tpu.memory_space<hbm>>) target_semaphore(%run_scoped3A : memref<!tpu.dma_semaphore, #tpu.memory_space<semaphore_mem>>)
        %dma_wait3A = arith.constant 0 : i32
        %dma_wait3A_77 = tpu.memref_slice %arg5[%add3A_40, %dma_wait3A] : memref<20000x128xf32, #tpu.memory_space<hbm>> -> memref<128x128xf32, #tpu.memory_space<hbm>>
        %dma_wait3A_78 = arith.constant 0 : i32
        %dma_wait3A_79 = tpu.memref_slice %arg10[%add3A_33, %dma_wait3A_78] : memref<10240x128xf32, #tpu.memory_space<vmem_shared>> -> memref<128x128xf32, #tpu.memory_space<vmem_shared>>
        tpu.wait_dma2 semaphore(%run_scoped3A : memref<!tpu.dma_semaphore, #tpu.memory_space<semaphore_mem>>) src(%dma_wait3A_79 : memref<128x128xf32, #tpu.memory_space<vmem_shared>>) dst(%dma_wait3A_77 : memref<128x128xf32, #tpu.memory_space<hbm>>)
        tpu.yield
      }) : () -> ()
      %mul3A_41 = arith.constant 640 : i32
      %mul3A_42 = arith.muli %arg1, %mul3A_41 : i32
      %add3A_43 = arith.constant 256 : i32
      %add3A_44 = arith.addi %mul3A_42, %add3A_43 : i32
      %mul3A_45 = arith.constant 10000 : i32
      %mul3A_46 = arith.muli %arg0, %mul3A_45 : i32
      %mul3A_47 = arith.constant 640 : i32
      %mul3A_48 = arith.muli %arg1, %mul3A_47 : i32
      %add3A_49 = arith.addi %mul3A_46, %mul3A_48 : i32
      %add3A_50 = arith.constant 256 : i32
      %add3A_51 = arith.addi %add3A_49, %add3A_50 : i32
      "tpu.region"() ({
        %run_scoped3A = tpu.sem_alloc : memref<!tpu.dma_semaphore, #tpu.memory_space<semaphore_mem>>
        %dma_start3A = arith.constant 0 : i32
        %dma_start3A_74 = tpu.memref_slice %arg5[%add3A_51, %dma_start3A] : memref<20000x128xf32, #tpu.memory_space<hbm>> -> memref<128x128xf32, #tpu.memory_space<hbm>>
        %dma_start3A_75 = arith.constant 0 : i32
        %dma_start3A_76 = tpu.memref_slice %arg10[%add3A_44, %dma_start3A_75] : memref<10240x128xf32, #tpu.memory_space<vmem_shared>> -> memref<128x128xf32, #tpu.memory_space<vmem_shared>>
        tpu.enqueue_dma source(%dma_start3A_76 : memref<128x128xf32, #tpu.memory_space<vmem_shared>>) target(%dma_start3A_74 : memref<128x128xf32, #tpu.memory_space<hbm>>) target_semaphore(%run_scoped3A : memref<!tpu.dma_semaphore, #tpu.memory_space<semaphore_mem>>)
        %dma_wait3A = arith.constant 0 : i32
        %dma_wait3A_77 = tpu.memref_slice %arg5[%add3A_51, %dma_wait3A] : memref<20000x128xf32, #tpu.memory_space<hbm>> -> memref<128x128xf32, #tpu.memory_space<hbm>>
        %dma_wait3A_78 = arith.constant 0 : i32
        %dma_wait3A_79 = tpu.memref_slice %arg10[%add3A_44, %dma_wait3A_78] : memref<10240x128xf32, #tpu.memory_space<vmem_shared>> -> memref<128x128xf32, #tpu.memory_space<vmem_shared>>
        tpu.wait_dma2 semaphore(%run_scoped3A : memref<!tpu.dma_semaphore, #tpu.memory_space<semaphore_mem>>) src(%dma_wait3A_79 : memref<128x128xf32, #tpu.memory_space<vmem_shared>>) dst(%dma_wait3A_77 : memref<128x128xf32, #tpu.memory_space<hbm>>)
        tpu.yield
      }) : () -> ()
      %mul3A_52 = arith.constant 640 : i32
      %mul3A_53 = arith.muli %arg1, %mul3A_52 : i32
      %add3A_54 = arith.constant 384 : i32
      %add3A_55 = arith.addi %mul3A_53, %add3A_54 : i32
      %mul3A_56 = arith.constant 10000 : i32
      %mul3A_57 = arith.muli %arg0, %mul3A_56 : i32
      %mul3A_58 = arith.constant 640 : i32
      %mul3A_59 = arith.muli %arg1, %mul3A_58 : i32
      %add3A_60 = arith.addi %mul3A_57, %mul3A_59 : i32
      %add3A_61 = arith.constant 384 : i32
      %add3A_62 = arith.addi %add3A_60, %add3A_61 : i32
      "tpu.region"() ({
        %run_scoped3A = tpu.sem_alloc : memref<!tpu.dma_semaphore, #tpu.memory_space<semaphore_mem>>
        %dma_start3A = arith.constant 0 : i32
        %dma_start3A_74 = tpu.memref_slice %arg5[%add3A_62, %dma_start3A] : memref<20000x128xf32, #tpu.memory_space<hbm>> -> memref<128x128xf32, #tpu.memory_space<hbm>>
        %dma_start3A_75 = arith.constant 0 : i32
        %dma_start3A_76 = tpu.memref_slice %arg10[%add3A_55, %dma_start3A_75] : memref<10240x128xf32, #tpu.memory_space<vmem_shared>> -> memref<128x128xf32, #tpu.memory_space<vmem_shared>>
        tpu.enqueue_dma source(%dma_start3A_76 : memref<128x128xf32, #tpu.memory_space<vmem_shared>>) target(%dma_start3A_74 : memref<128x128xf32, #tpu.memory_space<hbm>>) target_semaphore(%run_scoped3A : memref<!tpu.dma_semaphore, #tpu.memory_space<semaphore_mem>>)
        %dma_wait3A = arith.constant 0 : i32
        %dma_wait3A_77 = tpu.memref_slice %arg5[%add3A_62, %dma_wait3A] : memref<20000x128xf32, #tpu.memory_space<hbm>> -> memref<128x128xf32, #tpu.memory_space<hbm>>
        %dma_wait3A_78 = arith.constant 0 : i32
        %dma_wait3A_79 = tpu.memref_slice %arg10[%add3A_55, %dma_wait3A_78] : memref<10240x128xf32, #tpu.memory_space<vmem_shared>> -> memref<128x128xf32, #tpu.memory_space<vmem_shared>>
        tpu.wait_dma2 semaphore(%run_scoped3A : memref<!tpu.dma_semaphore, #tpu.memory_space<semaphore_mem>>) src(%dma_wait3A_79 : memref<128x128xf32, #tpu.memory_space<vmem_shared>>) dst(%dma_wait3A_77 : memref<128x128xf32, #tpu.memory_space<hbm>>)
        tpu.yield
      }) : () -> ()
      %mul3A_63 = arith.constant 640 : i32
      %mul3A_64 = arith.muli %arg1, %mul3A_63 : i32
      %add3A_65 = arith.constant 512 : i32
      %add3A_66 = arith.addi %mul3A_64, %add3A_65 : i32
      %mul3A_67 = arith.constant 10000 : i32
      %mul3A_68 = arith.muli %arg0, %mul3A_67 : i32
      %mul3A_69 = arith.constant 640 : i32
      %mul3A_70 = arith.muli %arg1, %mul3A_69 : i32
      %add3A_71 = arith.addi %mul3A_68, %mul3A_70 : i32
      %add3A_72 = arith.constant 512 : i32
      %add3A_73 = arith.addi %add3A_71, %add3A_72 : i32
      "tpu.region"() ({
        %run_scoped3A = tpu.sem_alloc : memref<!tpu.dma_semaphore, #tpu.memory_space<semaphore_mem>>
        %dma_start3A = arith.constant 0 : i32
        %dma_start3A_74 = tpu.memref_slice %arg5[%add3A_73, %dma_start3A] : memref<20000x128xf32, #tpu.memory_space<hbm>> -> memref<128x128xf32, #tpu.memory_space<hbm>>
        %dma_start3A_75 = arith.constant 0 : i32
        %dma_start3A_76 = tpu.memref_slice %arg10[%add3A_66, %dma_start3A_75] : memref<10240x128xf32, #tpu.memory_space<vmem_shared>> -> memref<128x128xf32, #tpu.memory_space<vmem_shared>>
        tpu.enqueue_dma source(%dma_start3A_76 : memref<128x128xf32, #tpu.memory_space<vmem_shared>>) target(%dma_start3A_74 : memref<128x128xf32, #tpu.memory_space<hbm>>) target_semaphore(%run_scoped3A : memref<!tpu.dma_semaphore, #tpu.memory_space<semaphore_mem>>)
        %dma_wait3A = arith.constant 0 : i32
        %dma_wait3A_77 = tpu.memref_slice %arg5[%add3A_73, %dma_wait3A] : memref<20000x128xf32, #tpu.memory_space<hbm>> -> memref<128x128xf32, #tpu.memory_space<hbm>>
        %dma_wait3A_78 = arith.constant 0 : i32
        %dma_wait3A_79 = tpu.memref_slice %arg10[%add3A_66, %dma_wait3A_78] : memref<10240x128xf32, #tpu.memory_space<vmem_shared>> -> memref<128x128xf32, #tpu.memory_space<vmem_shared>>
        tpu.wait_dma2 semaphore(%run_scoped3A : memref<!tpu.dma_semaphore, #tpu.memory_space<semaphore_mem>>) src(%dma_wait3A_79 : memref<128x128xf32, #tpu.memory_space<vmem_shared>>) dst(%dma_wait3A_77 : memref<128x128xf32, #tpu.memory_space<hbm>>)
        tpu.yield
      }) : () -> ()
    } else {
    }
    %eq3A = arith.constant 15 : i32
    %eq3A_17 = arith.cmpi eq, %arg1, %eq3A : i32
    %convert_element_type3A_18 = arith.extui %eq3A_17 : i1 to i32
    %cond3A_19 = arith.constant 0 : i32
    %cond3A_20 = arith.cmpi ne, %convert_element_type3A_18, %cond3A_19 : i32
    scf.if %cond3A_20 {
      %mul3A = arith.constant 10000 : i32
      %mul3A_21 = arith.muli %arg0, %mul3A : i32
      %add3A = arith.constant 9600 : i32
      %add3A_22 = arith.addi %mul3A_21, %add3A : i32
      %add3A_23 = arith.constant 0 : i32
      %add3A_24 = arith.addi %add3A_22, %add3A_23 : i32
      "tpu.region"() ({
        %run_scoped3A = tpu.sem_alloc : memref<!tpu.dma_semaphore, #tpu.memory_space<semaphore_mem>>
        %dma_start3A = arith.constant 0 : i32
        %dma_start3A_41 = tpu.memref_slice %arg5[%add3A_24, %dma_start3A] : memref<20000x128xf32, #tpu.memory_space<hbm>> -> memref<128x128xf32, #tpu.memory_space<hbm>>
        %dma_start3A_42 = arith.constant 9600 : i32
        %dma_start3A_43 = arith.constant 0 : i32
        %dma_start3A_44 = tpu.memref_slice %arg10[%dma_start3A_42, %dma_start3A_43] : memref<10240x128xf32, #tpu.memory_space<vmem_shared>> -> memref<128x128xf32, #tpu.memory_space<vmem_shared>>
        tpu.enqueue_dma source(%dma_start3A_44 : memref<128x128xf32, #tpu.memory_space<vmem_shared>>) target(%dma_start3A_41 : memref<128x128xf32, #tpu.memory_space<hbm>>) target_semaphore(%run_scoped3A : memref<!tpu.dma_semaphore, #tpu.memory_space<semaphore_mem>>)
        %dma_wait3A = arith.constant 0 : i32
        %dma_wait3A_45 = tpu.memref_slice %arg5[%add3A_24, %dma_wait3A] : memref<20000x128xf32, #tpu.memory_space<hbm>> -> memref<128x128xf32, #tpu.memory_space<hbm>>
        %dma_wait3A_46 = arith.constant 9600 : i32
        %dma_wait3A_47 = arith.constant 0 : i32
        %dma_wait3A_48 = tpu.memref_slice %arg10[%dma_wait3A_46, %dma_wait3A_47] : memref<10240x128xf32, #tpu.memory_space<vmem_shared>> -> memref<128x128xf32, #tpu.memory_space<vmem_shared>>
        tpu.wait_dma2 semaphore(%run_scoped3A : memref<!tpu.dma_semaphore, #tpu.memory_space<semaphore_mem>>) src(%dma_wait3A_48 : memref<128x128xf32, #tpu.memory_space<vmem_shared>>) dst(%dma_wait3A_45 : memref<128x128xf32, #tpu.memory_space<hbm>>)
        tpu.yield
      }) : () -> ()
      %mul3A_25 = arith.constant 10000 : i32
      %mul3A_26 = arith.muli %arg0, %mul3A_25 : i32
      %add3A_27 = arith.constant 9600 : i32
      %add3A_28 = arith.addi %mul3A_26, %add3A_27 : i32
      %add3A_29 = arith.constant 128 : i32
      %add3A_30 = arith.addi %add3A_28, %add3A_29 : i32
      "tpu.region"() ({
        %run_scoped3A = tpu.sem_alloc : memref<!tpu.dma_semaphore, #tpu.memory_space<semaphore_mem>>
        %dma_start3A = arith.constant 0 : i32
        %dma_start3A_41 = tpu.memref_slice %arg5[%add3A_30, %dma_start3A] : memref<20000x128xf32, #tpu.memory_space<hbm>> -> memref<128x128xf32, #tpu.memory_space<hbm>>
        %dma_start3A_42 = arith.constant 9728 : i32
        %dma_start3A_43 = arith.constant 0 : i32
        %dma_start3A_44 = tpu.memref_slice %arg10[%dma_start3A_42, %dma_start3A_43] : memref<10240x128xf32, #tpu.memory_space<vmem_shared>> -> memref<128x128xf32, #tpu.memory_space<vmem_shared>>
        tpu.enqueue_dma source(%dma_start3A_44 : memref<128x128xf32, #tpu.memory_space<vmem_shared>>) target(%dma_start3A_41 : memref<128x128xf32, #tpu.memory_space<hbm>>) target_semaphore(%run_scoped3A : memref<!tpu.dma_semaphore, #tpu.memory_space<semaphore_mem>>)
        %dma_wait3A = arith.constant 0 : i32
        %dma_wait3A_45 = tpu.memref_slice %arg5[%add3A_30, %dma_wait3A] : memref<20000x128xf32, #tpu.memory_space<hbm>> -> memref<128x128xf32, #tpu.memory_space<hbm>>
        %dma_wait3A_46 = arith.constant 9728 : i32
        %dma_wait3A_47 = arith.constant 0 : i32
        %dma_wait3A_48 = tpu.memref_slice %arg10[%dma_wait3A_46, %dma_wait3A_47] : memref<10240x128xf32, #tpu.memory_space<vmem_shared>> -> memref<128x128xf32, #tpu.memory_space<vmem_shared>>
        tpu.wait_dma2 semaphore(%run_scoped3A : memref<!tpu.dma_semaphore, #tpu.memory_space<semaphore_mem>>) src(%dma_wait3A_48 : memref<128x128xf32, #tpu.memory_space<vmem_shared>>) dst(%dma_wait3A_45 : memref<128x128xf32, #tpu.memory_space<hbm>>)
        tpu.yield
      }) : () -> ()
      %mul3A_31 = arith.constant 10000 : i32
      %mul3A_32 = arith.muli %arg0, %mul3A_31 : i32
      %add3A_33 = arith.constant 9600 : i32
      %add3A_34 = arith.addi %mul3A_32, %add3A_33 : i32
      %add3A_35 = arith.constant 256 : i32
      %add3A_36 = arith.addi %add3A_34, %add3A_35 : i32
      "tpu.region"() ({
        %run_scoped3A = tpu.sem_alloc : memref<!tpu.dma_semaphore, #tpu.memory_space<semaphore_mem>>
        %dma_start3A = arith.constant 0 : i32
        %dma_start3A_41 = tpu.memref_slice %arg5[%add3A_36, %dma_start3A] : memref<20000x128xf32, #tpu.memory_space<hbm>> -> memref<128x128xf32, #tpu.memory_space<hbm>>
        %dma_start3A_42 = arith.constant 9856 : i32
        %dma_start3A_43 = arith.constant 0 : i32
        %dma_start3A_44 = tpu.memref_slice %arg10[%dma_start3A_42, %dma_start3A_43] : memref<10240x128xf32, #tpu.memory_space<vmem_shared>> -> memref<128x128xf32, #tpu.memory_space<vmem_shared>>
        tpu.enqueue_dma source(%dma_start3A_44 : memref<128x128xf32, #tpu.memory_space<vmem_shared>>) target(%dma_start3A_41 : memref<128x128xf32, #tpu.memory_space<hbm>>) target_semaphore(%run_scoped3A : memref<!tpu.dma_semaphore, #tpu.memory_space<semaphore_mem>>)
        %dma_wait3A = arith.constant 0 : i32
        %dma_wait3A_45 = tpu.memref_slice %arg5[%add3A_36, %dma_wait3A] : memref<20000x128xf32, #tpu.memory_space<hbm>> -> memref<128x128xf32, #tpu.memory_space<hbm>>
        %dma_wait3A_46 = arith.constant 9856 : i32
        %dma_wait3A_47 = arith.constant 0 : i32
        %dma_wait3A_48 = tpu.memref_slice %arg10[%dma_wait3A_46, %dma_wait3A_47] : memref<10240x128xf32, #tpu.memory_space<vmem_shared>> -> memref<128x128xf32, #tpu.memory_space<vmem_shared>>
        tpu.wait_dma2 semaphore(%run_scoped3A : memref<!tpu.dma_semaphore, #tpu.memory_space<semaphore_mem>>) src(%dma_wait3A_48 : memref<128x128xf32, #tpu.memory_space<vmem_shared>>) dst(%dma_wait3A_45 : memref<128x128xf32, #tpu.memory_space<hbm>>)
        tpu.yield
      }) : () -> ()
      %mul3A_37 = arith.constant 10000 : i32
      %mul3A_38 = arith.muli %arg0, %mul3A_37 : i32
      %add3A_39 = arith.constant 9984 : i32
      %add3A_40 = arith.addi %mul3A_38, %add3A_39 : i32
      "tpu.region"() ({
        %run_scoped3A = tpu.sem_alloc : memref<!tpu.dma_semaphore, #tpu.memory_space<semaphore_mem>>
        %dma_start3A = arith.constant 0 : i32
        %dma_start3A_41 = tpu.memref_slice %arg5[%add3A_40, %dma_start3A] : memref<20000x128xf32, #tpu.memory_space<hbm>> -> memref<16x128xf32, #tpu.memory_space<hbm>>
        %dma_start3A_42 = arith.constant 9984 : i32
        %dma_start3A_43 = arith.constant 0 : i32
        %dma_start3A_44 = tpu.memref_slice %arg10[%dma_start3A_42, %dma_start3A_43] : memref<10240x128xf32, #tpu.memory_space<vmem_shared>> -> memref<16x128xf32, #tpu.memory_space<vmem_shared>>
        tpu.enqueue_dma source(%dma_start3A_44 : memref<16x128xf32, #tpu.memory_space<vmem_shared>>) target(%dma_start3A_41 : memref<16x128xf32, #tpu.memory_space<hbm>>) target_semaphore(%run_scoped3A : memref<!tpu.dma_semaphore, #tpu.memory_space<semaphore_mem>>)
        %dma_wait3A = arith.constant 0 : i32
        %dma_wait3A_45 = tpu.memref_slice %arg5[%add3A_40, %dma_wait3A] : memref<20000x128xf32, #tpu.memory_space<hbm>> -> memref<16x128xf32, #tpu.memory_space<hbm>>
        %dma_wait3A_46 = arith.constant 9984 : i32
        %dma_wait3A_47 = arith.constant 0 : i32
        %dma_wait3A_48 = tpu.memref_slice %arg10[%dma_wait3A_46, %dma_wait3A_47] : memref<10240x128xf32, #tpu.memory_space<vmem_shared>> -> memref<16x128xf32, #tpu.memory_space<vmem_shared>>
        tpu.wait_dma2 semaphore(%run_scoped3A : memref<!tpu.dma_semaphore, #tpu.memory_space<semaphore_mem>>) src(%dma_wait3A_48 : memref<16x128xf32, #tpu.memory_space<vmem_shared>>) dst(%dma_wait3A_45 : memref<16x128xf32, #tpu.memory_space<hbm>>)
        tpu.yield
      }) : () -> ()
    } else {
    }
    return
  }
}

#map = affine_map<(d0, d1) -> (0, 0)>
#map1 = affine_map<(d0, d1) -> (0)>
module attributes {stable_mosaic.version = 14 : i64} {
  func.func @segsum(%arg0: i32, %arg1: i32, %arg2: memref<20000x128xf32, #tpu.memory_space<hbm>>, %arg3: memref<320000xi32, #tpu.memory_space<hbm>>, %arg4: memref<320000xi32, #tpu.memory_space<hbm>>, %arg5: memref<20000x128xf32, #tpu.memory_space<hbm>>, %arg6: memref<128xi32, #tpu.memory_space<vmem>>, %arg7: memref<128xi32, #tpu.memory_space<vmem>>, %arg8: memref<128x128xf32, #tpu.memory_space<vmem>>, %arg9: memref<128x128xf32, #tpu.memory_space<vmem>>, %arg10: memref<10240x128xf32, #tpu.memory_space<vmem_shared>>) attributes {dimension_semantics = [#tpu.dimension_semantics<core_parallel>, #tpu.dimension_semantics<subcore_parallel>], iteration_bounds = array<i64: 2, 16>, scalar_prefetch = 0 : i64, scratch_operands = 5 : i64, tpu.core_type = #tpu.core_type<sc_vector_subcore>, window_params = [{transform_indices = #map}, {transform_indices = #map1}, {transform_indices = #map1}, {transform_indices = #map}]} {
    %scan3A = arith.constant 0 : i32
    %scan3A_0 = arith.constant 128 : i32
    %scan3A_1 = arith.addi %scan3A, %scan3A_0 : i32
    %scan3A_2 = arith.constant 1 : i32
    scf.for %scan3A_21 = %scan3A to %scan3A_1 step %scan3A_2  : i32 {
      %mul3A = arith.constant 1 : i32
      %mul3A_22 = arith.muli %scan3A_21, %mul3A : i32
      %add3A = arith.constant 0 : i32
      %add3A_23 = arith.addi %add3A, %mul3A_22 : i32
      %scan3A_24 = arith.constant 0 : i32
      %scan3A_25 = arith.constant 8 : i32
      %scan3A_26 = arith.addi %scan3A_24, %scan3A_25 : i32
      %scan3A_27 = arith.constant 1 : i32
      scf.for %scan3A_29 = %scan3A_24 to %scan3A_26 step %scan3A_27  : i32 {
        %mul3A_30 = arith.constant 16 : i32
        %mul3A_31 = arith.muli %scan3A_29, %mul3A_30 : i32
        %add3A_32 = arith.constant 0 : i32
        %add3A_33 = arith.addi %add3A_32, %mul3A_31 : i32
        %broadcast_in_dim3A = arith.constant 0.000000e+00 : f32
        %broadcast_in_dim3A_34 = vector.broadcast %broadcast_in_dim3A : f32 to vector<1x16xf32>
        %swap3A = arith.index_cast %add3A_23 : i32 to index
        %swap3A_35 = arith.index_cast %add3A_33 : i32 to index
        %swap3A_36 = tpu.vector_load %arg9[%swap3A, %swap3A_35] {strides = array<i32>} : memref<128x128xf32, #tpu.memory_space<vmem>>, vector<1x16xf32>,
        %swap3A_37 = vector.shape_cast %swap3A_36 : vector<1x16xf32> to vector<1x16xf32>
        %swap3A_38 = vector.shape_cast %broadcast_in_dim3A_34 : vector<1x16xf32> to vector<1x16xf32>
        tpu.vector_store %arg9[%swap3A, %swap3A_35], %swap3A_38 {strides = array<i32>} : memref<128x128xf32, #tpu.memory_space<vmem>>, vector<1x16xf32>,
      }
      %scan3A_28 = arith.constant 8 : i32
    }
    %scan3A_3 = arith.constant 128 : i32
    %scan3A_4 = arith.constant 0 : i32
    %scan3A_5 = arith.constant 5 : i32
    %scan3A_6 = arith.addi %scan3A_4, %scan3A_5 : i32
    %scan3A_7 = arith.constant 1 : i32
    scf.for %scan3A_21 = %scan3A_4 to %scan3A_6 step %scan3A_7  : i32 {
      %mul3A = arith.constant 1 : i32
      %mul3A_22 = arith.muli %scan3A_21, %mul3A : i32
      %add3A = arith.constant 0 : i32
      %add3A_23 = arith.addi %add3A, %mul3A_22 : i32
      %mul3A_24 = arith.constant 640 : i32
      %mul3A_25 = arith.muli %arg1, %mul3A_24 : i32
      %mul3A_26 = arith.constant 128 : i32
      %mul3A_27 = arith.muli %add3A_23, %mul3A_26 : i32
      %add3A_28 = arith.addi %mul3A_25, %mul3A_27 : i32
      "tpu.region"() ({
        %run_scoped3A = tpu.sem_alloc : memref<!tpu.dma_semaphore, #tpu.memory_space<semaphore_mem>>
        %dma_start3A = arith.constant 0 : i32
        %dma_start3A_29 = tpu.memref_slice %arg10[%add3A_28, %dma_start3A] : memref<10240x128xf32, #tpu.memory_space<vmem_shared>> -> memref<128x128xf32, #tpu.memory_space<vmem_shared>>
        %dma_start3A_30 = arith.constant 0 : i32
        %dma_start3A_31 = tpu.memref_slice %arg10[%add3A_28, %dma_start3A_30] : memref<10240x128xf32, #tpu.memory_space<vmem_shared>> -> memref<128x128xf32, #tpu.memory_space<vmem_shared>>
        tpu.enqueue_dma source(%arg9 : memref<128x128xf32, #tpu.memory_space<vmem>>) target(%dma_start3A_31 : memref<128x128xf32, #tpu.memory_space<vmem_shared>>) target_semaphore(%run_scoped3A : memref<!tpu.dma_semaphore, #tpu.memory_space<semaphore_mem>>)
        %dma_wait3A = arith.constant 0 : i32
        %dma_wait3A_32 = tpu.memref_slice %arg10[%add3A_28, %dma_wait3A] : memref<10240x128xf32, #tpu.memory_space<vmem_shared>> -> memref<128x128xf32, #tpu.memory_space<vmem_shared>>
        %dma_wait3A_33 = arith.constant 0 : i32
        %dma_wait3A_34 = tpu.memref_slice %arg10[%add3A_28, %dma_wait3A_33] : memref<10240x128xf32, #tpu.memory_space<vmem_shared>> -> memref<128x128xf32, #tpu.memory_space<vmem_shared>>
        tpu.wait_dma2 semaphore(%run_scoped3A : memref<!tpu.dma_semaphore, #tpu.memory_space<semaphore_mem>>) src(%arg9 : memref<128x128xf32, #tpu.memory_space<vmem>>) dst(%dma_wait3A_34 : memref<128x128xf32, #tpu.memory_space<vmem_shared>>)
        tpu.yield
      }) : () -> ()
    }
    %scan3A_8 = arith.constant 5 : i32
    %barrier3A = arith.constant 0 : index
    tpu.barrier barrier_id(%barrier3A)
    %scan3A_9 = arith.constant 0 : i32
    %scan3A_10 = arith.constant 157 : i32
    %scan3A_11 = arith.addi %scan3A_9, %scan3A_10 : i32
    %scan3A_12 = arith.constant 1 : i32
    scf.for %scan3A_21 = %scan3A_9 to %scan3A_11 step %scan3A_12  : i32 {
      %mul3A = arith.constant 1 : i32
      %mul3A_22 = arith.muli %scan3A_21, %mul3A : i32
      %add3A = arith.constant 0 : i32
      %add3A_23 = arith.addi %add3A, %mul3A_22 : i32
      %mul3A_24 = arith.constant 16 : i32
      %mul3A_25 = arith.muli %add3A_23, %mul3A_24 : i32
      %add3A_26 = arith.addi %arg1, %mul3A_25 : i32
      %lt3A_27 = arith.constant 2500 : i32
      %lt3A_28 = arith.cmpi slt, %add3A_26, %lt3A_27 : i32
      %convert_element_type3A_29 = arith.extui %lt3A_28 : i1 to i32
      %cond3A_30 = arith.constant 0 : i32
      %cond3A_31 = arith.cmpi ne, %convert_element_type3A_29, %cond3A_30 : i32
      scf.if %cond3A_31 {
        %mul3A_32 = arith.constant 128 : i32
        %mul3A_33 = arith.muli %add3A_26, %mul3A_32 : i32
        "tpu.region"() ({
          %run_scoped3A = tpu.sem_alloc : memref<!tpu.dma_semaphore, #tpu.memory_space<semaphore_mem>>
          %dma_start3A = tpu.memref_slice %arg3[%mul3A_33] : memref<320000xi32, #tpu.memory_space<hbm>> -> memref<128xi32, #tpu.memory_space<hbm>>
          %dma_start3A_39 = tpu.memref_slice %arg3[%mul3A_33] : memref<320000xi32, #tpu.memory_space<hbm>> -> memref<128xi32, #tpu.memory_space<hbm>>
          tpu.enqueue_dma source(%dma_start3A_39 : memref<128xi32, #tpu.memory_space<hbm>>) target(%arg6 : memref<128xi32, #tpu.memory_space<vmem>>) target_semaphore(%run_scoped3A : memref<!tpu.dma_semaphore, #tpu.memory_space<semaphore_mem>>)
          %dma_wait3A = tpu.memref_slice %arg3[%mul3A_33] : memref<320000xi32, #tpu.memory_space<hbm>> -> memref<128xi32, #tpu.memory_space<hbm>>
          %dma_wait3A_40 = tpu.memref_slice %arg3[%mul3A_33] : memref<320000xi32, #tpu.memory_space<hbm>> -> memref<128xi32, #tpu.memory_space<hbm>>
          tpu.wait_dma2 semaphore(%run_scoped3A : memref<!tpu.dma_semaphore, #tpu.memory_space<semaphore_mem>>) src(%dma_wait3A_40 : memref<128xi32, #tpu.memory_space<hbm>>) dst(%arg6 : memref<128xi32, #tpu.memory_space<vmem>>)
          tpu.yield
        }) : () -> ()
        "tpu.region"() ({
          %run_scoped3A = tpu.sem_alloc : memref<!tpu.dma_semaphore, #tpu.memory_space<semaphore_mem>>
          %dma_start3A = tpu.memref_slice %arg4[%mul3A_33] : memref<320000xi32, #tpu.memory_space<hbm>> -> memref<128xi32, #tpu.memory_space<hbm>>
          %dma_start3A_39 = tpu.memref_slice %arg4[%mul3A_33] : memref<320000xi32, #tpu.memory_space<hbm>> -> memref<128xi32, #tpu.memory_space<hbm>>
          tpu.enqueue_dma source(%dma_start3A_39 : memref<128xi32, #tpu.memory_space<hbm>>) target(%arg7 : memref<128xi32, #tpu.memory_space<vmem>>) target_semaphore(%run_scoped3A : memref<!tpu.dma_semaphore, #tpu.memory_space<semaphore_mem>>)
          %dma_wait3A = tpu.memref_slice %arg4[%mul3A_33] : memref<320000xi32, #tpu.memory_space<hbm>> -> memref<128xi32, #tpu.memory_space<hbm>>
          %dma_wait3A_40 = tpu.memref_slice %arg4[%mul3A_33] : memref<320000xi32, #tpu.memory_space<hbm>> -> memref<128xi32, #tpu.memory_space<hbm>>
          tpu.wait_dma2 semaphore(%run_scoped3A : memref<!tpu.dma_semaphore, #tpu.memory_space<semaphore_mem>>) src(%dma_wait3A_40 : memref<128xi32, #tpu.memory_space<hbm>>) dst(%arg7 : memref<128xi32, #tpu.memory_space<vmem>>)
          tpu.yield
        }) : () -> ()
        %scan3A_34 = arith.constant 0 : i32
        %scan3A_35 = arith.constant 8 : i32
        %scan3A_36 = arith.addi %scan3A_34, %scan3A_35 : i32
        %scan3A_37 = arith.constant 1 : i32
        scf.for %scan3A_39 = %scan3A_34 to %scan3A_36 step %scan3A_37  : i32 {
          %mul3A_40 = arith.constant 16 : i32
          %mul3A_41 = arith.muli %scan3A_39, %mul3A_40 : i32
          %add3A_42 = arith.constant 0 : i32
          %add3A_43 = arith.addi %add3A_42, %mul3A_41 : i32
          %get3A = arith.index_cast %add3A_43 : i32 to index
          %get3A_44 = tpu.vector_load %arg6[%get3A] {strides = array<i32>} : memref<128xi32, #tpu.memory_space<vmem>>, vector<16xi32>,
          %get3A_45 = vector.shape_cast %get3A_44 : vector<16xi32> to vector<16xi32>
          %mul3A_46 = arith.constant 10000 : i32
          %mul3A_47 = arith.muli %arg0, %mul3A_46 : i32
          %add3A_48 = vector.broadcast %mul3A_47 : i32 to vector<16xi32>
          %add3A_49 = arith.addi %get3A_45, %add3A_48 : vector<16xi32>
          %swap3A = arith.index_cast %add3A_43 : i32 to index
          %swap3A_50 = tpu.vector_load %arg6[%swap3A] {strides = array<i32>} : memref<128xi32, #tpu.memory_space<vmem>>, vector<16xi32>,
          %swap3A_51 = vector.shape_cast %swap3A_50 : vector<16xi32> to vector<16xi32>
          %swap3A_52 = vector.shape_cast %add3A_49 : vector<16xi32> to vector<16xi32>
          tpu.vector_store %arg6[%swap3A], %swap3A_52 {strides = array<i32>} : memref<128xi32, #tpu.memory_space<vmem>>, vector<16xi32>,
        }
        %scan3A_38 = arith.constant 8 : i32
        "tpu.region"() ({
          %run_scoped3A = tpu.sem_alloc : memref<!tpu.dma_semaphore, #tpu.memory_space<semaphore_mem>>
          %dma_start3A = arith.constant 0 : i32
          %dma_start3A_39 = arith.constant 0 : i32
          %dma_start3A_40 = tpu.memref_slice %arg2[%dma_start3A, %dma_start3A_39] : memref<20000x128xf32, #tpu.memory_space<hbm>> -> memref<20000x128xf32, #tpu.memory_space<hbm>>
          tpu.enqueue_indirect_dma source(%dma_start3A_40 : memref<20000x128xf32, #tpu.memory_space<hbm>>) target(%arg8 : memref<128x128xf32, #tpu.memory_space<vmem>>) offsets(%arg6 : memref<128xi32, #tpu.memory_space<vmem>>) semaphore(%run_scoped3A : memref<!tpu.dma_semaphore, #tpu.memory_space<semaphore_mem>>)
          %dma_wait3A = arith.constant 0 : i32
          %dma_wait3A_41 = arith.constant 0 : i32
          %dma_wait3A_42 = tpu.memref_slice %arg2[%dma_wait3A, %dma_wait3A_41] : memref<20000x128xf32, #tpu.memory_space<hbm>> -> memref<20000x128xf32, #tpu.memory_space<hbm>>
          tpu.wait_indirect_dma semaphore(%run_scoped3A : memref<!tpu.dma_semaphore, #tpu.memory_space<semaphore_mem>>) src(%dma_wait3A_42 : memref<20000x128xf32, #tpu.memory_space<hbm>>) dst(%arg8 : memref<128x128xf32, #tpu.memory_space<vmem>>)
          tpu.yield
        }) : () -> ()
        "tpu.region"() ({
          %run_scoped3A = tpu.sem_alloc : memref<!tpu.dma_semaphore, #tpu.memory_space<semaphore_mem>>
          %dma_start3A = arith.constant 0 : i32
          %dma_start3A_39 = arith.constant 0 : i32
          %dma_start3A_40 = tpu.memref_slice %arg10[%dma_start3A, %dma_start3A_39] : memref<10240x128xf32, #tpu.memory_space<vmem_shared>> -> memref<10240x128xf32, #tpu.memory_space<vmem_shared>>
          tpu.enqueue_indirect_dma source(%arg8 : memref<128x128xf32, #tpu.memory_space<vmem>>) target(%dma_start3A_40 : memref<10240x128xf32, #tpu.memory_space<vmem_shared>>) offsets(%arg7 : memref<128xi32, #tpu.memory_space<vmem>>) semaphore(%run_scoped3A : memref<!tpu.dma_semaphore, #tpu.memory_space<semaphore_mem>>) {add = true}
          %dma_wait3A = arith.constant 0 : i32
          %dma_wait3A_41 = arith.constant 0 : i32
          %dma_wait3A_42 = tpu.memref_slice %arg10[%dma_wait3A, %dma_wait3A_41] : memref<10240x128xf32, #tpu.memory_space<vmem_shared>> -> memref<10240x128xf32, #tpu.memory_space<vmem_shared>>
          tpu.wait_indirect_dma semaphore(%run_scoped3A : memref<!tpu.dma_semaphore, #tpu.memory_space<semaphore_mem>>) src(%arg8 : memref<128x128xf32, #tpu.memory_space<vmem>>) dst(%dma_wait3A_42 : memref<10240x128xf32, #tpu.memory_space<vmem_shared>>)
          tpu.yield
        }) : () -> ()
      } else {
      }
    }
    %scan3A_13 = arith.constant 157 : i32
    %barrier3A_14 = arith.constant 0 : index
    tpu.barrier barrier_id(%barrier3A_14)
    %lt3A = arith.constant 15 : i32
    %lt3A_15 = arith.cmpi slt, %arg1, %lt3A : i32
    %convert_element_type3A = arith.extui %lt3A_15 : i1 to i32
    %cond3A = arith.constant 0 : i32
    %cond3A_16 = arith.cmpi ne, %convert_element_type3A, %cond3A : i32
    scf.if %cond3A_16 {
      %mul3A = arith.constant 640 : i32
      %mul3A_21 = arith.muli %arg1, %mul3A : i32
      %add3A = arith.constant 0 : i32
      %add3A_22 = arith.addi %mul3A_21, %add3A : i32
      %mul3A_23 = arith.constant 10000 : i32
      %mul3A_24 = arith.muli %arg0, %mul3A_23 : i32
      %mul3A_25 = arith.constant 640 : i32
      %mul3A_26 = arith.muli %arg1, %mul3A_25 : i32
      %add3A_27 = arith.addi %mul3A_24, %mul3A_26 : i32
      %add3A_28 = arith.constant 0 : i32
      %add3A_29 = arith.addi %add3A_27, %add3A_28 : i32
      "tpu.region"() ({
        %run_scoped3A = tpu.sem_alloc : memref<!tpu.dma_semaphore, #tpu.memory_space<semaphore_mem>>
        %dma_start3A = arith.constant 0 : i32
        %dma_start3A_74 = tpu.memref_slice %arg5[%add3A_29, %dma_start3A] : memref<20000x128xf32, #tpu.memory_space<hbm>> -> memref<128x128xf32, #tpu.memory_space<hbm>>
        %dma_start3A_75 = arith.constant 0 : i32
        %dma_start3A_76 = tpu.memref_slice %arg10[%add3A_22, %dma_start3A_75] : memref<10240x128xf32, #tpu.memory_space<vmem_shared>> -> memref<128x128xf32, #tpu.memory_space<vmem_shared>>
        tpu.enqueue_dma source(%dma_start3A_76 : memref<128x128xf32, #tpu.memory_space<vmem_shared>>) target(%dma_start3A_74 : memref<128x128xf32, #tpu.memory_space<hbm>>) target_semaphore(%run_scoped3A : memref<!tpu.dma_semaphore, #tpu.memory_space<semaphore_mem>>)
        %dma_wait3A = arith.constant 0 : i32
        %dma_wait3A_77 = tpu.memref_slice %arg5[%add3A_29, %dma_wait3A] : memref<20000x128xf32, #tpu.memory_space<hbm>> -> memref<128x128xf32, #tpu.memory_space<hbm>>
        %dma_wait3A_78 = arith.constant 0 : i32
        %dma_wait3A_79 = tpu.memref_slice %arg10[%add3A_22, %dma_wait3A_78] : memref<10240x128xf32, #tpu.memory_space<vmem_shared>> -> memref<128x128xf32, #tpu.memory_space<vmem_shared>>
        tpu.wait_dma2 semaphore(%run_scoped3A : memref<!tpu.dma_semaphore, #tpu.memory_space<semaphore_mem>>) src(%dma_wait3A_79 : memref<128x128xf32, #tpu.memory_space<vmem_shared>>) dst(%dma_wait3A_77 : memref<128x128xf32, #tpu.memory_space<hbm>>)
        tpu.yield
      }) : () -> ()
      %mul3A_30 = arith.constant 640 : i32
      %mul3A_31 = arith.muli %arg1, %mul3A_30 : i32
      %add3A_32 = arith.constant 128 : i32
      %add3A_33 = arith.addi %mul3A_31, %add3A_32 : i32
      %mul3A_34 = arith.constant 10000 : i32
      %mul3A_35 = arith.muli %arg0, %mul3A_34 : i32
      %mul3A_36 = arith.constant 640 : i32
      %mul3A_37 = arith.muli %arg1, %mul3A_36 : i32
      %add3A_38 = arith.addi %mul3A_35, %mul3A_37 : i32
      %add3A_39 = arith.constant 128 : i32
      %add3A_40 = arith.addi %add3A_38, %add3A_39 : i32
      "tpu.region"() ({
        %run_scoped3A = tpu.sem_alloc : memref<!tpu.dma_semaphore, #tpu.memory_space<semaphore_mem>>
        %dma_start3A = arith.constant 0 : i32
        %dma_start3A_74 = tpu.memref_slice %arg5[%add3A_40, %dma_start3A] : memref<20000x128xf32, #tpu.memory_space<hbm>> -> memref<128x128xf32, #tpu.memory_space<hbm>>
        %dma_start3A_75 = arith.constant 0 : i32
        %dma_start3A_76 = tpu.memref_slice %arg10[%add3A_33, %dma_start3A_75] : memref<10240x128xf32, #tpu.memory_space<vmem_shared>> -> memref<128x128xf32, #tpu.memory_space<vmem_shared>>
        tpu.enqueue_dma source(%dma_start3A_76 : memref<128x128xf32, #tpu.memory_space<vmem_shared>>) target(%dma_start3A_74 : memref<128x128xf32, #tpu.memory_space<hbm>>) target_semaphore(%run_scoped3A : memref<!tpu.dma_semaphore, #tpu.memory_space<semaphore_mem>>)
        %dma_wait3A = arith.constant 0 : i32
        %dma_wait3A_77 = tpu.memref_slice %arg5[%add3A_40, %dma_wait3A] : memref<20000x128xf32, #tpu.memory_space<hbm>> -> memref<128x128xf32, #tpu.memory_space<hbm>>
        %dma_wait3A_78 = arith.constant 0 : i32
        %dma_wait3A_79 = tpu.memref_slice %arg10[%add3A_33, %dma_wait3A_78] : memref<10240x128xf32, #tpu.memory_space<vmem_shared>> -> memref<128x128xf32, #tpu.memory_space<vmem_shared>>
        tpu.wait_dma2 semaphore(%run_scoped3A : memref<!tpu.dma_semaphore, #tpu.memory_space<semaphore_mem>>) src(%dma_wait3A_79 : memref<128x128xf32, #tpu.memory_space<vmem_shared>>) dst(%dma_wait3A_77 : memref<128x128xf32, #tpu.memory_space<hbm>>)
        tpu.yield
      }) : () -> ()
      %mul3A_41 = arith.constant 640 : i32
      %mul3A_42 = arith.muli %arg1, %mul3A_41 : i32
      %add3A_43 = arith.constant 256 : i32
      %add3A_44 = arith.addi %mul3A_42, %add3A_43 : i32
      %mul3A_45 = arith.constant 10000 : i32
      %mul3A_46 = arith.muli %arg0, %mul3A_45 : i32
      %mul3A_47 = arith.constant 640 : i32
      %mul3A_48 = arith.muli %arg1, %mul3A_47 : i32
      %add3A_49 = arith.addi %mul3A_46, %mul3A_48 : i32
      %add3A_50 = arith.constant 256 : i32
      %add3A_51 = arith.addi %add3A_49, %add3A_50 : i32
      "tpu.region"() ({
        %run_scoped3A = tpu.sem_alloc : memref<!tpu.dma_semaphore, #tpu.memory_space<semaphore_mem>>
        %dma_start3A = arith.constant 0 : i32
        %dma_start3A_74 = tpu.memref_slice %arg5[%add3A_51, %dma_start3A] : memref<20000x128xf32, #tpu.memory_space<hbm>> -> memref<128x128xf32, #tpu.memory_space<hbm>>
        %dma_start3A_75 = arith.constant 0 : i32
        %dma_start3A_76 = tpu.memref_slice %arg10[%add3A_44, %dma_start3A_75] : memref<10240x128xf32, #tpu.memory_space<vmem_shared>> -> memref<128x128xf32, #tpu.memory_space<vmem_shared>>
        tpu.enqueue_dma source(%dma_start3A_76 : memref<128x128xf32, #tpu.memory_space<vmem_shared>>) target(%dma_start3A_74 : memref<128x128xf32, #tpu.memory_space<hbm>>) target_semaphore(%run_scoped3A : memref<!tpu.dma_semaphore, #tpu.memory_space<semaphore_mem>>)
        %dma_wait3A = arith.constant 0 : i32
        %dma_wait3A_77 = tpu.memref_slice %arg5[%add3A_51, %dma_wait3A] : memref<20000x128xf32, #tpu.memory_space<hbm>> -> memref<128x128xf32, #tpu.memory_space<hbm>>
        %dma_wait3A_78 = arith.constant 0 : i32
        %dma_wait3A_79 = tpu.memref_slice %arg10[%add3A_44, %dma_wait3A_78] : memref<10240x128xf32, #tpu.memory_space<vmem_shared>> -> memref<128x128xf32, #tpu.memory_space<vmem_shared>>
        tpu.wait_dma2 semaphore(%run_scoped3A : memref<!tpu.dma_semaphore, #tpu.memory_space<semaphore_mem>>) src(%dma_wait3A_79 : memref<128x128xf32, #tpu.memory_space<vmem_shared>>) dst(%dma_wait3A_77 : memref<128x128xf32, #tpu.memory_space<hbm>>)
        tpu.yield
      }) : () -> ()
      %mul3A_52 = arith.constant 640 : i32
      %mul3A_53 = arith.muli %arg1, %mul3A_52 : i32
      %add3A_54 = arith.constant 384 : i32
      %add3A_55 = arith.addi %mul3A_53, %add3A_54 : i32
      %mul3A_56 = arith.constant 10000 : i32
      %mul3A_57 = arith.muli %arg0, %mul3A_56 : i32
      %mul3A_58 = arith.constant 640 : i32
      %mul3A_59 = arith.muli %arg1, %mul3A_58 : i32
      %add3A_60 = arith.addi %mul3A_57, %mul3A_59 : i32
      %add3A_61 = arith.constant 384 : i32
      %add3A_62 = arith.addi %add3A_60, %add3A_61 : i32
      "tpu.region"() ({
        %run_scoped3A = tpu.sem_alloc : memref<!tpu.dma_semaphore, #tpu.memory_space<semaphore_mem>>
        %dma_start3A = arith.constant 0 : i32
        %dma_start3A_74 = tpu.memref_slice %arg5[%add3A_62, %dma_start3A] : memref<20000x128xf32, #tpu.memory_space<hbm>> -> memref<128x128xf32, #tpu.memory_space<hbm>>
        %dma_start3A_75 = arith.constant 0 : i32
        %dma_start3A_76 = tpu.memref_slice %arg10[%add3A_55, %dma_start3A_75] : memref<10240x128xf32, #tpu.memory_space<vmem_shared>> -> memref<128x128xf32, #tpu.memory_space<vmem_shared>>
        tpu.enqueue_dma source(%dma_start3A_76 : memref<128x128xf32, #tpu.memory_space<vmem_shared>>) target(%dma_start3A_74 : memref<128x128xf32, #tpu.memory_space<hbm>>) target_semaphore(%run_scoped3A : memref<!tpu.dma_semaphore, #tpu.memory_space<semaphore_mem>>)
        %dma_wait3A = arith.constant 0 : i32
        %dma_wait3A_77 = tpu.memref_slice %arg5[%add3A_62, %dma_wait3A] : memref<20000x128xf32, #tpu.memory_space<hbm>> -> memref<128x128xf32, #tpu.memory_space<hbm>>
        %dma_wait3A_78 = arith.constant 0 : i32
        %dma_wait3A_79 = tpu.memref_slice %arg10[%add3A_55, %dma_wait3A_78] : memref<10240x128xf32, #tpu.memory_space<vmem_shared>> -> memref<128x128xf32, #tpu.memory_space<vmem_shared>>
        tpu.wait_dma2 semaphore(%run_scoped3A : memref<!tpu.dma_semaphore, #tpu.memory_space<semaphore_mem>>) src(%dma_wait3A_79 : memref<128x128xf32, #tpu.memory_space<vmem_shared>>) dst(%dma_wait3A_77 : memref<128x128xf32, #tpu.memory_space<hbm>>)
        tpu.yield
      }) : () -> ()
      %mul3A_63 = arith.constant 640 : i32
      %mul3A_64 = arith.muli %arg1, %mul3A_63 : i32
      %add3A_65 = arith.constant 512 : i32
      %add3A_66 = arith.addi %mul3A_64, %add3A_65 : i32
      %mul3A_67 = arith.constant 10000 : i32
      %mul3A_68 = arith.muli %arg0, %mul3A_67 : i32
      %mul3A_69 = arith.constant 640 : i32
      %mul3A_70 = arith.muli %arg1, %mul3A_69 : i32
      %add3A_71 = arith.addi %mul3A_68, %mul3A_70 : i32
      %add3A_72 = arith.constant 512 : i32
      %add3A_73 = arith.addi %add3A_71, %add3A_72 : i32
      "tpu.region"() ({
        %run_scoped3A = tpu.sem_alloc : memref<!tpu.dma_semaphore, #tpu.memory_space<semaphore_mem>>
        %dma_start3A = arith.constant 0 : i32
        %dma_start3A_74 = tpu.memref_slice %arg5[%add3A_73, %dma_start3A] : memref<20000x128xf32, #tpu.memory_space<hbm>> -> memref<128x128xf32, #tpu.memory_space<hbm>>
        %dma_start3A_75 = arith.constant 0 : i32
        %dma_start3A_76 = tpu.memref_slice %arg10[%add3A_66, %dma_start3A_75] : memref<10240x128xf32, #tpu.memory_space<vmem_shared>> -> memref<128x128xf32, #tpu.memory_space<vmem_shared>>
        tpu.enqueue_dma source(%dma_start3A_76 : memref<128x128xf32, #tpu.memory_space<vmem_shared>>) target(%dma_start3A_74 : memref<128x128xf32, #tpu.memory_space<hbm>>) target_semaphore(%run_scoped3A : memref<!tpu.dma_semaphore, #tpu.memory_space<semaphore_mem>>)
        %dma_wait3A = arith.constant 0 : i32
        %dma_wait3A_77 = tpu.memref_slice %arg5[%add3A_73, %dma_wait3A] : memref<20000x128xf32, #tpu.memory_space<hbm>> -> memref<128x128xf32, #tpu.memory_space<hbm>>
        %dma_wait3A_78 = arith.constant 0 : i32
        %dma_wait3A_79 = tpu.memref_slice %arg10[%add3A_66, %dma_wait3A_78] : memref<10240x128xf32, #tpu.memory_space<vmem_shared>> -> memref<128x128xf32, #tpu.memory_space<vmem_shared>>
        tpu.wait_dma2 semaphore(%run_scoped3A : memref<!tpu.dma_semaphore, #tpu.memory_space<semaphore_mem>>) src(%dma_wait3A_79 : memref<128x128xf32, #tpu.memory_space<vmem_shared>>) dst(%dma_wait3A_77 : memref<128x128xf32, #tpu.memory_space<hbm>>)
        tpu.yield
      }) : () -> ()
    } else {
    }
    %eq3A = arith.constant 15 : i32
    %eq3A_17 = arith.cmpi eq, %arg1, %eq3A : i32
    %convert_element_type3A_18 = arith.extui %eq3A_17 : i1 to i32
    %cond3A_19 = arith.constant 0 : i32
    %cond3A_20 = arith.cmpi ne, %convert_element_type3A_18, %cond3A_19 : i32
    scf.if %cond3A_20 {
      %mul3A = arith.constant 10000 : i32
      %mul3A_21 = arith.muli %arg0, %mul3A : i32
      %add3A = arith.constant 9600 : i32
      %add3A_22 = arith.addi %mul3A_21, %add3A : i32
      %add3A_23 = arith.constant 0 : i32
      %add3A_24 = arith.addi %add3A_22, %add3A_23 : i32
      "tpu.region"() ({
        %run_scoped3A = tpu.sem_alloc : memref<!tpu.dma_semaphore, #tpu.memory_space<semaphore_mem>>
        %dma_start3A = arith.constant 0 : i32
        %dma_start3A_41 = tpu.memref_slice %arg5[%add3A_24, %dma_start3A] : memref<20000x128xf32, #tpu.memory_space<hbm>> -> memref<128x128xf32, #tpu.memory_space<hbm>>
        %dma_start3A_42 = arith.constant 9600 : i32
        %dma_start3A_43 = arith.constant 0 : i32
        %dma_start3A_44 = tpu.memref_slice %arg10[%dma_start3A_42, %dma_start3A_43] : memref<10240x128xf32, #tpu.memory_space<vmem_shared>> -> memref<128x128xf32, #tpu.memory_space<vmem_shared>>
        tpu.enqueue_dma source(%dma_start3A_44 : memref<128x128xf32, #tpu.memory_space<vmem_shared>>) target(%dma_start3A_41 : memref<128x128xf32, #tpu.memory_space<hbm>>) target_semaphore(%run_scoped3A : memref<!tpu.dma_semaphore, #tpu.memory_space<semaphore_mem>>)
        %dma_wait3A = arith.constant 0 : i32
        %dma_wait3A_45 = tpu.memref_slice %arg5[%add3A_24, %dma_wait3A] : memref<20000x128xf32, #tpu.memory_space<hbm>> -> memref<128x128xf32, #tpu.memory_space<hbm>>
        %dma_wait3A_46 = arith.constant 9600 : i32
        %dma_wait3A_47 = arith.constant 0 : i32
        %dma_wait3A_48 = tpu.memref_slice %arg10[%dma_wait3A_46, %dma_wait3A_47] : memref<10240x128xf32, #tpu.memory_space<vmem_shared>> -> memref<128x128xf32, #tpu.memory_space<vmem_shared>>
        tpu.wait_dma2 semaphore(%run_scoped3A : memref<!tpu.dma_semaphore, #tpu.memory_space<semaphore_mem>>) src(%dma_wait3A_48 : memref<128x128xf32, #tpu.memory_space<vmem_shared>>) dst(%dma_wait3A_45 : memref<128x128xf32, #tpu.memory_space<hbm>>)
        tpu.yield
      }) : () -> ()
      %mul3A_25 = arith.constant 10000 : i32
      %mul3A_26 = arith.muli %arg0, %mul3A_25 : i32
      %add3A_27 = arith.constant 9600 : i32
      %add3A_28 = arith.addi %mul3A_26, %add3A_27 : i32
      %add3A_29 = arith.constant 128 : i32
      %add3A_30 = arith.addi %add3A_28, %add3A_29 : i32
      "tpu.region"() ({
        %run_scoped3A = tpu.sem_alloc : memref<!tpu.dma_semaphore, #tpu.memory_space<semaphore_mem>>
        %dma_start3A = arith.constant 0 : i32
        %dma_start3A_41 = tpu.memref_slice %arg5[%add3A_30, %dma_start3A] : memref<20000x128xf32, #tpu.memory_space<hbm>> -> memref<128x128xf32, #tpu.memory_space<hbm>>
        %dma_start3A_42 = arith.constant 9728 : i32
        %dma_start3A_43 = arith.constant 0 : i32
        %dma_start3A_44 = tpu.memref_slice %arg10[%dma_start3A_42, %dma_start3A_43] : memref<10240x128xf32, #tpu.memory_space<vmem_shared>> -> memref<128x128xf32, #tpu.memory_space<vmem_shared>>
        tpu.enqueue_dma source(%dma_start3A_44 : memref<128x128xf32, #tpu.memory_space<vmem_shared>>) target(%dma_start3A_41 : memref<128x128xf32, #tpu.memory_space<hbm>>) target_semaphore(%run_scoped3A : memref<!tpu.dma_semaphore, #tpu.memory_space<semaphore_mem>>)
        %dma_wait3A = arith.constant 0 : i32
        %dma_wait3A_45 = tpu.memref_slice %arg5[%add3A_30, %dma_wait3A] : memref<20000x128xf32, #tpu.memory_space<hbm>> -> memref<128x128xf32, #tpu.memory_space<hbm>>
        %dma_wait3A_46 = arith.constant 9728 : i32
        %dma_wait3A_47 = arith.constant 0 : i32
        %dma_wait3A_48 = tpu.memref_slice %arg10[%dma_wait3A_46, %dma_wait3A_47] : memref<10240x128xf32, #tpu.memory_space<vmem_shared>> -> memref<128x128xf32, #tpu.memory_space<vmem_shared>>
        tpu.wait_dma2 semaphore(%run_scoped3A : memref<!tpu.dma_semaphore, #tpu.memory_space<semaphore_mem>>) src(%dma_wait3A_48 : memref<128x128xf32, #tpu.memory_space<vmem_shared>>) dst(%dma_wait3A_45 : memref<128x128xf32, #tpu.memory_space<hbm>>)
        tpu.yield
      }) : () -> ()
      %mul3A_31 = arith.constant 10000 : i32
      %mul3A_32 = arith.muli %arg0, %mul3A_31 : i32
      %add3A_33 = arith.constant 9600 : i32
      %add3A_34 = arith.addi %mul3A_32, %add3A_33 : i32
      %add3A_35 = arith.constant 256 : i32
      %add3A_36 = arith.addi %add3A_34, %add3A_35 : i32
      "tpu.region"() ({
        %run_scoped3A = tpu.sem_alloc : memref<!tpu.dma_semaphore, #tpu.memory_space<semaphore_mem>>
        %dma_start3A = arith.constant 0 : i32
        %dma_start3A_41 = tpu.memref_slice %arg5[%add3A_36, %dma_start3A] : memref<20000x128xf32, #tpu.memory_space<hbm>> -> memref<128x128xf32, #tpu.memory_space<hbm>>
        %dma_start3A_42 = arith.constant 9856 : i32
        %dma_start3A_43 = arith.constant 0 : i32
        %dma_start3A_44 = tpu.memref_slice %arg10[%dma_start3A_42, %dma_start3A_43] : memref<10240x128xf32, #tpu.memory_space<vmem_shared>> -> memref<128x128xf32, #tpu.memory_space<vmem_shared>>
        tpu.enqueue_dma source(%dma_start3A_44 : memref<128x128xf32, #tpu.memory_space<vmem_shared>>) target(%dma_start3A_41 : memref<128x128xf32, #tpu.memory_space<hbm>>) target_semaphore(%run_scoped3A : memref<!tpu.dma_semaphore, #tpu.memory_space<semaphore_mem>>)
        %dma_wait3A = arith.constant 0 : i32
        %dma_wait3A_45 = tpu.memref_slice %arg5[%add3A_36, %dma_wait3A] : memref<20000x128xf32, #tpu.memory_space<hbm>> -> memref<128x128xf32, #tpu.memory_space<hbm>>
        %dma_wait3A_46 = arith.constant 9856 : i32
        %dma_wait3A_47 = arith.constant 0 : i32
        %dma_wait3A_48 = tpu.memref_slice %arg10[%dma_wait3A_46, %dma_wait3A_47] : memref<10240x128xf32, #tpu.memory_space<vmem_shared>> -> memref<128x128xf32, #tpu.memory_space<vmem_shared>>
        tpu.wait_dma2 semaphore(%run_scoped3A : memref<!tpu.dma_semaphore, #tpu.memory_space<semaphore_mem>>) src(%dma_wait3A_48 : memref<128x128xf32, #tpu.memory_space<vmem_shared>>) dst(%dma_wait3A_45 : memref<128x128xf32, #tpu.memory_space<hbm>>)
        tpu.yield
      }) : () -> ()
      %mul3A_37 = arith.constant 10000 : i32
      %mul3A_38 = arith.muli %arg0, %mul3A_37 : i32
      %add3A_39 = arith.constant 9984 : i32
      %add3A_40 = arith.addi %mul3A_38, %add3A_39 : i32
      "tpu.region"() ({
        %run_scoped3A = tpu.sem_alloc : memref<!tpu.dma_semaphore, #tpu.memory_space<semaphore_mem>>
        %dma_start3A = arith.constant 0 : i32
        %dma_start3A_41 = tpu.memref_slice %arg5[%add3A_40, %dma_start3A] : memref<20000x128xf32, #tpu.memory_space<hbm>> -> memref<16x128xf32, #tpu.memory_space<hbm>>
        %dma_start3A_42 = arith.constant 9984 : i32
        %dma_start3A_43 = arith.constant 0 : i32
        %dma_start3A_44 = tpu.memref_slice %arg10[%dma_start3A_42, %dma_start3A_43] : memref<10240x128xf32, #tpu.memory_space<vmem_shared>> -> memref<16x128xf32, #tpu.memory_space<vmem_shared>>
        tpu.enqueue_dma source(%dma_start3A_44 : memref<16x128xf32, #tpu.memory_space<vmem_shared>>) target(%dma_start3A_41 : memref<16x128xf32, #tpu.memory_space<hbm>>) target_semaphore(%run_scoped3A : memref<!tpu.dma_semaphore, #tpu.memory_space<semaphore_mem>>)
        %dma_wait3A = arith.constant 0 : i32
        %dma_wait3A_45 = tpu.memref_slice %arg5[%add3A_40, %dma_wait3A] : memref<20000x128xf32, #tpu.memory_space<hbm>> -> memref<16x128xf32, #tpu.memory_space<hbm>>
        %dma_wait3A_46 = arith.constant 9984 : i32
        %dma_wait3A_47 = arith.constant 0 : i32
        %dma_wait3A_48 = tpu.memref_slice %arg10[%dma_wait3A_46, %dma_wait3A_47] : memref<10240x128xf32, #tpu.memory_space<vmem_shared>> -> memref<16x128xf32, #tpu.memory_space<vmem_shared>>
        tpu.wait_dma2 semaphore(%run_scoped3A : memref<!tpu.dma_semaphore, #tpu.memory_space<semaphore_mem>>) src(%dma_wait3A_48 : memref<16x128xf32, #tpu.memory_space<vmem_shared>>) dst(%dma_wait3A_45 : memref<16x128xf32, #tpu.memory_space<hbm>>)
        tpu.yield
      }) : () -> ()
    } else {
    }
    return
  }
}

#map = affine_map<(d0, d1) -> (0, 0)>
#map1 = affine_map<(d0, d1) -> (0)>
module attributes {stable_mosaic.version = 14 : i64} {
  func.func @segsum(%arg0: i32, %arg1: i32, %arg2: memref<20000x128xf32, #tpu.memory_space<hbm>>, %arg3: memref<320000xi32, #tpu.memory_space<hbm>>, %arg4: memref<320000xi32, #tpu.memory_space<hbm>>, %arg5: memref<20000x128xf32, #tpu.memory_space<hbm>>, %arg6: memref<128xi32, #tpu.memory_space<vmem>>, %arg7: memref<128xi32, #tpu.memory_space<vmem>>, %arg8: memref<128x128xf32, #tpu.memory_space<vmem>>, %arg9: memref<128x128xf32, #tpu.memory_space<vmem>>, %arg10: memref<10240x128xf32, #tpu.memory_space<vmem_shared>>) attributes {dimension_semantics = [#tpu.dimension_semantics<core_parallel>, #tpu.dimension_semantics<subcore_parallel>], iteration_bounds = array<i64: 2, 16>, scalar_prefetch = 0 : i64, scratch_operands = 5 : i64, tpu.core_type = #tpu.core_type<sc_vector_subcore>, window_params = [{transform_indices = #map}, {transform_indices = #map1}, {transform_indices = #map1}, {transform_indices = #map}]} {
    %scan3A = arith.constant 0 : i32
    %scan3A_0 = arith.constant 128 : i32
    %scan3A_1 = arith.addi %scan3A, %scan3A_0 : i32
    %scan3A_2 = arith.constant 1 : i32
    scf.for %scan3A_21 = %scan3A to %scan3A_1 step %scan3A_2  : i32 {
      %mul3A = arith.constant 1 : i32
      %mul3A_22 = arith.muli %scan3A_21, %mul3A : i32
      %add3A = arith.constant 0 : i32
      %add3A_23 = arith.addi %add3A, %mul3A_22 : i32
      %scan3A_24 = arith.constant 0 : i32
      %scan3A_25 = arith.constant 8 : i32
      %scan3A_26 = arith.addi %scan3A_24, %scan3A_25 : i32
      %scan3A_27 = arith.constant 1 : i32
      scf.for %scan3A_29 = %scan3A_24 to %scan3A_26 step %scan3A_27  : i32 {
        %mul3A_30 = arith.constant 16 : i32
        %mul3A_31 = arith.muli %scan3A_29, %mul3A_30 : i32
        %add3A_32 = arith.constant 0 : i32
        %add3A_33 = arith.addi %add3A_32, %mul3A_31 : i32
        %broadcast_in_dim3A = arith.constant 0.000000e+00 : f32
        %broadcast_in_dim3A_34 = vector.broadcast %broadcast_in_dim3A : f32 to vector<1x16xf32>
        %swap3A = arith.index_cast %add3A_23 : i32 to index
        %swap3A_35 = arith.index_cast %add3A_33 : i32 to index
        %swap3A_36 = tpu.vector_load %arg9[%swap3A, %swap3A_35] {strides = array<i32>} : memref<128x128xf32, #tpu.memory_space<vmem>>, vector<1x16xf32>,
        %swap3A_37 = vector.shape_cast %swap3A_36 : vector<1x16xf32> to vector<1x16xf32>
        %swap3A_38 = vector.shape_cast %broadcast_in_dim3A_34 : vector<1x16xf32> to vector<1x16xf32>
        tpu.vector_store %arg9[%swap3A, %swap3A_35], %swap3A_38 {strides = array<i32>} : memref<128x128xf32, #tpu.memory_space<vmem>>, vector<1x16xf32>,
      }
      %scan3A_28 = arith.constant 8 : i32
    }
    %scan3A_3 = arith.constant 128 : i32
    %scan3A_4 = arith.constant 0 : i32
    %scan3A_5 = arith.constant 5 : i32
    %scan3A_6 = arith.addi %scan3A_4, %scan3A_5 : i32
    %scan3A_7 = arith.constant 1 : i32
    scf.for %scan3A_21 = %scan3A_4 to %scan3A_6 step %scan3A_7  : i32 {
      %mul3A = arith.constant 1 : i32
      %mul3A_22 = arith.muli %scan3A_21, %mul3A : i32
      %add3A = arith.constant 0 : i32
      %add3A_23 = arith.addi %add3A, %mul3A_22 : i32
      %mul3A_24 = arith.constant 640 : i32
      %mul3A_25 = arith.muli %arg1, %mul3A_24 : i32
      %mul3A_26 = arith.constant 128 : i32
      %mul3A_27 = arith.muli %add3A_23, %mul3A_26 : i32
      %add3A_28 = arith.addi %mul3A_25, %mul3A_27 : i32
      "tpu.region"() ({
        %run_scoped3A = tpu.sem_alloc : memref<!tpu.dma_semaphore, #tpu.memory_space<semaphore_mem>>
        %dma_start3A = arith.constant 0 : i32
        %dma_start3A_29 = tpu.memref_slice %arg10[%add3A_28, %dma_start3A] : memref<10240x128xf32, #tpu.memory_space<vmem_shared>> -> memref<128x128xf32, #tpu.memory_space<vmem_shared>>
        %dma_start3A_30 = arith.constant 0 : i32
        %dma_start3A_31 = tpu.memref_slice %arg10[%add3A_28, %dma_start3A_30] : memref<10240x128xf32, #tpu.memory_space<vmem_shared>> -> memref<128x128xf32, #tpu.memory_space<vmem_shared>>
        tpu.enqueue_dma source(%arg9 : memref<128x128xf32, #tpu.memory_space<vmem>>) target(%dma_start3A_31 : memref<128x128xf32, #tpu.memory_space<vmem_shared>>) target_semaphore(%run_scoped3A : memref<!tpu.dma_semaphore, #tpu.memory_space<semaphore_mem>>)
        %dma_wait3A = arith.constant 0 : i32
        %dma_wait3A_32 = tpu.memref_slice %arg10[%add3A_28, %dma_wait3A] : memref<10240x128xf32, #tpu.memory_space<vmem_shared>> -> memref<128x128xf32, #tpu.memory_space<vmem_shared>>
        %dma_wait3A_33 = arith.constant 0 : i32
        %dma_wait3A_34 = tpu.memref_slice %arg10[%add3A_28, %dma_wait3A_33] : memref<10240x128xf32, #tpu.memory_space<vmem_shared>> -> memref<128x128xf32, #tpu.memory_space<vmem_shared>>
        tpu.wait_dma2 semaphore(%run_scoped3A : memref<!tpu.dma_semaphore, #tpu.memory_space<semaphore_mem>>) src(%arg9 : memref<128x128xf32, #tpu.memory_space<vmem>>) dst(%dma_wait3A_34 : memref<128x128xf32, #tpu.memory_space<vmem_shared>>)
        tpu.yield
      }) : () -> ()
    }
    %scan3A_8 = arith.constant 5 : i32
    %barrier3A = arith.constant 0 : index
    tpu.barrier barrier_id(%barrier3A)
    %scan3A_9 = arith.constant 0 : i32
    %scan3A_10 = arith.constant 157 : i32
    %scan3A_11 = arith.addi %scan3A_9, %scan3A_10 : i32
    %scan3A_12 = arith.constant 1 : i32
    scf.for %scan3A_21 = %scan3A_9 to %scan3A_11 step %scan3A_12  : i32 {
      %mul3A = arith.constant 1 : i32
      %mul3A_22 = arith.muli %scan3A_21, %mul3A : i32
      %add3A = arith.constant 0 : i32
      %add3A_23 = arith.addi %add3A, %mul3A_22 : i32
      %mul3A_24 = arith.constant 16 : i32
      %mul3A_25 = arith.muli %add3A_23, %mul3A_24 : i32
      %add3A_26 = arith.addi %arg1, %mul3A_25 : i32
      %lt3A_27 = arith.constant 2500 : i32
      %lt3A_28 = arith.cmpi slt, %add3A_26, %lt3A_27 : i32
      %convert_element_type3A_29 = arith.extui %lt3A_28 : i1 to i32
      %cond3A_30 = arith.constant 0 : i32
      %cond3A_31 = arith.cmpi ne, %convert_element_type3A_29, %cond3A_30 : i32
      scf.if %cond3A_31 {
        %mul3A_32 = arith.constant 128 : i32
        %mul3A_33 = arith.muli %add3A_26, %mul3A_32 : i32
        "tpu.region"() ({
          %run_scoped3A = tpu.sem_alloc : memref<!tpu.dma_semaphore, #tpu.memory_space<semaphore_mem>>
          %dma_start3A = tpu.memref_slice %arg3[%mul3A_33] : memref<320000xi32, #tpu.memory_space<hbm>> -> memref<128xi32, #tpu.memory_space<hbm>>
          %dma_start3A_39 = tpu.memref_slice %arg3[%mul3A_33] : memref<320000xi32, #tpu.memory_space<hbm>> -> memref<128xi32, #tpu.memory_space<hbm>>
          tpu.enqueue_dma source(%dma_start3A_39 : memref<128xi32, #tpu.memory_space<hbm>>) target(%arg6 : memref<128xi32, #tpu.memory_space<vmem>>) target_semaphore(%run_scoped3A : memref<!tpu.dma_semaphore, #tpu.memory_space<semaphore_mem>>)
          %dma_wait3A = tpu.memref_slice %arg3[%mul3A_33] : memref<320000xi32, #tpu.memory_space<hbm>> -> memref<128xi32, #tpu.memory_space<hbm>>
          %dma_wait3A_40 = tpu.memref_slice %arg3[%mul3A_33] : memref<320000xi32, #tpu.memory_space<hbm>> -> memref<128xi32, #tpu.memory_space<hbm>>
          tpu.wait_dma2 semaphore(%run_scoped3A : memref<!tpu.dma_semaphore, #tpu.memory_space<semaphore_mem>>) src(%dma_wait3A_40 : memref<128xi32, #tpu.memory_space<hbm>>) dst(%arg6 : memref<128xi32, #tpu.memory_space<vmem>>)
          tpu.yield
        }) : () -> ()
        "tpu.region"() ({
          %run_scoped3A = tpu.sem_alloc : memref<!tpu.dma_semaphore, #tpu.memory_space<semaphore_mem>>
          %dma_start3A = tpu.memref_slice %arg4[%mul3A_33] : memref<320000xi32, #tpu.memory_space<hbm>> -> memref<128xi32, #tpu.memory_space<hbm>>
          %dma_start3A_39 = tpu.memref_slice %arg4[%mul3A_33] : memref<320000xi32, #tpu.memory_space<hbm>> -> memref<128xi32, #tpu.memory_space<hbm>>
          tpu.enqueue_dma source(%dma_start3A_39 : memref<128xi32, #tpu.memory_space<hbm>>) target(%arg7 : memref<128xi32, #tpu.memory_space<vmem>>) target_semaphore(%run_scoped3A : memref<!tpu.dma_semaphore, #tpu.memory_space<semaphore_mem>>)
          %dma_wait3A = tpu.memref_slice %arg4[%mul3A_33] : memref<320000xi32, #tpu.memory_space<hbm>> -> memref<128xi32, #tpu.memory_space<hbm>>
          %dma_wait3A_40 = tpu.memref_slice %arg4[%mul3A_33] : memref<320000xi32, #tpu.memory_space<hbm>> -> memref<128xi32, #tpu.memory_space<hbm>>
          tpu.wait_dma2 semaphore(%run_scoped3A : memref<!tpu.dma_semaphore, #tpu.memory_space<semaphore_mem>>) src(%dma_wait3A_40 : memref<128xi32, #tpu.memory_space<hbm>>) dst(%arg7 : memref<128xi32, #tpu.memory_space<vmem>>)
          tpu.yield
        }) : () -> ()
        %scan3A_34 = arith.constant 0 : i32
        %scan3A_35 = arith.constant 8 : i32
        %scan3A_36 = arith.addi %scan3A_34, %scan3A_35 : i32
        %scan3A_37 = arith.constant 1 : i32
        scf.for %scan3A_39 = %scan3A_34 to %scan3A_36 step %scan3A_37  : i32 {
          %mul3A_40 = arith.constant 16 : i32
          %mul3A_41 = arith.muli %scan3A_39, %mul3A_40 : i32
          %add3A_42 = arith.constant 0 : i32
          %add3A_43 = arith.addi %add3A_42, %mul3A_41 : i32
          %get3A = arith.index_cast %add3A_43 : i32 to index
          %get3A_44 = tpu.vector_load %arg6[%get3A] {strides = array<i32>} : memref<128xi32, #tpu.memory_space<vmem>>, vector<16xi32>,
          %get3A_45 = vector.shape_cast %get3A_44 : vector<16xi32> to vector<16xi32>
          %mul3A_46 = arith.constant 10000 : i32
          %mul3A_47 = arith.muli %arg0, %mul3A_46 : i32
          %add3A_48 = vector.broadcast %mul3A_47 : i32 to vector<16xi32>
          %add3A_49 = arith.addi %get3A_45, %add3A_48 : vector<16xi32>
          %swap3A = arith.index_cast %add3A_43 : i32 to index
          %swap3A_50 = tpu.vector_load %arg6[%swap3A] {strides = array<i32>} : memref<128xi32, #tpu.memory_space<vmem>>, vector<16xi32>,
          %swap3A_51 = vector.shape_cast %swap3A_50 : vector<16xi32> to vector<16xi32>
          %swap3A_52 = vector.shape_cast %add3A_49 : vector<16xi32> to vector<16xi32>
          tpu.vector_store %arg6[%swap3A], %swap3A_52 {strides = array<i32>} : memref<128xi32, #tpu.memory_space<vmem>>, vector<16xi32>,
        }
        %scan3A_38 = arith.constant 8 : i32
        "tpu.region"() ({
          %run_scoped3A = tpu.sem_alloc : memref<!tpu.dma_semaphore, #tpu.memory_space<semaphore_mem>>
          %dma_start3A = arith.constant 0 : i32
          %dma_start3A_39 = arith.constant 0 : i32
          %dma_start3A_40 = tpu.memref_slice %arg2[%dma_start3A, %dma_start3A_39] : memref<20000x128xf32, #tpu.memory_space<hbm>> -> memref<20000x128xf32, #tpu.memory_space<hbm>>
          tpu.enqueue_indirect_dma source(%dma_start3A_40 : memref<20000x128xf32, #tpu.memory_space<hbm>>) target(%arg8 : memref<128x128xf32, #tpu.memory_space<vmem>>) offsets(%arg6 : memref<128xi32, #tpu.memory_space<vmem>>) semaphore(%run_scoped3A : memref<!tpu.dma_semaphore, #tpu.memory_space<semaphore_mem>>)
          %dma_wait3A = arith.constant 0 : i32
          %dma_wait3A_41 = arith.constant 0 : i32
          %dma_wait3A_42 = tpu.memref_slice %arg2[%dma_wait3A, %dma_wait3A_41] : memref<20000x128xf32, #tpu.memory_space<hbm>> -> memref<20000x128xf32, #tpu.memory_space<hbm>>
          tpu.wait_indirect_dma semaphore(%run_scoped3A : memref<!tpu.dma_semaphore, #tpu.memory_space<semaphore_mem>>) src(%dma_wait3A_42 : memref<20000x128xf32, #tpu.memory_space<hbm>>) dst(%arg8 : memref<128x128xf32, #tpu.memory_space<vmem>>)
          tpu.yield
        }) : () -> ()
        "tpu.region"() ({
          %run_scoped3A = tpu.sem_alloc : memref<!tpu.dma_semaphore, #tpu.memory_space<semaphore_mem>>
          %dma_start3A = arith.constant 0 : i32
          %dma_start3A_39 = arith.constant 0 : i32
          %dma_start3A_40 = tpu.memref_slice %arg10[%dma_start3A, %dma_start3A_39] : memref<10240x128xf32, #tpu.memory_space<vmem_shared>> -> memref<10240x128xf32, #tpu.memory_space<vmem_shared>>
          tpu.enqueue_indirect_dma source(%arg8 : memref<128x128xf32, #tpu.memory_space<vmem>>) target(%dma_start3A_40 : memref<10240x128xf32, #tpu.memory_space<vmem_shared>>) offsets(%arg7 : memref<128xi32, #tpu.memory_space<vmem>>) semaphore(%run_scoped3A : memref<!tpu.dma_semaphore, #tpu.memory_space<semaphore_mem>>) {add = true}
          %dma_wait3A = arith.constant 0 : i32
          %dma_wait3A_41 = arith.constant 0 : i32
          %dma_wait3A_42 = tpu.memref_slice %arg10[%dma_wait3A, %dma_wait3A_41] : memref<10240x128xf32, #tpu.memory_space<vmem_shared>> -> memref<10240x128xf32, #tpu.memory_space<vmem_shared>>
          tpu.wait_indirect_dma semaphore(%run_scoped3A : memref<!tpu.dma_semaphore, #tpu.memory_space<semaphore_mem>>) src(%arg8 : memref<128x128xf32, #tpu.memory_space<vmem>>) dst(%dma_wait3A_42 : memref<10240x128xf32, #tpu.memory_space<vmem_shared>>)
          tpu.yield
        }) : () -> ()
      } else {
      }
    }
    %scan3A_13 = arith.constant 157 : i32
    %barrier3A_14 = arith.constant 0 : index
    tpu.barrier barrier_id(%barrier3A_14)
    %lt3A = arith.constant 15 : i32
    %lt3A_15 = arith.cmpi slt, %arg1, %lt3A : i32
    %convert_element_type3A = arith.extui %lt3A_15 : i1 to i32
    %cond3A = arith.constant 0 : i32
    %cond3A_16 = arith.cmpi ne, %convert_element_type3A, %cond3A : i32
    scf.if %cond3A_16 {
      %mul3A = arith.constant 640 : i32
      %mul3A_21 = arith.muli %arg1, %mul3A : i32
      %add3A = arith.constant 0 : i32
      %add3A_22 = arith.addi %mul3A_21, %add3A : i32
      %mul3A_23 = arith.constant 10000 : i32
      %mul3A_24 = arith.muli %arg0, %mul3A_23 : i32
      %mul3A_25 = arith.constant 640 : i32
      %mul3A_26 = arith.muli %arg1, %mul3A_25 : i32
      %add3A_27 = arith.addi %mul3A_24, %mul3A_26 : i32
      %add3A_28 = arith.constant 0 : i32
      %add3A_29 = arith.addi %add3A_27, %add3A_28 : i32
      "tpu.region"() ({
        %run_scoped3A = tpu.sem_alloc : memref<!tpu.dma_semaphore, #tpu.memory_space<semaphore_mem>>
        %dma_start3A = arith.constant 0 : i32
        %dma_start3A_74 = tpu.memref_slice %arg5[%add3A_29, %dma_start3A] : memref<20000x128xf32, #tpu.memory_space<hbm>> -> memref<128x128xf32, #tpu.memory_space<hbm>>
        %dma_start3A_75 = arith.constant 0 : i32
        %dma_start3A_76 = tpu.memref_slice %arg10[%add3A_22, %dma_start3A_75] : memref<10240x128xf32, #tpu.memory_space<vmem_shared>> -> memref<128x128xf32, #tpu.memory_space<vmem_shared>>
        tpu.enqueue_dma source(%dma_start3A_76 : memref<128x128xf32, #tpu.memory_space<vmem_shared>>) target(%dma_start3A_74 : memref<128x128xf32, #tpu.memory_space<hbm>>) target_semaphore(%run_scoped3A : memref<!tpu.dma_semaphore, #tpu.memory_space<semaphore_mem>>)
        %dma_wait3A = arith.constant 0 : i32
        %dma_wait3A_77 = tpu.memref_slice %arg5[%add3A_29, %dma_wait3A] : memref<20000x128xf32, #tpu.memory_space<hbm>> -> memref<128x128xf32, #tpu.memory_space<hbm>>
        %dma_wait3A_78 = arith.constant 0 : i32
        %dma_wait3A_79 = tpu.memref_slice %arg10[%add3A_22, %dma_wait3A_78] : memref<10240x128xf32, #tpu.memory_space<vmem_shared>> -> memref<128x128xf32, #tpu.memory_space<vmem_shared>>
        tpu.wait_dma2 semaphore(%run_scoped3A : memref<!tpu.dma_semaphore, #tpu.memory_space<semaphore_mem>>) src(%dma_wait3A_79 : memref<128x128xf32, #tpu.memory_space<vmem_shared>>) dst(%dma_wait3A_77 : memref<128x128xf32, #tpu.memory_space<hbm>>)
        tpu.yield
      }) : () -> ()
      %mul3A_30 = arith.constant 640 : i32
      %mul3A_31 = arith.muli %arg1, %mul3A_30 : i32
      %add3A_32 = arith.constant 128 : i32
      %add3A_33 = arith.addi %mul3A_31, %add3A_32 : i32
      %mul3A_34 = arith.constant 10000 : i32
      %mul3A_35 = arith.muli %arg0, %mul3A_34 : i32
      %mul3A_36 = arith.constant 640 : i32
      %mul3A_37 = arith.muli %arg1, %mul3A_36 : i32
      %add3A_38 = arith.addi %mul3A_35, %mul3A_37 : i32
      %add3A_39 = arith.constant 128 : i32
      %add3A_40 = arith.addi %add3A_38, %add3A_39 : i32
      "tpu.region"() ({
        %run_scoped3A = tpu.sem_alloc : memref<!tpu.dma_semaphore, #tpu.memory_space<semaphore_mem>>
        %dma_start3A = arith.constant 0 : i32
        %dma_start3A_74 = tpu.memref_slice %arg5[%add3A_40, %dma_start3A] : memref<20000x128xf32, #tpu.memory_space<hbm>> -> memref<128x128xf32, #tpu.memory_space<hbm>>
        %dma_start3A_75 = arith.constant 0 : i32
        %dma_start3A_76 = tpu.memref_slice %arg10[%add3A_33, %dma_start3A_75] : memref<10240x128xf32, #tpu.memory_space<vmem_shared>> -> memref<128x128xf32, #tpu.memory_space<vmem_shared>>
        tpu.enqueue_dma source(%dma_start3A_76 : memref<128x128xf32, #tpu.memory_space<vmem_shared>>) target(%dma_start3A_74 : memref<128x128xf32, #tpu.memory_space<hbm>>) target_semaphore(%run_scoped3A : memref<!tpu.dma_semaphore, #tpu.memory_space<semaphore_mem>>)
        %dma_wait3A = arith.constant 0 : i32
        %dma_wait3A_77 = tpu.memref_slice %arg5[%add3A_40, %dma_wait3A] : memref<20000x128xf32, #tpu.memory_space<hbm>> -> memref<128x128xf32, #tpu.memory_space<hbm>>
        %dma_wait3A_78 = arith.constant 0 : i32
        %dma_wait3A_79 = tpu.memref_slice %arg10[%add3A_33, %dma_wait3A_78] : memref<10240x128xf32, #tpu.memory_space<vmem_shared>> -> memref<128x128xf32, #tpu.memory_space<vmem_shared>>
        tpu.wait_dma2 semaphore(%run_scoped3A : memref<!tpu.dma_semaphore, #tpu.memory_space<semaphore_mem>>) src(%dma_wait3A_79 : memref<128x128xf32, #tpu.memory_space<vmem_shared>>) dst(%dma_wait3A_77 : memref<128x128xf32, #tpu.memory_space<hbm>>)
        tpu.yield
      }) : () -> ()
      %mul3A_41 = arith.constant 640 : i32
      %mul3A_42 = arith.muli %arg1, %mul3A_41 : i32
      %add3A_43 = arith.constant 256 : i32
      %add3A_44 = arith.addi %mul3A_42, %add3A_43 : i32
      %mul3A_45 = arith.constant 10000 : i32
      %mul3A_46 = arith.muli %arg0, %mul3A_45 : i32
      %mul3A_47 = arith.constant 640 : i32
      %mul3A_48 = arith.muli %arg1, %mul3A_47 : i32
      %add3A_49 = arith.addi %mul3A_46, %mul3A_48 : i32
      %add3A_50 = arith.constant 256 : i32
      %add3A_51 = arith.addi %add3A_49, %add3A_50 : i32
      "tpu.region"() ({
        %run_scoped3A = tpu.sem_alloc : memref<!tpu.dma_semaphore, #tpu.memory_space<semaphore_mem>>
        %dma_start3A = arith.constant 0 : i32
        %dma_start3A_74 = tpu.memref_slice %arg5[%add3A_51, %dma_start3A] : memref<20000x128xf32, #tpu.memory_space<hbm>> -> memref<128x128xf32, #tpu.memory_space<hbm>>
        %dma_start3A_75 = arith.constant 0 : i32
        %dma_start3A_76 = tpu.memref_slice %arg10[%add3A_44, %dma_start3A_75] : memref<10240x128xf32, #tpu.memory_space<vmem_shared>> -> memref<128x128xf32, #tpu.memory_space<vmem_shared>>
        tpu.enqueue_dma source(%dma_start3A_76 : memref<128x128xf32, #tpu.memory_space<vmem_shared>>) target(%dma_start3A_74 : memref<128x128xf32, #tpu.memory_space<hbm>>) target_semaphore(%run_scoped3A : memref<!tpu.dma_semaphore, #tpu.memory_space<semaphore_mem>>)
        %dma_wait3A = arith.constant 0 : i32
        %dma_wait3A_77 = tpu.memref_slice %arg5[%add3A_51, %dma_wait3A] : memref<20000x128xf32, #tpu.memory_space<hbm>> -> memref<128x128xf32, #tpu.memory_space<hbm>>
        %dma_wait3A_78 = arith.constant 0 : i32
        %dma_wait3A_79 = tpu.memref_slice %arg10[%add3A_44, %dma_wait3A_78] : memref<10240x128xf32, #tpu.memory_space<vmem_shared>> -> memref<128x128xf32, #tpu.memory_space<vmem_shared>>
        tpu.wait_dma2 semaphore(%run_scoped3A : memref<!tpu.dma_semaphore, #tpu.memory_space<semaphore_mem>>) src(%dma_wait3A_79 : memref<128x128xf32, #tpu.memory_space<vmem_shared>>) dst(%dma_wait3A_77 : memref<128x128xf32, #tpu.memory_space<hbm>>)
        tpu.yield
      }) : () -> ()
      %mul3A_52 = arith.constant 640 : i32
      %mul3A_53 = arith.muli %arg1, %mul3A_52 : i32
      %add3A_54 = arith.constant 384 : i32
      %add3A_55 = arith.addi %mul3A_53, %add3A_54 : i32
      %mul3A_56 = arith.constant 10000 : i32
      %mul3A_57 = arith.muli %arg0, %mul3A_56 : i32
      %mul3A_58 = arith.constant 640 : i32
      %mul3A_59 = arith.muli %arg1, %mul3A_58 : i32
      %add3A_60 = arith.addi %mul3A_57, %mul3A_59 : i32
      %add3A_61 = arith.constant 384 : i32
      %add3A_62 = arith.addi %add3A_60, %add3A_61 : i32
      "tpu.region"() ({
        %run_scoped3A = tpu.sem_alloc : memref<!tpu.dma_semaphore, #tpu.memory_space<semaphore_mem>>
        %dma_start3A = arith.constant 0 : i32
        %dma_start3A_74 = tpu.memref_slice %arg5[%add3A_62, %dma_start3A] : memref<20000x128xf32, #tpu.memory_space<hbm>> -> memref<128x128xf32, #tpu.memory_space<hbm>>
        %dma_start3A_75 = arith.constant 0 : i32
        %dma_start3A_76 = tpu.memref_slice %arg10[%add3A_55, %dma_start3A_75] : memref<10240x128xf32, #tpu.memory_space<vmem_shared>> -> memref<128x128xf32, #tpu.memory_space<vmem_shared>>
        tpu.enqueue_dma source(%dma_start3A_76 : memref<128x128xf32, #tpu.memory_space<vmem_shared>>) target(%dma_start3A_74 : memref<128x128xf32, #tpu.memory_space<hbm>>) target_semaphore(%run_scoped3A : memref<!tpu.dma_semaphore, #tpu.memory_space<semaphore_mem>>)
        %dma_wait3A = arith.constant 0 : i32
        %dma_wait3A_77 = tpu.memref_slice %arg5[%add3A_62, %dma_wait3A] : memref<20000x128xf32, #tpu.memory_space<hbm>> -> memref<128x128xf32, #tpu.memory_space<hbm>>
        %dma_wait3A_78 = arith.constant 0 : i32
        %dma_wait3A_79 = tpu.memref_slice %arg10[%add3A_55, %dma_wait3A_78] : memref<10240x128xf32, #tpu.memory_space<vmem_shared>> -> memref<128x128xf32, #tpu.memory_space<vmem_shared>>
        tpu.wait_dma2 semaphore(%run_scoped3A : memref<!tpu.dma_semaphore, #tpu.memory_space<semaphore_mem>>) src(%dma_wait3A_79 : memref<128x128xf32, #tpu.memory_space<vmem_shared>>) dst(%dma_wait3A_77 : memref<128x128xf32, #tpu.memory_space<hbm>>)
        tpu.yield
      }) : () -> ()
      %mul3A_63 = arith.constant 640 : i32
      %mul3A_64 = arith.muli %arg1, %mul3A_63 : i32
      %add3A_65 = arith.constant 512 : i32
      %add3A_66 = arith.addi %mul3A_64, %add3A_65 : i32
      %mul3A_67 = arith.constant 10000 : i32
      %mul3A_68 = arith.muli %arg0, %mul3A_67 : i32
      %mul3A_69 = arith.constant 640 : i32
      %mul3A_70 = arith.muli %arg1, %mul3A_69 : i32
      %add3A_71 = arith.addi %mul3A_68, %mul3A_70 : i32
      %add3A_72 = arith.constant 512 : i32
      %add3A_73 = arith.addi %add3A_71, %add3A_72 : i32
      "tpu.region"() ({
        %run_scoped3A = tpu.sem_alloc : memref<!tpu.dma_semaphore, #tpu.memory_space<semaphore_mem>>
        %dma_start3A = arith.constant 0 : i32
        %dma_start3A_74 = tpu.memref_slice %arg5[%add3A_73, %dma_start3A] : memref<20000x128xf32, #tpu.memory_space<hbm>> -> memref<128x128xf32, #tpu.memory_space<hbm>>
        %dma_start3A_75 = arith.constant 0 : i32
        %dma_start3A_76 = tpu.memref_slice %arg10[%add3A_66, %dma_start3A_75] : memref<10240x128xf32, #tpu.memory_space<vmem_shared>> -> memref<128x128xf32, #tpu.memory_space<vmem_shared>>
        tpu.enqueue_dma source(%dma_start3A_76 : memref<128x128xf32, #tpu.memory_space<vmem_shared>>) target(%dma_start3A_74 : memref<128x128xf32, #tpu.memory_space<hbm>>) target_semaphore(%run_scoped3A : memref<!tpu.dma_semaphore, #tpu.memory_space<semaphore_mem>>)
        %dma_wait3A = arith.constant 0 : i32
        %dma_wait3A_77 = tpu.memref_slice %arg5[%add3A_73, %dma_wait3A] : memref<20000x128xf32, #tpu.memory_space<hbm>> -> memref<128x128xf32, #tpu.memory_space<hbm>>
        %dma_wait3A_78 = arith.constant 0 : i32
        %dma_wait3A_79 = tpu.memref_slice %arg10[%add3A_66, %dma_wait3A_78] : memref<10240x128xf32, #tpu.memory_space<vmem_shared>> -> memref<128x128xf32, #tpu.memory_space<vmem_shared>>
        tpu.wait_dma2 semaphore(%run_scoped3A : memref<!tpu.dma_semaphore, #tpu.memory_space<semaphore_mem>>) src(%dma_wait3A_79 : memref<128x128xf32, #tpu.memory_space<vmem_shared>>) dst(%dma_wait3A_77 : memref<128x128xf32, #tpu.memory_space<hbm>>)
        tpu.yield
      }) : () -> ()
    } else {
    }
    %eq3A = arith.constant 15 : i32
    %eq3A_17 = arith.cmpi eq, %arg1, %eq3A : i32
    %convert_element_type3A_18 = arith.extui %eq3A_17 : i1 to i32
    %cond3A_19 = arith.constant 0 : i32
    %cond3A_20 = arith.cmpi ne, %convert_element_type3A_18, %cond3A_19 : i32
    scf.if %cond3A_20 {
      %mul3A = arith.constant 10000 : i32
      %mul3A_21 = arith.muli %arg0, %mul3A : i32
      %add3A = arith.constant 9600 : i32
      %add3A_22 = arith.addi %mul3A_21, %add3A : i32
      %add3A_23 = arith.constant 0 : i32
      %add3A_24 = arith.addi %add3A_22, %add3A_23 : i32
      "tpu.region"() ({
        %run_scoped3A = tpu.sem_alloc : memref<!tpu.dma_semaphore, #tpu.memory_space<semaphore_mem>>
        %dma_start3A = arith.constant 0 : i32
        %dma_start3A_41 = tpu.memref_slice %arg5[%add3A_24, %dma_start3A] : memref<20000x128xf32, #tpu.memory_space<hbm>> -> memref<128x128xf32, #tpu.memory_space<hbm>>
        %dma_start3A_42 = arith.constant 9600 : i32
        %dma_start3A_43 = arith.constant 0 : i32
        %dma_start3A_44 = tpu.memref_slice %arg10[%dma_start3A_42, %dma_start3A_43] : memref<10240x128xf32, #tpu.memory_space<vmem_shared>> -> memref<128x128xf32, #tpu.memory_space<vmem_shared>>
        tpu.enqueue_dma source(%dma_start3A_44 : memref<128x128xf32, #tpu.memory_space<vmem_shared>>) target(%dma_start3A_41 : memref<128x128xf32, #tpu.memory_space<hbm>>) target_semaphore(%run_scoped3A : memref<!tpu.dma_semaphore, #tpu.memory_space<semaphore_mem>>)
        %dma_wait3A = arith.constant 0 : i32
        %dma_wait3A_45 = tpu.memref_slice %arg5[%add3A_24, %dma_wait3A] : memref<20000x128xf32, #tpu.memory_space<hbm>> -> memref<128x128xf32, #tpu.memory_space<hbm>>
        %dma_wait3A_46 = arith.constant 9600 : i32
        %dma_wait3A_47 = arith.constant 0 : i32
        %dma_wait3A_48 = tpu.memref_slice %arg10[%dma_wait3A_46, %dma_wait3A_47] : memref<10240x128xf32, #tpu.memory_space<vmem_shared>> -> memref<128x128xf32, #tpu.memory_space<vmem_shared>>
        tpu.wait_dma2 semaphore(%run_scoped3A : memref<!tpu.dma_semaphore, #tpu.memory_space<semaphore_mem>>) src(%dma_wait3A_48 : memref<128x128xf32, #tpu.memory_space<vmem_shared>>) dst(%dma_wait3A_45 : memref<128x128xf32, #tpu.memory_space<hbm>>)
        tpu.yield
      }) : () -> ()
      %mul3A_25 = arith.constant 10000 : i32
      %mul3A_26 = arith.muli %arg0, %mul3A_25 : i32
      %add3A_27 = arith.constant 9600 : i32
      %add3A_28 = arith.addi %mul3A_26, %add3A_27 : i32
      %add3A_29 = arith.constant 128 : i32
      %add3A_30 = arith.addi %add3A_28, %add3A_29 : i32
      "tpu.region"() ({
        %run_scoped3A = tpu.sem_alloc : memref<!tpu.dma_semaphore, #tpu.memory_space<semaphore_mem>>
        %dma_start3A = arith.constant 0 : i32
        %dma_start3A_41 = tpu.memref_slice %arg5[%add3A_30, %dma_start3A] : memref<20000x128xf32, #tpu.memory_space<hbm>> -> memref<128x128xf32, #tpu.memory_space<hbm>>
        %dma_start3A_42 = arith.constant 9728 : i32
        %dma_start3A_43 = arith.constant 0 : i32
        %dma_start3A_44 = tpu.memref_slice %arg10[%dma_start3A_42, %dma_start3A_43] : memref<10240x128xf32, #tpu.memory_space<vmem_shared>> -> memref<128x128xf32, #tpu.memory_space<vmem_shared>>
        tpu.enqueue_dma source(%dma_start3A_44 : memref<128x128xf32, #tpu.memory_space<vmem_shared>>) target(%dma_start3A_41 : memref<128x128xf32, #tpu.memory_space<hbm>>) target_semaphore(%run_scoped3A : memref<!tpu.dma_semaphore, #tpu.memory_space<semaphore_mem>>)
        %dma_wait3A = arith.constant 0 : i32
        %dma_wait3A_45 = tpu.memref_slice %arg5[%add3A_30, %dma_wait3A] : memref<20000x128xf32, #tpu.memory_space<hbm>> -> memref<128x128xf32, #tpu.memory_space<hbm>>
        %dma_wait3A_46 = arith.constant 9728 : i32
        %dma_wait3A_47 = arith.constant 0 : i32
        %dma_wait3A_48 = tpu.memref_slice %arg10[%dma_wait3A_46, %dma_wait3A_47] : memref<10240x128xf32, #tpu.memory_space<vmem_shared>> -> memref<128x128xf32, #tpu.memory_space<vmem_shared>>
        tpu.wait_dma2 semaphore(%run_scoped3A : memref<!tpu.dma_semaphore, #tpu.memory_space<semaphore_mem>>) src(%dma_wait3A_48 : memref<128x128xf32, #tpu.memory_space<vmem_shared>>) dst(%dma_wait3A_45 : memref<128x128xf32, #tpu.memory_space<hbm>>)
        tpu.yield
      }) : () -> ()
      %mul3A_31 = arith.constant 10000 : i32
      %mul3A_32 = arith.muli %arg0, %mul3A_31 : i32
      %add3A_33 = arith.constant 9600 : i32
      %add3A_34 = arith.addi %mul3A_32, %add3A_33 : i32
      %add3A_35 = arith.constant 256 : i32
      %add3A_36 = arith.addi %add3A_34, %add3A_35 : i32
      "tpu.region"() ({
        %run_scoped3A = tpu.sem_alloc : memref<!tpu.dma_semaphore, #tpu.memory_space<semaphore_mem>>
        %dma_start3A = arith.constant 0 : i32
        %dma_start3A_41 = tpu.memref_slice %arg5[%add3A_36, %dma_start3A] : memref<20000x128xf32, #tpu.memory_space<hbm>> -> memref<128x128xf32, #tpu.memory_space<hbm>>
        %dma_start3A_42 = arith.constant 9856 : i32
        %dma_start3A_43 = arith.constant 0 : i32
        %dma_start3A_44 = tpu.memref_slice %arg10[%dma_start3A_42, %dma_start3A_43] : memref<10240x128xf32, #tpu.memory_space<vmem_shared>> -> memref<128x128xf32, #tpu.memory_space<vmem_shared>>
        tpu.enqueue_dma source(%dma_start3A_44 : memref<128x128xf32, #tpu.memory_space<vmem_shared>>) target(%dma_start3A_41 : memref<128x128xf32, #tpu.memory_space<hbm>>) target_semaphore(%run_scoped3A : memref<!tpu.dma_semaphore, #tpu.memory_space<semaphore_mem>>)
        %dma_wait3A = arith.constant 0 : i32
        %dma_wait3A_45 = tpu.memref_slice %arg5[%add3A_36, %dma_wait3A] : memref<20000x128xf32, #tpu.memory_space<hbm>> -> memref<128x128xf32, #tpu.memory_space<hbm>>
        %dma_wait3A_46 = arith.constant 9856 : i32
        %dma_wait3A_47 = arith.constant 0 : i32
        %dma_wait3A_48 = tpu.memref_slice %arg10[%dma_wait3A_46, %dma_wait3A_47] : memref<10240x128xf32, #tpu.memory_space<vmem_shared>> -> memref<128x128xf32, #tpu.memory_space<vmem_shared>>
        tpu.wait_dma2 semaphore(%run_scoped3A : memref<!tpu.dma_semaphore, #tpu.memory_space<semaphore_mem>>) src(%dma_wait3A_48 : memref<128x128xf32, #tpu.memory_space<vmem_shared>>) dst(%dma_wait3A_45 : memref<128x128xf32, #tpu.memory_space<hbm>>)
        tpu.yield
      }) : () -> ()
      %mul3A_37 = arith.constant 10000 : i32
      %mul3A_38 = arith.muli %arg0, %mul3A_37 : i32
      %add3A_39 = arith.constant 9984 : i32
      %add3A_40 = arith.addi %mul3A_38, %add3A_39 : i32
      "tpu.region"() ({
        %run_scoped3A = tpu.sem_alloc : memref<!tpu.dma_semaphore, #tpu.memory_space<semaphore_mem>>
        %dma_start3A = arith.constant 0 : i32
        %dma_start3A_41 = tpu.memref_slice %arg5[%add3A_40, %dma_start3A] : memref<20000x128xf32, #tpu.memory_space<hbm>> -> memref<16x128xf32, #tpu.memory_space<hbm>>
        %dma_start3A_42 = arith.constant 9984 : i32
        %dma_start3A_43 = arith.constant 0 : i32
        %dma_start3A_44 = tpu.memref_slice %arg10[%dma_start3A_42, %dma_start3A_43] : memref<10240x128xf32, #tpu.memory_space<vmem_shared>> -> memref<16x128xf32, #tpu.memory_space<vmem_shared>>
        tpu.enqueue_dma source(%dma_start3A_44 : memref<16x128xf32, #tpu.memory_space<vmem_shared>>) target(%dma_start3A_41 : memref<16x128xf32, #tpu.memory_space<hbm>>) target_semaphore(%run_scoped3A : memref<!tpu.dma_semaphore, #tpu.memory_space<semaphore_mem>>)
        %dma_wait3A = arith.constant 0 : i32
        %dma_wait3A_45 = tpu.memref_slice %arg5[%add3A_40, %dma_wait3A] : memref<20000x128xf32, #tpu.memory_space<hbm>> -> memref<16x128xf32, #tpu.memory_space<hbm>>
        %dma_wait3A_46 = arith.constant 9984 : i32
        %dma_wait3A_47 = arith.constant 0 : i32
        %dma_wait3A_48 = tpu.memref_slice %arg10[%dma_wait3A_46, %dma_wait3A_47] : memref<10240x128xf32, #tpu.memory_space<vmem_shared>> -> memref<16x128xf32, #tpu.memory_space<vmem_shared>>
        tpu.wait_dma2 semaphore(%run_scoped3A : memref<!tpu.dma_semaphore, #tpu.memory_space<semaphore_mem>>) src(%dma_wait3A_48 : memref<16x128xf32, #tpu.memory_space<vmem_shared>>) dst(%dma_wait3A_45 : memref<16x128xf32, #tpu.memory_space<hbm>>)
        tpu.yield
      }) : () -> ()
    } else {
    }
    return
  }
}

module attributes {stable_mosaic.version = 14 : i64} {
  func.func @body(%arg0: i32, %arg1: memref<1000x256xf32, #tpu.memory_space<vmem>>, %arg2: memref<256x256xf32, #tpu.memory_space<vmem>>, %arg3: memref<2x1000x128xf32, #tpu.memory_space<vmem>>, %arg4: memref<2x1000x128xf32, #tpu.memory_space<vmem>>) attributes {dimension_semantics = [#tpu.dimension_semantics<arbitrary>], iteration_bounds = array<i64: 10>, scalar_prefetch = 0 : i64, scratch_operands = 0 : i64, tpu.core_type = #tpu.core_type<tc>, window_params = [{transform_indices = @transform_0, window_bounds = array<i64: 1000, 256>}, {pipeline_mode = #tpu.pipeline_mode<synchronous>, transform_indices = @transform_1, window_bounds = array<i64: 256, 256>}, {transform_indices = @transform_2, window_bounds = array<i64: 2, 1000, 128>}, {transform_indices = @transform_3, window_bounds = array<i64: 2, 1000, 128>}]} {
    %get3A = arith.constant 0 : index
    %get3A_0 = arith.constant 0 : index
    %get3A_1 = arith.constant 0 : index
    %get3A_2 = vector.load %arg3[%get3A, %get3A_0, %get3A_1] : memref<2x1000x128xf32, #tpu.memory_space<vmem>>, vector<1x1000x1xf32>
    %get3A_3 = vector.shape_cast %get3A_2 : vector<1x1000x1xf32> to vector<1000x1xf32>
    %add3A = arith.constant 1.000000e+00 : f32
    %add3A_4 = vector.broadcast %add3A : f32 to vector<1000x1xf32>
    %add3A_5 = arith.addf %add3A_4, %get3A_3 : vector<1000x1xf32>
    %get3A_6 = arith.constant 1 : index
    %get3A_7 = arith.constant 0 : index
    %get3A_8 = arith.constant 0 : index
    %get3A_9 = vector.load %arg3[%get3A_6, %get3A_7, %get3A_8] : memref<2x1000x128xf32, #tpu.memory_space<vmem>>, vector<1x1000x1xf32>
    %get3A_10 = vector.shape_cast %get3A_9 : vector<1x1000x1xf32> to vector<1000x1xf32>
    %add3A_11 = arith.addf %add3A_5, %get3A_10 : vector<1000x1xf32>
    %rsqrt3A = math.rsqrt %add3A_11 : vector<1000x1xf32>
    %get3A_12 = arith.constant 0 : index
    %get3A_13 = arith.constant 0 : index
    %get3A_14 = vector.load %arg1[%get3A_12, %get3A_13] : memref<1000x256xf32, #tpu.memory_space<vmem>>, vector<1000x256xf32>
    %get3A_15 = arith.constant 0 : index
    %get3A_16 = arith.constant 0 : index
    %get3A_17 = vector.load %arg2[%get3A_15, %get3A_16] : memref<256x256xf32, #tpu.memory_space<vmem>>, vector<256x256xf32>
    %dot_general3A = arith.constant dense<0.000000e+00> : vector<1000x256xf32>
    %dot_general3A_18 = tpu.matmul %get3A_14, %get3A_17, %dot_general3A {dimension_numbers = #tpu.dot_dimension_numbers<[1], [0], [0], [1], [0, 0, 1, 1], [], []>, transpose_lhs_hint = false} : vector<1000x256xf32>, vector<256x256xf32>, vector<1000x256xf32> -> vector<1000x256xf32>
    %slice3A = vector.extract_strided_slice %dot_general3A_18 {offsets = [0, 0], sizes = [1000, 128], strides = [1, 1]} : vector<1000x256xf32> to vector<1000x128xf32>
    %mul3A = vector.broadcast %rsqrt3A : vector<1000x1xf32> to vector<1000x128xf32>
    %mul3A_19 = arith.mulf %slice3A, %mul3A : vector<1000x128xf32>
    %swap3A = arith.constant 0 : index
    %swap3A_20 = arith.constant 0 : index
    %swap3A_21 = arith.constant 0 : index
    %swap3A_22 = vector.load %arg4[%swap3A, %swap3A_20, %swap3A_21] : memref<2x1000x128xf32, #tpu.memory_space<vmem>>, vector<1x1000x128xf32>
    %swap3A_23 = vector.shape_cast %swap3A_22 : vector<1x1000x128xf32> to vector<1000x128xf32>
    %swap3A_24 = vector.shape_cast %mul3A_19 : vector<1000x128xf32> to vector<1x1000x128xf32>
    tpu.vector_store %arg4[%swap3A, %swap3A_20, %swap3A_21], %swap3A_24 {strides = array<i32>} : memref<2x1000x128xf32, #tpu.memory_space<vmem>>, vector<1x1000x128xf32>,
    %slice3A_25 = vector.extract_strided_slice %dot_general3A_18 {offsets = [0, 128], sizes = [1000, 128], strides = [1, 1]} : vector<1000x256xf32> to vector<1000x128xf32>
    %mul3A_26 = vector.broadcast %rsqrt3A : vector<1000x1xf32> to vector<1000x128xf32>
    %mul3A_27 = arith.mulf %slice3A_25, %mul3A_26 : vector<1000x128xf32>
    %swap3A_28 = arith.constant 1 : index
    %swap3A_29 = arith.constant 0 : index
    %swap3A_30 = arith.constant 0 : index
    %swap3A_31 = vector.load %arg4[%swap3A_28, %swap3A_29, %swap3A_30] : memref<2x1000x128xf32, #tpu.memory_space<vmem>>, vector<1x1000x128xf32>
    %swap3A_32 = vector.shape_cast %swap3A_31 : vector<1x1000x128xf32> to vector<1000x128xf32>
    %swap3A_33 = vector.shape_cast %mul3A_27 : vector<1000x128xf32> to vector<1x1000x128xf32>
    tpu.vector_store %arg4[%swap3A_28, %swap3A_29, %swap3A_30], %swap3A_33 {strides = array<i32>} : memref<2x1000x128xf32, #tpu.memory_space<vmem>>, vector<1x1000x128xf32>,
    return
  }
  func.func @transform_0(%arg0: i32) -> (i32, i32) {
    %c0_i32 = arith.constant 0 : i32
    %c0_i32_0 = arith.constant 0 : i32
    return %arg0, %c0_i32 : i32, i32
  }
  func.func @transform_1(%arg0: i32) -> (i32, i32) {
    %c0_i32 = arith.constant 0 : i32
    %c0_i32_0 = arith.constant 0 : i32
    %c0_i32_1 = arith.constant 0 : i32
    return %c0_i32, %c0_i32_0 : i32, i32
  }
  func.func @transform_2(%arg0: i32) -> (i32, i32, i32) {
    %c0_i32 = arith.constant 0 : i32
    %c0_i32_0 = arith.constant 0 : i32
    %c0_i32_1 = arith.constant 0 : i32
    return %c0_i32, %arg0, %c0_i32_0 : i32, i32, i32
  }
  func.func @transform_3(%arg0: i32) -> (i32, i32, i32) {
    %c0_i32 = arith.constant 0 : i32
    %c0_i32_0 = arith.constant 0 : i32
    %c0_i32_1 = arith.constant 0 : i32
    return %c0_i32, %arg0, %c0_i32_0 : i32, i32, i32
  }
}

module attributes {stable_mosaic.version = 14 : i64} {
  func.func @body(%arg0: i32, %arg1: memref<1000x128xf32, #tpu.memory_space<vmem>>, %arg2: memref<128x256xf32, #tpu.memory_space<vmem>>, %arg3: memref<256xf32, #tpu.memory_space<vmem>>, %arg4: memref<1000x256xf32, #tpu.memory_space<vmem>>) attributes {dimension_semantics = [#tpu.dimension_semantics<arbitrary>], iteration_bounds = array<i64: 10>, scalar_prefetch = 0 : i64, scratch_operands = 0 : i64, tpu.core_type = #tpu.core_type<tc>, window_params = [{transform_indices = @transform_0, window_bounds = array<i64: 1000, 128>}, {pipeline_mode = #tpu.pipeline_mode<synchronous>, transform_indices = @transform_1, window_bounds = array<i64: 128, 256>}, {pipeline_mode = #tpu.pipeline_mode<synchronous>, transform_indices = @transform_2, window_bounds = array<i64: 256>}, {transform_indices = @transform_3, window_bounds = array<i64: 1000, 256>}]} {
    %get3A = arith.constant 0 : index
    %get3A_0 = arith.constant 0 : index
    %get3A_1 = vector.load %arg1[%get3A, %get3A_0] : memref<1000x128xf32, #tpu.memory_space<vmem>>, vector<1000x128xf32>
    %get3A_2 = arith.constant 0 : index
    %get3A_3 = arith.constant 0 : index
    %get3A_4 = vector.load %arg2[%get3A_2, %get3A_3] : memref<128x256xf32, #tpu.memory_space<vmem>>, vector<128x256xf32>
    %dot_general3A = arith.constant dense<0.000000e+00> : vector<1000x256xf32>
    %dot_general3A_5 = tpu.matmul %get3A_1, %get3A_4, %dot_general3A {dimension_numbers = #tpu.dot_dimension_numbers<[1], [0], [0], [1], [0, 0, 1, 1], [], []>, transpose_lhs_hint = false} : vector<1000x128xf32>, vector<128x256xf32>, vector<1000x256xf32> -> vector<1000x256xf32>
    %get3A_6 = arith.constant 0 : index
    %get3A_7 = vector.load %arg3[%get3A_6] : memref<256xf32, #tpu.memory_space<vmem>>, vector<256xf32>
    %broadcast_in_dim3A = vector.shape_cast %get3A_7 : vector<256xf32> to vector<1x256xf32>
    %add3A = vector.broadcast %broadcast_in_dim3A : vector<1x256xf32> to vector<1000x256xf32>
    %add3A_8 = arith.addf %dot_general3A_5, %add3A : vector<1000x256xf32>
    %swap3A = arith.constant 0 : index
    %swap3A_9 = arith.constant 0 : index
    %swap3A_10 = vector.load %arg4[%swap3A, %swap3A_9] : memref<1000x256xf32, #tpu.memory_space<vmem>>, vector<1000x256xf32>
    tpu.vector_store %arg4[%swap3A, %swap3A_9], %add3A_8 {strides = array<i32>} : memref<1000x256xf32, #tpu.memory_space<vmem>>, vector<1000x256xf32>,
    return
  }
  func.func @transform_0(%arg0: i32) -> (i32, i32) {
    %c0_i32 = arith.constant 0 : i32
    %c0_i32_0 = arith.constant 0 : i32
    return %arg0, %c0_i32 : i32, i32
  }
  func.func @transform_1(%arg0: i32) -> (i32, i32) {
    %c0_i32 = arith.constant 0 : i32
    %c0_i32_0 = arith.constant 0 : i32
    %c0_i32_1 = arith.constant 0 : i32
    return %c0_i32, %c0_i32_0 : i32, i32
  }
  func.func @transform_2(%arg0: i32) -> i32 {
    %c0_i32 = arith.constant 0 : i32
    %c0_i32_0 = arith.constant 0 : i32
    return %c0_i32 : i32
  }
  func.func @transform_3(%arg0: i32) -> (i32, i32) {
    %c0_i32 = arith.constant 0 : i32
    %c0_i32_0 = arith.constant 0 : i32
    return %arg0, %c0_i32 : i32, i32
  }
}

module attributes {stable_mosaic.version = 14 : i64} {
  func.func @body(%arg0: i32, %arg1: memref<2x1000x128xf32, #tpu.memory_space<vmem>>, %arg2: memref<2x1000x128xf32, #tpu.memory_space<vmem>>, %arg3: memref<1000x256xf32, #tpu.memory_space<vmem>>, %arg4: memref<1000x256xf32, #tpu.memory_space<vmem>>, %arg5: memref<2x1000x128xf32, #tpu.memory_space<vmem>>, %arg6: memref<256xf32, #tpu.memory_space<vmem>>, %arg7: memref<512xf32, #tpu.memory_space<vmem>>, %arg8: memref<512xf32, #tpu.memory_space<vmem>>, %arg9: memref<512x128xf32, #tpu.memory_space<vmem>>, %arg10: memref<128xf32, #tpu.memory_space<vmem>>, %arg11: memref<128xf32, #tpu.memory_space<vmem>>, %arg12: memref<1xf32, #tpu.memory_space<vmem>>, %arg13: memref<1xf32, #tpu.memory_space<vmem>>, %arg14: memref<256xf32, #tpu.memory_space<vmem>>, %arg15: memref<256xf32, #tpu.memory_space<vmem>>, %arg16: memref<256x256xf32, #tpu.memory_space<vmem>>, %arg17: memref<1000x256xf32, #tpu.memory_space<vmem>>, %arg18: memref<2x1000x128xf32, #tpu.memory_space<vmem>>) attributes {dimension_semantics = [#tpu.dimension_semantics<arbitrary>], iteration_bounds = array<i64: 10>, scalar_prefetch = 0 : i64, scratch_operands = 0 : i64, tpu.core_type = #tpu.core_type<tc>, window_params = [{transform_indices = @transform_0, window_bounds = array<i64: 2, 1000, 128>}, {transform_indices = @transform_1, window_bounds = array<i64: 2, 1000, 128>}, {transform_indices = @transform_2, window_bounds = array<i64: 1000, 256>}, {transform_indices = @transform_3, window_bounds = array<i64: 1000, 256>}, {transform_indices = @transform_4, window_bounds = array<i64: 2, 1000, 128>}, {pipeline_mode = #tpu.pipeline_mode<synchronous>, transform_indices = @transform_5, window_bounds = array<i64: 256>}, {pipeline_mode = #tpu.pipeline_mode<synchronous>, transform_indices = @transform_6, window_bounds = array<i64: 512>}, {pipeline_mode = #tpu.pipeline_mode<synchronous>, transform_indices = @transform_7, window_bounds = array<i64: 512>}, {pipeline_mode = #tpu.pipeline_mode<synchronous>, transform_indices = @transform_8, window_bounds = array<i64: 512, 128>}, {pipeline_mode = #tpu.pipeline_mode<synchronous>, transform_indices = @transform_9, window_bounds = array<i64: 128>}, {pipeline_mode = #tpu.pipeline_mode<synchronous>, transform_indices = @transform_10, window_bounds = array<i64: 128>}, {pipeline_mode = #tpu.pipeline_mode<synchronous>, transform_indices = @transform_11, window_bounds = array<i64: 1>}, {pipeline_mode = #tpu.pipeline_mode<synchronous>, transform_indices = @transform_12, window_bounds = array<i64: 1>}, {pipeline_mode = #tpu.pipeline_mode<synchronous>, transform_indices = @transform_13, window_bounds = array<i64: 256>}, {pipeline_mode = #tpu.pipeline_mode<synchronous>, transform_indices = @transform_14, window_bounds = array<i64: 256>}, {pipeline_mode = #tpu.pipeline_mode<synchronous>, transform_indices = @transform_15, window_bounds = array<i64: 256, 256>}, {transform_indices = @transform_16, window_bounds = array<i64: 1000, 256>}, {transform_indices = @transform_17, window_bounds = array<i64: 2, 1000, 128>}]} {
    %get3A = arith.constant 0 : index
    %get3A_0 = arith.constant 0 : index
    %get3A_1 = arith.constant 0 : index
    %get3A_2 = vector.load %arg5[%get3A, %get3A_0, %get3A_1] : memref<2x1000x128xf32, #tpu.memory_space<vmem>>, vector<1x1000x1xf32>
    %get3A_3 = vector.shape_cast %get3A_2 : vector<1x1000x1xf32> to vector<1000x1xf32>
    %add3A = arith.constant 1.000000e+00 : f32
    %add3A_4 = vector.broadcast %add3A : f32 to vector<1000x1xf32>
    %add3A_5 = arith.addf %add3A_4, %get3A_3 : vector<1000x1xf32>
    %get3A_6 = arith.constant 1 : index
    %get3A_7 = arith.constant 0 : index
    %get3A_8 = arith.constant 0 : index
    %get3A_9 = vector.load %arg5[%get3A_6, %get3A_7, %get3A_8] : memref<2x1000x128xf32, #tpu.memory_space<vmem>>, vector<1x1000x1xf32>
    %get3A_10 = vector.shape_cast %get3A_9 : vector<1x1000x1xf32> to vector<1000x1xf32>
    %add3A_11 = arith.addf %add3A_5, %get3A_10 : vector<1000x1xf32>
    %rsqrt3A = math.rsqrt %add3A_11 : vector<1000x1xf32>
    %get3A_12 = arith.constant 0 : index
    %get3A_13 = arith.constant 0 : index
    %get3A_14 = vector.load %arg3[%get3A_12, %get3A_13] : memref<1000x256xf32, #tpu.memory_space<vmem>>, vector<1000x256xf32>
    %get3A_15 = arith.constant 0 : index
    %get3A_16 = arith.constant 0 : index
    %get3A_17 = vector.load %arg4[%get3A_15, %get3A_16] : memref<1000x256xf32, #tpu.memory_space<vmem>>, vector<1000x256xf32>
    %get3A_18 = arith.constant 0 : index
    %get3A_19 = arith.constant 0 : index
    %get3A_20 = arith.constant 0 : index
    %get3A_21 = vector.load %arg2[%get3A_18, %get3A_19, %get3A_20] : memref<2x1000x128xf32, #tpu.memory_space<vmem>>, vector<1x1000x128xf32>
    %get3A_22 = vector.shape_cast %get3A_21 : vector<1x1000x128xf32> to vector<1000x128xf32>
    %get3A_23 = arith.constant 1 : index
    %get3A_24 = arith.constant 0 : index
    %get3A_25 = arith.constant 0 : index
    %get3A_26 = vector.load %arg2[%get3A_23, %get3A_24, %get3A_25] : memref<2x1000x128xf32, #tpu.memory_space<vmem>>, vector<1x1000x128xf32>
    %get3A_27 = vector.shape_cast %get3A_26 : vector<1x1000x128xf32> to vector<1000x128xf32>
    %concatenate3A = tpu.concatenate %get3A_22, %get3A_27 in 1 : vector<1000x128xf32>, vector<1000x128xf32> -> vector<1000x256xf32>
    %get3A_28 = arith.constant 0 : index
    %get3A_29 = arith.constant 0 : index
    %get3A_30 = arith.constant 0 : index
    %get3A_31 = vector.load %arg1[%get3A_28, %get3A_29, %get3A_30] : memref<2x1000x128xf32, #tpu.memory_space<vmem>>, vector<1x1000x128xf32>
    %get3A_32 = vector.shape_cast %get3A_31 : vector<1x1000x128xf32> to vector<1000x128xf32>
    %get3A_33 = arith.constant 1 : index
    %get3A_34 = arith.constant 0 : index
    %get3A_35 = arith.constant 0 : index
    %get3A_36 = vector.load %arg1[%get3A_33, %get3A_34, %get3A_35] : memref<2x1000x128xf32, #tpu.memory_space<vmem>>, vector<1x1000x128xf32>
    %get3A_37 = vector.shape_cast %get3A_36 : vector<1x1000x128xf32> to vector<1000x128xf32>
    %concatenate3A_38 = tpu.concatenate %get3A_32, %get3A_37 in 1 : vector<1000x128xf32>, vector<1000x128xf32> -> vector<1000x256xf32>
    %add3A_39 = arith.addf %concatenate3A_38, %concatenate3A : vector<1000x256xf32>
    %mul3A = vector.broadcast %rsqrt3A : vector<1000x1xf32> to vector<1000x256xf32>
    %mul3A_40 = arith.mulf %mul3A, %add3A_39 : vector<1000x256xf32>
    %get3A_41 = arith.constant 0 : index
    %get3A_42 = vector.load %arg6[%get3A_41] : memref<256xf32, #tpu.memory_space<vmem>>, vector<256xf32>
    %broadcast_in_dim3A = vector.shape_cast %get3A_42 : vector<256xf32> to vector<1x256xf32>
    %add3A_43 = vector.broadcast %broadcast_in_dim3A : vector<1x256xf32> to vector<1000x256xf32>
    %add3A_44 = arith.addf %mul3A_40, %add3A_43 : vector<1000x256xf32>
    %mul3A_45 = arith.constant 3.000000e-01 : f32
    %mul3A_46 = vector.broadcast %mul3A_45 : f32 to vector<1000x256xf32>
    %mul3A_47 = arith.mulf %mul3A_46, %get3A_17 : vector<1000x256xf32>
    %add3A_48 = arith.addf %add3A_44, %mul3A_47 : vector<1000x256xf32>
    %reduce_sum3A = arith.constant dense<0.000000e+00> : vector<1000xf32>
    %reduce_sum3A_49 = vector.multi_reduction <add>, %add3A_48, %reduce_sum3A [1] : vector<1000x256xf32> to vector<1000xf32>
    %broadcast_in_dim3A_50 = vector.shape_cast %reduce_sum3A_49 : vector<1000xf32> to vector<1000x1xf32>
    %reduce_sum3A_51 = arith.constant dense<0.000000e+00> : vector<1000xf32>
    %reduce_sum3A_52 = vector.multi_reduction <add>, %get3A_14, %reduce_sum3A_51 [1] : vector<1000x256xf32> to vector<1000xf32>
    %broadcast_in_dim3A_53 = vector.shape_cast %reduce_sum3A_52 : vector<1000xf32> to vector<1000x1xf32>
    %add3A_54 = arith.addf %broadcast_in_dim3A_50, %broadcast_in_dim3A_53 : vector<1000x1xf32>
    %div3A = arith.constant 5.120000e+02 : f32
    %div3A_55 = vector.broadcast %div3A : f32 to vector<1000x1xf32>
    %div3A_56 = arith.divf %add3A_54, %div3A_55 : vector<1000x1xf32>
    %sub3A = vector.broadcast %div3A_56 : vector<1000x1xf32> to vector<1000x256xf32>
    %sub3A_57 = arith.subf %add3A_48, %sub3A : vector<1000x256xf32>
    %sub3A_58 = vector.broadcast %div3A_56 : vector<1000x1xf32> to vector<1000x256xf32>
    %sub3A_59 = arith.subf %get3A_14, %sub3A_58 : vector<1000x256xf32>
    %mul3A_60 = arith.mulf %sub3A_57, %sub3A_57 : vector<1000x256xf32>
    %reduce_sum3A_61 = arith.constant dense<0.000000e+00> : vector<1000xf32>
    %reduce_sum3A_62 = vector.multi_reduction <add>, %mul3A_60, %reduce_sum3A_61 [1] : vector<1000x256xf32> to vector<1000xf32>
    %broadcast_in_dim3A_63 = vector.shape_cast %reduce_sum3A_62 : vector<1000xf32> to vector<1000x1xf32>
    %mul3A_64 = arith.mulf %sub3A_59, %sub3A_59 : vector<1000x256xf32>
    %reduce_sum3A_65 = arith.constant dense<0.000000e+00> : vector<1000xf32>
    %reduce_sum3A_66 = vector.multi_reduction <add>, %mul3A_64, %reduce_sum3A_65 [1] : vector<1000x256xf32> to vector<1000xf32>
    %broadcast_in_dim3A_67 = vector.shape_cast %reduce_sum3A_66 : vector<1000xf32> to vector<1000x1xf32>
    %add3A_68 = arith.addf %broadcast_in_dim3A_63, %broadcast_in_dim3A_67 : vector<1000x1xf32>
    %div3A_69 = arith.constant 5.120000e+02 : f32
    %div3A_70 = vector.broadcast %div3A_69 : f32 to vector<1000x1xf32>
    %div3A_71 = arith.divf %add3A_68, %div3A_70 : vector<1000x1xf32>
    %add3A_72 = arith.constant 9.99999974E-6 : f32
    %add3A_73 = vector.broadcast %add3A_72 : f32 to vector<1000x1xf32>
    %add3A_74 = arith.addf %div3A_71, %add3A_73 : vector<1000x1xf32>
    %rsqrt3A_75 = math.rsqrt %add3A_74 : vector<1000x1xf32>
    %get3A_76 = arith.constant 0 : index
    %get3A_77 = vector.load %arg7[%get3A_76] : memref<512xf32, #tpu.memory_space<vmem>>, vector<512xf32>
    %get3A_78 = arith.constant 0 : index
    %get3A_79 = vector.load %arg8[%get3A_78] : memref<512xf32, #tpu.memory_space<vmem>>, vector<512xf32>
    %mul3A_80 = vector.broadcast %rsqrt3A_75 : vector<1000x1xf32> to vector<1000x256xf32>
    %mul3A_81 = arith.mulf %sub3A_57, %mul3A_80 : vector<1000x256xf32>
    %slice3A = vector.extract_strided_slice %get3A_77 {offsets = [0], sizes = [256], strides = [1]} : vector<512xf32> to vector<256xf32>
    %broadcast_in_dim3A_82 = vector.shape_cast %slice3A : vector<256xf32> to vector<1x256xf32>
    %mul3A_83 = vector.broadcast %broadcast_in_dim3A_82 : vector<1x256xf32> to vector<1000x256xf32>
    %mul3A_84 = arith.mulf %mul3A_81, %mul3A_83 : vector<1000x256xf32>
    %slice3A_85 = vector.extract_strided_slice %get3A_79 {offsets = [0], sizes = [256], strides = [1]} : vector<512xf32> to vector<256xf32>
    %broadcast_in_dim3A_86 = vector.shape_cast %slice3A_85 : vector<256xf32> to vector<1x256xf32>
    %add3A_87 = vector.broadcast %broadcast_in_dim3A_86 : vector<1x256xf32> to vector<1000x256xf32>
    %add3A_88 = arith.addf %mul3A_84, %add3A_87 : vector<1000x256xf32>
    %mul3A_89 = vector.broadcast %rsqrt3A_75 : vector<1000x1xf32> to vector<1000x256xf32>
    %mul3A_90 = arith.mulf %sub3A_59, %mul3A_89 : vector<1000x256xf32>
    %slice3A_91 = vector.extract_strided_slice %get3A_77 {offsets = [256], sizes = [256], strides = [1]} : vector<512xf32> to vector<256xf32>
    %broadcast_in_dim3A_92 = vector.shape_cast %slice3A_91 : vector<256xf32> to vector<1x256xf32>
    %mul3A_93 = vector.broadcast %broadcast_in_dim3A_92 : vector<1x256xf32> to vector<1000x256xf32>
    %mul3A_94 = arith.mulf %mul3A_90, %mul3A_93 : vector<1000x256xf32>
    %slice3A_95 = vector.extract_strided_slice %get3A_79 {offsets = [256], sizes = [256], strides = [1]} : vector<512xf32> to vector<256xf32>
    %broadcast_in_dim3A_96 = vector.shape_cast %slice3A_95 : vector<256xf32> to vector<1x256xf32>
    %add3A_97 = vector.broadcast %broadcast_in_dim3A_96 : vector<1x256xf32> to vector<1000x256xf32>
    %add3A_98 = arith.addf %mul3A_94, %add3A_97 : vector<1000x256xf32>
    %get3A_99 = arith.constant 0 : index
    %get3A_100 = arith.constant 0 : index
    %get3A_101 = vector.load %arg9[%get3A_99, %get3A_100] : memref<512x128xf32, #tpu.memory_space<vmem>>, vector<512x128xf32>
    %slice3A_102 = vector.extract_strided_slice %get3A_101 {offsets = [0, 0], sizes = [256, 128], strides = [1, 1]} : vector<512x128xf32> to vector<256x128xf32>
    %dot_general3A = arith.constant dense<0.000000e+00> : vector<1000x128xf32>
    %dot_general3A_103 = tpu.matmul %add3A_88, %slice3A_102, %dot_general3A {dimension_numbers = #tpu.dot_dimension_numbers<[1], [0], [0], [1], [0, 0, 1, 1], [], []>, transpose_lhs_hint = false} : vector<1000x256xf32>, vector<256x128xf32>, vector<1000x128xf32> -> vector<1000x128xf32>
    %slice3A_104 = vector.extract_strided_slice %get3A_101 {offsets = [256, 0], sizes = [256, 128], strides = [1, 1]} : vector<512x128xf32> to vector<256x128xf32>
    %dot_general3A_105 = arith.constant dense<0.000000e+00> : vector<1000x128xf32>
    %dot_general3A_106 = tpu.matmul %add3A_98, %slice3A_104, %dot_general3A_105 {dimension_numbers = #tpu.dot_dimension_numbers<[1], [0], [0], [1], [0, 0, 1, 1], [], []>, transpose_lhs_hint = false} : vector<1000x256xf32>, vector<256x128xf32>, vector<1000x128xf32> -> vector<1000x128xf32>
    %add3A_107 = arith.addf %dot_general3A_103, %dot_general3A_106 : vector<1000x128xf32>
    %get3A_108 = arith.constant 0 : index
    %get3A_109 = vector.load %arg10[%get3A_108] : memref<128xf32, #tpu.memory_space<vmem>>, vector<128xf32>
    %broadcast_in_dim3A_110 = vector.shape_cast %get3A_109 : vector<128xf32> to vector<1x128xf32>
    %add3A_111 = vector.broadcast %broadcast_in_dim3A_110 : vector<1x128xf32> to vector<1000x128xf32>
    %add3A_112 = arith.addf %add3A_107, %add3A_111 : vector<1000x128xf32>
    %max3A = arith.constant 0.000000e+00 : f32
    %max3A_113 = vector.broadcast %max3A : f32 to vector<1000x128xf32>
    %max3A_114 = arith.maximumf %add3A_112, %max3A_113 : vector<1000x128xf32>
    %get3A_115 = arith.constant 0 : index
    %get3A_116 = vector.load %arg11[%get3A_115] : memref<128xf32, #tpu.memory_space<vmem>>, vector<128xf32>
    %broadcast_in_dim3A_117 = vector.shape_cast %get3A_116 : vector<128xf32> to vector<1x128xf32>
    %mul3A_118 = vector.broadcast %broadcast_in_dim3A_117 : vector<1x128xf32> to vector<1000x128xf32>
    %mul3A_119 = arith.mulf %max3A_114, %mul3A_118 : vector<1000x128xf32>
    %reduce_sum3A_120 = arith.constant dense<0.000000e+00> : vector<1000xf32>
    %reduce_sum3A_121 = vector.multi_reduction <add>, %mul3A_119, %reduce_sum3A_120 [1] : vector<1000x128xf32> to vector<1000xf32>
    %broadcast_in_dim3A_122 = vector.shape_cast %reduce_sum3A_121 : vector<1000xf32> to vector<1000x1xf32>
    %get3A_123 = arith.constant 0 : index
    %get3A_124 = vector.load %arg12[%get3A_123] : memref<1xf32, #tpu.memory_space<vmem>>, vector<1xf32>
    %get3A_125 = vector.extract %get3A_124[0] : f32 from vector<1xf32>
    %add3A_126 = vector.broadcast %get3A_125 : f32 to vector<1000x1xf32>
    %add3A_127 = arith.addf %broadcast_in_dim3A_122, %add3A_126 : vector<1000x1xf32>
    %get3A_128 = arith.constant 0 : index
    %get3A_129 = vector.load %arg13[%get3A_128] : memref<1xf32, #tpu.memory_space<vmem>>, vector<1xf32>
    %get3A_130 = vector.extract %get3A_129[0] : f32 from vector<1xf32>
    %div3A_131 = vector.broadcast %get3A_130 : f32 to vector<1000x1xf32>
    %div3A_132 = arith.divf %add3A_127, %div3A_131 : vector<1000x1xf32>
    %logistic3A = arith.negf %div3A_132 : vector<1000x1xf32>
    %logistic3A_133 = math.exp %logistic3A : vector<1000x1xf32>
    %logistic3A_134 = arith.constant 1.000000e+00 : f32
    %logistic3A_135 = vector.broadcast %logistic3A_134 : f32 to vector<1000x1xf32>
    %logistic3A_136 = arith.addf %logistic3A_135, %logistic3A_133 : vector<1000x1xf32>
    %logistic3A_137 = arith.divf %logistic3A_135, %logistic3A_136 : vector<1000x1xf32>
    %mul3A_138 = vector.broadcast %logistic3A_137 : vector<1000x1xf32> to vector<1000x256xf32>
    %mul3A_139 = arith.mulf %mul3A_138, %add3A_48 : vector<1000x256xf32>
    %sub3A_140 = arith.constant 1.000000e+00 : f32
    %sub3A_141 = vector.broadcast %sub3A_140 : f32 to vector<1000x1xf32>
    %sub3A_142 = arith.subf %sub3A_141, %logistic3A_137 : vector<1000x1xf32>
    %mul3A_143 = arith.constant 3.000000e-01 : f32
    %mul3A_144 = vector.broadcast %mul3A_143 : f32 to vector<1000x256xf32>
    %mul3A_145 = arith.mulf %mul3A_144, %get3A_17 : vector<1000x256xf32>
    %add3A_146 = arith.addf %get3A_14, %mul3A_145 : vector<1000x256xf32>
    %mul3A_147 = vector.broadcast %sub3A_142 : vector<1000x1xf32> to vector<1000x256xf32>
    %mul3A_148 = arith.mulf %mul3A_147, %add3A_146 : vector<1000x256xf32>
    %add3A_149 = arith.addf %mul3A_139, %mul3A_148 : vector<1000x256xf32>
    %reduce_sum3A_150 = arith.constant dense<0.000000e+00> : vector<1000xf32>
    %reduce_sum3A_151 = vector.multi_reduction <add>, %add3A_149, %reduce_sum3A_150 [1] : vector<1000x256xf32> to vector<1000xf32>
    %broadcast_in_dim3A_152 = vector.shape_cast %reduce_sum3A_151 : vector<1000xf32> to vector<1000x1xf32>
    %div3A_153 = arith.constant 2.560000e+02 : f32
    %div3A_154 = vector.broadcast %div3A_153 : f32 to vector<1000x1xf32>
    %div3A_155 = arith.divf %broadcast_in_dim3A_152, %div3A_154 : vector<1000x1xf32>
    %sub3A_156 = vector.broadcast %div3A_155 : vector<1000x1xf32> to vector<1000x256xf32>
    %sub3A_157 = arith.subf %add3A_149, %sub3A_156 : vector<1000x256xf32>
    %mul3A_158 = arith.mulf %sub3A_157, %sub3A_157 : vector<1000x256xf32>
    %reduce_sum3A_159 = arith.constant dense<0.000000e+00> : vector<1000xf32>
    %reduce_sum3A_160 = vector.multi_reduction <add>, %mul3A_158, %reduce_sum3A_159 [1] : vector<1000x256xf32> to vector<1000xf32>
    %broadcast_in_dim3A_161 = vector.shape_cast %reduce_sum3A_160 : vector<1000xf32> to vector<1000x1xf32>
    %div3A_162 = arith.constant 2.560000e+02 : f32
    %div3A_163 = vector.broadcast %div3A_162 : f32 to vector<1000x1xf32>
    %div3A_164 = arith.divf %broadcast_in_dim3A_161, %div3A_163 : vector<1000x1xf32>
    %add3A_165 = arith.constant 9.99999974E-6 : f32
    %add3A_166 = vector.broadcast %add3A_165 : f32 to vector<1000x1xf32>
    %add3A_167 = arith.addf %div3A_164, %add3A_166 : vector<1000x1xf32>
    %rsqrt3A_168 = math.rsqrt %add3A_167 : vector<1000x1xf32>
    %mul3A_169 = vector.broadcast %rsqrt3A_168 : vector<1000x1xf32> to vector<1000x256xf32>
    %mul3A_170 = arith.mulf %sub3A_157, %mul3A_169 : vector<1000x256xf32>
    %get3A_171 = arith.constant 0 : index
    %get3A_172 = vector.load %arg14[%get3A_171] : memref<256xf32, #tpu.memory_space<vmem>>, vector<256xf32>
    %broadcast_in_dim3A_173 = vector.shape_cast %get3A_172 : vector<256xf32> to vector<1x256xf32>
    %mul3A_174 = vector.broadcast %broadcast_in_dim3A_173 : vector<1x256xf32> to vector<1000x256xf32>
    %mul3A_175 = arith.mulf %mul3A_170, %mul3A_174 : vector<1000x256xf32>
    %get3A_176 = arith.constant 0 : index
    %get3A_177 = vector.load %arg15[%get3A_176] : memref<256xf32, #tpu.memory_space<vmem>>, vector<256xf32>
    %broadcast_in_dim3A_178 = vector.shape_cast %get3A_177 : vector<256xf32> to vector<1x256xf32>
    %add3A_179 = vector.broadcast %broadcast_in_dim3A_178 : vector<1x256xf32> to vector<1000x256xf32>
    %add3A_180 = arith.addf %mul3A_175, %add3A_179 : vector<1000x256xf32>
    %max3A_181 = arith.constant 0.000000e+00 : f32
    %max3A_182 = vector.broadcast %max3A_181 : f32 to vector<1000x256xf32>
    %max3A_183 = arith.maximumf %add3A_180, %max3A_182 : vector<1000x256xf32>
    %swap3A = arith.constant 0 : index
    %swap3A_184 = arith.constant 0 : index
    %swap3A_185 = vector.load %arg17[%swap3A, %swap3A_184] : memref<1000x256xf32, #tpu.memory_space<vmem>>, vector<1000x256xf32>
    tpu.vector_store %arg17[%swap3A, %swap3A_184], %max3A_183 {strides = array<i32>} : memref<1000x256xf32, #tpu.memory_space<vmem>>, vector<1000x256xf32>,
    %get3A_186 = arith.constant 0 : index
    %get3A_187 = arith.constant 0 : index
    %get3A_188 = vector.load %arg16[%get3A_186, %get3A_187] : memref<256x256xf32, #tpu.memory_space<vmem>>, vector<256x256xf32>
    %dot_general3A_189 = arith.constant dense<0.000000e+00> : vector<1000x256xf32>
    %dot_general3A_190 = tpu.matmul %max3A_183, %get3A_188, %dot_general3A_189 {dimension_numbers = #tpu.dot_dimension_numbers<[1], [0], [0], [1], [0, 0, 1, 1], [], []>, transpose_lhs_hint = false} : vector<1000x256xf32>, vector<256x256xf32>, vector<1000x256xf32> -> vector<1000x256xf32>
    %slice3A_191 = vector.extract_strided_slice %dot_general3A_190 {offsets = [0, 0], sizes = [1000, 128], strides = [1, 1]} : vector<1000x256xf32> to vector<1000x128xf32>
    %mul3A_192 = vector.broadcast %rsqrt3A : vector<1000x1xf32> to vector<1000x128xf32>
    %mul3A_193 = arith.mulf %slice3A_191, %mul3A_192 : vector<1000x128xf32>
    %swap3A_194 = arith.constant 0 : index
    %swap3A_195 = arith.constant 0 : index
    %swap3A_196 = arith.constant 0 : index
    %swap3A_197 = vector.load %arg18[%swap3A_194, %swap3A_195, %swap3A_196] : memref<2x1000x128xf32, #tpu.memory_space<vmem>>, vector<1x1000x128xf32>
    %swap3A_198 = vector.shape_cast %swap3A_197 : vector<1x1000x128xf32> to vector<1000x128xf32>
    %swap3A_199 = vector.shape_cast %mul3A_193 : vector<1000x128xf32> to vector<1x1000x128xf32>
    tpu.vector_store %arg18[%swap3A_194, %swap3A_195, %swap3A_196], %swap3A_199 {strides = array<i32>} : memref<2x1000x128xf32, #tpu.memory_space<vmem>>, vector<1x1000x128xf32>,
    %slice3A_200 = vector.extract_strided_slice %dot_general3A_190 {offsets = [0, 128], sizes = [1000, 128], strides = [1, 1]} : vector<1000x256xf32> to vector<1000x128xf32>
    %mul3A_201 = vector.broadcast %rsqrt3A : vector<1000x1xf32> to vector<1000x128xf32>
    %mul3A_202 = arith.mulf %slice3A_200, %mul3A_201 : vector<1000x128xf32>
    %swap3A_203 = arith.constant 1 : index
    %swap3A_204 = arith.constant 0 : index
    %swap3A_205 = arith.constant 0 : index
    %swap3A_206 = vector.load %arg18[%swap3A_203, %swap3A_204, %swap3A_205] : memref<2x1000x128xf32, #tpu.memory_space<vmem>>, vector<1x1000x128xf32>
    %swap3A_207 = vector.shape_cast %swap3A_206 : vector<1x1000x128xf32> to vector<1000x128xf32>
    %swap3A_208 = vector.shape_cast %mul3A_202 : vector<1000x128xf32> to vector<1x1000x128xf32>
    tpu.vector_store %arg18[%swap3A_203, %swap3A_204, %swap3A_205], %swap3A_208 {strides = array<i32>} : memref<2x1000x128xf32, #tpu.memory_space<vmem>>, vector<1x1000x128xf32>,
    return
  }
  func.func @transform_0(%arg0: i32) -> (i32, i32, i32) {
    %c0_i32 = arith.constant 0 : i32
    %c0_i32_0 = arith.constant 0 : i32
    %c0_i32_1 = arith.constant 0 : i32
    return %c0_i32, %arg0, %c0_i32_0 : i32, i32, i32
  }
  func.func @transform_1(%arg0: i32) -> (i32, i32, i32) {
    %c0_i32 = arith.constant 0 : i32
    %c0_i32_0 = arith.constant 0 : i32
    %c0_i32_1 = arith.constant 0 : i32
    return %c0_i32, %arg0, %c0_i32_0 : i32, i32, i32
  }
  func.func @transform_2(%arg0: i32) -> (i32, i32) {
    %c0_i32 = arith.constant 0 : i32
    %c0_i32_0 = arith.constant 0 : i32
    return %arg0, %c0_i32 : i32, i32
  }
  func.func @transform_3(%arg0: i32) -> (i32, i32) {
    %c0_i32 = arith.constant 0 : i32
    %c0_i32_0 = arith.constant 0 : i32
    return %arg0, %c0_i32 : i32, i32
  }
  func.func @transform_4(%arg0: i32) -> (i32, i32, i32) {
    %c0_i32 = arith.constant 0 : i32
    %c0_i32_0 = arith.constant 0 : i32
    %c0_i32_1 = arith.constant 0 : i32
    return %c0_i32, %arg0, %c0_i32_0 : i32, i32, i32
  }
  func.func @transform_5(%arg0: i32) -> i32 {
    %c0_i32 = arith.constant 0 : i32
    %c0_i32_0 = arith.constant 0 : i32
    return %c0_i32 : i32
  }
  func.func @transform_6(%arg0: i32) -> i32 {
    %c0_i32 = arith.constant 0 : i32
    %c0_i32_0 = arith.constant 0 : i32
    return %c0_i32 : i32
  }
  func.func @transform_7(%arg0: i32) -> i32 {
    %c0_i32 = arith.constant 0 : i32
    %c0_i32_0 = arith.constant 0 : i32
    return %c0_i32 : i32
  }
  func.func @transform_8(%arg0: i32) -> (i32, i32) {
    %c0_i32 = arith.constant 0 : i32
    %c0_i32_0 = arith.constant 0 : i32
    %c0_i32_1 = arith.constant 0 : i32
    return %c0_i32, %c0_i32_0 : i32, i32
  }
  func.func @transform_9(%arg0: i32) -> i32 {
    %c0_i32 = arith.constant 0 : i32
    %c0_i32_0 = arith.constant 0 : i32
    return %c0_i32 : i32
  }
  func.func @transform_10(%arg0: i32) -> i32 {
    %c0_i32 = arith.constant 0 : i32
    %c0_i32_0 = arith.constant 0 : i32
    return %c0_i32 : i32
  }
  func.func @transform_11(%arg0: i32) -> i32 {
    %c0_i32 = arith.constant 0 : i32
    %c0_i32_0 = arith.constant 0 : i32
    return %c0_i32 : i32
  }
  func.func @transform_12(%arg0: i32) -> i32 {
    %c0_i32 = arith.constant 0 : i32
    %c0_i32_0 = arith.constant 0 : i32
    return %c0_i32 : i32
  }
  func.func @transform_13(%arg0: i32) -> i32 {
    %c0_i32 = arith.constant 0 : i32
    %c0_i32_0 = arith.constant 0 : i32
    return %c0_i32 : i32
  }
  func.func @transform_14(%arg0: i32) -> i32 {
    %c0_i32 = arith.constant 0 : i32
    %c0_i32_0 = arith.constant 0 : i32
    return %c0_i32 : i32
  }
  func.func @transform_15(%arg0: i32) -> (i32, i32) {
    %c0_i32 = arith.constant 0 : i32
    %c0_i32_0 = arith.constant 0 : i32
    %c0_i32_1 = arith.constant 0 : i32
    return %c0_i32, %c0_i32_0 : i32, i32
  }
  func.func @transform_16(%arg0: i32) -> (i32, i32) {
    %c0_i32 = arith.constant 0 : i32
    %c0_i32_0 = arith.constant 0 : i32
    return %arg0, %c0_i32 : i32, i32
  }
  func.func @transform_17(%arg0: i32) -> (i32, i32, i32) {
    %c0_i32 = arith.constant 0 : i32
    %c0_i32_0 = arith.constant 0 : i32
    %c0_i32_1 = arith.constant 0 : i32
    return %c0_i32, %arg0, %c0_i32_0 : i32, i32, i32
  }
}

module attributes {stable_mosaic.version = 14 : i64} {
  func.func @body(%arg0: i32, %arg1: memref<2x1000x128xf32, #tpu.memory_space<vmem>>, %arg2: memref<2x1000x128xf32, #tpu.memory_space<vmem>>, %arg3: memref<1000x256xf32, #tpu.memory_space<vmem>>, %arg4: memref<1000x256xf32, #tpu.memory_space<vmem>>, %arg5: memref<2x1000x128xf32, #tpu.memory_space<vmem>>, %arg6: memref<256xf32, #tpu.memory_space<vmem>>, %arg7: memref<512xf32, #tpu.memory_space<vmem>>, %arg8: memref<512xf32, #tpu.memory_space<vmem>>, %arg9: memref<512x128xf32, #tpu.memory_space<vmem>>, %arg10: memref<128xf32, #tpu.memory_space<vmem>>, %arg11: memref<128xf32, #tpu.memory_space<vmem>>, %arg12: memref<1xf32, #tpu.memory_space<vmem>>, %arg13: memref<1xf32, #tpu.memory_space<vmem>>, %arg14: memref<256xf32, #tpu.memory_space<vmem>>, %arg15: memref<256xf32, #tpu.memory_space<vmem>>, %arg16: memref<256x64xf32, #tpu.memory_space<vmem>>, %arg17: memref<64xf32, #tpu.memory_space<vmem>>, %arg18: memref<1000x64xf32, #tpu.memory_space<vmem>>) attributes {dimension_semantics = [#tpu.dimension_semantics<arbitrary>], iteration_bounds = array<i64: 10>, scalar_prefetch = 0 : i64, scratch_operands = 0 : i64, tpu.core_type = #tpu.core_type<tc>, window_params = [{transform_indices = @transform_0, window_bounds = array<i64: 2, 1000, 128>}, {transform_indices = @transform_1, window_bounds = array<i64: 2, 1000, 128>}, {transform_indices = @transform_2, window_bounds = array<i64: 1000, 256>}, {transform_indices = @transform_3, window_bounds = array<i64: 1000, 256>}, {transform_indices = @transform_4, window_bounds = array<i64: 2, 1000, 128>}, {pipeline_mode = #tpu.pipeline_mode<synchronous>, transform_indices = @transform_5, window_bounds = array<i64: 256>}, {pipeline_mode = #tpu.pipeline_mode<synchronous>, transform_indices = @transform_6, window_bounds = array<i64: 512>}, {pipeline_mode = #tpu.pipeline_mode<synchronous>, transform_indices = @transform_7, window_bounds = array<i64: 512>}, {pipeline_mode = #tpu.pipeline_mode<synchronous>, transform_indices = @transform_8, window_bounds = array<i64: 512, 128>}, {pipeline_mode = #tpu.pipeline_mode<synchronous>, transform_indices = @transform_9, window_bounds = array<i64: 128>}, {pipeline_mode = #tpu.pipeline_mode<synchronous>, transform_indices = @transform_10, window_bounds = array<i64: 128>}, {pipeline_mode = #tpu.pipeline_mode<synchronous>, transform_indices = @transform_11, window_bounds = array<i64: 1>}, {pipeline_mode = #tpu.pipeline_mode<synchronous>, transform_indices = @transform_12, window_bounds = array<i64: 1>}, {pipeline_mode = #tpu.pipeline_mode<synchronous>, transform_indices = @transform_13, window_bounds = array<i64: 256>}, {pipeline_mode = #tpu.pipeline_mode<synchronous>, transform_indices = @transform_14, window_bounds = array<i64: 256>}, {pipeline_mode = #tpu.pipeline_mode<synchronous>, transform_indices = @transform_15, window_bounds = array<i64: 256, 64>}, {pipeline_mode = #tpu.pipeline_mode<synchronous>, transform_indices = @transform_16, window_bounds = array<i64: 64>}, {transform_indices = @transform_17, window_bounds = array<i64: 1000, 64>}]} {
    %get3A = arith.constant 0 : index
    %get3A_0 = arith.constant 0 : index
    %get3A_1 = arith.constant 0 : index
    %get3A_2 = vector.load %arg5[%get3A, %get3A_0, %get3A_1] : memref<2x1000x128xf32, #tpu.memory_space<vmem>>, vector<1x1000x1xf32>
    %get3A_3 = vector.shape_cast %get3A_2 : vector<1x1000x1xf32> to vector<1000x1xf32>
    %add3A = arith.constant 1.000000e+00 : f32
    %add3A_4 = vector.broadcast %add3A : f32 to vector<1000x1xf32>
    %add3A_5 = arith.addf %add3A_4, %get3A_3 : vector<1000x1xf32>
    %get3A_6 = arith.constant 1 : index
    %get3A_7 = arith.constant 0 : index
    %get3A_8 = arith.constant 0 : index
    %get3A_9 = vector.load %arg5[%get3A_6, %get3A_7, %get3A_8] : memref<2x1000x128xf32, #tpu.memory_space<vmem>>, vector<1x1000x1xf32>
    %get3A_10 = vector.shape_cast %get3A_9 : vector<1x1000x1xf32> to vector<1000x1xf32>
    %add3A_11 = arith.addf %add3A_5, %get3A_10 : vector<1000x1xf32>
    %rsqrt3A = math.rsqrt %add3A_11 : vector<1000x1xf32>
    %get3A_12 = arith.constant 0 : index
    %get3A_13 = arith.constant 0 : index
    %get3A_14 = vector.load %arg3[%get3A_12, %get3A_13] : memref<1000x256xf32, #tpu.memory_space<vmem>>, vector<1000x256xf32>
    %get3A_15 = arith.constant 0 : index
    %get3A_16 = arith.constant 0 : index
    %get3A_17 = vector.load %arg4[%get3A_15, %get3A_16] : memref<1000x256xf32, #tpu.memory_space<vmem>>, vector<1000x256xf32>
    %get3A_18 = arith.constant 0 : index
    %get3A_19 = arith.constant 0 : index
    %get3A_20 = arith.constant 0 : index
    %get3A_21 = vector.load %arg2[%get3A_18, %get3A_19, %get3A_20] : memref<2x1000x128xf32, #tpu.memory_space<vmem>>, vector<1x1000x128xf32>
    %get3A_22 = vector.shape_cast %get3A_21 : vector<1x1000x128xf32> to vector<1000x128xf32>
    %get3A_23 = arith.constant 1 : index
    %get3A_24 = arith.constant 0 : index
    %get3A_25 = arith.constant 0 : index
    %get3A_26 = vector.load %arg2[%get3A_23, %get3A_24, %get3A_25] : memref<2x1000x128xf32, #tpu.memory_space<vmem>>, vector<1x1000x128xf32>
    %get3A_27 = vector.shape_cast %get3A_26 : vector<1x1000x128xf32> to vector<1000x128xf32>
    %concatenate3A = tpu.concatenate %get3A_22, %get3A_27 in 1 : vector<1000x128xf32>, vector<1000x128xf32> -> vector<1000x256xf32>
    %get3A_28 = arith.constant 0 : index
    %get3A_29 = arith.constant 0 : index
    %get3A_30 = arith.constant 0 : index
    %get3A_31 = vector.load %arg1[%get3A_28, %get3A_29, %get3A_30] : memref<2x1000x128xf32, #tpu.memory_space<vmem>>, vector<1x1000x128xf32>
    %get3A_32 = vector.shape_cast %get3A_31 : vector<1x1000x128xf32> to vector<1000x128xf32>
    %get3A_33 = arith.constant 1 : index
    %get3A_34 = arith.constant 0 : index
    %get3A_35 = arith.constant 0 : index
    %get3A_36 = vector.load %arg1[%get3A_33, %get3A_34, %get3A_35] : memref<2x1000x128xf32, #tpu.memory_space<vmem>>, vector<1x1000x128xf32>
    %get3A_37 = vector.shape_cast %get3A_36 : vector<1x1000x128xf32> to vector<1000x128xf32>
    %concatenate3A_38 = tpu.concatenate %get3A_32, %get3A_37 in 1 : vector<1000x128xf32>, vector<1000x128xf32> -> vector<1000x256xf32>
    %add3A_39 = arith.addf %concatenate3A_38, %concatenate3A : vector<1000x256xf32>
    %mul3A = vector.broadcast %rsqrt3A : vector<1000x1xf32> to vector<1000x256xf32>
    %mul3A_40 = arith.mulf %mul3A, %add3A_39 : vector<1000x256xf32>
    %get3A_41 = arith.constant 0 : index
    %get3A_42 = vector.load %arg6[%get3A_41] : memref<256xf32, #tpu.memory_space<vmem>>, vector<256xf32>
    %broadcast_in_dim3A = vector.shape_cast %get3A_42 : vector<256xf32> to vector<1x256xf32>
    %add3A_43 = vector.broadcast %broadcast_in_dim3A : vector<1x256xf32> to vector<1000x256xf32>
    %add3A_44 = arith.addf %mul3A_40, %add3A_43 : vector<1000x256xf32>
    %mul3A_45 = arith.constant 3.000000e-01 : f32
    %mul3A_46 = vector.broadcast %mul3A_45 : f32 to vector<1000x256xf32>
    %mul3A_47 = arith.mulf %mul3A_46, %get3A_17 : vector<1000x256xf32>
    %add3A_48 = arith.addf %add3A_44, %mul3A_47 : vector<1000x256xf32>
    %reduce_sum3A = arith.constant dense<0.000000e+00> : vector<1000xf32>
    %reduce_sum3A_49 = vector.multi_reduction <add>, %add3A_48, %reduce_sum3A [1] : vector<1000x256xf32> to vector<1000xf32>
    %broadcast_in_dim3A_50 = vector.shape_cast %reduce_sum3A_49 : vector<1000xf32> to vector<1000x1xf32>
    %reduce_sum3A_51 = arith.constant dense<0.000000e+00> : vector<1000xf32>
    %reduce_sum3A_52 = vector.multi_reduction <add>, %get3A_14, %reduce_sum3A_51 [1] : vector<1000x256xf32> to vector<1000xf32>
    %broadcast_in_dim3A_53 = vector.shape_cast %reduce_sum3A_52 : vector<1000xf32> to vector<1000x1xf32>
    %add3A_54 = arith.addf %broadcast_in_dim3A_50, %broadcast_in_dim3A_53 : vector<1000x1xf32>
    %div3A = arith.constant 5.120000e+02 : f32
    %div3A_55 = vector.broadcast %div3A : f32 to vector<1000x1xf32>
    %div3A_56 = arith.divf %add3A_54, %div3A_55 : vector<1000x1xf32>
    %sub3A = vector.broadcast %div3A_56 : vector<1000x1xf32> to vector<1000x256xf32>
    %sub3A_57 = arith.subf %add3A_48, %sub3A : vector<1000x256xf32>
    %sub3A_58 = vector.broadcast %div3A_56 : vector<1000x1xf32> to vector<1000x256xf32>
    %sub3A_59 = arith.subf %get3A_14, %sub3A_58 : vector<1000x256xf32>
    %mul3A_60 = arith.mulf %sub3A_57, %sub3A_57 : vector<1000x256xf32>
    %reduce_sum3A_61 = arith.constant dense<0.000000e+00> : vector<1000xf32>
    %reduce_sum3A_62 = vector.multi_reduction <add>, %mul3A_60, %reduce_sum3A_61 [1] : vector<1000x256xf32> to vector<1000xf32>
    %broadcast_in_dim3A_63 = vector.shape_cast %reduce_sum3A_62 : vector<1000xf32> to vector<1000x1xf32>
    %mul3A_64 = arith.mulf %sub3A_59, %sub3A_59 : vector<1000x256xf32>
    %reduce_sum3A_65 = arith.constant dense<0.000000e+00> : vector<1000xf32>
    %reduce_sum3A_66 = vector.multi_reduction <add>, %mul3A_64, %reduce_sum3A_65 [1] : vector<1000x256xf32> to vector<1000xf32>
    %broadcast_in_dim3A_67 = vector.shape_cast %reduce_sum3A_66 : vector<1000xf32> to vector<1000x1xf32>
    %add3A_68 = arith.addf %broadcast_in_dim3A_63, %broadcast_in_dim3A_67 : vector<1000x1xf32>
    %div3A_69 = arith.constant 5.120000e+02 : f32
    %div3A_70 = vector.broadcast %div3A_69 : f32 to vector<1000x1xf32>
    %div3A_71 = arith.divf %add3A_68, %div3A_70 : vector<1000x1xf32>
    %add3A_72 = arith.constant 9.99999974E-6 : f32
    %add3A_73 = vector.broadcast %add3A_72 : f32 to vector<1000x1xf32>
    %add3A_74 = arith.addf %div3A_71, %add3A_73 : vector<1000x1xf32>
    %rsqrt3A_75 = math.rsqrt %add3A_74 : vector<1000x1xf32>
    %get3A_76 = arith.constant 0 : index
    %get3A_77 = vector.load %arg7[%get3A_76] : memref<512xf32, #tpu.memory_space<vmem>>, vector<512xf32>
    %get3A_78 = arith.constant 0 : index
    %get3A_79 = vector.load %arg8[%get3A_78] : memref<512xf32, #tpu.memory_space<vmem>>, vector<512xf32>
    %mul3A_80 = vector.broadcast %rsqrt3A_75 : vector<1000x1xf32> to vector<1000x256xf32>
    %mul3A_81 = arith.mulf %sub3A_57, %mul3A_80 : vector<1000x256xf32>
    %slice3A = vector.extract_strided_slice %get3A_77 {offsets = [0], sizes = [256], strides = [1]} : vector<512xf32> to vector<256xf32>
    %broadcast_in_dim3A_82 = vector.shape_cast %slice3A : vector<256xf32> to vector<1x256xf32>
    %mul3A_83 = vector.broadcast %broadcast_in_dim3A_82 : vector<1x256xf32> to vector<1000x256xf32>
    %mul3A_84 = arith.mulf %mul3A_81, %mul3A_83 : vector<1000x256xf32>
    %slice3A_85 = vector.extract_strided_slice %get3A_79 {offsets = [0], sizes = [256], strides = [1]} : vector<512xf32> to vector<256xf32>
    %broadcast_in_dim3A_86 = vector.shape_cast %slice3A_85 : vector<256xf32> to vector<1x256xf32>
    %add3A_87 = vector.broadcast %broadcast_in_dim3A_86 : vector<1x256xf32> to vector<1000x256xf32>
    %add3A_88 = arith.addf %mul3A_84, %add3A_87 : vector<1000x256xf32>
    %mul3A_89 = vector.broadcast %rsqrt3A_75 : vector<1000x1xf32> to vector<1000x256xf32>
    %mul3A_90 = arith.mulf %sub3A_59, %mul3A_89 : vector<1000x256xf32>
    %slice3A_91 = vector.extract_strided_slice %get3A_77 {offsets = [256], sizes = [256], strides = [1]} : vector<512xf32> to vector<256xf32>
    %broadcast_in_dim3A_92 = vector.shape_cast %slice3A_91 : vector<256xf32> to vector<1x256xf32>
    %mul3A_93 = vector.broadcast %broadcast_in_dim3A_92 : vector<1x256xf32> to vector<1000x256xf32>
    %mul3A_94 = arith.mulf %mul3A_90, %mul3A_93 : vector<1000x256xf32>
    %slice3A_95 = vector.extract_strided_slice %get3A_79 {offsets = [256], sizes = [256], strides = [1]} : vector<512xf32> to vector<256xf32>
    %broadcast_in_dim3A_96 = vector.shape_cast %slice3A_95 : vector<256xf32> to vector<1x256xf32>
    %add3A_97 = vector.broadcast %broadcast_in_dim3A_96 : vector<1x256xf32> to vector<1000x256xf32>
    %add3A_98 = arith.addf %mul3A_94, %add3A_97 : vector<1000x256xf32>
    %get3A_99 = arith.constant 0 : index
    %get3A_100 = arith.constant 0 : index
    %get3A_101 = vector.load %arg9[%get3A_99, %get3A_100] : memref<512x128xf32, #tpu.memory_space<vmem>>, vector<512x128xf32>
    %slice3A_102 = vector.extract_strided_slice %get3A_101 {offsets = [0, 0], sizes = [256, 128], strides = [1, 1]} : vector<512x128xf32> to vector<256x128xf32>
    %dot_general3A = arith.constant dense<0.000000e+00> : vector<1000x128xf32>
    %dot_general3A_103 = tpu.matmul %add3A_88, %slice3A_102, %dot_general3A {dimension_numbers = #tpu.dot_dimension_numbers<[1], [0], [0], [1], [0, 0, 1, 1], [], []>, transpose_lhs_hint = false} : vector<1000x256xf32>, vector<256x128xf32>, vector<1000x128xf32> -> vector<1000x128xf32>
    %slice3A_104 = vector.extract_strided_slice %get3A_101 {offsets = [256, 0], sizes = [256, 128], strides = [1, 1]} : vector<512x128xf32> to vector<256x128xf32>
    %dot_general3A_105 = arith.constant dense<0.000000e+00> : vector<1000x128xf32>
    %dot_general3A_106 = tpu.matmul %add3A_98, %slice3A_104, %dot_general3A_105 {dimension_numbers = #tpu.dot_dimension_numbers<[1], [0], [0], [1], [0, 0, 1, 1], [], []>, transpose_lhs_hint = false} : vector<1000x256xf32>, vector<256x128xf32>, vector<1000x128xf32> -> vector<1000x128xf32>
    %add3A_107 = arith.addf %dot_general3A_103, %dot_general3A_106 : vector<1000x128xf32>
    %get3A_108 = arith.constant 0 : index
    %get3A_109 = vector.load %arg10[%get3A_108] : memref<128xf32, #tpu.memory_space<vmem>>, vector<128xf32>
    %broadcast_in_dim3A_110 = vector.shape_cast %get3A_109 : vector<128xf32> to vector<1x128xf32>
    %add3A_111 = vector.broadcast %broadcast_in_dim3A_110 : vector<1x128xf32> to vector<1000x128xf32>
    %add3A_112 = arith.addf %add3A_107, %add3A_111 : vector<1000x128xf32>
    %max3A = arith.constant 0.000000e+00 : f32
    %max3A_113 = vector.broadcast %max3A : f32 to vector<1000x128xf32>
    %max3A_114 = arith.maximumf %add3A_112, %max3A_113 : vector<1000x128xf32>
    %get3A_115 = arith.constant 0 : index
    %get3A_116 = vector.load %arg11[%get3A_115] : memref<128xf32, #tpu.memory_space<vmem>>, vector<128xf32>
    %broadcast_in_dim3A_117 = vector.shape_cast %get3A_116 : vector<128xf32> to vector<1x128xf32>
    %mul3A_118 = vector.broadcast %broadcast_in_dim3A_117 : vector<1x128xf32> to vector<1000x128xf32>
    %mul3A_119 = arith.mulf %max3A_114, %mul3A_118 : vector<1000x128xf32>
    %reduce_sum3A_120 = arith.constant dense<0.000000e+00> : vector<1000xf32>
    %reduce_sum3A_121 = vector.multi_reduction <add>, %mul3A_119, %reduce_sum3A_120 [1] : vector<1000x128xf32> to vector<1000xf32>
    %broadcast_in_dim3A_122 = vector.shape_cast %reduce_sum3A_121 : vector<1000xf32> to vector<1000x1xf32>
    %get3A_123 = arith.constant 0 : index
    %get3A_124 = vector.load %arg12[%get3A_123] : memref<1xf32, #tpu.memory_space<vmem>>, vector<1xf32>
    %get3A_125 = vector.extract %get3A_124[0] : f32 from vector<1xf32>
    %add3A_126 = vector.broadcast %get3A_125 : f32 to vector<1000x1xf32>
    %add3A_127 = arith.addf %broadcast_in_dim3A_122, %add3A_126 : vector<1000x1xf32>
    %get3A_128 = arith.constant 0 : index
    %get3A_129 = vector.load %arg13[%get3A_128] : memref<1xf32, #tpu.memory_space<vmem>>, vector<1xf32>
    %get3A_130 = vector.extract %get3A_129[0] : f32 from vector<1xf32>
    %div3A_131 = vector.broadcast %get3A_130 : f32 to vector<1000x1xf32>
    %div3A_132 = arith.divf %add3A_127, %div3A_131 : vector<1000x1xf32>
    %logistic3A = arith.negf %div3A_132 : vector<1000x1xf32>
    %logistic3A_133 = math.exp %logistic3A : vector<1000x1xf32>
    %logistic3A_134 = arith.constant 1.000000e+00 : f32
    %logistic3A_135 = vector.broadcast %logistic3A_134 : f32 to vector<1000x1xf32>
    %logistic3A_136 = arith.addf %logistic3A_135, %logistic3A_133 : vector<1000x1xf32>
    %logistic3A_137 = arith.divf %logistic3A_135, %logistic3A_136 : vector<1000x1xf32>
    %mul3A_138 = vector.broadcast %logistic3A_137 : vector<1000x1xf32> to vector<1000x256xf32>
    %mul3A_139 = arith.mulf %mul3A_138, %add3A_48 : vector<1000x256xf32>
    %sub3A_140 = arith.constant 1.000000e+00 : f32
    %sub3A_141 = vector.broadcast %sub3A_140 : f32 to vector<1000x1xf32>
    %sub3A_142 = arith.subf %sub3A_141, %logistic3A_137 : vector<1000x1xf32>
    %mul3A_143 = arith.constant 3.000000e-01 : f32
    %mul3A_144 = vector.broadcast %mul3A_143 : f32 to vector<1000x256xf32>
    %mul3A_145 = arith.mulf %mul3A_144, %get3A_17 : vector<1000x256xf32>
    %add3A_146 = arith.addf %get3A_14, %mul3A_145 : vector<1000x256xf32>
    %mul3A_147 = vector.broadcast %sub3A_142 : vector<1000x1xf32> to vector<1000x256xf32>
    %mul3A_148 = arith.mulf %mul3A_147, %add3A_146 : vector<1000x256xf32>
    %add3A_149 = arith.addf %mul3A_139, %mul3A_148 : vector<1000x256xf32>
    %reduce_sum3A_150 = arith.constant dense<0.000000e+00> : vector<1000xf32>
    %reduce_sum3A_151 = vector.multi_reduction <add>, %add3A_149, %reduce_sum3A_150 [1] : vector<1000x256xf32> to vector<1000xf32>
    %broadcast_in_dim3A_152 = vector.shape_cast %reduce_sum3A_151 : vector<1000xf32> to vector<1000x1xf32>
    %div3A_153 = arith.constant 2.560000e+02 : f32
    %div3A_154 = vector.broadcast %div3A_153 : f32 to vector<1000x1xf32>
    %div3A_155 = arith.divf %broadcast_in_dim3A_152, %div3A_154 : vector<1000x1xf32>
    %sub3A_156 = vector.broadcast %div3A_155 : vector<1000x1xf32> to vector<1000x256xf32>
    %sub3A_157 = arith.subf %add3A_149, %sub3A_156 : vector<1000x256xf32>
    %mul3A_158 = arith.mulf %sub3A_157, %sub3A_157 : vector<1000x256xf32>
    %reduce_sum3A_159 = arith.constant dense<0.000000e+00> : vector<1000xf32>
    %reduce_sum3A_160 = vector.multi_reduction <add>, %mul3A_158, %reduce_sum3A_159 [1] : vector<1000x256xf32> to vector<1000xf32>
    %broadcast_in_dim3A_161 = vector.shape_cast %reduce_sum3A_160 : vector<1000xf32> to vector<1000x1xf32>
    %div3A_162 = arith.constant 2.560000e+02 : f32
    %div3A_163 = vector.broadcast %div3A_162 : f32 to vector<1000x1xf32>
    %div3A_164 = arith.divf %broadcast_in_dim3A_161, %div3A_163 : vector<1000x1xf32>
    %add3A_165 = arith.constant 9.99999974E-6 : f32
    %add3A_166 = vector.broadcast %add3A_165 : f32 to vector<1000x1xf32>
    %add3A_167 = arith.addf %div3A_164, %add3A_166 : vector<1000x1xf32>
    %rsqrt3A_168 = math.rsqrt %add3A_167 : vector<1000x1xf32>
    %mul3A_169 = vector.broadcast %rsqrt3A_168 : vector<1000x1xf32> to vector<1000x256xf32>
    %mul3A_170 = arith.mulf %sub3A_157, %mul3A_169 : vector<1000x256xf32>
    %get3A_171 = arith.constant 0 : index
    %get3A_172 = vector.load %arg14[%get3A_171] : memref<256xf32, #tpu.memory_space<vmem>>, vector<256xf32>
    %broadcast_in_dim3A_173 = vector.shape_cast %get3A_172 : vector<256xf32> to vector<1x256xf32>
    %mul3A_174 = vector.broadcast %broadcast_in_dim3A_173 : vector<1x256xf32> to vector<1000x256xf32>
    %mul3A_175 = arith.mulf %mul3A_170, %mul3A_174 : vector<1000x256xf32>
    %get3A_176 = arith.constant 0 : index
    %get3A_177 = vector.load %arg15[%get3A_176] : memref<256xf32, #tpu.memory_space<vmem>>, vector<256xf32>
    %broadcast_in_dim3A_178 = vector.shape_cast %get3A_177 : vector<256xf32> to vector<1x256xf32>
    %add3A_179 = vector.broadcast %broadcast_in_dim3A_178 : vector<1x256xf32> to vector<1000x256xf32>
    %add3A_180 = arith.addf %mul3A_175, %add3A_179 : vector<1000x256xf32>
    %max3A_181 = arith.constant 0.000000e+00 : f32
    %max3A_182 = vector.broadcast %max3A_181 : f32 to vector<1000x256xf32>
    %max3A_183 = arith.maximumf %add3A_180, %max3A_182 : vector<1000x256xf32>
    %get3A_184 = arith.constant 0 : index
    %get3A_185 = arith.constant 0 : index
    %get3A_186 = vector.load %arg16[%get3A_184, %get3A_185] : memref<256x64xf32, #tpu.memory_space<vmem>>, vector<256x64xf32>
    %dot_general3A_187 = arith.constant dense<0.000000e+00> : vector<1000x64xf32>
    %dot_general3A_188 = tpu.matmul %max3A_183, %get3A_186, %dot_general3A_187 {dimension_numbers = #tpu.dot_dimension_numbers<[1], [0], [0], [1], [0, 0, 1, 1], [], []>, transpose_lhs_hint = false} : vector<1000x256xf32>, vector<256x64xf32>, vector<1000x64xf32> -> vector<1000x64xf32>
    %get3A_189 = arith.constant 0 : index
    %get3A_190 = vector.load %arg17[%get3A_189] : memref<64xf32, #tpu.memory_space<vmem>>, vector<64xf32>
    %broadcast_in_dim3A_191 = vector.shape_cast %get3A_190 : vector<64xf32> to vector<1x64xf32>
    %add3A_192 = vector.broadcast %broadcast_in_dim3A_191 : vector<1x64xf32> to vector<1000x64xf32>
    %add3A_193 = arith.addf %dot_general3A_188, %add3A_192 : vector<1000x64xf32>
    %swap3A = arith.constant 0 : index
    %swap3A_194 = arith.constant 0 : index
    %swap3A_195 = vector.load %arg18[%swap3A, %swap3A_194] : memref<1000x64xf32, #tpu.memory_space<vmem>>, vector<1000x64xf32>
    tpu.vector_store %arg18[%swap3A, %swap3A_194], %add3A_193 {strides = array<i32>} : memref<1000x64xf32, #tpu.memory_space<vmem>>, vector<1000x64xf32>,
    return
  }
  func.func @transform_0(%arg0: i32) -> (i32, i32, i32) {
    %c0_i32 = arith.constant 0 : i32
    %c0_i32_0 = arith.constant 0 : i32
    %c0_i32_1 = arith.constant 0 : i32
    return %c0_i32, %arg0, %c0_i32_0 : i32, i32, i32
  }
  func.func @transform_1(%arg0: i32) -> (i32, i32, i32) {
    %c0_i32 = arith.constant 0 : i32
    %c0_i32_0 = arith.constant 0 : i32
    %c0_i32_1 = arith.constant 0 : i32
    return %c0_i32, %arg0, %c0_i32_0 : i32, i32, i32
  }
  func.func @transform_2(%arg0: i32) -> (i32, i32) {
    %c0_i32 = arith.constant 0 : i32
    %c0_i32_0 = arith.constant 0 : i32
    return %arg0, %c0_i32 : i32, i32
  }
  func.func @transform_3(%arg0: i32) -> (i32, i32) {
    %c0_i32 = arith.constant 0 : i32
    %c0_i32_0 = arith.constant 0 : i32
    return %arg0, %c0_i32 : i32, i32
  }
  func.func @transform_4(%arg0: i32) -> (i32, i32, i32) {
    %c0_i32 = arith.constant 0 : i32
    %c0_i32_0 = arith.constant 0 : i32
    %c0_i32_1 = arith.constant 0 : i32
    return %c0_i32, %arg0, %c0_i32_0 : i32, i32, i32
  }
  func.func @transform_5(%arg0: i32) -> i32 {
    %c0_i32 = arith.constant 0 : i32
    %c0_i32_0 = arith.constant 0 : i32
    return %c0_i32 : i32
  }
  func.func @transform_6(%arg0: i32) -> i32 {
    %c0_i32 = arith.constant 0 : i32
    %c0_i32_0 = arith.constant 0 : i32
    return %c0_i32 : i32
  }
  func.func @transform_7(%arg0: i32) -> i32 {
    %c0_i32 = arith.constant 0 : i32
    %c0_i32_0 = arith.constant 0 : i32
    return %c0_i32 : i32
  }
  func.func @transform_8(%arg0: i32) -> (i32, i32) {
    %c0_i32 = arith.constant 0 : i32
    %c0_i32_0 = arith.constant 0 : i32
    %c0_i32_1 = arith.constant 0 : i32
    return %c0_i32, %c0_i32_0 : i32, i32
  }
  func.func @transform_9(%arg0: i32) -> i32 {
    %c0_i32 = arith.constant 0 : i32
    %c0_i32_0 = arith.constant 0 : i32
    return %c0_i32 : i32
  }
  func.func @transform_10(%arg0: i32) -> i32 {
    %c0_i32 = arith.constant 0 : i32
    %c0_i32_0 = arith.constant 0 : i32
    return %c0_i32 : i32
  }
  func.func @transform_11(%arg0: i32) -> i32 {
    %c0_i32 = arith.constant 0 : i32
    %c0_i32_0 = arith.constant 0 : i32
    return %c0_i32 : i32
  }
  func.func @transform_12(%arg0: i32) -> i32 {
    %c0_i32 = arith.constant 0 : i32
    %c0_i32_0 = arith.constant 0 : i32
    return %c0_i32 : i32
  }
  func.func @transform_13(%arg0: i32) -> i32 {
    %c0_i32 = arith.constant 0 : i32
    %c0_i32_0 = arith.constant 0 : i32
    return %c0_i32 : i32
  }
  func.func @transform_14(%arg0: i32) -> i32 {
    %c0_i32 = arith.constant 0 : i32
    %c0_i32_0 = arith.constant 0 : i32
    return %c0_i32 : i32
  }
  func.func @transform_15(%arg0: i32) -> (i32, i32) {
    %c0_i32 = arith.constant 0 : i32
    %c0_i32_0 = arith.constant 0 : i32
    %c0_i32_1 = arith.constant 0 : i32
    return %c0_i32, %c0_i32_0 : i32, i32
  }
  func.func @transform_16(%arg0: i32) -> i32 {
    %c0_i32 = arith.constant 0 : i32
    %c0_i32_0 = arith.constant 0 : i32
    return %c0_i32 : i32
  }
  func.func @transform_17(%arg0: i32) -> (i32, i32) {
    %c0_i32 = arith.constant 0 : i32
    %c0_i32_0 = arith.constant 0 : i32
    return %arg0, %c0_i32 : i32, i32
  }
}

</mosaic_0001>

<sc_bundles>
// kernel: kernel.13.cloned.1.call-start
scs
__scs_entry_jumppad:
0x0: {  	(pc) =	sbr.rel $0x88, $3  }
0x1: {  	(tag) =	ssettag $0x0;
	lr =	simm.s32 $0x1  }
0x2: {  	[smem:$0x3F90] =	sst lr;
	_ =	strace $0xD0000000  }
0x3: {  	_ = 	snop  }
0x4: {  	_ = 	snop  }
0x5: {  	_ = 	snop  }
0x6: {  	_ = 	snop  }
0x7: {  	_ = 	snop  }
__scs_overlays_trampoline_lowered:
0x8: {  	[smem:$0x3F9F] =	sst s0  }
0x9: {  	[smem:$0x3FA0] =	sst s1  }
0xa: {  	[smem:$0x3FA1] =	sst s2  }
0xb: {  	[smem:$0x3FA2] =	sst s3  }
0xc: {  	[smem:$0x3FA3] =	sst s4  }
0xd: {  	[smem:$0x3FA4] =	sst s5  }
0xe: {  	[smem:$0x3FA5] =	sst s6  }
0xf: {  	[smem:$0x3FA6] =	sst s7  }
0x10: {  	[smem:$0x3FA7] =	sst s8  }
0x11: {  	[smem:$0x3FA8] =	sst s9;
	s0 =	simm.s32 @!p0 $0x0  }
0x12: {  	s1 =	sld [smem:$0x3F8E];
	s0 =	simm.s32 @p0 $0x1  }
0x13: {  	[smem:$0x3FA9] =	sst s0;
	s0 =	simm.s32 @!p1 $0x0  }
0x14: {  	s2 =	sld [smem:$0x3F8D];
	s0 =	simm.s32 @p1 $0x1  }
0x15: {  	[smem:$0x3FAA] =	sst s0;
	s0 =	simm.s32 @!p2 $0x0  }
0x16: {  	s3 =	sld [smem:$0x3FDB];
	s0 =	simm.s32 @p2 $0x1  }
0x17: {  	s4 =	simm.s32 $0x1BF5;
	[smem:$0x3FAC] =	sst s0  }
0x18: {  	s0 =	sld [smem:$0x3F8F];
	_ =	swait.ge [sflag:s4], $0x0  }
0x19: {  	s7 =	sld [smem:$0x3F90]  }
0x1a: {  	s8 =	sadd.s32 $0xFFFFE003, lr  }
0x1b: {  	s9 =	sadd.s32 $0xFFFFFEF7, lr;
	s5 =	simm.s32 $0xFFFFFFFF;
	p2 =	slt.u32 s8, $0xFFFFF086  }
0x1c: {  	p1 =	slt.u32 s9, $0xF7A;
	s5 =	simm.s32 @!p2 $0x0  }
0x1d: {  	s5 =	simm.s32 @p1 $0x1;
	p0 =	seq.s32 s7, s2  }
0x1e: {  	s7 =	smul.u32 @!p0 $0xF7A, s2;
	p2 =	seq.s32 @!p0 s5, $0x0  }
0x1f: {  	s9 =	smul.u32 $0xF7A, s1;
	s8 =	simm.s32 @!p0 $0x1BF5;
	p2 =	por !p2, p0  }
0x20: {  	[sflag:s8] =	ssyncset.s32 @!p0 $0xFFFFF086;
	s6 =	sadd.s32 @!p0 s3, s7;
	s7 =	simm.s32 @!p0 $0x108  }
0x21: {  	s3 =	sadd.s32 s3, s9;
	s6 =	sadd.s32 @!p0 $0x88, s6;
	s7 =	simm.s32 @p2 $0x1082  }
0x22: {  	[simem:s7], [sflag:s8] =	dma.local @!p0 [hbm:s6], $0xF7A  }
0x23: {  	s9 =	sor.u32 $0xD0000000, s2;
	s6 =	simm.s32 $0x108;
	_ =	swait.ge @!p0 [sflag:s8], $0x0  }
0x24: {  	s3 =	sadd.s32 $0x88, s3;
	s6 =	simm.s32 @!p1 $0x1082;
	[sflag:s4] =	ssyncset.s32 $0xFFFFF086  }
0x25: {  	[simem:s6], [sflag:s4] =	dma.local [hbm:s3], $0xF7A  }
0x26: {  	[smem:$0x3F90] =	sst s1;
	(tag) =	ssettag s2;
	_ =	strace s9  }
0x27: {  	s1 =	sld [smem:$0x3FA0]  }
0x28: {  	s2 =	sld [smem:$0x3FA1]  }
0x29: {  	s4 =	sld [smem:$0x3FA3]  }
0x2a: {  	p0 =	seq.s32 s5, $0x0;
	s5 =	sld [smem:$0x3FA4]  }
0x2b: {  	s6 =	sld [smem:$0x3FA5]  }
0x2c: {  	s7 =	sld [smem:$0x3FA6]  }
0x2d: {  	s3 =	simm.s32 $0x108;
	s8 =	sld [smem:$0x3FA7]  }
0x2e: {  	s3 =	simm.s32 @!p0 $0x1082;
	s9 =	sld [smem:$0x3FA8]  }
0x2f: {  	lr =	sadd.s32 s0, s3;
	s0 =	sld [smem:$0x3F9F]  }
0x30: {  	s3 =	sld [smem:$0x3FA2]  }
0x31: {  	[smem:$0x3FAB] =	sst s10  }
0x32: {  	s10 =	sld [smem:$0x3FA9];
	_ =	sdelay $0x3  }
0x33: {  	p0 =	seq.s32 s10, $0x1;
	s10 =	sld [smem:$0x3FAB];
	_ =	sdelay $0x3  }
0x34: {  	[smem:$0x3FAB] =	sst s10  }
0x35: {  	s10 =	sld [smem:$0x3FAA];
	_ =	sdelay $0x3  }
0x36: {  	p1 =	seq.s32 s10, $0x1;
	s10 =	sld [smem:$0x3FAB];
	_ =	sdelay $0x3  }
0x37: {  	[smem:$0x3FAB] =	sst s10  }
0x38: {  	s10 =	sld [smem:$0x3FAC]  }
0x39: {  	_ = 	snop;
	(pc) =	sbr.ind lr, $3  }
0x3a: {  	_ = 	snop  }
0x3b: {  	_ = 	snop  }
0x3c: {  	p2 =	seq.s32 s10, $0x1;
	s10 =	sld [smem:$0x3FAB]  }
0x3d: {  	_ =	shalt  }
0x3e: {  	_ =	shalt  }
0x3f: {  	_ =	shalt  }
0x40: {  	_ =	shalt  }
0x41: {  	_ =	shalt  }
0x42: {  	_ =	shalt  }
0x43: {  	_ =	shalt  }
0x44: {  	_ =	shalt  }
0x45: {  	_ =	shalt  }
0x46: {  	_ =	shalt  }
0x47: {  	_ =	shalt  }
0x48: {  	_ =	shalt  }
0x49: {  	_ =	shalt  }
0x4a: {  	_ =	shalt  }
0x4b: {  	_ =	shalt  }
0x4c: {  	_ =	shalt  }
0x4d: {  	_ =	shalt  }
0x4e: {  	_ =	shalt  }
0x4f: {  	_ =	shalt  }
0x50: {  	_ =	shalt  }
0x51: {  	_ =	shalt  }
0x52: {  	_ =	shalt  }
0x53: {  	_ =	shalt  }
0x54: {  	_ =	shalt  }
0x55: {  	_ =	shalt  }
0x56: {  	_ =	shalt  }
0x57: {  	_ =	shalt  }
0x58: {  	_ =	shalt  }
0x59: {  	_ =	shalt  }
0x5a: {  	_ =	shalt  }
0x5b: {  	_ =	shalt  }
0x5c: {  	_ =	shalt  }
0x5d: {  	_ =	shalt  }
0x5e: {  	_ =	shalt  }
0x5f: {  	_ =	shalt  }
0x60: {  	_ =	shalt  }
0x61: {  	_ =	shalt  }
0x62: {  	_ =	shalt  }
0x63: {  	_ =	shalt  }
0x64: {  	_ =	shalt  }
0x65: {  	_ =	shalt  }
0x66: {  	_ =	shalt  }
0x67: {  	_ =	shalt  }
0x68: {  	_ =	shalt  }
0x69: {  	_ =	shalt  }
0x6a: {  	_ =	shalt  }
0x6b: {  	_ =	shalt  }
0x6c: {  	_ =	shalt  }
0x6d: {  	_ =	shalt  }
0x6e: {  	_ =	shalt  }
0x6f: {  	_ =	shalt  }
0x70: {  	_ =	shalt  }
0x71: {  	_ =	shalt  }
0x72: {  	_ =	shalt  }
0x73: {  	_ =	shalt  }
0x74: {  	_ =	shalt  }
0x75: {  	_ =	shalt  }
0x76: {  	_ =	shalt  }
0x77: {  	_ =	shalt  }
0x78: {  	_ =	shalt  }
0x79: {  	_ =	shalt  }
0x7a: {  	_ =	shalt  }
0x7b: {  	_ =	shalt  }
0x7c: {  	_ =	shalt  }
0x7d: {  	_ =	shalt  }
0x7e: {  	_ =	shalt  }
0x7f: {  	_ =	shalt  }
0x80: {  	_ =	shalt  }
0x81: {  	_ =	shalt  }
0x82: {  	_ =	shalt  }
0x83: {  	_ =	shalt  }
0x84: {  	_ =	shalt  }
0x85: {  	_ =	shalt  }
0x86: {  	_ =	shalt  }
0x87: {  	_ =	shalt  }
.Lfunc_end0:
.L_simem_size_0:
called_computation_lowered:
.L_overlay_start_0:
0x88: {  	s2 =	sld [smem:$0x3FD9]  }
0x89: {  	s3 =	sld [smem:$0x3FFE];
	_ =	sdelay $0x1  }
0x8a: {  	s1 =	srdreg.scid  }
0x8b: {  	s0 =	sand.u32 $0x1, s1  }
0x8c: {  	s16 =	sshll.u32 s0, $0xA;
	s2 =	sadd.s32 s3, s2  }
0x8d: {  	s2 =	sadd.s32 s2, s16  }
0x8e: {  	[smem:$0x3FB7] =	sst s2  }
0x8f: {  	_ = 	snop  }
0x90: {  	(tm) =	ssettm $0x1  }
0x91: {  	s17 =	sld [smem:$0x3FFB];
	_ =	sdelay $0x3  }
0x92: {  	_ =	strace s17  }
0x93: {  	s2 =	sld [smem:$0x3FFC];
	_ =	sdelay $0x3  }
0x94: {  	_ =	strace s2  }
0x95: {  	s2 =	sld [smem:$0x3FFD];
	_ =	sdelay $0x3  }
0x96: {  	_ =	strace s2  }
0x97: {  	_ =	strace $0x8FFFFFFF  }
0x98: {  	s18 =	sld [smem:$0x3FDB];
	_ =	sdelay $0x1  }
0x99: {  	s19 =	simm.s32 $_scs_section_size  }
0x9a: {  	s4 =	simm.s32 $_size__tile_overlayer_lowered;
	s5 =	simm.s32 $_tile_overlayer_lowered  }
0x9b: {  	s22 =	simm.s32 $0x1BFF;
	s21 =	sshll.u32 s5, $0x1;
	s2 =	sadd.s32 s19, s18  }
0x9c: {  	s6 =	simm.s32 $0x0;
	s20 =	sshll.u32 s4, $0x1;
	s4 =	sadd.s32 s21, s2  }
0x9d: {  	[timem:s6], [sflag:s22] =	dma.local [hbm:s4], s20  }
0x9e: {  	_ =	swait.ge [sflag:s22], s20  }
0x9f: {  	s3 =	ssub.s32 $0x0, s20;
	[sflag:s22] =	ssyncset.done $0x0  }
0xa0: {  	[sflag:s22] =	ssyncadd.s32 s3;
	_ =	sdelay $0x1  }
0xa1: {  	s23 =	simm.s32 $0x1B8B  }
0xa2: {  	_ =	swait.ge [sflag:s23], $0x1  }
0xa3: {  	[sflag:s23] =	ssyncset.done $0x0  }
0xa4: {  	s25 =	simm.s32 $0x1B8E;
	s24 =	sld [smem:$0x3FFE];
	[sflag:s23] =	ssyncadd.s32 $0xFFFFFFFF  }
0xa5: {  	s26 =	simm.s32 $execute0_lowered;
	[smem:$0x3FD2] =	sst s25  }
0xa6: {  	s4 =	sshll.u32 s26, $0x1;
	_ =	strace $0x80000046;
	[dreg:$0x1] =	wrdreg $0xFFFFFFFF  }
0xa7: {  	s28 =	simm.s32 $_size_execute0_lowered;
	s2 =	sadd.s32 s2, s4;
	[dreg:$0x0] =	wrdreg $0x0  }
0xa8: {  	s4 =	sshll.u32 s28, $0x1;
	[dreg:$0x2] =	wrdreg s2  }
0xa9: {  	[dreg:$0x3] =	wrdreg s4  }
0xaa: {  	[dreg:$0x4] =	wrdreg $0xC0  }
0xab: {  	_ =	task [dreg:s6], $0x5FFFF  }
0xac: {  	[dreg:$0x1] =	wrdreg $0xFFFFFFFF  }
0xad: {  	[dreg:$0x0] =	wrdreg $0x60  }
0xae: {  	[dreg:$0x2] =	wrdreg s24  }
0xaf: {  	[dreg:$0x3] =	wrdreg $0x80800  }
0xb0: {  	[dreg:$0x4] =	wrdreg $0x9  }
0xb1: {  	_ =	task.clear_ibuf [dreg:s6], $0x5FFFF;
	_ =	strace $0x90000046  }
0xb2: {  	s29 =	simm.s32 $0x9;
	_ =	strace $0x80000048  }
0xb3: {  	_ =	swait.ge [sflag:s29], $0x1  }
0xb4: {  	[sflag:s29] =	ssyncadd.s32 $0xFFFFFFFF  }
0xb5: {  	_ =	strace $0x90000048  }
0xb6: {  	_ =	sfence  }
0xb7: {  	s30 =	sld [smem:$0x0];
	_ =	sdelay $0x2  }
0xb8: {  	s31 =	sshll.u32 s1, $0xD;
	s1 =	sshrl.u32 s1, $0x2  }
0xb9: {  	s3 =	sand.u32 $0x4000, s31;
	s1 =	sadd.s32 s1, s30  }
0xba: {  	s0 =	sor.u32 s3, s0;
	s1 =	sshll.u32 s1, $0x11  }
0xbb: {  	s0 =	sor.u32 s1, s0  }
0xbc: {  	s0 =	sadd.s32 $0x8F2B, s0  }
0xbd: {  	[sflag:s0] =	ssyncadd.remote.s32 $0x1  }
0xbe: {  	_ =	sfence.sel $0xFFFF  }
0xbf: {  	[dreg:$0x0] =	wrdreg $0xFFFFFFFF;
	(pc) =	sbr.abs _section_cstart, $3  }
0xc0: {  	[dreg:$0x1] =	wrdreg $0xFFFFFFFF  }
0xc1: {  	_ =	task.clear_ibuf [dreg:s6], $0x2FFFF;
	_ =	strace $0x9FFFFFFF  }
0xc2: {  	(tm) =	ssettm $0x7FFFFFFF  }
0xc3: {  	_ =	shalt  }
tec
execute0_lowered:
.L_overlay_start_1:
0x0: {  	(tag) =	ssettag $0x1  }
0x1: {  	s4 =	rddreg [dreg:$0x0];
	s0 =	srdreg.scid  }
0x2: {  	s2 =	rddreg [dreg:$0x1];
	s1 =	stileid.u32  }
0x3: {  	s3 =	simm.s32 $0x0;
	s21 =	simm.s32 $0x1;
	s6 =	smul.u32 $0x280, s1  }
0x4: {  	s8 =	sand.u32 $0x1, s0;
	[smem:$0x7FF] =	sst s3;
	s29 =	smul.u32 $0x50000, s1  }
0x5: {  	s14 =	sadd.s32 $0xE800, s4;
	s22 =	sadd.s32 $0x12C000, s2;
	s23 =	sadd.s32 $0x130000, s2  }
0x6: {  	s24 =	sadd.s32 $0x134000, s2;
	s20 =	sshll.u32 s1, $0x4;
	s5 =	smul.u32 $0x4E20, s8  }
0x7: {  	s25 =	sadd.s32 $0x138000, s2;
	p0 =	seq.s32 s1, $0xF;
	s7 =	smul.u32 $0x2710, s8  }
0x8: {  	_ =	strace $0x80000047;
	s30 =	ssub.s32 $0x2, s8;
	s13 =	smul.u32 $0x138800, s8  }
0x9: {  	s22 =	sshrl.u32 @p0 s22, $0x3;
	s23 =	sshrl.u32 @p0 s23, $0x3;
	s24 =	sshrl.u32 @p0 s24, $0x3  }
0xa: {  	s25 =	sshrl.u32 @p0 s25, $0x3;
	s31 =	sshrl.u32 s30, $0x1;
	s18 =	sadd.s32 s5, s4  }
0xb: {  	s6 =	sadd.s32 s6, s7;
	s5 =	sshrl.u32 s29, $0x2;
	s19 =	ssub.s32 s30, s31  }
0xc: {  	s15 =	sshrl.u32 s13, $0x3;
	s6 =	sshll.u32 s6, $0x4;
	s4 =	sadd.s32 s5, s2  }
0xd: {  	s17 =	sadd.s32 s14, s15;
	s20 =	sadd.s32 s20, s18;
	s18 =	smax.u32 s19, $0x1  }
0xe: {  	s5 =	sadd.s32 s14, s6;
	s6 =	sadd.s32 $0x4000, s4;
	s8 =	sadd.s32 $0x8000, s4  }
0xf: {  	s10 =	sadd.s32 $0xC000, s4;
	s12 =	sadd.s32 $0x10000, s4;
	s14 =	sadd.s32 $0x25800, s17  }
0x10: {  	s15 =	sadd.s32 $0x26000, s17;
	s16 =	sadd.s32 $0x26800, s17;
	s17 =	sadd.s32 $0x27000, s17  }
0x11: {  	s19 =	sadd.s32 $0x4A00, s20;
	s20 =	simm.s32 $0x4080;
	s7 =	sadd.s32 $0x800, s5  }
0x12: {  	v0 =	vimm.f32 $1.000000000e+00;
	v1 =	vimm.f32 $0.0e+00;
	s9 =	sadd.s32 $0x1000, s5;
	s11 =	sadd.s32 $0x1800, s5;
	s13 =	sadd.s32 $0x2000, s5  }
.LBB2_1:
0x13: {  	s26 =	simm.s32 $0x0;
	s28 =	simm.s32 $0x200  }
.LBB2_2:
0x14: {  	p1 =	sne.s32 s28, $0xFE00;
	[tilespmem:s26+$0xF0] =	vst v0  }
0x15: {  	[tilespmem:s26+$0x80] =	vst v0  }
0x16: {  	[tilespmem:s26+$0x90] =	vst v0  }
.Ltmp0:
0x17: {  	[tilespmem:s26+$0xA0] =	vst v0;
	(pc) =	sbr.rel @p1 .LBB2_2-.Ltmp0, $4  }
0x18: {  	[tilespmem:s26+$0xB0] =	vst v0  }
0x19: {  	[tilespmem:s26+$0xC0] =	vst v0  }
0x1a: {  	[tilespmem:s26+$0xD0] =	vst v0  }
0x1b: {  	[tilespmem:s26+$0xE0] =	vst v0;
	s26 =	sshra.s32 s28, $0x2;
	s28 =	sadd.s32 $0x200, s28  }
0x1c: {  	[tilespmem:s26+$0xF0] =	vst v0  }
0x1d: {  	[tilespmem:s26+$0x80] =	vst v0  }
0x1e: {  	[tilespmem:s26+$0x90] =	vst v0  }
0x1f: {  	[tilespmem:s26+$0xA0] =	vst v0  }
0x20: {  	[tilespmem:s26+$0xB0] =	vst v0  }
0x21: {  	[tilespmem:s26+$0xC0] =	vst v0  }
0x22: {  	[tilespmem:s26+$0xD0] =	vst v0  }
0x23: {  	[tilespmem:s26+$0xE0] =	vst v0;
	s26 =	simm.s32 $0x0;
	s28 =	simm.s32 $0x200  }
.LBB2_4:
0x24: {  	p1 =	sne.s32 s28, $0xFE00;
	[tilespmem:s26+$0x40F0] =	vst v1  }
0x25: {  	[tilespmem:s26+$0x4080] =	vst v1  }
0x26: {  	[tilespmem:s26+$0x4090] =	vst v1  }
.Ltmp1:
0x27: {  	[tilespmem:s26+$0x40A0] =	vst v1;
	(pc) =	sbr.rel @p1 .LBB2_4-.Ltmp1, $4  }
0x28: {  	[tilespmem:s26+$0x40B0] =	vst v1  }
0x29: {  	[tilespmem:s26+$0x40C0] =	vst v1  }
0x2a: {  	[tilespmem:s26+$0x40D0] =	vst v1  }
0x2b: {  	[tilespmem:s26+$0x40E0] =	vst v1;
	s26 =	sshra.s32 s28, $0x2;
	s28 =	sadd.s32 $0x200, s28  }
0x2c: {  	[tilespmem:s26+$0x40F0] =	vst v1  }
0x2d: {  	[tilespmem:s26+$0x4080] =	vst v1  }
0x2e: {  	[tilespmem:s26+$0x4090] =	vst v1  }
0x2f: {  	[tilespmem:s26+$0x40A0] =	vst v1  }
0x30: {  	[tilespmem:s26+$0x40B0] =	vst v1  }
0x31: {  	[tilespmem:s26+$0x40C0] =	vst v1  }
0x32: {  	[tilespmem:s26+$0x40D0] =	vst v1  }
0x33: {  	[tilespmem:s26+$0x40E0] =	vst v1  }
0x34: {  	[spmem:s4] =	stream.linear.scatter [tilespmem:s20], [sflag:$0x1], $0x4000, $0x38;
	[tilespmem:$0x1C080] =	vst v63  }
0x35: {  	_ =	swait.ge [sflag:s21], $0x4000  }
0x36: {  	[sflag:s21] =	ssyncset.done $0x0  }
0x37: {  	[sflag:s21] =	ssyncadd.s32 $0xFFFFC000  }
0x38: {  	[spmem:s6] =	stream.linear.scatter [tilespmem:s20], [sflag:$0x1], $0x4000, $0x38;
	[tilespmem:$0x1C080] =	vst v63  }
0x39: {  	_ =	swait.ge [sflag:s21], $0x4000  }
0x3a: {  	[sflag:s21] =	ssyncset.done $0x0  }
0x3b: {  	[sflag:s21] =	ssyncadd.s32 $0xFFFFC000  }
0x3c: {  	[spmem:s8] =	stream.linear.scatter [tilespmem:s20], [sflag:$0x1], $0x4000, $0x38;
	[tilespmem:$0x1C080] =	vst v63  }
0x3d: {  	_ =	swait.ge [sflag:s21], $0x4000  }
0x3e: {  	[sflag:s21] =	ssyncset.done $0x0  }
0x3f: {  	[sflag:s21] =	ssyncadd.s32 $0xFFFFC000  }
0x40: {  	[spmem:s10] =	stream.linear.scatter [tilespmem:s20], [sflag:$0x1], $0x4000, $0x38;
	[tilespmem:$0x1C080] =	vst v63  }
0x41: {  	_ =	swait.ge [sflag:s21], $0x4000  }
0x42: {  	[sflag:s21] =	ssyncset.done $0x0  }
0x43: {  	[sflag:s21] =	ssyncadd.s32 $0xFFFFC000  }
0x44: {  	[spmem:s12] =	stream.linear.scatter [tilespmem:s20], [sflag:$0x1], $0x4000, $0x38;
	[tilespmem:$0x1C080] =	vst v63  }
0x45: {  	_ =	swait.ge [sflag:s21], $0x4000  }
0x46: {  	s31 =	sadd.s32 $0x0, s1;
	[sflag:s21] =	ssyncset.done $0x0  }
0x47: {  	p1 =	sgt.u32 s31, $0x4E1;
	[sflag:s21] =	ssyncadd.s32 $0xFFFFC000  }
0x48: {  	s28 =	simm.s32 @!p1 $0x0;
	s29 =	simm.s32 @!p1 $0x2;
	[bflag:$0x0] =	sbarrier.arrive $0xFFFF  }
0x49: {  	[tilespmem:s28], [sflag:$0x2] =	stream.linear.gather @!p1 [hbm4b:s19+s28], $0x80, $0x38;
	[tilespmem:$0x1C080] =	vst v63  }
0x4a: {  	_ =	swait.ge @!p1 [sflag:s29], $0x80  }
0x4b: {  	s26 =	simm.s32 $0x20;
	[sflag:s29] =	ssyncset.done @!p1 $0x0  }
0x4c: {  	s30 =	simm.s32 @!p1 $0x80;
	[sflag:s29] =	ssyncadd.s32 @!p1 $0xFFFFFF80;
	s29 =	simm.s32 @!p1 $0x1  }
0x4d: {  	[spmem:s2] =	stream.indirect.scatter.add.f32 @!p1 [tilespmem:s30], [sflag:$0x1], $0x80, s28, s30, $0xb8;
	[tilespmem:$0x1C080] =	vst v63  }
0x4e: {  	p2 =	por p1, p1;
	s28 =	sadd.s32 $0x10, s1;
	_ =	swait.ge @!p1 [sflag:s29], $0x4000  }
0x4f: {  	p1 =	sgt.u32 s28, $0x4E1;
	s28 =	sadd.s32 $0x100, s19;
	[sflag:s29] =	ssyncset.done @!p2 $0x0  }
.LBB2_6:
0x50: {  	s30 =	simm.s32 @!p1 $0x0;
	s31 =	simm.s32 @!p1 $0x2  }
0x51: {  	[sflag:s29] =	ssyncadd.s32 @!p2 $0xFFFFC000;
	s0 =	smov.u32 s26;
	s26 =	sadd.s32 $0x10, s26  }
0x52: {  	[tilespmem:s30], [sflag:$0x2] =	stream.linear.gather @!p1 [hbm4b:s28+s30], $0x80, $0x38;
	[tilespmem:$0x1C080] =	vst v63  }
0x53: {  	p3 =	sne.s32 s26, $0x4F0;
	_ =	swait.ge @!p1 [sflag:s31], $0x80  }
.Ltmp2:
0x54: {  	[sflag:s31] =	ssyncset.done @!p1 $0x0;
	(pc) =	sbr.rel @p3 .LBB2_6-.Ltmp2, $4  }
0x55: {  	s29 =	simm.s32 @!p1 $0x1;
	[sflag:s31] =	ssyncadd.s32 @!p1 $0xFFFFFF80;
	s31 =	simm.s32 @!p1 $0x80  }
0x56: {  	[spmem:s2] =	stream.indirect.scatter.add.f32 @!p1 [tilespmem:s31], [sflag:$0x1], $0x80, s30, s31, $0xb8;
	[tilespmem:$0x1C080] =	vst v63  }
0x57: {  	p2 =	por p1, p1;
	s0 =	sadd.s32 s0, s1;
	_ =	swait.ge @!p1 [sflag:s29], $0x4000  }
0x58: {  	s28 =	sadd.s32 $0x100, s28;
	p1 =	sgt.u32 s0, $0x4E1;
	[sflag:s29] =	ssyncset.done @!p2 $0x0  }
0x59: {  	s0 =	simm.s32 @!p1 $0x0;
	s26 =	simm.s32 @!p1 $0x2;
	[sflag:s29] =	ssyncadd.s32 @!p2 $0xFFFFC000  }
0x5a: {  	[tilespmem:s0], [sflag:$0x2] =	stream.linear.gather @!p1 [hbm4b:s28+s0], $0x80, $0x38;
	[tilespmem:$0x1C080] =	vst v63  }
0x5b: {  	_ =	swait.ge @!p1 [sflag:s26], $0x80  }
0x5c: {  	[sflag:s26] =	ssyncset.done @!p1 $0x0  }
0x5d: {  	s28 =	simm.s32 @!p1 $0x1;
	[sflag:s26] =	ssyncadd.s32 @!p1 $0xFFFFFF80;
	s26 =	simm.s32 @!p1 $0x80  }
0x5e: {  	[spmem:s2] =	stream.indirect.scatter.add.f32 @!p1 [tilespmem:s26], [sflag:$0x1], $0x80, s0, s26, $0xb8;
	[tilespmem:$0x1C080] =	vst v63  }
0x5f: {  	_ =	swait.ge @!p1 [sflag:s28], $0x4000;
	p1 =	por p1, p1  }
0x60: {  	[sflag:s28] =	ssyncset.done @!p1 $0x0  }
0x61: {  	[sflag:s28] =	ssyncadd.s32 @!p1 $0xFFFFC000  }
0x62: {  	s0 =	simm.s32 @p0 $0x1FC1;
	s26 =	simm.s32 @p0 $0x1;
	[bflag:$0x0] =	sbarrier.arrive $0xFFFF  }
0x63: {  	[hbm:s14], [sflag:s0] =	dma.local @p0 [spmem:s22], $0x800  }
0x64: {  	_ =	swait.ge @p0 [sflag:s26], $0x800  }
0x65: {  	[sflag:s26] =	ssyncset.done @p0 $0x0  }
0x66: {  	[sflag:s26] =	ssyncadd.s32 @p0 $0xFFFFF800  }
0x67: {  	[hbm:s15], [sflag:s0] =	dma.local @p0 [spmem:s23], $0x800  }
0x68: {  	_ =	swait.ge @p0 [sflag:s26], $0x800  }
0x69: {  	[sflag:s26] =	ssyncset.done @p0 $0x0  }
0x6a: {  	[sflag:s26] =	ssyncadd.s32 @p0 $0xFFFFF800  }
0x6b: {  	[hbm:s16], [sflag:s0] =	dma.local @p0 [spmem:s24], $0x800  }
0x6c: {  	_ =	swait.ge @p0 [sflag:s26], $0x800  }
0x6d: {  	[sflag:s26] =	ssyncset.done @p0 $0x0  }
0x6e: {  	[sflag:s26] =	ssyncadd.s32 @p0 $0xFFFFF800  }
0x6f: {  	[hbm:s17], [sflag:s0] =	dma.local @p0 [spmem:s25], $0x100  }
0x70: {  	_ =	swait.ge @p0 [sflag:s26], $0x100  }
0x71: {  	s0 =	sshll.u32 @!p0 s1, $0x6;
	[sflag:s26] =	ssyncset.done @p0 $0x0  }
0x72: {  	s0 =	sor.u32 @!p0 $0x1C01, s0;
	[sflag:s26] =	ssyncadd.s32 @p0 $0xFFFFFF00;
	s26 =	sshrl.u32 @!p0 s4, $0x3  }
0x73: {  	[hbm:s5], [sflag:s0] =	dma.local @!p0 [spmem:s26], $0x800  }
0x74: {  	s26 =	simm.s32 @!p0 $0x1  }
0x75: {  	_ =	swait.ge @!p0 [sflag:s26], $0x800  }
0x76: {  	[sflag:s26] =	ssyncset.done @!p0 $0x0  }
0x77: {  	s28 =	sshrl.u32 @!p0 s6, $0x3;
	[sflag:s26] =	ssyncadd.s32 @!p0 $0xFFFFF800  }
0x78: {  	[hbm:s7], [sflag:s0] =	dma.local @!p0 [spmem:s28], $0x800  }
0x79: {  	_ =	swait.ge @!p0 [sflag:s26], $0x800  }
0x7a: {  	[sflag:s26] =	ssyncset.done @!p0 $0x0  }
0x7b: {  	s28 =	sshrl.u32 @!p0 s8, $0x3;
	[sflag:s26] =	ssyncadd.s32 @!p0 $0xFFFFF800  }
0x7c: {  	[hbm:s9], [sflag:s0] =	dma.local @!p0 [spmem:s28], $0x800  }
0x7d: {  	_ =	swait.ge @!p0 [sflag:s26], $0x800  }
0x7e: {  	[sflag:s26] =	ssyncset.done @!p0 $0x0  }
0x7f: {  	s28 =	sshrl.u32 @!p0 s10, $0x3;
	[sflag:s26] =	ssyncadd.s32 @!p0 $0xFFFFF800  }
0x80: {  	[hbm:s11], [sflag:s0] =	dma.local @!p0 [spmem:s28], $0x800  }
0x81: {  	s3 =	sadd.s32 $0x1, s3;
	_ =	swait.ge @!p0 [sflag:s26], $0x800  }
0x82: {  	p1 =	sne.s32 s3, s18;
	[sflag:s26] =	ssyncset.done @!p0 $0x0  }
.Ltmp3:
0x83: {  	s28 =	sshrl.u32 @!p0 s12, $0x3;
	[sflag:s26] =	ssyncadd.s32 @!p0 $0xFFFFF800;
	(pc) =	sbr.rel @p1 .LBB2_1-.Ltmp3, $4  }
0x84: {  	[hbm:s13], [sflag:s0] =	dma.local @!p0 [spmem:s28], $0x800  }
0x85: {  	_ =	swait.ge @!p0 [sflag:s26], $0x800  }
0x86: {  	[sflag:s26] =	ssyncset.done @!p0 $0x0  }
0x87: {  	[sflag:s26] =	ssyncadd.s32 @!p0 $0xFFFFF800  }
0x88: {  	_ =	sfence.sel $0x180000  }
0x89: {  	[bflag:$0x0] =	sbarrier.arrive $0xFFFF  }
0x8a: {  	_ =	strace $0x90000047  }
0x8b: {  	[bflag:$0x2] =	sbarrier.arrive $0xFFFF  }
0x8c: {  	p0 =	sne.s32 s1, $0x0;
	s0 =	rddreg [dreg:$0x2]  }
0x8d: {  	s0 =	sadd.s32 @!p0 $0x100000, s0  }
0x8e: {  	[sflag:s0] =	ssyncadd.tile.s32 @!p0 $0x1;
	_ =	shalt  }
.Lfunc_end2:
_tile_overlayer_lowered:
.L_overlay_start_2:
0x8f: {  	(tag) =	ssettag $0x2  }
0x90: {  	s0 =	rddreg [dreg:$0x0];
	s2 =	stileid.u32  }
0x91: {  	s1 =	rddreg [dreg:$0x1];
	p0 =	sne.s32 s2, $0x0  }
0x92: {  	s3 =	rddreg [dreg:$0x2];
	[bflag:$0x3] =	sbarrier.arrive $0xFFFF;
	s2 =	simm.s32 @!p0 $0x1C01  }
0x93: {  	[timem:s3], [sflag:s2] =	dma.local @!p0 [hbm:s0], s1  }
0x94: {  	s0 =	simm.s32 @!p0 $0x1  }
0x95: {  	_ =	swait.ge @!p0 [sflag:s0], s1  }
0x96: {  	s1 =	ssub.s32 @!p0 $0x0, s1;
	[sflag:s0] =	ssyncset.done @!p0 $0x0  }
0x97: {  	[sflag:s0] =	ssyncadd.s32 @!p0 s1  }
0x98: {  	[bflag:$0x3] =	sbarrier.arrive $0xFFFF  }
0x99: {  	_ =	shalt  }

// kernel: kernel.16.cloned.1.call-start
scs
__scs_entry_jumppad:
0x0: {  	(pc) =	sbr.rel $0x88, $3  }
0x1: {  	(tag) =	ssettag $0x0;
	lr =	simm.s32 $0x1  }
0x2: {  	[smem:$0x3F90] =	sst lr;
	_ =	strace $0xD0000000  }
0x3: {  	_ = 	snop  }
0x4: {  	_ = 	snop  }
0x5: {  	_ = 	snop  }
0x6: {  	_ = 	snop  }
0x7: {  	_ = 	snop  }
__scs_overlays_trampoline_lowered:
0x8: {  	[smem:$0x3F9F] =	sst s0  }
0x9: {  	[smem:$0x3FA0] =	sst s1  }
0xa: {  	[smem:$0x3FA1] =	sst s2  }
0xb: {  	[smem:$0x3FA2] =	sst s3  }
0xc: {  	[smem:$0x3FA3] =	sst s4  }
0xd: {  	[smem:$0x3FA4] =	sst s5  }
0xe: {  	[smem:$0x3FA5] =	sst s6  }
0xf: {  	[smem:$0x3FA6] =	sst s7  }
0x10: {  	[smem:$0x3FA7] =	sst s8  }
0x11: {  	[smem:$0x3FA8] =	sst s9;
	s0 =	simm.s32 @!p0 $0x0  }
0x12: {  	s1 =	sld [smem:$0x3F8E];
	s0 =	simm.s32 @p0 $0x1  }
0x13: {  	[smem:$0x3FA9] =	sst s0;
	s0 =	simm.s32 @!p1 $0x0  }
0x14: {  	s2 =	sld [smem:$0x3F8D];
	s0 =	simm.s32 @p1 $0x1  }
0x15: {  	[smem:$0x3FAA] =	sst s0;
	s0 =	simm.s32 @!p2 $0x0  }
0x16: {  	s3 =	sld [smem:$0x3FDB];
	s0 =	simm.s32 @p2 $0x1  }
0x17: {  	s4 =	simm.s32 $0x1BF5;
	[smem:$0x3FAC] =	sst s0  }
0x18: {  	s0 =	sld [smem:$0x3F8F];
	_ =	swait.ge [sflag:s4], $0x0  }
0x19: {  	s7 =	sld [smem:$0x3F90]  }
0x1a: {  	s8 =	sadd.s32 $0xFFFFE003, lr  }
0x1b: {  	s9 =	sadd.s32 $0xFFFFFEF7, lr;
	s5 =	simm.s32 $0xFFFFFFFF;
	p2 =	slt.u32 s8, $0xFFFFF086  }
0x1c: {  	p1 =	slt.u32 s9, $0xF7A;
	s5 =	simm.s32 @!p2 $0x0  }
0x1d: {  	s5 =	simm.s32 @p1 $0x1;
	p0 =	seq.s32 s7, s2  }
0x1e: {  	s7 =	smul.u32 @!p0 $0xF7A, s2;
	p2 =	seq.s32 @!p0 s5, $0x0  }
0x1f: {  	s9 =	smul.u32 $0xF7A, s1;
	s8 =	simm.s32 @!p0 $0x1BF5;
	p2 =	por !p2, p0  }
0x20: {  	[sflag:s8] =	ssyncset.s32 @!p0 $0xFFFFF086;
	s6 =	sadd.s32 @!p0 s3, s7;
	s7 =	simm.s32 @!p0 $0x108  }
0x21: {  	s3 =	sadd.s32 s3, s9;
	s6 =	sadd.s32 @!p0 $0x88, s6;
	s7 =	simm.s32 @p2 $0x1082  }
0x22: {  	[simem:s7], [sflag:s8] =	dma.local @!p0 [hbm:s6], $0xF7A  }
0x23: {  	s9 =	sor.u32 $0xD0000000, s2;
	s6 =	simm.s32 $0x108;
	_ =	swait.ge @!p0 [sflag:s8], $0x0  }
0x24: {  	s3 =	sadd.s32 $0x88, s3;
	s6 =	simm.s32 @!p1 $0x1082;
	[sflag:s4] =	ssyncset.s32 $0xFFFFF086  }
0x25: {  	[simem:s6], [sflag:s4] =	dma.local [hbm:s3], $0xF7A  }
0x26: {  	[smem:$0x3F90] =	sst s1;
	(tag) =	ssettag s2;
	_ =	strace s9  }
0x27: {  	s1 =	sld [smem:$0x3FA0]  }
0x28: {  	s2 =	sld [smem:$0x3FA1]  }
0x29: {  	s4 =	sld [smem:$0x3FA3]  }
0x2a: {  	p0 =	seq.s32 s5, $0x0;
	s5 =	sld [smem:$0x3FA4]  }
0x2b: {  	s6 =	sld [smem:$0x3FA5]  }
0x2c: {  	s7 =	sld [smem:$0x3FA6]  }
0x2d: {  	s3 =	simm.s32 $0x108;
	s8 =	sld [smem:$0x3FA7]  }
0x2e: {  	s3 =	simm.s32 @!p0 $0x1082;
	s9 =	sld [smem:$0x3FA8]  }
0x2f: {  	lr =	sadd.s32 s0, s3;
	s0 =	sld [smem:$0x3F9F]  }
0x30: {  	s3 =	sld [smem:$0x3FA2]  }
0x31: {  	[smem:$0x3FAB] =	sst s10  }
0x32: {  	s10 =	sld [smem:$0x3FA9];
	_ =	sdelay $0x3  }
0x33: {  	p0 =	seq.s32 s10, $0x1;
	s10 =	sld [smem:$0x3FAB];
	_ =	sdelay $0x3  }
0x34: {  	[smem:$0x3FAB] =	sst s10  }
0x35: {  	s10 =	sld [smem:$0x3FAA];
	_ =	sdelay $0x3  }
0x36: {  	p1 =	seq.s32 s10, $0x1;
	s10 =	sld [smem:$0x3FAB];
	_ =	sdelay $0x3  }
0x37: {  	[smem:$0x3FAB] =	sst s10  }
0x38: {  	s10 =	sld [smem:$0x3FAC]  }
0x39: {  	_ = 	snop;
	(pc) =	sbr.ind lr, $3  }
0x3a: {  	_ = 	snop  }
0x3b: {  	_ = 	snop  }
0x3c: {  	p2 =	seq.s32 s10, $0x1;
	s10 =	sld [smem:$0x3FAB]  }
0x3d: {  	_ =	shalt  }
0x3e: {  	_ =	shalt  }
0x3f: {  	_ =	shalt  }
0x40: {  	_ =	shalt  }
0x41: {  	_ =	shalt  }
0x42: {  	_ =	shalt  }
0x43: {  	_ =	shalt  }
0x44: {  	_ =	shalt  }
0x45: {  	_ =	shalt  }
0x46: {  	_ =	shalt  }
0x47: {  	_ =	shalt  }
0x48: {  	_ =	shalt  }
0x49: {  	_ =	shalt  }
0x4a: {  	_ =	shalt  }
0x4b: {  	_ =	shalt  }
0x4c: {  	_ =	shalt  }
0x4d: {  	_ =	shalt  }
0x4e: {  	_ =	shalt  }
0x4f: {  	_ =	shalt  }
0x50: {  	_ =	shalt  }
0x51: {  	_ =	shalt  }
0x52: {  	_ =	shalt  }
0x53: {  	_ =	shalt  }
0x54: {  	_ =	shalt  }
0x55: {  	_ =	shalt  }
0x56: {  	_ =	shalt  }
0x57: {  	_ =	shalt  }
0x58: {  	_ =	shalt  }
0x59: {  	_ =	shalt  }
0x5a: {  	_ =	shalt  }
0x5b: {  	_ =	shalt  }
0x5c: {  	_ =	shalt  }
0x5d: {  	_ =	shalt  }
0x5e: {  	_ =	shalt  }
0x5f: {  	_ =	shalt  }
0x60: {  	_ =	shalt  }
0x61: {  	_ =	shalt  }
0x62: {  	_ =	shalt  }
0x63: {  	_ =	shalt  }
0x64: {  	_ =	shalt  }
0x65: {  	_ =	shalt  }
0x66: {  	_ =	shalt  }
0x67: {  	_ =	shalt  }
0x68: {  	_ =	shalt  }
0x69: {  	_ =	shalt  }
0x6a: {  	_ =	shalt  }
0x6b: {  	_ =	shalt  }
0x6c: {  	_ =	shalt  }
0x6d: {  	_ =	shalt  }
0x6e: {  	_ =	shalt  }
0x6f: {  	_ =	shalt  }
0x70: {  	_ =	shalt  }
0x71: {  	_ =	shalt  }
0x72: {  	_ =	shalt  }
0x73: {  	_ =	shalt  }
0x74: {  	_ =	shalt  }
0x75: {  	_ =	shalt  }
0x76: {  	_ =	shalt  }
0x77: {  	_ =	shalt  }
0x78: {  	_ =	shalt  }
0x79: {  	_ =	shalt  }
0x7a: {  	_ =	shalt  }
0x7b: {  	_ =	shalt  }
0x7c: {  	_ =	shalt  }
0x7d: {  	_ =	shalt  }
0x7e: {  	_ =	shalt  }
0x7f: {  	_ =	shalt  }
0x80: {  	_ =	shalt  }
0x81: {  	_ =	shalt  }
0x82: {  	_ =	shalt  }
0x83: {  	_ =	shalt  }
0x84: {  	_ =	shalt  }
0x85: {  	_ =	shalt  }
0x86: {  	_ =	shalt  }
0x87: {  	_ =	shalt  }
.Lfunc_end0:
.L_simem_size_0:
called_computation.1_lowered:
.L_overlay_start_0:
0x88: {  	s2 =	sld [smem:$0x3FD9]  }
0x89: {  	s3 =	sld [smem:$0x3FFE];
	_ =	sdelay $0x1  }
0x8a: {  	s1 =	srdreg.scid  }
0x8b: {  	s0 =	sand.u32 $0x1, s1  }
0x8c: {  	s17 =	sshll.u32 s0, $0xA;
	s2 =	sadd.s32 s3, s2  }
0x8d: {  	s2 =	sadd.s32 s2, s17  }
0x8e: {  	[smem:$0x3FB7] =	sst s2  }
0x8f: {  	_ = 	snop  }
0x90: {  	s2 =	sld [smem:$0x3FD0];
	(tm) =	ssettm $0x1  }
0x91: {  	s18 =	sld [smem:$0x3FFB];
	_ =	sdelay $0x3  }
0x92: {  	_ =	strace s18  }
0x93: {  	s3 =	sld [smem:$0x3FFC];
	_ =	sdelay $0x3  }
0x94: {  	_ =	strace s3  }
0x95: {  	s3 =	sld [smem:$0x3FFD];
	_ =	sdelay $0x3  }
0x96: {  	_ =	strace s3  }
0x97: {  	_ =	strace $0x8FFFFFFF  }
0x98: {  	s19 =	sld [smem:$0x3FDB];
	_ =	sdelay $0x1  }
0x99: {  	s4 =	simm.s32 $_scs_section_size  }
0x9a: {  	s5 =	simm.s32 $_size__tile_overlayer_lowered;
	s6 =	simm.s32 $_tile_overlayer_lowered  }
0x9b: {  	s22 =	simm.s32 $0x1BFF;
	s21 =	sshll.u32 s6, $0x1;
	s3 =	sadd.s32 s4, s19  }
0x9c: {  	s7 =	simm.s32 $0x0;
	s20 =	sshll.u32 s5, $0x1;
	s5 =	sadd.s32 s21, s3  }
0x9d: {  	[timem:s7], [sflag:s22] =	dma.local [hbm:s5], s20  }
0x9e: {  	_ =	swait.ge [sflag:s22], s20  }
0x9f: {  	s4 =	ssub.s32 $0x0, s20;
	[sflag:s22] =	ssyncset.done $0x0  }
0xa0: {  	[sflag:s22] =	ssyncadd.s32 s4;
	_ =	sdelay $0x1  }
0xa1: {  	s23 =	simm.s32 $0x1B8B  }
0xa2: {  	_ =	swait.ge [sflag:s23], $0x1  }
0xa3: {  	[sflag:s23] =	ssyncset.done $0x0  }
0xa4: {  	s25 =	simm.s32 $0x1B8E;
	s24 =	sld [smem:$0x3FFE];
	[sflag:s23] =	ssyncadd.s32 $0xFFFFFFFF  }
0xa5: {  	s26 =	simm.s32 $execute0_lowered;
	[smem:$0x3FD2] =	sst s25  }
0xa6: {  	s5 =	sshll.u32 s26, $0x1;
	_ =	strace $0x80000049;
	[dreg:$0x1] =	wrdreg $0xFFFFFFFF  }
0xa7: {  	s28 =	simm.s32 $_size_execute0_lowered;
	s3 =	sadd.s32 s3, s5;
	[dreg:$0x0] =	wrdreg $0x0  }
0xa8: {  	s5 =	sshll.u32 s28, $0x1;
	[dreg:$0x2] =	wrdreg s3  }
0xa9: {  	[dreg:$0x3] =	wrdreg s5  }
0xaa: {  	[dreg:$0x4] =	wrdreg $0xC0  }
0xab: {  	_ =	task [dreg:s7], $0x5FFFF  }
0xac: {  	[dreg:$0x1] =	wrdreg $0xFFFFFFFF  }
0xad: {  	[dreg:$0x0] =	wrdreg $0x60  }
0xae: {  	[dreg:$0x2] =	wrdreg s24  }
0xaf: {  	[dreg:$0x3] =	wrdreg s2  }
0xb0: {  	[dreg:$0x4] =	wrdreg $0x81000  }
0xb1: {  	[dreg:$0x5] =	wrdreg $0x9  }
0xb2: {  	_ =	task.clear_ibuf [dreg:s7], $0x6FFFF;
	_ =	strace $0x90000049  }
0xb3: {  	s29 =	simm.s32 $0x9;
	_ =	strace $0x8000004B  }
0xb4: {  	_ =	swait.ge [sflag:s29], $0x1  }
0xb5: {  	[sflag:s29] =	ssyncadd.s32 $0xFFFFFFFF  }
0xb6: {  	_ =	strace $0x9000004B  }
0xb7: {  	_ =	sfence  }
0xb8: {  	s30 =	sld [smem:$0x0];
	_ =	sdelay $0x2  }
0xb9: {  	s31 =	sshll.u32 s1, $0xD;
	s1 =	sshrl.u32 s1, $0x2  }
0xba: {  	s3 =	sand.u32 $0x4000, s31;
	s1 =	sadd.s32 s1, s30  }
0xbb: {  	s0 =	sor.u32 s3, s0;
	s1 =	sshll.u32 s1, $0x11  }
0xbc: {  	s0 =	sor.u32 s1, s0  }
0xbd: {  	s0 =	sadd.s32 $0x8F2B, s0  }
0xbe: {  	[sflag:s0] =	ssyncadd.remote.s32 $0x1  }
0xbf: {  	_ =	sfence.sel $0xFFFF  }
0xc0: {  	[dreg:$0x0] =	wrdreg $0xFFFFFFFF;
	(pc) =	sbr.abs _section_cstart, $3  }
0xc1: {  	[dreg:$0x1] =	wrdreg $0xFFFFFFFF  }
0xc2: {  	_ =	task.clear_ibuf [dreg:s7], $0x2FFFF;
	_ =	strace $0x9FFFFFFF  }
0xc3: {  	(tm) =	ssettm $0x7FFFFFFF  }
tec
execute0_lowered:
.L_overlay_start_1:
0x0: {  	(tag) =	ssettag $0x1  }
0x1: {  	s0 =	rddreg [dreg:$0x0]  }
0x2: {  	s1 =	rddreg [dreg:$0x1]  }
0x3: {  	s2 =	rddreg [dreg:$0x2];
	s3 =	simm.s32 $0x0;
	s10 =	stileid.u32  }
0x4: {  	s4 =	srdreg.scid;
	s26 =	simm.s32 $0x4100;
	s28 =	simm.s32 $0x1  }
0x5: {  	[smem:$0x7FF] =	sst s3;
	s8 =	sand.u32 $0x1, s4;
	s5 =	smul.u32 $0x50000, s10  }
0x6: {  	s4 =	sadd.s32 $0xAAC00, s0;
	s17 =	sshll.u32 s10, $0x4;
	s6 =	smul.u32 $0x280, s10  }
0x7: {  	s23 =	sadd.s32 $0x130000, s2;
	s24 =	sadd.s32 $0x134000, s2;
	p0 =	seq.s32 s10, $0xF  }
0x8: {  	_ =	strace $0x8000004A;
	s25 =	smul.u32 $0x2710, s8;
	s21 =	sadd.s32 s17, s0  }
0x9: {  	s0 =	sadd.s32 $0xF8E00, s0;
	s7 =	ssub.s32 $0x2, s8;
	s8 =	smul.u32 $0x138800, s8  }
0xa: {  	s17 =	sadd.s32 s17, s1;
	s23 =	sshrl.u32 @p0 s23, $0x3;
	s24 =	sshrl.u32 @p0 s24, $0x3  }
0xb: {  	s9 =	sshrl.u32 s7, $0x1;
	s5 =	sshrl.u32 s5, $0x2;
	s21 =	sadd.s32 $0x4A00, s21  }
0xc: {  	s6 =	sadd.s32 s6, s25;
	s20 =	ssub.s32 s7, s9;
	s5 =	sadd.s32 s5, s2  }
0xd: {  	s8 =	sshrl.u32 s8, $0x3;
	s6 =	sshll.u32 s6, $0x4;
	s7 =	sadd.s32 $0x4000, s5  }
0xe: {  	s9 =	sadd.s32 $0x8000, s5;
	s13 =	sadd.s32 $0x10000, s5;
	s20 =	smax.u32 s20, $0x1  }
0xf: {  	s6 =	sadd.s32 s0, s6;
	s0 =	sadd.s32 s0, s8;
	s8 =	sadd.s32 $0x12C000, s2  }
0x10: {  	s31 =	sadd.s32 $0x800, s6;
	s11 =	sadd.s32 $0x1000, s6;
	s12 =	sadd.s32 $0x1800, s6  }
0x11: {  	s14 =	sadd.s32 $0x2000, s6;
	s15 =	sadd.s32 $0x25800, s0;
	s16 =	sadd.s32 $0x26000, s0  }
0x12: {  	s18 =	sadd.s32 $0x26800, s0;
	s19 =	sadd.s32 $0x27000, s0;
	[dreg:$0x4] =	wrdreg s31  }
0x13: {  	s22 =	sshrl.u32 @p0 s8, $0x3;
	s0 =	sadd.s32 $0x138000, s2;
	[dreg:$0x5] =	wrdreg s11  }
0x14: {  	v1 =	vimm.f32 $0.0e+00;
	v0 =	vmov s25;
	s11 =	sadd.s32 $0xC000, s5;
	[dreg:$0x6] =	wrdreg s12;
	s25 =	sshrl.u32 @p0 s0, $0x3  }
.LBB2_1:
0x15: {  	s0 =	simm.s32 $0x0;
	s1 =	simm.s32 $0x200  }
.LBB2_2:
0x16: {  	p1 =	sne.s32 s1, $0xFE00;
	[tilespmem:s0+$0x4170] =	vst v1  }
0x17: {  	[tilespmem:s0+$0x4100] =	vst v1  }
0x18: {  	[tilespmem:s0+$0x4110] =	vst v1  }
.Ltmp0:
0x19: {  	[tilespmem:s0+$0x4120] =	vst v1;
	(pc) =	sbr.rel @p1 .LBB2_2-.Ltmp0, $4  }
0x1a: {  	[tilespmem:s0+$0x4130] =	vst v1  }
0x1b: {  	[tilespmem:s0+$0x4140] =	vst v1  }
0x1c: {  	[tilespmem:s0+$0x4150] =	vst v1  }
0x1d: {  	[tilespmem:s0+$0x4160] =	vst v1;
	s0 =	sshra.s32 s1, $0x2;
	s1 =	sadd.s32 $0x200, s1  }
0x1e: {  	[tilespmem:s0+$0x4170] =	vst v1  }
0x1f: {  	[tilespmem:s0+$0x4100] =	vst v1  }
0x20: {  	[tilespmem:s0+$0x4110] =	vst v1  }
0x21: {  	[tilespmem:s0+$0x4120] =	vst v1  }
0x22: {  	[tilespmem:s0+$0x4130] =	vst v1  }
0x23: {  	[tilespmem:s0+$0x4140] =	vst v1  }
0x24: {  	[tilespmem:s0+$0x4150] =	vst v1  }
0x25: {  	[tilespmem:s0+$0x4160] =	vst v1  }
0x26: {  	[spmem:s5] =	stream.linear.scatter [tilespmem:s26], [sflag:$0x1], $0x4000, $0x38;
	[tilespmem:$0x1C100] =	vst v63  }
0x27: {  	_ =	swait.ge [sflag:s28], $0x4000  }
0x28: {  	[sflag:s28] =	ssyncset.done $0x0  }
0x29: {  	[sflag:s28] =	ssyncadd.s32 $0xFFFFC000  }
0x2a: {  	[spmem:s7] =	stream.linear.scatter [tilespmem:s26], [sflag:$0x1], $0x4000, $0x38;
	[tilespmem:$0x1C100] =	vst v63  }
0x2b: {  	_ =	swait.ge [sflag:s28], $0x4000  }
0x2c: {  	[sflag:s28] =	ssyncset.done $0x0  }
0x2d: {  	[sflag:s28] =	ssyncadd.s32 $0xFFFFC000  }
0x2e: {  	[spmem:s9] =	stream.linear.scatter [tilespmem:s26], [sflag:$0x1], $0x4000, $0x38;
	[tilespmem:$0x1C100] =	vst v63  }
0x2f: {  	_ =	swait.ge [sflag:s28], $0x4000  }
0x30: {  	[sflag:s28] =	ssyncset.done $0x0  }
0x31: {  	[sflag:s28] =	ssyncadd.s32 $0xFFFFC000  }
0x32: {  	[spmem:s11] =	stream.linear.scatter [tilespmem:s26], [sflag:$0x1], $0x4000, $0x38;
	[tilespmem:$0x1C100] =	vst v63  }
0x33: {  	_ =	swait.ge [sflag:s28], $0x4000  }
0x34: {  	[sflag:s28] =	ssyncset.done $0x0  }
0x35: {  	[sflag:s28] =	ssyncadd.s32 $0xFFFFC000  }
0x36: {  	[spmem:s13] =	stream.linear.scatter [tilespmem:s26], [sflag:$0x1], $0x4000, $0x38;
	[tilespmem:$0x1C100] =	vst v63  }
0x37: {  	_ =	swait.ge [sflag:s28], $0x4000  }
0x38: {  	p2 =	sgt.u32 s10, $0x9C3;
	[sflag:s28] =	ssyncset.done $0x0  }
0x39: {  	s0 =	sadd.s32 @!p2 $0x0, s17;
	[sflag:s28] =	ssyncadd.s32 $0xFFFFC000  }
0x3a: {  	s30 =	simm.s32 @!p2 $0x0;
	s29 =	simm.s32 @!p2 $0x2;
	[bflag:$0x0] =	sbarrier.arrive $0xFFFF  }
0x3b: {  	[tilespmem:s30], [sflag:$0x2] =	stream.linear.gather @!p2 [hbm4b:s0+s30], $0x80, $0x38;
	[tilespmem:$0x1C100] =	vst v63  }
0x3c: {  	p1 =	por p2, p2;
	_ =	swait.ge @!p2 [sflag:s29], $0x80  }
0x3d: {  	[sflag:s29] =	ssyncset.done @!p1 $0x0  }
0x3e: {  	s31 =	simm.s32 @!p1 $0x80;
	s0 =	sadd.s32 @!p1 $0x0, s21;
	[sflag:s29] =	ssyncadd.s32 @!p1 $0xFFFFFF80  }
0x3f: {  	[tilespmem:s31], [sflag:$0x2] =	stream.linear.gather @!p1 [hbm4b:s0+s30], $0x80, $0x38;
	[tilespmem:$0x1C100] =	vst v63  }
0x40: {  	_ =	swait.ge @!p1 [sflag:s29], $0x80  }
0x41: {  	[sflag:s29] =	ssyncset.done @!p1 $0x0  }
0x42: {  	[sflag:s29] =	ssyncadd.s32 @!p1 $0xFFFFFF80  }
0x43: {  	v2 =	vld @!p1 [tilespmem:$0x30]  }
0x44: {  	v3 =	vld @!p1 [tilespmem:$0x50]  }
0x45: {  	v4 =	vld @!p1 [tilespmem:$0x60]  }
0x46: {  	v5 =	vld @!p1 [tilespmem:$0x20]  }
0x47: {  	v6 =	vld @!p1 [tilespmem:$0x10]  }
0x48: {  	v8 =	vld @!p1 [tilespmem:$0x0];
	v2 =	vadd.s32 @!p1 v0, v2  }
0x49: {  	v7 =	vld @!p1 [tilespmem:$0x40];
	[tilespmem:$0x30] =	vst @!p1 v2;
	v2 =	vadd.s32 @!p1 v0, v3  }
0x4a: {  	v3 =	vld @!p1 [tilespmem:$0x70];
	[tilespmem:$0x50] =	vst @!p1 v2;
	v2 =	vadd.s32 @!p1 v0, v4  }
0x4b: {  	v4 =	vadd.s32 @!p1 v0, v5;
	[tilespmem:$0x60] =	vst @!p1 v2  }
0x4c: {  	v2 =	vadd.s32 @!p1 v0, v6;
	[tilespmem:$0x20] =	vst @!p1 v4  }
0x4d: {  	v4 =	vadd.s32 @!p1 v0, v8;
	[tilespmem:$0x10] =	vst @!p1 v2  }
0x4e: {  	v2 =	vadd.s32 @!p1 v0, v7;
	[tilespmem:$0x0] =	vst @!p1 v4  }
0x4f: {  	s8 =	stileid.u32;
	s1 =	simm.s32 @!p2 $0x100;
	s0 =	simm.s32 $0x100;
	[tilespmem:$0x40] =	vst @!p1 v2;
	v2 =	vadd.s32 @!p1 v0, v3  }
.LBB2_4:
0x50: {  	[tilespmem:$0x70] =	vst @!p1 v2;
	s8 =	sadd.s32 $0x10, s8;
	s10 =	smov.u32 s0;
	s0 =	sadd.s32 $0x100, s0  }
0x51: {  	[tilespmem:s1], [sflag:$0x2] =	stream.indirect.gather @!p1 [hbm4b:s4+s31], $0x80, s30, s31, $0xb8;
	[tilespmem:$0x1C100] =	vst v63  }
0x52: {  	p2 =	sne.s32 s0, $0x9D00;
	_ =	swait.ge @!p1 [sflag:s29], $0x4000  }
0x53: {  	[sflag:s29] =	ssyncset.done @!p1 $0x0  }
0x54: {  	s12 =	simm.s32 @!p1 $0x1;
	[sflag:s29] =	ssyncadd.s32 @!p1 $0xFFFFC000  }
0x55: {  	[spmem:s2] =	stream.indirect.scatter.add.f32 @!p1 [tilespmem:s1], [sflag:$0x1], $0x80, s31, s31, $0xb8;
	[tilespmem:$0x1C100] =	vst v63  }
0x56: {  	p3 =	sgt.u32 s8, $0x9C3;
	_ =	swait.ge @!p1 [sflag:s12], $0x4000  }
0x57: {  	s30 =	simm.s32 @!p3 $0x0;
	s31 =	sadd.s32 @!p3 s10, s17;
	[sflag:s12] =	ssyncset.done @!p1 $0x0  }
0x58: {  	s29 =	simm.s32 @!p3 $0x2;
	s1 =	simm.s32 @!p3 $0x100;
	[sflag:s12] =	ssyncadd.s32 @!p1 $0xFFFFC000  }
0x59: {  	[tilespmem:s30], [sflag:$0x2] =	stream.linear.gather @!p3 [hbm4b:s31+s30], $0x80, $0x38;
	[tilespmem:$0x1C100] =	vst v63  }
0x5a: {  	p1 =	por p3, p3;
	_ =	swait.ge @!p3 [sflag:s29], $0x80  }
0x5b: {  	s10 =	sadd.s32 @!p1 s10, s21;
	s31 =	simm.s32 @!p1 $0x80;
	[sflag:s29] =	ssyncset.done @!p1 $0x0  }
0x5c: {  	[sflag:s29] =	ssyncadd.s32 @!p1 $0xFFFFFF80  }
0x5d: {  	[tilespmem:s31], [sflag:$0x2] =	stream.linear.gather @!p1 [hbm4b:s10+s30], $0x80, $0x38;
	[tilespmem:$0x1C100] =	vst v63  }
0x5e: {  	_ =	swait.ge @!p1 [sflag:s29], $0x80  }
0x5f: {  	[sflag:s29] =	ssyncset.done @!p1 $0x0  }
0x60: {  	[sflag:s29] =	ssyncadd.s32 @!p1 $0xFFFFFF80  }
0x61: {  	v2 =	vld @!p1 [tilespmem:$0x30]  }
0x62: {  	v3 =	vld @!p1 [tilespmem:$0x50]  }
0x63: {  	v4 =	vld @!p1 [tilespmem:$0x60]  }
0x64: {  	v5 =	vld @!p1 [tilespmem:$0x20]  }
0x65: {  	v6 =	vld @!p1 [tilespmem:$0x10]  }
0x66: {  	v2 =	vadd.s32 @!p1 v0, v2;
	v7 =	vld @!p1 [tilespmem:$0x40]  }
0x67: {  	v8 =	vld @!p1 [tilespmem:$0x0];
	[tilespmem:$0x30] =	vst @!p1 v2;
	v2 =	vadd.s32 @!p1 v0, v3  }
0x68: {  	[tilespmem:$0x50] =	vst @!p1 v2;
	v2 =	vadd.s32 @!p1 v0, v4;
	v3 =	vld @!p1 [tilespmem:$0x70]  }
.Ltmp1:
0x69: {  	v4 =	vadd.s32 @!p1 v0, v5;
	[tilespmem:$0x60] =	vst @!p1 v2;
	(pc) =	sbr.rel @p2 .LBB2_4-.Ltmp1, $4  }
0x6a: {  	v2 =	vadd.s32 @!p1 v0, v6;
	[tilespmem:$0x20] =	vst @!p1 v4  }
0x6b: {  	[tilespmem:$0x10] =	vst @!p1 v2;
	v2 =	vadd.s32 @!p1 v0, v7  }
0x6c: {  	v4 =	vadd.s32 @!p1 v0, v8;
	[tilespmem:$0x40] =	vst @!p1 v2  }
0x6d: {  	[tilespmem:$0x0] =	vst @!p1 v4;
	v2 =	vadd.s32 @!p1 v0, v3  }
0x6e: {  	[tilespmem:$0x70] =	vst @!p1 v2  }
0x6f: {  	[tilespmem:s1], [sflag:$0x2] =	stream.indirect.gather @!p1 [hbm4b:s4+s31], $0x80, s30, s31, $0xb8;
	[tilespmem:$0x1C100] =	vst v63  }
0x70: {  	_ =	swait.ge @!p1 [sflag:s29], $0x4000  }
0x71: {  	[sflag:s29] =	ssyncset.done @!p1 $0x0  }
0x72: {  	s0 =	simm.s32 @!p1 $0x1;
	[sflag:s29] =	ssyncadd.s32 @!p1 $0xFFFFC000  }
0x73: {  	[spmem:s2] =	stream.indirect.scatter.add.f32 @!p1 [tilespmem:s1], [sflag:$0x1], $0x80, s31, s31, $0xb8;
	[tilespmem:$0x1C100] =	vst v63  }
0x74: {  	_ =	swait.ge @!p1 [sflag:s0], $0x4000  }
0x75: {  	[sflag:s0] =	ssyncset.done @!p1 $0x0  }
0x76: {  	[sflag:s0] =	ssyncadd.s32 @!p1 $0xFFFFC000  }
0x77: {  	s1 =	simm.s32 @p0 $0x1;
	s0 =	simm.s32 @p0 $0x1FC1;
	[bflag:$0x0] =	sbarrier.arrive $0xFFFF  }
0x78: {  	[hbm:s15], [sflag:s0] =	dma.local @p0 [spmem:s22], $0x800  }
0x79: {  	_ =	swait.ge @p0 [sflag:s1], $0x800  }
0x7a: {  	[sflag:s1] =	ssyncset.done @p0 $0x0  }
0x7b: {  	[sflag:s1] =	ssyncadd.s32 @p0 $0xFFFFF800  }
0x7c: {  	[hbm:s16], [sflag:s0] =	dma.local @p0 [spmem:s23], $0x800  }
0x7d: {  	_ =	swait.ge @p0 [sflag:s1], $0x800  }
0x7e: {  	[sflag:s1] =	ssyncset.done @p0 $0x0  }
0x7f: {  	[sflag:s1] =	ssyncadd.s32 @p0 $0xFFFFF800  }
0x80: {  	[hbm:s18], [sflag:s0] =	dma.local @p0 [spmem:s24], $0x800  }
0x81: {  	_ =	swait.ge @p0 [sflag:s1], $0x800  }
0x82: {  	[sflag:s1] =	ssyncset.done @p0 $0x0  }
0x83: {  	[sflag:s1] =	ssyncadd.s32 @p0 $0xFFFFF800  }
0x84: {  	[hbm:s19], [sflag:s0] =	dma.local @p0 [spmem:s25], $0x100  }
0x85: {  	s10 =	stileid.u32;
	_ =	swait.ge @p0 [sflag:s1], $0x100  }
0x86: {  	s0 =	sshll.u32 @!p0 s10, $0x6;
	[sflag:s1] =	ssyncset.done @p0 $0x0  }
0x87: {  	s0 =	sor.u32 @!p0 $0x1C01, s0;
	[sflag:s1] =	ssyncadd.s32 @p0 $0xFFFFFF00;
	s1 =	sshrl.u32 @!p0 s5, $0x3  }
0x88: {  	[hbm:s6], [sflag:s0] =	dma.local @!p0 [spmem:s1], $0x800  }
0x89: {  	s1 =	simm.s32 @!p0 $0x1  }
0x8a: {  	_ =	swait.ge @!p0 [sflag:s1], $0x800  }
0x8b: {  	[sflag:s1] =	ssyncset.done @!p0 $0x0  }
0x8c: {  	s8 =	sshrl.u32 @!p0 s7, $0x3;
	s12 =	rddreg [dreg:$0x4];
	[sflag:s1] =	ssyncadd.s32 @!p0 $0xFFFFF800  }
0x8d: {  	[hbm:s12], [sflag:s0] =	dma.local @!p0 [spmem:s8], $0x800  }
0x8e: {  	_ =	swait.ge @!p0 [sflag:s1], $0x800  }
0x8f: {  	[sflag:s1] =	ssyncset.done @!p0 $0x0  }
0x90: {  	s8 =	sshrl.u32 @!p0 s9, $0x3;
	s12 =	rddreg [dreg:$0x5];
	[sflag:s1] =	ssyncadd.s32 @!p0 $0xFFFFF800  }
0x91: {  	[hbm:s12], [sflag:s0] =	dma.local @!p0 [spmem:s8], $0x800  }
0x92: {  	_ =	swait.ge @!p0 [sflag:s1], $0x800  }
0x93: {  	[sflag:s1] =	ssyncset.done @!p0 $0x0  }
0x94: {  	s8 =	sshrl.u32 @!p0 s11, $0x3;
	s12 =	rddreg [dreg:$0x6];
	[sflag:s1] =	ssyncadd.s32 @!p0 $0xFFFFF800  }
0x95: {  	[hbm:s12], [sflag:s0] =	dma.local @!p0 [spmem:s8], $0x800  }
0x96: {  	s3 =	sadd.s32 $0x1, s3;
	_ =	swait.ge @!p0 [sflag:s1], $0x800  }
0x97: {  	p1 =	sne.s32 s3, s20;
	[sflag:s1] =	ssyncset.done @!p0 $0x0  }
.Ltmp2:
0x98: {  	s8 =	sshrl.u32 @!p0 s13, $0x3;
	[sflag:s1] =	ssyncadd.s32 @!p0 $0xFFFFF800;
	(pc) =	sbr.rel @p1 .LBB2_1-.Ltmp2, $4  }
0x99: {  	[hbm:s14], [sflag:s0] =	dma.local @!p0 [spmem:s8], $0x800  }
0x9a: {  	_ =	swait.ge @!p0 [sflag:s1], $0x800  }
0x9b: {  	[sflag:s1] =	ssyncset.done @!p0 $0x0  }
0x9c: {  	[sflag:s1] =	ssyncadd.s32 @!p0 $0xFFFFF800  }
0x9d: {  	_ =	sfence.sel $0x180000  }
0x9e: {  	[bflag:$0x0] =	sbarrier.arrive $0xFFFF  }
0x9f: {  	_ =	strace $0x9000004A  }
0xa0: {  	[bflag:$0x2] =	sbarrier.arrive $0xFFFF  }
0xa1: {  	p0 =	sne.s32 s10, $0x0;
	s0 =	rddreg [dreg:$0x3]  }
0xa2: {  	s0 =	sadd.s32 @!p0 $0x100000, s0  }
0xa3: {  	[sflag:s0] =	ssyncadd.tile.s32 @!p0 $0x1;
	_ =	shalt  }
.Lfunc_end2:
_tile_overlayer_lowered:
.L_overlay_start_2:
0xa4: {  	(tag) =	ssettag $0x2  }
0xa5: {  	s0 =	rddreg [dreg:$0x0];
	s2 =	stileid.u32  }
0xa6: {  	s1 =	rddreg [dreg:$0x1];
	p0 =	sne.s32 s2, $0x0  }
0xa7: {  	s3 =	rddreg [dreg:$0x2];
	[bflag:$0x3] =	sbarrier.arrive $0xFFFF;
	s2 =	simm.s32 @!p0 $0x1C01  }
0xa8: {  	[timem:s3], [sflag:s2] =	dma.local @!p0 [hbm:s0], s1  }
0xa9: {  	s0 =	simm.s32 @!p0 $0x1  }
0xaa: {  	_ =	swait.ge @!p0 [sflag:s0], s1  }
0xab: {  	s1 =	ssub.s32 @!p0 $0x0, s1;
	[sflag:s0] =	ssyncset.done @!p0 $0x0  }
0xac: {  	[sflag:s0] =	ssyncadd.s32 @!p0 s1  }
0xad: {  	[bflag:$0x3] =	sbarrier.arrive $0xFFFF  }
0xae: {  	_ =	shalt  }

// kernel: kernel.19.cloned.1.call-start
scs
__scs_entry_jumppad:
0x0: {  	(pc) =	sbr.rel $0x88, $3  }
0x1: {  	(tag) =	ssettag $0x0;
	lr =	simm.s32 $0x1  }
0x2: {  	[smem:$0x3F90] =	sst lr;
	_ =	strace $0xD0000000  }
0x3: {  	_ = 	snop  }
0x4: {  	_ = 	snop  }
0x5: {  	_ = 	snop  }
0x6: {  	_ = 	snop  }
0x7: {  	_ = 	snop  }
__scs_overlays_trampoline_lowered:
0x8: {  	[smem:$0x3F9F] =	sst s0  }
0x9: {  	[smem:$0x3FA0] =	sst s1  }
0xa: {  	[smem:$0x3FA1] =	sst s2  }
0xb: {  	[smem:$0x3FA2] =	sst s3  }
0xc: {  	[smem:$0x3FA3] =	sst s4  }
0xd: {  	[smem:$0x3FA4] =	sst s5  }
0xe: {  	[smem:$0x3FA5] =	sst s6  }
0xf: {  	[smem:$0x3FA6] =	sst s7  }
0x10: {  	[smem:$0x3FA7] =	sst s8  }
0x11: {  	[smem:$0x3FA8] =	sst s9;
	s0 =	simm.s32 @!p0 $0x0  }
0x12: {  	s1 =	sld [smem:$0x3F8E];
	s0 =	simm.s32 @p0 $0x1  }
0x13: {  	[smem:$0x3FA9] =	sst s0;
	s0 =	simm.s32 @!p1 $0x0  }
0x14: {  	s2 =	sld [smem:$0x3F8D];
	s0 =	simm.s32 @p1 $0x1  }
0x15: {  	[smem:$0x3FAA] =	sst s0;
	s0 =	simm.s32 @!p2 $0x0  }
0x16: {  	s3 =	sld [smem:$0x3FDB];
	s0 =	simm.s32 @p2 $0x1  }
0x17: {  	s4 =	simm.s32 $0x1BF5;
	[smem:$0x3FAC] =	sst s0  }
0x18: {  	s0 =	sld [smem:$0x3F8F];
	_ =	swait.ge [sflag:s4], $0x0  }
0x19: {  	s7 =	sld [smem:$0x3F90]  }
0x1a: {  	s8 =	sadd.s32 $0xFFFFE003, lr  }
0x1b: {  	s9 =	sadd.s32 $0xFFFFFEF7, lr;
	s5 =	simm.s32 $0xFFFFFFFF;
	p2 =	slt.u32 s8, $0xFFFFF086  }
0x1c: {  	p1 =	slt.u32 s9, $0xF7A;
	s5 =	simm.s32 @!p2 $0x0  }
0x1d: {  	s5 =	simm.s32 @p1 $0x1;
	p0 =	seq.s32 s7, s2  }
0x1e: {  	s7 =	smul.u32 @!p0 $0xF7A, s2;
	p2 =	seq.s32 @!p0 s5, $0x0  }
0x1f: {  	s9 =	smul.u32 $0xF7A, s1;
	s8 =	simm.s32 @!p0 $0x1BF5;
	p2 =	por !p2, p0  }
0x20: {  	[sflag:s8] =	ssyncset.s32 @!p0 $0xFFFFF086;
	s6 =	sadd.s32 @!p0 s3, s7;
	s7 =	simm.s32 @!p0 $0x108  }
0x21: {  	s3 =	sadd.s32 s3, s9;
	s6 =	sadd.s32 @!p0 $0x88, s6;
	s7 =	simm.s32 @p2 $0x1082  }
0x22: {  	[simem:s7], [sflag:s8] =	dma.local @!p0 [hbm:s6], $0xF7A  }
0x23: {  	s9 =	sor.u32 $0xD0000000, s2;
	s6 =	simm.s32 $0x108;
	_ =	swait.ge @!p0 [sflag:s8], $0x0  }
0x24: {  	s3 =	sadd.s32 $0x88, s3;
	s6 =	simm.s32 @!p1 $0x1082;
	[sflag:s4] =	ssyncset.s32 $0xFFFFF086  }
0x25: {  	[simem:s6], [sflag:s4] =	dma.local [hbm:s3], $0xF7A  }
0x26: {  	[smem:$0x3F90] =	sst s1;
	(tag) =	ssettag s2;
	_ =	strace s9  }
0x27: {  	s1 =	sld [smem:$0x3FA0]  }
0x28: {  	s2 =	sld [smem:$0x3FA1]  }
0x29: {  	s4 =	sld [smem:$0x3FA3]  }
0x2a: {  	p0 =	seq.s32 s5, $0x0;
	s5 =	sld [smem:$0x3FA4]  }
0x2b: {  	s6 =	sld [smem:$0x3FA5]  }
0x2c: {  	s7 =	sld [smem:$0x3FA6]  }
0x2d: {  	s3 =	simm.s32 $0x108;
	s8 =	sld [smem:$0x3FA7]  }
0x2e: {  	s3 =	simm.s32 @!p0 $0x1082;
	s9 =	sld [smem:$0x3FA8]  }
0x2f: {  	lr =	sadd.s32 s0, s3;
	s0 =	sld [smem:$0x3F9F]  }
0x30: {  	s3 =	sld [smem:$0x3FA2]  }
0x31: {  	[smem:$0x3FAB] =	sst s10  }
0x32: {  	s10 =	sld [smem:$0x3FA9];
	_ =	sdelay $0x3  }
0x33: {  	p0 =	seq.s32 s10, $0x1;
	s10 =	sld [smem:$0x3FAB];
	_ =	sdelay $0x3  }
0x34: {  	[smem:$0x3FAB] =	sst s10  }
0x35: {  	s10 =	sld [smem:$0x3FAA];
	_ =	sdelay $0x3  }
0x36: {  	p1 =	seq.s32 s10, $0x1;
	s10 =	sld [smem:$0x3FAB];
	_ =	sdelay $0x3  }
0x37: {  	[smem:$0x3FAB] =	sst s10  }
0x38: {  	s10 =	sld [smem:$0x3FAC]  }
0x39: {  	_ = 	snop;
	(pc) =	sbr.ind lr, $3  }
0x3a: {  	_ = 	snop  }
0x3b: {  	_ = 	snop  }
0x3c: {  	p2 =	seq.s32 s10, $0x1;
	s10 =	sld [smem:$0x3FAB]  }
0x3d: {  	_ =	shalt  }
0x3e: {  	_ =	shalt  }
0x3f: {  	_ =	shalt  }
0x40: {  	_ =	shalt  }
0x41: {  	_ =	shalt  }
0x42: {  	_ =	shalt  }
0x43: {  	_ =	shalt  }
0x44: {  	_ =	shalt  }
0x45: {  	_ =	shalt  }
0x46: {  	_ =	shalt  }
0x47: {  	_ =	shalt  }
0x48: {  	_ =	shalt  }
0x49: {  	_ =	shalt  }
0x4a: {  	_ =	shalt  }
0x4b: {  	_ =	shalt  }
0x4c: {  	_ =	shalt  }
0x4d: {  	_ =	shalt  }
0x4e: {  	_ =	shalt  }
0x4f: {  	_ =	shalt  }
0x50: {  	_ =	shalt  }
0x51: {  	_ =	shalt  }
0x52: {  	_ =	shalt  }
0x53: {  	_ =	shalt  }
0x54: {  	_ =	shalt  }
0x55: {  	_ =	shalt  }
0x56: {  	_ =	shalt  }
0x57: {  	_ =	shalt  }
0x58: {  	_ =	shalt  }
0x59: {  	_ =	shalt  }
0x5a: {  	_ =	shalt  }
0x5b: {  	_ =	shalt  }
0x5c: {  	_ =	shalt  }
0x5d: {  	_ =	shalt  }
0x5e: {  	_ =	shalt  }
0x5f: {  	_ =	shalt  }
0x60: {  	_ =	shalt  }
0x61: {  	_ =	shalt  }
0x62: {  	_ =	shalt  }
0x63: {  	_ =	shalt  }
0x64: {  	_ =	shalt  }
0x65: {  	_ =	shalt  }
0x66: {  	_ =	shalt  }
0x67: {  	_ =	shalt  }
0x68: {  	_ =	shalt  }
0x69: {  	_ =	shalt  }
0x6a: {  	_ =	shalt  }
0x6b: {  	_ =	shalt  }
0x6c: {  	_ =	shalt  }
0x6d: {  	_ =	shalt  }
0x6e: {  	_ =	shalt  }
0x6f: {  	_ =	shalt  }
0x70: {  	_ =	shalt  }
0x71: {  	_ =	shalt  }
0x72: {  	_ =	shalt  }
0x73: {  	_ =	shalt  }
0x74: {  	_ =	shalt  }
0x75: {  	_ =	shalt  }
0x76: {  	_ =	shalt  }
0x77: {  	_ =	shalt  }
0x78: {  	_ =	shalt  }
0x79: {  	_ =	shalt  }
0x7a: {  	_ =	shalt  }
0x7b: {  	_ =	shalt  }
0x7c: {  	_ =	shalt  }
0x7d: {  	_ =	shalt  }
0x7e: {  	_ =	shalt  }
0x7f: {  	_ =	shalt  }
0x80: {  	_ =	shalt  }
0x81: {  	_ =	shalt  }
0x82: {  	_ =	shalt  }
0x83: {  	_ =	shalt  }
0x84: {  	_ =	shalt  }
0x85: {  	_ =	shalt  }
0x86: {  	_ =	shalt  }
0x87: {  	_ =	shalt  }
.Lfunc_end0:
.L_simem_size_0:
called_computation.2_lowered:
.L_overlay_start_0:
0x88: {  	s2 =	sld [smem:$0x3FD9]  }
0x89: {  	s3 =	sld [smem:$0x3FFE];
	_ =	sdelay $0x1  }
0x8a: {  	s1 =	srdreg.scid  }
0x8b: {  	s0 =	sand.u32 $0x1, s1  }
0x8c: {  	s17 =	sshll.u32 s0, $0xA;
	s2 =	sadd.s32 s3, s2  }
0x8d: {  	s2 =	sadd.s32 s2, s17  }
0x8e: {  	[smem:$0x3FB7] =	sst s2  }
0x8f: {  	_ = 	snop  }
0x90: {  	s2 =	sld [smem:$0x3FD0];
	(tm) =	ssettm $0x1  }
0x91: {  	s18 =	sld [smem:$0x3FFB];
	_ =	sdelay $0x3  }
0x92: {  	_ =	strace s18  }
0x93: {  	s3 =	sld [smem:$0x3FFC];
	_ =	sdelay $0x3  }
0x94: {  	_ =	strace s3  }
0x95: {  	s3 =	sld [smem:$0x3FFD];
	_ =	sdelay $0x3  }
0x96: {  	_ =	strace s3  }
0x97: {  	_ =	strace $0x8FFFFFFF  }
0x98: {  	s19 =	sld [smem:$0x3FDB];
	_ =	sdelay $0x1  }
0x99: {  	s4 =	simm.s32 $_scs_section_size  }
0x9a: {  	s5 =	simm.s32 $_size__tile_overlayer_lowered;
	s6 =	simm.s32 $_tile_overlayer_lowered  }
0x9b: {  	s22 =	simm.s32 $0x1BFF;
	s21 =	sshll.u32 s6, $0x1;
	s3 =	sadd.s32 s4, s19  }
0x9c: {  	s7 =	simm.s32 $0x0;
	s20 =	sshll.u32 s5, $0x1;
	s5 =	sadd.s32 s21, s3  }
0x9d: {  	[timem:s7], [sflag:s22] =	dma.local [hbm:s5], s20  }
0x9e: {  	_ =	swait.ge [sflag:s22], s20  }
0x9f: {  	s4 =	ssub.s32 $0x0, s20;
	[sflag:s22] =	ssyncset.done $0x0  }
0xa0: {  	[sflag:s22] =	ssyncadd.s32 s4;
	_ =	sdelay $0x1  }
0xa1: {  	s23 =	simm.s32 $0x1B8B  }
0xa2: {  	_ =	swait.ge [sflag:s23], $0x1  }
0xa3: {  	[sflag:s23] =	ssyncset.done $0x0  }
0xa4: {  	s25 =	simm.s32 $0x1B8E;
	s24 =	sld [smem:$0x3FFE];
	[sflag:s23] =	ssyncadd.s32 $0xFFFFFFFF  }
0xa5: {  	s26 =	simm.s32 $execute0_lowered;
	[smem:$0x3FD2] =	sst s25  }
0xa6: {  	s5 =	sshll.u32 s26, $0x1;
	_ =	strace $0x8000004C;
	[dreg:$0x1] =	wrdreg $0xFFFFFFFF  }
0xa7: {  	s28 =	simm.s32 $_size_execute0_lowered;
	s3 =	sadd.s32 s3, s5;
	[dreg:$0x0] =	wrdreg $0x0  }
0xa8: {  	s5 =	sshll.u32 s28, $0x1;
	[dreg:$0x2] =	wrdreg s3  }
0xa9: {  	[dreg:$0x3] =	wrdreg s5  }
0xaa: {  	[dreg:$0x4] =	wrdreg $0xC0  }
0xab: {  	_ =	task [dreg:s7], $0x5FFFF  }
0xac: {  	[dreg:$0x1] =	wrdreg $0xFFFFFFFF  }
0xad: {  	[dreg:$0x0] =	wrdreg $0x60  }
0xae: {  	[dreg:$0x2] =	wrdreg s24  }
0xaf: {  	[dreg:$0x3] =	wrdreg s2  }
0xb0: {  	[dreg:$0x4] =	wrdreg $0x81000  }
0xb1: {  	[dreg:$0x5] =	wrdreg $0x9  }
0xb2: {  	_ =	task.clear_ibuf [dreg:s7], $0x6FFFF;
	_ =	strace $0x9000004C  }
0xb3: {  	s29 =	simm.s32 $0x9;
	_ =	strace $0x8000004E  }
0xb4: {  	_ =	swait.ge [sflag:s29], $0x1  }
0xb5: {  	[sflag:s29] =	ssyncadd.s32 $0xFFFFFFFF  }
0xb6: {  	_ =	strace $0x9000004E  }
0xb7: {  	_ =	sfence  }
0xb8: {  	s30 =	sld [smem:$0x0];
	_ =	sdelay $0x2  }
0xb9: {  	s31 =	sshll.u32 s1, $0xD;
	s1 =	sshrl.u32 s1, $0x2  }
0xba: {  	s3 =	sand.u32 $0x4000, s31;
	s1 =	sadd.s32 s1, s30  }
0xbb: {  	s0 =	sor.u32 s3, s0;
	s1 =	sshll.u32 s1, $0x11  }
0xbc: {  	s0 =	sor.u32 s1, s0  }
0xbd: {  	s0 =	sadd.s32 $0x8F2B, s0  }
0xbe: {  	[sflag:s0] =	ssyncadd.remote.s32 $0x1  }
0xbf: {  	_ =	sfence.sel $0xFFFF  }
0xc0: {  	[dreg:$0x0] =	wrdreg $0xFFFFFFFF;
	(pc) =	sbr.abs _section_cstart, $3  }
0xc1: {  	[dreg:$0x1] =	wrdreg $0xFFFFFFFF  }
0xc2: {  	_ =	task.clear_ibuf [dreg:s7], $0x2FFFF;
	_ =	strace $0x9FFFFFFF  }
0xc3: {  	(tm) =	ssettm $0x7FFFFFFF  }
tec
execute0_lowered:
.L_overlay_start_1:
0x0: {  	(tag) =	ssettag $0x1  }
0x1: {  	s0 =	rddreg [dreg:$0x0]  }
0x2: {  	s1 =	rddreg [dreg:$0x1]  }
0x3: {  	s2 =	rddreg [dreg:$0x2];
	s3 =	simm.s32 $0x0;
	s10 =	stileid.u32  }
0x4: {  	s4 =	srdreg.scid;
	s26 =	simm.s32 $0x4100;
	s28 =	simm.s32 $0x1  }
0x5: {  	[smem:$0x7FF] =	sst s3;
	s8 =	sand.u32 $0x1, s4;
	s5 =	smul.u32 $0x50000, s10  }
0x6: {  	s4 =	sadd.s32 $0xAAC00, s0;
	s17 =	sshll.u32 s10, $0x4;
	s6 =	smul.u32 $0x280, s10  }
0x7: {  	s23 =	sadd.s32 $0x130000, s2;
	s24 =	sadd.s32 $0x134000, s2;
	p0 =	seq.s32 s10, $0xF  }
0x8: {  	_ =	strace $0x8000004D;
	s25 =	smul.u32 $0x2710, s8;
	s21 =	sadd.s32 s17, s0  }
0x9: {  	s0 =	sadd.s32 $0x147200, s0;
	s7 =	ssub.s32 $0x2, s8;
	s8 =	smul.u32 $0x138800, s8  }
0xa: {  	s17 =	sadd.s32 s17, s1;
	s23 =	sshrl.u32 @p0 s23, $0x3;
	s24 =	sshrl.u32 @p0 s24, $0x3  }
0xb: {  	s9 =	sshrl.u32 s7, $0x1;
	s5 =	sshrl.u32 s5, $0x2;
	s21 =	sadd.s32 $0x4A00, s21  }
0xc: {  	s6 =	sadd.s32 s6, s25;
	s20 =	ssub.s32 s7, s9;
	s5 =	sadd.s32 s5, s2  }
0xd: {  	s8 =	sshrl.u32 s8, $0x3;
	s6 =	sshll.u32 s6, $0x4;
	s7 =	sadd.s32 $0x4000, s5  }
0xe: {  	s9 =	sadd.s32 $0x8000, s5;
	s13 =	sadd.s32 $0x10000, s5;
	s20 =	smax.u32 s20, $0x1  }
0xf: {  	s6 =	sadd.s32 s0, s6;
	s0 =	sadd.s32 s0, s8;
	s8 =	sadd.s32 $0x12C000, s2  }
0x10: {  	s31 =	sadd.s32 $0x800, s6;
	s11 =	sadd.s32 $0x1000, s6;
	s12 =	sadd.s32 $0x1800, s6  }
0x11: {  	s14 =	sadd.s32 $0x2000, s6;
	s15 =	sadd.s32 $0x25800, s0;
	s16 =	sadd.s32 $0x26000, s0  }
0x12: {  	s18 =	sadd.s32 $0x26800, s0;
	s19 =	sadd.s32 $0x27000, s0;
	[dreg:$0x4] =	wrdreg s31  }
0x13: {  	s22 =	sshrl.u32 @p0 s8, $0x3;
	s0 =	sadd.s32 $0x138000, s2;
	[dreg:$0x5] =	wrdreg s11  }
0x14: {  	v1 =	vimm.f32 $0.0e+00;
	v0 =	vmov s25;
	s11 =	sadd.s32 $0xC000, s5;
	[dreg:$0x6] =	wrdreg s12;
	s25 =	sshrl.u32 @p0 s0, $0x3  }
.LBB2_1:
0x15: {  	s0 =	simm.s32 $0x0;
	s1 =	simm.s32 $0x200  }
.LBB2_2:
0x16: {  	p1 =	sne.s32 s1, $0xFE00;
	[tilespmem:s0+$0x4170] =	vst v1  }
0x17: {  	[tilespmem:s0+$0x4100] =	vst v1  }
0x18: {  	[tilespmem:s0+$0x4110] =	vst v1  }
.Ltmp0:
0x19: {  	[tilespmem:s0+$0x4120] =	vst v1;
	(pc) =	sbr.rel @p1 .LBB2_2-.Ltmp0, $4  }
0x1a: {  	[tilespmem:s0+$0x4130] =	vst v1  }
0x1b: {  	[tilespmem:s0+$0x4140] =	vst v1  }
0x1c: {  	[tilespmem:s0+$0x4150] =	vst v1  }
0x1d: {  	[tilespmem:s0+$0x4160] =	vst v1;
	s0 =	sshra.s32 s1, $0x2;
	s1 =	sadd.s32 $0x200, s1  }
0x1e: {  	[tilespmem:s0+$0x4170] =	vst v1  }
0x1f: {  	[tilespmem:s0+$0x4100] =	vst v1  }
0x20: {  	[tilespmem:s0+$0x4110] =	vst v1  }
0x21: {  	[tilespmem:s0+$0x4120] =	vst v1  }
0x22: {  	[tilespmem:s0+$0x4130] =	vst v1  }
0x23: {  	[tilespmem:s0+$0x4140] =	vst v1  }
0x24: {  	[tilespmem:s0+$0x4150] =	vst v1  }
0x25: {  	[tilespmem:s0+$0x4160] =	vst v1  }
0x26: {  	[spmem:s5] =	stream.linear.scatter [tilespmem:s26], [sflag:$0x1], $0x4000, $0x38;
	[tilespmem:$0x1C100] =	vst v63  }
0x27: {  	_ =	swait.ge [sflag:s28], $0x4000  }
0x28: {  	[sflag:s28] =	ssyncset.done $0x0  }
0x29: {  	[sflag:s28] =	ssyncadd.s32 $0xFFFFC000  }
0x2a: {  	[spmem:s7] =	stream.linear.scatter [tilespmem:s26], [sflag:$0x1], $0x4000, $0x38;
	[tilespmem:$0x1C100] =	vst v63  }
0x2b: {  	_ =	swait.ge [sflag:s28], $0x4000  }
0x2c: {  	[sflag:s28] =	ssyncset.done $0x0  }
0x2d: {  	[sflag:s28] =	ssyncadd.s32 $0xFFFFC000  }
0x2e: {  	[spmem:s9] =	stream.linear.scatter [tilespmem:s26], [sflag:$0x1], $0x4000, $0x38;
	[tilespmem:$0x1C100] =	vst v63  }
0x2f: {  	_ =	swait.ge [sflag:s28], $0x4000  }
0x30: {  	[sflag:s28] =	ssyncset.done $0x0  }
0x31: {  	[sflag:s28] =	ssyncadd.s32 $0xFFFFC000  }
0x32: {  	[spmem:s11] =	stream.linear.scatter [tilespmem:s26], [sflag:$0x1], $0x4000, $0x38;
	[tilespmem:$0x1C100] =	vst v63  }
0x33: {  	_ =	swait.ge [sflag:s28], $0x4000  }
0x34: {  	[sflag:s28] =	ssyncset.done $0x0  }
0x35: {  	[sflag:s28] =	ssyncadd.s32 $0xFFFFC000  }
0x36: {  	[spmem:s13] =	stream.linear.scatter [tilespmem:s26], [sflag:$0x1], $0x4000, $0x38;
	[tilespmem:$0x1C100] =	vst v63  }
0x37: {  	_ =	swait.ge [sflag:s28], $0x4000  }
0x38: {  	p2 =	sgt.u32 s10, $0x9C3;
	[sflag:s28] =	ssyncset.done $0x0  }
0x39: {  	s0 =	sadd.s32 @!p2 $0x0, s17;
	[sflag:s28] =	ssyncadd.s32 $0xFFFFC000  }
0x3a: {  	s30 =	simm.s32 @!p2 $0x0;
	s29 =	simm.s32 @!p2 $0x2;
	[bflag:$0x0] =	sbarrier.arrive $0xFFFF  }
0x3b: {  	[tilespmem:s30], [sflag:$0x2] =	stream.linear.gather @!p2 [hbm4b:s0+s30], $0x80, $0x38;
	[tilespmem:$0x1C100] =	vst v63  }
0x3c: {  	p1 =	por p2, p2;
	_ =	swait.ge @!p2 [sflag:s29], $0x80  }
0x3d: {  	[sflag:s29] =	ssyncset.done @!p1 $0x0  }
0x3e: {  	s31 =	simm.s32 @!p1 $0x80;
	s0 =	sadd.s32 @!p1 $0x0, s21;
	[sflag:s29] =	ssyncadd.s32 @!p1 $0xFFFFFF80  }
0x3f: {  	[tilespmem:s31], [sflag:$0x2] =	stream.linear.gather @!p1 [hbm4b:s0+s30], $0x80, $0x38;
	[tilespmem:$0x1C100] =	vst v63  }
0x40: {  	_ =	swait.ge @!p1 [sflag:s29], $0x80  }
0x41: {  	[sflag:s29] =	ssyncset.done @!p1 $0x0  }
0x42: {  	[sflag:s29] =	ssyncadd.s32 @!p1 $0xFFFFFF80  }
0x43: {  	v2 =	vld @!p1 [tilespmem:$0x30]  }
0x44: {  	v3 =	vld @!p1 [tilespmem:$0x50]  }
0x45: {  	v4 =	vld @!p1 [tilespmem:$0x60]  }
0x46: {  	v5 =	vld @!p1 [tilespmem:$0x20]  }
0x47: {  	v6 =	vld @!p1 [tilespmem:$0x10]  }
0x48: {  	v8 =	vld @!p1 [tilespmem:$0x0];
	v2 =	vadd.s32 @!p1 v0, v2  }
0x49: {  	v7 =	vld @!p1 [tilespmem:$0x40];
	[tilespmem:$0x30] =	vst @!p1 v2;
	v2 =	vadd.s32 @!p1 v0, v3  }
0x4a: {  	v3 =	vld @!p1 [tilespmem:$0x70];
	[tilespmem:$0x50] =	vst @!p1 v2;
	v2 =	vadd.s32 @!p1 v0, v4  }
0x4b: {  	v4 =	vadd.s32 @!p1 v0, v5;
	[tilespmem:$0x60] =	vst @!p1 v2  }
0x4c: {  	v2 =	vadd.s32 @!p1 v0, v6;
	[tilespmem:$0x20] =	vst @!p1 v4  }
0x4d: {  	v4 =	vadd.s32 @!p1 v0, v8;
	[tilespmem:$0x10] =	vst @!p1 v2  }
0x4e: {  	v2 =	vadd.s32 @!p1 v0, v7;
	[tilespmem:$0x0] =	vst @!p1 v4  }
0x4f: {  	s8 =	stileid.u32;
	s1 =	simm.s32 @!p2 $0x100;
	s0 =	simm.s32 $0x100;
	[tilespmem:$0x40] =	vst @!p1 v2;
	v2 =	vadd.s32 @!p1 v0, v3  }
.LBB2_4:
0x50: {  	[tilespmem:$0x70] =	vst @!p1 v2;
	s8 =	sadd.s32 $0x10, s8;
	s10 =	smov.u32 s0;
	s0 =	sadd.s32 $0x100, s0  }
0x51: {  	[tilespmem:s1], [sflag:$0x2] =	stream.indirect.gather @!p1 [hbm4b:s4+s31], $0x80, s30, s31, $0xb8;
	[tilespmem:$0x1C100] =	vst v63  }
0x52: {  	p2 =	sne.s32 s0, $0x9D00;
	_ =	swait.ge @!p1 [sflag:s29], $0x4000  }
0x53: {  	[sflag:s29] =	ssyncset.done @!p1 $0x0  }
0x54: {  	s12 =	simm.s32 @!p1 $0x1;
	[sflag:s29] =	ssyncadd.s32 @!p1 $0xFFFFC000  }
0x55: {  	[spmem:s2] =	stream.indirect.scatter.add.f32 @!p1 [tilespmem:s1], [sflag:$0x1], $0x80, s31, s31, $0xb8;
	[tilespmem:$0x1C100] =	vst v63  }
0x56: {  	p3 =	sgt.u32 s8, $0x9C3;
	_ =	swait.ge @!p1 [sflag:s12], $0x4000  }
0x57: {  	s30 =	simm.s32 @!p3 $0x0;
	s31 =	sadd.s32 @!p3 s10, s17;
	[sflag:s12] =	ssyncset.done @!p1 $0x0  }
0x58: {  	s29 =	simm.s32 @!p3 $0x2;
	s1 =	simm.s32 @!p3 $0x100;
	[sflag:s12] =	ssyncadd.s32 @!p1 $0xFFFFC000  }
0x59: {  	[tilespmem:s30], [sflag:$0x2] =	stream.linear.gather @!p3 [hbm4b:s31+s30], $0x80, $0x38;
	[tilespmem:$0x1C100] =	vst v63  }
0x5a: {  	p1 =	por p3, p3;
	_ =	swait.ge @!p3 [sflag:s29], $0x80  }
0x5b: {  	s10 =	sadd.s32 @!p1 s10, s21;
	s31 =	simm.s32 @!p1 $0x80;
	[sflag:s29] =	ssyncset.done @!p1 $0x0  }
0x5c: {  	[sflag:s29] =	ssyncadd.s32 @!p1 $0xFFFFFF80  }
0x5d: {  	[tilespmem:s31], [sflag:$0x2] =	stream.linear.gather @!p1 [hbm4b:s10+s30], $0x80, $0x38;
	[tilespmem:$0x1C100] =	vst v63  }
0x5e: {  	_ =	swait.ge @!p1 [sflag:s29], $0x80  }
0x5f: {  	[sflag:s29] =	ssyncset.done @!p1 $0x0  }
0x60: {  	[sflag:s29] =	ssyncadd.s32 @!p1 $0xFFFFFF80  }
0x61: {  	v2 =	vld @!p1 [tilespmem:$0x30]  }
0x62: {  	v3 =	vld @!p1 [tilespmem:$0x50]  }
0x63: {  	v4 =	vld @!p1 [tilespmem:$0x60]  }
0x64: {  	v5 =	vld @!p1 [tilespmem:$0x20]  }
0x65: {  	v6 =	vld @!p1 [tilespmem:$0x10]  }
0x66: {  	v2 =	vadd.s32 @!p1 v0, v2;
	v7 =	vld @!p1 [tilespmem:$0x40]  }
0x67: {  	v8 =	vld @!p1 [tilespmem:$0x0];
	[tilespmem:$0x30] =	vst @!p1 v2;
	v2 =	vadd.s32 @!p1 v0, v3  }
0x68: {  	[tilespmem:$0x50] =	vst @!p1 v2;
	v2 =	vadd.s32 @!p1 v0, v4;
	v3 =	vld @!p1 [tilespmem:$0x70]  }
.Ltmp1:
0x69: {  	v4 =	vadd.s32 @!p1 v0, v5;
	[tilespmem:$0x60] =	vst @!p1 v2;
	(pc) =	sbr.rel @p2 .LBB2_4-.Ltmp1, $4  }
0x6a: {  	v2 =	vadd.s32 @!p1 v0, v6;
	[tilespmem:$0x20] =	vst @!p1 v4  }
0x6b: {  	[tilespmem:$0x10] =	vst @!p1 v2;
	v2 =	vadd.s32 @!p1 v0, v7  }
0x6c: {  	v4 =	vadd.s32 @!p1 v0, v8;
	[tilespmem:$0x40] =	vst @!p1 v2  }
0x6d: {  	[tilespmem:$0x0] =	vst @!p1 v4;
	v2 =	vadd.s32 @!p1 v0, v3  }
0x6e: {  	[tilespmem:$0x70] =	vst @!p1 v2  }
0x6f: {  	[tilespmem:s1], [sflag:$0x2] =	stream.indirect.gather @!p1 [hbm4b:s4+s31], $0x80, s30, s31, $0xb8;
	[tilespmem:$0x1C100] =	vst v63  }
0x70: {  	_ =	swait.ge @!p1 [sflag:s29], $0x4000  }
0x71: {  	[sflag:s29] =	ssyncset.done @!p1 $0x0  }
0x72: {  	s0 =	simm.s32 @!p1 $0x1;
	[sflag:s29] =	ssyncadd.s32 @!p1 $0xFFFFC000  }
0x73: {  	[spmem:s2] =	stream.indirect.scatter.add.f32 @!p1 [tilespmem:s1], [sflag:$0x1], $0x80, s31, s31, $0xb8;
	[tilespmem:$0x1C100] =	vst v63  }
0x74: {  	_ =	swait.ge @!p1 [sflag:s0], $0x4000  }
0x75: {  	[sflag:s0] =	ssyncset.done @!p1 $0x0  }
0x76: {  	[sflag:s0] =	ssyncadd.s32 @!p1 $0xFFFFC000  }
0x77: {  	s1 =	simm.s32 @p0 $0x1;
	s0 =	simm.s32 @p0 $0x1FC1;
	[bflag:$0x0] =	sbarrier.arrive $0xFFFF  }
0x78: {  	[hbm:s15], [sflag:s0] =	dma.local @p0 [spmem:s22], $0x800  }
0x79: {  	_ =	swait.ge @p0 [sflag:s1], $0x800  }
0x7a: {  	[sflag:s1] =	ssyncset.done @p0 $0x0  }
0x7b: {  	[sflag:s1] =	ssyncadd.s32 @p0 $0xFFFFF800  }
0x7c: {  	[hbm:s16], [sflag:s0] =	dma.local @p0 [spmem:s23], $0x800  }
0x7d: {  	_ =	swait.ge @p0 [sflag:s1], $0x800  }
0x7e: {  	[sflag:s1] =	ssyncset.done @p0 $0x0  }
0x7f: {  	[sflag:s1] =	ssyncadd.s32 @p0 $0xFFFFF800  }
0x80: {  	[hbm:s18], [sflag:s0] =	dma.local @p0 [spmem:s24], $0x800  }
0x81: {  	_ =	swait.ge @p0 [sflag:s1], $0x800  }
0x82: {  	[sflag:s1] =	ssyncset.done @p0 $0x0  }
0x83: {  	[sflag:s1] =	ssyncadd.s32 @p0 $0xFFFFF800  }
0x84: {  	[hbm:s19], [sflag:s0] =	dma.local @p0 [spmem:s25], $0x100  }
0x85: {  	s10 =	stileid.u32;
	_ =	swait.ge @p0 [sflag:s1], $0x100  }
0x86: {  	s0 =	sshll.u32 @!p0 s10, $0x6;
	[sflag:s1] =	ssyncset.done @p0 $0x0  }
0x87: {  	s0 =	sor.u32 @!p0 $0x1C01, s0;
	[sflag:s1] =	ssyncadd.s32 @p0 $0xFFFFFF00;
	s1 =	sshrl.u32 @!p0 s5, $0x3  }
0x88: {  	[hbm:s6], [sflag:s0] =	dma.local @!p0 [spmem:s1], $0x800  }
0x89: {  	s1 =	simm.s32 @!p0 $0x1  }
0x8a: {  	_ =	swait.ge @!p0 [sflag:s1], $0x800  }
0x8b: {  	[sflag:s1] =	ssyncset.done @!p0 $0x0  }
0x8c: {  	s8 =	sshrl.u32 @!p0 s7, $0x3;
	s12 =	rddreg [dreg:$0x4];
	[sflag:s1] =	ssyncadd.s32 @!p0 $0xFFFFF800  }
0x8d: {  	[hbm:s12], [sflag:s0] =	dma.local @!p0 [spmem:s8], $0x800  }
0x8e: {  	_ =	swait.ge @!p0 [sflag:s1], $0x800  }
0x8f: {  	[sflag:s1] =	ssyncset.done @!p0 $0x0  }
0x90: {  	s8 =	sshrl.u32 @!p0 s9, $0x3;
	s12 =	rddreg [dreg:$0x5];
	[sflag:s1] =	ssyncadd.s32 @!p0 $0xFFFFF800  }
0x91: {  	[hbm:s12], [sflag:s0] =	dma.local @!p0 [spmem:s8], $0x800  }
0x92: {  	_ =	swait.ge @!p0 [sflag:s1], $0x800  }
0x93: {  	[sflag:s1] =	ssyncset.done @!p0 $0x0  }
0x94: {  	s8 =	sshrl.u32 @!p0 s11, $0x3;
	s12 =	rddreg [dreg:$0x6];
	[sflag:s1] =	ssyncadd.s32 @!p0 $0xFFFFF800  }
0x95: {  	[hbm:s12], [sflag:s0] =	dma.local @!p0 [spmem:s8], $0x800  }
0x96: {  	s3 =	sadd.s32 $0x1, s3;
	_ =	swait.ge @!p0 [sflag:s1], $0x800  }
0x97: {  	p1 =	sne.s32 s3, s20;
	[sflag:s1] =	ssyncset.done @!p0 $0x0  }
.Ltmp2:
0x98: {  	s8 =	sshrl.u32 @!p0 s13, $0x3;
	[sflag:s1] =	ssyncadd.s32 @!p0 $0xFFFFF800;
	(pc) =	sbr.rel @p1 .LBB2_1-.Ltmp2, $4  }
0x99: {  	[hbm:s14], [sflag:s0] =	dma.local @!p0 [spmem:s8], $0x800  }
0x9a: {  	_ =	swait.ge @!p0 [sflag:s1], $0x800  }
0x9b: {  	[sflag:s1] =	ssyncset.done @!p0 $0x0  }
0x9c: {  	[sflag:s1] =	ssyncadd.s32 @!p0 $0xFFFFF800  }
0x9d: {  	_ =	sfence.sel $0x180000  }
0x9e: {  	[bflag:$0x0] =	sbarrier.arrive $0xFFFF  }
0x9f: {  	_ =	strace $0x9000004D  }
0xa0: {  	[bflag:$0x2] =	sbarrier.arrive $0xFFFF  }
0xa1: {  	p0 =	sne.s32 s10, $0x0;
	s0 =	rddreg [dreg:$0x3]  }
0xa2: {  	s0 =	sadd.s32 @!p0 $0x100000, s0  }
0xa3: {  	[sflag:s0] =	ssyncadd.tile.s32 @!p0 $0x1;
	_ =	shalt  }
.Lfunc_end2:
_tile_overlayer_lowered:
.L_overlay_start_2:
0xa4: {  	(tag) =	ssettag $0x2  }
0xa5: {  	s0 =	rddreg [dreg:$0x0];
	s2 =	stileid.u32  }
0xa6: {  	s1 =	rddreg [dreg:$0x1];
	p0 =	sne.s32 s2, $0x0  }
0xa7: {  	s3 =	rddreg [dreg:$0x2];
	[bflag:$0x3] =	sbarrier.arrive $0xFFFF;
	s2 =	simm.s32 @!p0 $0x1C01  }
0xa8: {  	[timem:s3], [sflag:s2] =	dma.local @!p0 [hbm:s0], s1  }
0xa9: {  	s0 =	simm.s32 @!p0 $0x1  }
0xaa: {  	_ =	swait.ge @!p0 [sflag:s0], s1  }
0xab: {  	s1 =	ssub.s32 @!p0 $0x0, s1;
	[sflag:s0] =	ssyncset.done @!p0 $0x0  }
0xac: {  	[sflag:s0] =	ssyncadd.s32 @!p0 s1  }
0xad: {  	[bflag:$0x3] =	sbarrier.arrive $0xFFFF  }
0xae: {  	_ =	shalt  }

// kernel: kernel.22.cloned.1.call-start
scs
__scs_entry_jumppad:
0x0: {  	(pc) =	sbr.rel $0x88, $3  }
0x1: {  	(tag) =	ssettag $0x0;
	lr =	simm.s32 $0x1  }
0x2: {  	[smem:$0x3F90] =	sst lr;
	_ =	strace $0xD0000000  }
0x3: {  	_ = 	snop  }
0x4: {  	_ = 	snop  }
0x5: {  	_ = 	snop  }
0x6: {  	_ = 	snop  }
0x7: {  	_ = 	snop  }
__scs_overlays_trampoline_lowered:
0x8: {  	[smem:$0x3F9F] =	sst s0  }
0x9: {  	[smem:$0x3FA0] =	sst s1  }
0xa: {  	[smem:$0x3FA1] =	sst s2  }
0xb: {  	[smem:$0x3FA2] =	sst s3  }
0xc: {  	[smem:$0x3FA3] =	sst s4  }
0xd: {  	[smem:$0x3FA4] =	sst s5  }
0xe: {  	[smem:$0x3FA5] =	sst s6  }
0xf: {  	[smem:$0x3FA6] =	sst s7  }
0x10: {  	[smem:$0x3FA7] =	sst s8  }
0x11: {  	[smem:$0x3FA8] =	sst s9;
	s0 =	simm.s32 @!p0 $0x0  }
0x12: {  	s1 =	sld [smem:$0x3F8E];
	s0 =	simm.s32 @p0 $0x1  }
0x13: {  	[smem:$0x3FA9] =	sst s0;
	s0 =	simm.s32 @!p1 $0x0  }
0x14: {  	s2 =	sld [smem:$0x3F8D];
	s0 =	simm.s32 @p1 $0x1  }
0x15: {  	[smem:$0x3FAA] =	sst s0;
	s0 =	simm.s32 @!p2 $0x0  }
0x16: {  	s3 =	sld [smem:$0x3FDB];
	s0 =	simm.s32 @p2 $0x1  }
0x17: {  	s4 =	simm.s32 $0x1BF5;
	[smem:$0x3FAC] =	sst s0  }
0x18: {  	s0 =	sld [smem:$0x3F8F];
	_ =	swait.ge [sflag:s4], $0x0  }
0x19: {  	s7 =	sld [smem:$0x3F90]  }
0x1a: {  	s8 =	sadd.s32 $0xFFFFE003, lr  }
0x1b: {  	s9 =	sadd.s32 $0xFFFFFEF7, lr;
	s5 =	simm.s32 $0xFFFFFFFF;
	p2 =	slt.u32 s8, $0xFFFFF086  }
0x1c: {  	p1 =	slt.u32 s9, $0xF7A;
	s5 =	simm.s32 @!p2 $0x0  }
0x1d: {  	s5 =	simm.s32 @p1 $0x1;
	p0 =	seq.s32 s7, s2  }
0x1e: {  	s7 =	smul.u32 @!p0 $0xF7A, s2;
	p2 =	seq.s32 @!p0 s5, $0x0  }
0x1f: {  	s9 =	smul.u32 $0xF7A, s1;
	s8 =	simm.s32 @!p0 $0x1BF5;
	p2 =	por !p2, p0  }
0x20: {  	[sflag:s8] =	ssyncset.s32 @!p0 $0xFFFFF086;
	s6 =	sadd.s32 @!p0 s3, s7;
	s7 =	simm.s32 @!p0 $0x108  }
0x21: {  	s3 =	sadd.s32 s3, s9;
	s6 =	sadd.s32 @!p0 $0x88, s6;
	s7 =	simm.s32 @p2 $0x1082  }
0x22: {  	[simem:s7], [sflag:s8] =	dma.local @!p0 [hbm:s6], $0xF7A  }
0x23: {  	s9 =	sor.u32 $0xD0000000, s2;
	s6 =	simm.s32 $0x108;
	_ =	swait.ge @!p0 [sflag:s8], $0x0  }
0x24: {  	s3 =	sadd.s32 $0x88, s3;
	s6 =	simm.s32 @!p1 $0x1082;
	[sflag:s4] =	ssyncset.s32 $0xFFFFF086  }
0x25: {  	[simem:s6], [sflag:s4] =	dma.local [hbm:s3], $0xF7A  }
0x26: {  	[smem:$0x3F90] =	sst s1;
	(tag) =	ssettag s2;
	_ =	strace s9  }
0x27: {  	s1 =	sld [smem:$0x3FA0]  }
0x28: {  	s2 =	sld [smem:$0x3FA1]  }
0x29: {  	s4 =	sld [smem:$0x3FA3]  }
0x2a: {  	p0 =	seq.s32 s5, $0x0;
	s5 =	sld [smem:$0x3FA4]  }
0x2b: {  	s6 =	sld [smem:$0x3FA5]  }
0x2c: {  	s7 =	sld [smem:$0x3FA6]  }
0x2d: {  	s3 =	simm.s32 $0x108;
	s8 =	sld [smem:$0x3FA7]  }
0x2e: {  	s3 =	simm.s32 @!p0 $0x1082;
	s9 =	sld [smem:$0x3FA8]  }
0x2f: {  	lr =	sadd.s32 s0, s3;
	s0 =	sld [smem:$0x3F9F]  }
0x30: {  	s3 =	sld [smem:$0x3FA2]  }
0x31: {  	[smem:$0x3FAB] =	sst s10  }
0x32: {  	s10 =	sld [smem:$0x3FA9];
	_ =	sdelay $0x3  }
0x33: {  	p0 =	seq.s32 s10, $0x1;
	s10 =	sld [smem:$0x3FAB];
	_ =	sdelay $0x3  }
0x34: {  	[smem:$0x3FAB] =	sst s10  }
0x35: {  	s10 =	sld [smem:$0x3FAA];
	_ =	sdelay $0x3  }
0x36: {  	p1 =	seq.s32 s10, $0x1;
	s10 =	sld [smem:$0x3FAB];
	_ =	sdelay $0x3  }
0x37: {  	[smem:$0x3FAB] =	sst s10  }
0x38: {  	s10 =	sld [smem:$0x3FAC]  }
0x39: {  	_ = 	snop;
	(pc) =	sbr.ind lr, $3  }
0x3a: {  	_ = 	snop  }
0x3b: {  	_ = 	snop  }
0x3c: {  	p2 =	seq.s32 s10, $0x1;
	s10 =	sld [smem:$0x3FAB]  }
0x3d: {  	_ =	shalt  }
0x3e: {  	_ =	shalt  }
0x3f: {  	_ =	shalt  }
0x40: {  	_ =	shalt  }
0x41: {  	_ =	shalt  }
0x42: {  	_ =	shalt  }
0x43: {  	_ =	shalt  }
0x44: {  	_ =	shalt  }
0x45: {  	_ =	shalt  }
0x46: {  	_ =	shalt  }
0x47: {  	_ =	shalt  }
0x48: {  	_ =	shalt  }
0x49: {  	_ =	shalt  }
0x4a: {  	_ =	shalt  }
0x4b: {  	_ =	shalt  }
0x4c: {  	_ =	shalt  }
0x4d: {  	_ =	shalt  }
0x4e: {  	_ =	shalt  }
0x4f: {  	_ =	shalt  }
0x50: {  	_ =	shalt  }
0x51: {  	_ =	shalt  }
0x52: {  	_ =	shalt  }
0x53: {  	_ =	shalt  }
0x54: {  	_ =	shalt  }
0x55: {  	_ =	shalt  }
0x56: {  	_ =	shalt  }
0x57: {  	_ =	shalt  }
0x58: {  	_ =	shalt  }
0x59: {  	_ =	shalt  }
0x5a: {  	_ =	shalt  }
0x5b: {  	_ =	shalt  }
0x5c: {  	_ =	shalt  }
0x5d: {  	_ =	shalt  }
0x5e: {  	_ =	shalt  }
0x5f: {  	_ =	shalt  }
0x60: {  	_ =	shalt  }
0x61: {  	_ =	shalt  }
0x62: {  	_ =	shalt  }
0x63: {  	_ =	shalt  }
0x64: {  	_ =	shalt  }
0x65: {  	_ =	shalt  }
0x66: {  	_ =	shalt  }
0x67: {  	_ =	shalt  }
0x68: {  	_ =	shalt  }
0x69: {  	_ =	shalt  }
0x6a: {  	_ =	shalt  }
0x6b: {  	_ =	shalt  }
0x6c: {  	_ =	shalt  }
0x6d: {  	_ =	shalt  }
0x6e: {  	_ =	shalt  }
0x6f: {  	_ =	shalt  }
0x70: {  	_ =	shalt  }
0x71: {  	_ =	shalt  }
0x72: {  	_ =	shalt  }
0x73: {  	_ =	shalt  }
0x74: {  	_ =	shalt  }
0x75: {  	_ =	shalt  }
0x76: {  	_ =	shalt  }
0x77: {  	_ =	shalt  }
0x78: {  	_ =	shalt  }
0x79: {  	_ =	shalt  }
0x7a: {  	_ =	shalt  }
0x7b: {  	_ =	shalt  }
0x7c: {  	_ =	shalt  }
0x7d: {  	_ =	shalt  }
0x7e: {  	_ =	shalt  }
0x7f: {  	_ =	shalt  }
0x80: {  	_ =	shalt  }
0x81: {  	_ =	shalt  }
0x82: {  	_ =	shalt  }
0x83: {  	_ =	shalt  }
0x84: {  	_ =	shalt  }
0x85: {  	_ =	shalt  }
0x86: {  	_ =	shalt  }
0x87: {  	_ =	shalt  }
.Lfunc_end0:
.L_simem_size_0:
called_computation.3_lowered:
.L_overlay_start_0:
0x88: {  	s2 =	sld [smem:$0x3FD9]  }
0x89: {  	s3 =	sld [smem:$0x3FFE];
	_ =	sdelay $0x1  }
0x8a: {  	s1 =	srdreg.scid  }
0x8b: {  	s0 =	sand.u32 $0x1, s1  }
0x8c: {  	s17 =	sshll.u32 s0, $0xA;
	s2 =	sadd.s32 s3, s2  }
0x8d: {  	s2 =	sadd.s32 s2, s17  }
0x8e: {  	[smem:$0x3FB7] =	sst s2  }
0x8f: {  	_ = 	snop  }
0x90: {  	s2 =	sld [smem:$0x3FD0];
	(tm) =	ssettm $0x1  }
0x91: {  	s18 =	sld [smem:$0x3FFB];
	_ =	sdelay $0x3  }
0x92: {  	_ =	strace s18  }
0x93: {  	s3 =	sld [smem:$0x3FFC];
	_ =	sdelay $0x3  }
0x94: {  	_ =	strace s3  }
0x95: {  	s3 =	sld [smem:$0x3FFD];
	_ =	sdelay $0x3  }
0x96: {  	_ =	strace s3  }
0x97: {  	_ =	strace $0x8FFFFFFF  }
0x98: {  	s19 =	sld [smem:$0x3FDB];
	_ =	sdelay $0x1  }
0x99: {  	s4 =	simm.s32 $_scs_section_size  }
0x9a: {  	s5 =	simm.s32 $_size__tile_overlayer_lowered;
	s6 =	simm.s32 $_tile_overlayer_lowered  }
0x9b: {  	s22 =	simm.s32 $0x1BFF;
	s21 =	sshll.u32 s6, $0x1;
	s3 =	sadd.s32 s4, s19  }
0x9c: {  	s7 =	simm.s32 $0x0;
	s20 =	sshll.u32 s5, $0x1;
	s5 =	sadd.s32 s21, s3  }
0x9d: {  	[timem:s7], [sflag:s22] =	dma.local [hbm:s5], s20  }
0x9e: {  	_ =	swait.ge [sflag:s22], s20  }
0x9f: {  	s4 =	ssub.s32 $0x0, s20;
	[sflag:s22] =	ssyncset.done $0x0  }
0xa0: {  	[sflag:s22] =	ssyncadd.s32 s4;
	_ =	sdelay $0x1  }
0xa1: {  	s23 =	simm.s32 $0x1B8B  }
0xa2: {  	_ =	swait.ge [sflag:s23], $0x1  }
0xa3: {  	[sflag:s23] =	ssyncset.done $0x0  }
0xa4: {  	s25 =	simm.s32 $0x1B8E;
	s24 =	sld [smem:$0x3FFE];
	[sflag:s23] =	ssyncadd.s32 $0xFFFFFFFF  }
0xa5: {  	s26 =	simm.s32 $execute0_lowered;
	[smem:$0x3FD2] =	sst s25  }
0xa6: {  	s5 =	sshll.u32 s26, $0x1;
	_ =	strace $0x8000004F;
	[dreg:$0x1] =	wrdreg $0xFFFFFFFF  }
0xa7: {  	s28 =	simm.s32 $_size_execute0_lowered;
	s3 =	sadd.s32 s3, s5;
	[dreg:$0x0] =	wrdreg $0x0  }
0xa8: {  	s5 =	sshll.u32 s28, $0x1;
	[dreg:$0x2] =	wrdreg s3  }
0xa9: {  	[dreg:$0x3] =	wrdreg s5  }
0xaa: {  	[dreg:$0x4] =	wrdreg $0xC0  }
0xab: {  	_ =	task [dreg:s7], $0x5FFFF  }
0xac: {  	[dreg:$0x1] =	wrdreg $0xFFFFFFFF  }
0xad: {  	[dreg:$0x0] =	wrdreg $0x60  }
0xae: {  	[dreg:$0x2] =	wrdreg s24  }
0xaf: {  	[dreg:$0x3] =	wrdreg s2  }
0xb0: {  	[dreg:$0x4] =	wrdreg $0x81000  }
0xb1: {  	[dreg:$0x5] =	wrdreg $0x9  }
0xb2: {  	_ =	task.clear_ibuf [dreg:s7], $0x6FFFF;
	_ =	strace $0x9000004F  }
0xb3: {  	s29 =	simm.s32 $0x9;
	_ =	strace $0x80000051  }
0xb4: {  	_ =	swait.ge [sflag:s29], $0x1  }
0xb5: {  	[sflag:s29] =	ssyncadd.s32 $0xFFFFFFFF  }
0xb6: {  	_ =	strace $0x90000051  }
0xb7: {  	_ =	sfence  }
0xb8: {  	s30 =	sld [smem:$0x0];
	_ =	sdelay $0x2  }
0xb9: {  	s31 =	sshll.u32 s1, $0xD;
	s1 =	sshrl.u32 s1, $0x2  }
0xba: {  	s3 =	sand.u32 $0x4000, s31;
	s1 =	sadd.s32 s1, s30  }
0xbb: {  	s0 =	sor.u32 s3, s0;
	s1 =	sshll.u32 s1, $0x11  }
0xbc: {  	s0 =	sor.u32 s1, s0  }
0xbd: {  	s0 =	sadd.s32 $0x8F2B, s0  }
0xbe: {  	[sflag:s0] =	ssyncadd.remote.s32 $0x1  }
0xbf: {  	_ =	sfence.sel $0xFFFF  }
0xc0: {  	[dreg:$0x0] =	wrdreg $0xFFFFFFFF;
	(pc) =	sbr.abs _section_cstart, $3  }
0xc1: {  	[dreg:$0x1] =	wrdreg $0xFFFFFFFF  }
0xc2: {  	_ =	task.clear_ibuf [dreg:s7], $0x2FFFF;
	_ =	strace $0x9FFFFFFF  }
0xc3: {  	(tm) =	ssettm $0x7FFFFFFF  }
tec
execute0_lowered:
.L_overlay_start_1:
0x0: {  	(tag) =	ssettag $0x1  }
0x1: {  	s0 =	rddreg [dreg:$0x0]  }
0x2: {  	s1 =	rddreg [dreg:$0x1]  }
0x3: {  	s2 =	rddreg [dreg:$0x2];
	s3 =	simm.s32 $0x0;
	s10 =	stileid.u32  }
0x4: {  	s4 =	srdreg.scid;
	s26 =	simm.s32 $0x4100;
	s28 =	simm.s32 $0x1  }
0x5: {  	[smem:$0x7FF] =	sst s3;
	s8 =	sand.u32 $0x1, s4;
	s5 =	smul.u32 $0x50000, s10  }
0x6: {  	s4 =	sadd.s32 $0xAAC00, s0;
	s17 =	sshll.u32 s10, $0x4;
	s6 =	smul.u32 $0x280, s10  }
0x7: {  	s23 =	sadd.s32 $0x130000, s2;
	s24 =	sadd.s32 $0x134000, s2;
	p0 =	seq.s32 s10, $0xF  }
0x8: {  	_ =	strace $0x80000050;
	s25 =	smul.u32 $0x2710, s8;
	s21 =	sadd.s32 s17, s0  }
0x9: {  	s0 =	sadd.s32 $0x147200, s0;
	s7 =	ssub.s32 $0x2, s8;
	s8 =	smul.u32 $0x138800, s8  }
0xa: {  	s17 =	sadd.s32 s17, s1;
	s23 =	sshrl.u32 @p0 s23, $0x3;
	s24 =	sshrl.u32 @p0 s24, $0x3  }
0xb: {  	s9 =	sshrl.u32 s7, $0x1;
	s5 =	sshrl.u32 s5, $0x2;
	s21 =	sadd.s32 $0x4A00, s21  }
0xc: {  	s6 =	sadd.s32 s6, s25;
	s20 =	ssub.s32 s7, s9;
	s5 =	sadd.s32 s5, s2  }
0xd: {  	s8 =	sshrl.u32 s8, $0x3;
	s6 =	sshll.u32 s6, $0x4;
	s7 =	sadd.s32 $0x4000, s5  }
0xe: {  	s9 =	sadd.s32 $0x8000, s5;
	s13 =	sadd.s32 $0x10000, s5;
	s20 =	smax.u32 s20, $0x1  }
0xf: {  	s6 =	sadd.s32 s0, s6;
	s0 =	sadd.s32 s0, s8;
	s8 =	sadd.s32 $0x12C000, s2  }
0x10: {  	s31 =	sadd.s32 $0x800, s6;
	s11 =	sadd.s32 $0x1000, s6;
	s12 =	sadd.s32 $0x1800, s6  }
0x11: {  	s14 =	sadd.s32 $0x2000, s6;
	s15 =	sadd.s32 $0x25800, s0;
	s16 =	sadd.s32 $0x26000, s0  }
0x12: {  	s18 =	sadd.s32 $0x26800, s0;
	s19 =	sadd.s32 $0x27000, s0;
	[dreg:$0x4] =	wrdreg s31  }
0x13: {  	s22 =	sshrl.u32 @p0 s8, $0x3;
	s0 =	sadd.s32 $0x138000, s2;
	[dreg:$0x5] =	wrdreg s11  }
0x14: {  	v1 =	vimm.f32 $0.0e+00;
	v0 =	vmov s25;
	s11 =	sadd.s32 $0xC000, s5;
	[dreg:$0x6] =	wrdreg s12;
	s25 =	sshrl.u32 @p0 s0, $0x3  }
.LBB2_1:
0x15: {  	s0 =	simm.s32 $0x0;
	s1 =	simm.s32 $0x200  }
.LBB2_2:
0x16: {  	p1 =	sne.s32 s1, $0xFE00;
	[tilespmem:s0+$0x4170] =	vst v1  }
0x17: {  	[tilespmem:s0+$0x4100] =	vst v1  }
0x18: {  	[tilespmem:s0+$0x4110] =	vst v1  }
.Ltmp0:
0x19: {  	[tilespmem:s0+$0x4120] =	vst v1;
	(pc) =	sbr.rel @p1 .LBB2_2-.Ltmp0, $4  }
0x1a: {  	[tilespmem:s0+$0x4130] =	vst v1  }
0x1b: {  	[tilespmem:s0+$0x4140] =	vst v1  }
0x1c: {  	[tilespmem:s0+$0x4150] =	vst v1  }
0x1d: {  	[tilespmem:s0+$0x4160] =	vst v1;
	s0 =	sshra.s32 s1, $0x2;
	s1 =	sadd.s32 $0x200, s1  }
0x1e: {  	[tilespmem:s0+$0x4170] =	vst v1  }
0x1f: {  	[tilespmem:s0+$0x4100] =	vst v1  }
0x20: {  	[tilespmem:s0+$0x4110] =	vst v1  }
0x21: {  	[tilespmem:s0+$0x4120] =	vst v1  }
0x22: {  	[tilespmem:s0+$0x4130] =	vst v1  }
0x23: {  	[tilespmem:s0+$0x4140] =	vst v1  }
0x24: {  	[tilespmem:s0+$0x4150] =	vst v1  }
0x25: {  	[tilespmem:s0+$0x4160] =	vst v1  }
0x26: {  	[spmem:s5] =	stream.linear.scatter [tilespmem:s26], [sflag:$0x1], $0x4000, $0x38;
	[tilespmem:$0x1C100] =	vst v63  }
0x27: {  	_ =	swait.ge [sflag:s28], $0x4000  }
0x28: {  	[sflag:s28] =	ssyncset.done $0x0  }
0x29: {  	[sflag:s28] =	ssyncadd.s32 $0xFFFFC000  }
0x2a: {  	[spmem:s7] =	stream.linear.scatter [tilespmem:s26], [sflag:$0x1], $0x4000, $0x38;
	[tilespmem:$0x1C100] =	vst v63  }
0x2b: {  	_ =	swait.ge [sflag:s28], $0x4000  }
0x2c: {  	[sflag:s28] =	ssyncset.done $0x0  }
0x2d: {  	[sflag:s28] =	ssyncadd.s32 $0xFFFFC000  }
0x2e: {  	[spmem:s9] =	stream.linear.scatter [tilespmem:s26], [sflag:$0x1], $0x4000, $0x38;
	[tilespmem:$0x1C100] =	vst v63  }
0x2f: {  	_ =	swait.ge [sflag:s28], $0x4000  }
0x30: {  	[sflag:s28] =	ssyncset.done $0x0  }
0x31: {  	[sflag:s28] =	ssyncadd.s32 $0xFFFFC000  }
0x32: {  	[spmem:s11] =	stream.linear.scatter [tilespmem:s26], [sflag:$0x1], $0x4000, $0x38;
	[tilespmem:$0x1C100] =	vst v63  }
0x33: {  	_ =	swait.ge [sflag:s28], $0x4000  }
0x34: {  	[sflag:s28] =	ssyncset.done $0x0  }
0x35: {  	[sflag:s28] =	ssyncadd.s32 $0xFFFFC000  }
0x36: {  	[spmem:s13] =	stream.linear.scatter [tilespmem:s26], [sflag:$0x1], $0x4000, $0x38;
	[tilespmem:$0x1C100] =	vst v63  }
0x37: {  	_ =	swait.ge [sflag:s28], $0x4000  }
0x38: {  	p2 =	sgt.u32 s10, $0x9C3;
	[sflag:s28] =	ssyncset.done $0x0  }
0x39: {  	s0 =	sadd.s32 @!p2 $0x0, s17;
	[sflag:s28] =	ssyncadd.s32 $0xFFFFC000  }
0x3a: {  	s30 =	simm.s32 @!p2 $0x0;
	s29 =	simm.s32 @!p2 $0x2;
	[bflag:$0x0] =	sbarrier.arrive $0xFFFF  }
0x3b: {  	[tilespmem:s30], [sflag:$0x2] =	stream.linear.gather @!p2 [hbm4b:s0+s30], $0x80, $0x38;
	[tilespmem:$0x1C100] =	vst v63  }
0x3c: {  	p1 =	por p2, p2;
	_ =	swait.ge @!p2 [sflag:s29], $0x80  }
0x3d: {  	[sflag:s29] =	ssyncset.done @!p1 $0x0  }
0x3e: {  	s31 =	simm.s32 @!p1 $0x80;
	s0 =	sadd.s32 @!p1 $0x0, s21;
	[sflag:s29] =	ssyncadd.s32 @!p1 $0xFFFFFF80  }
0x3f: {  	[tilespmem:s31], [sflag:$0x2] =	stream.linear.gather @!p1 [hbm4b:s0+s30], $0x80, $0x38;
	[tilespmem:$0x1C100] =	vst v63  }
0x40: {  	_ =	swait.ge @!p1 [sflag:s29], $0x80  }
0x41: {  	[sflag:s29] =	ssyncset.done @!p1 $0x0  }
0x42: {  	[sflag:s29] =	ssyncadd.s32 @!p1 $0xFFFFFF80  }
0x43: {  	v2 =	vld @!p1 [tilespmem:$0x30]  }
0x44: {  	v3 =	vld @!p1 [tilespmem:$0x50]  }
0x45: {  	v4 =	vld @!p1 [tilespmem:$0x60]  }
0x46: {  	v5 =	vld @!p1 [tilespmem:$0x20]  }
0x47: {  	v6 =	vld @!p1 [tilespmem:$0x10]  }
0x48: {  	v8 =	vld @!p1 [tilespmem:$0x0];
	v2 =	vadd.s32 @!p1 v0, v2  }
0x49: {  	v7 =	vld @!p1 [tilespmem:$0x40];
	[tilespmem:$0x30] =	vst @!p1 v2;
	v2 =	vadd.s32 @!p1 v0, v3  }
0x4a: {  	v3 =	vld @!p1 [tilespmem:$0x70];
	[tilespmem:$0x50] =	vst @!p1 v2;
	v2 =	vadd.s32 @!p1 v0, v4  }
0x4b: {  	v4 =	vadd.s32 @!p1 v0, v5;
	[tilespmem:$0x60] =	vst @!p1 v2  }
0x4c: {  	v2 =	vadd.s32 @!p1 v0, v6;
	[tilespmem:$0x20] =	vst @!p1 v4  }
0x4d: {  	v4 =	vadd.s32 @!p1 v0, v8;
	[tilespmem:$0x10] =	vst @!p1 v2  }
0x4e: {  	v2 =	vadd.s32 @!p1 v0, v7;
	[tilespmem:$0x0] =	vst @!p1 v4  }
0x4f: {  	s8 =	stileid.u32;
	s1 =	simm.s32 @!p2 $0x100;
	s0 =	simm.s32 $0x100;
	[tilespmem:$0x40] =	vst @!p1 v2;
	v2 =	vadd.s32 @!p1 v0, v3  }
.LBB2_4:
0x50: {  	[tilespmem:$0x70] =	vst @!p1 v2;
	s8 =	sadd.s32 $0x10, s8;
	s10 =	smov.u32 s0;
	s0 =	sadd.s32 $0x100, s0  }
0x51: {  	[tilespmem:s1], [sflag:$0x2] =	stream.indirect.gather @!p1 [hbm4b:s4+s31], $0x80, s30, s31, $0xb8;
	[tilespmem:$0x1C100] =	vst v63  }
0x52: {  	p2 =	sne.s32 s0, $0x9D00;
	_ =	swait.ge @!p1 [sflag:s29], $0x4000  }
0x53: {  	[sflag:s29] =	ssyncset.done @!p1 $0x0  }
0x54: {  	s12 =	simm.s32 @!p1 $0x1;
	[sflag:s29] =	ssyncadd.s32 @!p1 $0xFFFFC000  }
0x55: {  	[spmem:s2] =	stream.indirect.scatter.add.f32 @!p1 [tilespmem:s1], [sflag:$0x1], $0x80, s31, s31, $0xb8;
	[tilespmem:$0x1C100] =	vst v63  }
0x56: {  	p3 =	sgt.u32 s8, $0x9C3;
	_ =	swait.ge @!p1 [sflag:s12], $0x4000  }
0x57: {  	s30 =	simm.s32 @!p3 $0x0;
	s31 =	sadd.s32 @!p3 s10, s17;
	[sflag:s12] =	ssyncset.done @!p1 $0x0  }
0x58: {  	s29 =	simm.s32 @!p3 $0x2;
	s1 =	simm.s32 @!p3 $0x100;
	[sflag:s12] =	ssyncadd.s32 @!p1 $0xFFFFC000  }
0x59: {  	[tilespmem:s30], [sflag:$0x2] =	stream.linear.gather @!p3 [hbm4b:s31+s30], $0x80, $0x38;
	[tilespmem:$0x1C100] =	vst v63  }
0x5a: {  	p1 =	por p3, p3;
	_ =	swait.ge @!p3 [sflag:s29], $0x80  }
0x5b: {  	s10 =	sadd.s32 @!p1 s10, s21;
	s31 =	simm.s32 @!p1 $0x80;
	[sflag:s29] =	ssyncset.done @!p1 $0x0  }
0x5c: {  	[sflag:s29] =	ssyncadd.s32 @!p1 $0xFFFFFF80  }
0x5d: {  	[tilespmem:s31], [sflag:$0x2] =	stream.linear.gather @!p1 [hbm4b:s10+s30], $0x80, $0x38;
	[tilespmem:$0x1C100] =	vst v63  }
0x5e: {  	_ =	swait.ge @!p1 [sflag:s29], $0x80  }
0x5f: {  	[sflag:s29] =	ssyncset.done @!p1 $0x0  }
0x60: {  	[sflag:s29] =	ssyncadd.s32 @!p1 $0xFFFFFF80  }
0x61: {  	v2 =	vld @!p1 [tilespmem:$0x30]  }
0x62: {  	v3 =	vld @!p1 [tilespmem:$0x50]  }
0x63: {  	v4 =	vld @!p1 [tilespmem:$0x60]  }
0x64: {  	v5 =	vld @!p1 [tilespmem:$0x20]  }
0x65: {  	v6 =	vld @!p1 [tilespmem:$0x10]  }
0x66: {  	v2 =	vadd.s32 @!p1 v0, v2;
	v7 =	vld @!p1 [tilespmem:$0x40]  }
0x67: {  	v8 =	vld @!p1 [tilespmem:$0x0];
	[tilespmem:$0x30] =	vst @!p1 v2;
	v2 =	vadd.s32 @!p1 v0, v3  }
0x68: {  	[tilespmem:$0x50] =	vst @!p1 v2;
	v2 =	vadd.s32 @!p1 v0, v4;
	v3 =	vld @!p1 [tilespmem:$0x70]  }
.Ltmp1:
0x69: {  	v4 =	vadd.s32 @!p1 v0, v5;
	[tilespmem:$0x60] =	vst @!p1 v2;
	(pc) =	sbr.rel @p2 .LBB2_4-.Ltmp1, $4  }
0x6a: {  	v2 =	vadd.s32 @!p1 v0, v6;
	[tilespmem:$0x20] =	vst @!p1 v4  }
0x6b: {  	[tilespmem:$0x10] =	vst @!p1 v2;
	v2 =	vadd.s32 @!p1 v0, v7  }
0x6c: {  	v4 =	vadd.s32 @!p1 v0, v8;
	[tilespmem:$0x40] =	vst @!p1 v2  }
0x6d: {  	[tilespmem:$0x0] =	vst @!p1 v4;
	v2 =	vadd.s32 @!p1 v0, v3  }
0x6e: {  	[tilespmem:$0x70] =	vst @!p1 v2  }
0x6f: {  	[tilespmem:s1], [sflag:$0x2] =	stream.indirect.gather @!p1 [hbm4b:s4+s31], $0x80, s30, s31, $0xb8;
	[tilespmem:$0x1C100] =	vst v63  }
0x70: {  	_ =	swait.ge @!p1 [sflag:s29], $0x4000  }
0x71: {  	[sflag:s29] =	ssyncset.done @!p1 $0x0  }
0x72: {  	s0 =	simm.s32 @!p1 $0x1;
	[sflag:s29] =	ssyncadd.s32 @!p1 $0xFFFFC000  }
0x73: {  	[spmem:s2] =	stream.indirect.scatter.add.f32 @!p1 [tilespmem:s1], [sflag:$0x1], $0x80, s31, s31, $0xb8;
	[tilespmem:$0x1C100] =	vst v63  }
0x74: {  	_ =	swait.ge @!p1 [sflag:s0], $0x4000  }
0x75: {  	[sflag:s0] =	ssyncset.done @!p1 $0x0  }
0x76: {  	[sflag:s0] =	ssyncadd.s32 @!p1 $0xFFFFC000  }
0x77: {  	s1 =	simm.s32 @p0 $0x1;
	s0 =	simm.s32 @p0 $0x1FC1;
	[bflag:$0x0] =	sbarrier.arrive $0xFFFF  }
0x78: {  	[hbm:s15], [sflag:s0] =	dma.local @p0 [spmem:s22], $0x800  }
0x79: {  	_ =	swait.ge @p0 [sflag:s1], $0x800  }
0x7a: {  	[sflag:s1] =	ssyncset.done @p0 $0x0  }
0x7b: {  	[sflag:s1] =	ssyncadd.s32 @p0 $0xFFFFF800  }
0x7c: {  	[hbm:s16], [sflag:s0] =	dma.local @p0 [spmem:s23], $0x800  }
0x7d: {  	_ =	swait.ge @p0 [sflag:s1], $0x800  }
0x7e: {  	[sflag:s1] =	ssyncset.done @p0 $0x0  }
0x7f: {  	[sflag:s1] =	ssyncadd.s32 @p0 $0xFFFFF800  }
0x80: {  	[hbm:s18], [sflag:s0] =	dma.local @p0 [spmem:s24], $0x800  }
0x81: {  	_ =	swait.ge @p0 [sflag:s1], $0x800  }
0x82: {  	[sflag:s1] =	ssyncset.done @p0 $0x0  }
0x83: {  	[sflag:s1] =	ssyncadd.s32 @p0 $0xFFFFF800  }
0x84: {  	[hbm:s19], [sflag:s0] =	dma.local @p0 [spmem:s25], $0x100  }
0x85: {  	s10 =	stileid.u32;
	_ =	swait.ge @p0 [sflag:s1], $0x100  }
0x86: {  	s0 =	sshll.u32 @!p0 s10, $0x6;
	[sflag:s1] =	ssyncset.done @p0 $0x0  }
0x87: {  	s0 =	sor.u32 @!p0 $0x1C01, s0;
	[sflag:s1] =	ssyncadd.s32 @p0 $0xFFFFFF00;
	s1 =	sshrl.u32 @!p0 s5, $0x3  }
0x88: {  	[hbm:s6], [sflag:s0] =	dma.local @!p0 [spmem:s1], $0x800  }
0x89: {  	s1 =	simm.s32 @!p0 $0x1  }
0x8a: {  	_ =	swait.ge @!p0 [sflag:s1], $0x800  }
0x8b: {  	[sflag:s1] =	ssyncset.done @!p0 $0x0  }
0x8c: {  	s8 =	sshrl.u32 @!p0 s7, $0x3;
	s12 =	rddreg [dreg:$0x4];
	[sflag:s1] =	ssyncadd.s32 @!p0 $0xFFFFF800  }
0x8d: {  	[hbm:s12], [sflag:s0] =	dma.local @!p0 [spmem:s8], $0x800  }
0x8e: {  	_ =	swait.ge @!p0 [sflag:s1], $0x800  }
0x8f: {  	[sflag:s1] =	ssyncset.done @!p0 $0x0  }
0x90: {  	s8 =	sshrl.u32 @!p0 s9, $0x3;
	s12 =	rddreg [dreg:$0x5];
	[sflag:s1] =	ssyncadd.s32 @!p0 $0xFFFFF800  }
0x91: {  	[hbm:s12], [sflag:s0] =	dma.local @!p0 [spmem:s8], $0x800  }
0x92: {  	_ =	swait.ge @!p0 [sflag:s1], $0x800  }
0x93: {  	[sflag:s1] =	ssyncset.done @!p0 $0x0  }
0x94: {  	s8 =	sshrl.u32 @!p0 s11, $0x3;
	s12 =	rddreg [dreg:$0x6];
	[sflag:s1] =	ssyncadd.s32 @!p0 $0xFFFFF800  }
0x95: {  	[hbm:s12], [sflag:s0] =	dma.local @!p0 [spmem:s8], $0x800  }
0x96: {  	s3 =	sadd.s32 $0x1, s3;
	_ =	swait.ge @!p0 [sflag:s1], $0x800  }
0x97: {  	p1 =	sne.s32 s3, s20;
	[sflag:s1] =	ssyncset.done @!p0 $0x0  }
.Ltmp2:
0x98: {  	s8 =	sshrl.u32 @!p0 s13, $0x3;
	[sflag:s1] =	ssyncadd.s32 @!p0 $0xFFFFF800;
	(pc) =	sbr.rel @p1 .LBB2_1-.Ltmp2, $4  }
0x99: {  	[hbm:s14], [sflag:s0] =	dma.local @!p0 [spmem:s8], $0x800  }
0x9a: {  	_ =	swait.ge @!p0 [sflag:s1], $0x800  }
0x9b: {  	[sflag:s1] =	ssyncset.done @!p0 $0x0  }
0x9c: {  	[sflag:s1] =	ssyncadd.s32 @!p0 $0xFFFFF800  }
0x9d: {  	_ =	sfence.sel $0x180000  }
0x9e: {  	[bflag:$0x0] =	sbarrier.arrive $0xFFFF  }
0x9f: {  	_ =	strace $0x90000050  }
0xa0: {  	[bflag:$0x2] =	sbarrier.arrive $0xFFFF  }
0xa1: {  	p0 =	sne.s32 s10, $0x0;
	s0 =	rddreg [dreg:$0x3]  }
0xa2: {  	s0 =	sadd.s32 @!p0 $0x100000, s0  }
0xa3: {  	[sflag:s0] =	ssyncadd.tile.s32 @!p0 $0x1;
	_ =	shalt  }
.Lfunc_end2:
_tile_overlayer_lowered:
.L_overlay_start_2:
0xa4: {  	(tag) =	ssettag $0x2  }
0xa5: {  	s0 =	rddreg [dreg:$0x0];
	s2 =	stileid.u32  }
0xa6: {  	s1 =	rddreg [dreg:$0x1];
	p0 =	sne.s32 s2, $0x0  }
0xa7: {  	s3 =	rddreg [dreg:$0x2];
	[bflag:$0x3] =	sbarrier.arrive $0xFFFF;
	s2 =	simm.s32 @!p0 $0x1C01  }
0xa8: {  	[timem:s3], [sflag:s2] =	dma.local @!p0 [hbm:s0], s1  }
0xa9: {  	s0 =	simm.s32 @!p0 $0x1  }
0xaa: {  	_ =	swait.ge @!p0 [sflag:s0], s1  }
0xab: {  	s1 =	ssub.s32 @!p0 $0x0, s1;
	[sflag:s0] =	ssyncset.done @!p0 $0x0  }
0xac: {  	[sflag:s0] =	ssyncadd.s32 @!p0 s1  }
0xad: {  	[bflag:$0x3] =	sbarrier.arrive $0xFFFF  }
0xae: {  	_ =	shalt  }

// kernel: kernel.25.cloned.1.call-start
scs
__scs_entry_jumppad:
0x0: {  	(pc) =	sbr.rel $0x88, $3  }
0x1: {  	(tag) =	ssettag $0x0;
	lr =	simm.s32 $0x1  }
0x2: {  	[smem:$0x3F90] =	sst lr;
	_ =	strace $0xD0000000  }
0x3: {  	_ = 	snop  }
0x4: {  	_ = 	snop  }
0x5: {  	_ = 	snop  }
0x6: {  	_ = 	snop  }
0x7: {  	_ = 	snop  }
__scs_overlays_trampoline_lowered:
0x8: {  	[smem:$0x3F9F] =	sst s0  }
0x9: {  	[smem:$0x3FA0] =	sst s1  }
0xa: {  	[smem:$0x3FA1] =	sst s2  }
0xb: {  	[smem:$0x3FA2] =	sst s3  }
0xc: {  	[smem:$0x3FA3] =	sst s4  }
0xd: {  	[smem:$0x3FA4] =	sst s5  }
0xe: {  	[smem:$0x3FA5] =	sst s6  }
0xf: {  	[smem:$0x3FA6] =	sst s7  }
0x10: {  	[smem:$0x3FA7] =	sst s8  }
0x11: {  	[smem:$0x3FA8] =	sst s9;
	s0 =	simm.s32 @!p0 $0x0  }
0x12: {  	s1 =	sld [smem:$0x3F8E];
	s0 =	simm.s32 @p0 $0x1  }
0x13: {  	[smem:$0x3FA9] =	sst s0;
	s0 =	simm.s32 @!p1 $0x0  }
0x14: {  	s2 =	sld [smem:$0x3F8D];
	s0 =	simm.s32 @p1 $0x1  }
0x15: {  	[smem:$0x3FAA] =	sst s0;
	s0 =	simm.s32 @!p2 $0x0  }
0x16: {  	s3 =	sld [smem:$0x3FDB];
	s0 =	simm.s32 @p2 $0x1  }
0x17: {  	s4 =	simm.s32 $0x1BF5;
	[smem:$0x3FAC] =	sst s0  }
0x18: {  	s0 =	sld [smem:$0x3F8F];
	_ =	swait.ge [sflag:s4], $0x0  }
0x19: {  	s7 =	sld [smem:$0x3F90]  }
0x1a: {  	s8 =	sadd.s32 $0xFFFFE003, lr  }
0x1b: {  	s9 =	sadd.s32 $0xFFFFFEF7, lr;
	s5 =	simm.s32 $0xFFFFFFFF;
	p2 =	slt.u32 s8, $0xFFFFF086  }
0x1c: {  	p1 =	slt.u32 s9, $0xF7A;
	s5 =	simm.s32 @!p2 $0x0  }
0x1d: {  	s5 =	simm.s32 @p1 $0x1;
	p0 =	seq.s32 s7, s2  }
0x1e: {  	s7 =	smul.u32 @!p0 $0xF7A, s2;
	p2 =	seq.s32 @!p0 s5, $0x0  }
0x1f: {  	s9 =	smul.u32 $0xF7A, s1;
	s8 =	simm.s32 @!p0 $0x1BF5;
	p2 =	por !p2, p0  }
0x20: {  	[sflag:s8] =	ssyncset.s32 @!p0 $0xFFFFF086;
	s6 =	sadd.s32 @!p0 s3, s7;
	s7 =	simm.s32 @!p0 $0x108  }
0x21: {  	s3 =	sadd.s32 s3, s9;
	s6 =	sadd.s32 @!p0 $0x88, s6;
	s7 =	simm.s32 @p2 $0x1082  }
0x22: {  	[simem:s7], [sflag:s8] =	dma.local @!p0 [hbm:s6], $0xF7A  }
0x23: {  	s9 =	sor.u32 $0xD0000000, s2;
	s6 =	simm.s32 $0x108;
	_ =	swait.ge @!p0 [sflag:s8], $0x0  }
0x24: {  	s3 =	sadd.s32 $0x88, s3;
	s6 =	simm.s32 @!p1 $0x1082;
	[sflag:s4] =	ssyncset.s32 $0xFFFFF086  }
0x25: {  	[simem:s6], [sflag:s4] =	dma.local [hbm:s3], $0xF7A  }
0x26: {  	[smem:$0x3F90] =	sst s1;
	(tag) =	ssettag s2;
	_ =	strace s9  }
0x27: {  	s1 =	sld [smem:$0x3FA0]  }
0x28: {  	s2 =	sld [smem:$0x3FA1]  }
0x29: {  	s4 =	sld [smem:$0x3FA3]  }
0x2a: {  	p0 =	seq.s32 s5, $0x0;
	s5 =	sld [smem:$0x3FA4]  }
0x2b: {  	s6 =	sld [smem:$0x3FA5]  }
0x2c: {  	s7 =	sld [smem:$0x3FA6]  }
0x2d: {  	s3 =	simm.s32 $0x108;
	s8 =	sld [smem:$0x3FA7]  }
0x2e: {  	s3 =	simm.s32 @!p0 $0x1082;
	s9 =	sld [smem:$0x3FA8]  }
0x2f: {  	lr =	sadd.s32 s0, s3;
	s0 =	sld [smem:$0x3F9F]  }
0x30: {  	s3 =	sld [smem:$0x3FA2]  }
0x31: {  	[smem:$0x3FAB] =	sst s10  }
0x32: {  	s10 =	sld [smem:$0x3FA9];
	_ =	sdelay $0x3  }
0x33: {  	p0 =	seq.s32 s10, $0x1;
	s10 =	sld [smem:$0x3FAB];
	_ =	sdelay $0x3  }
0x34: {  	[smem:$0x3FAB] =	sst s10  }
0x35: {  	s10 =	sld [smem:$0x3FAA];
	_ =	sdelay $0x3  }
0x36: {  	p1 =	seq.s32 s10, $0x1;
	s10 =	sld [smem:$0x3FAB];
	_ =	sdelay $0x3  }
0x37: {  	[smem:$0x3FAB] =	sst s10  }
0x38: {  	s10 =	sld [smem:$0x3FAC]  }
0x39: {  	_ = 	snop;
	(pc) =	sbr.ind lr, $3  }
0x3a: {  	_ = 	snop  }
0x3b: {  	_ = 	snop  }
0x3c: {  	p2 =	seq.s32 s10, $0x1;
	s10 =	sld [smem:$0x3FAB]  }
0x3d: {  	_ =	shalt  }
0x3e: {  	_ =	shalt  }
0x3f: {  	_ =	shalt  }
0x40: {  	_ =	shalt  }
0x41: {  	_ =	shalt  }
0x42: {  	_ =	shalt  }
0x43: {  	_ =	shalt  }
0x44: {  	_ =	shalt  }
0x45: {  	_ =	shalt  }
0x46: {  	_ =	shalt  }
0x47: {  	_ =	shalt  }
0x48: {  	_ =	shalt  }
0x49: {  	_ =	shalt  }
0x4a: {  	_ =	shalt  }
0x4b: {  	_ =	shalt  }
0x4c: {  	_ =	shalt  }
0x4d: {  	_ =	shalt  }
0x4e: {  	_ =	shalt  }
0x4f: {  	_ =	shalt  }
0x50: {  	_ =	shalt  }
0x51: {  	_ =	shalt  }
0x52: {  	_ =	shalt  }
0x53: {  	_ =	shalt  }
0x54: {  	_ =	shalt  }
0x55: {  	_ =	shalt  }
0x56: {  	_ =	shalt  }
0x57: {  	_ =	shalt  }
0x58: {  	_ =	shalt  }
0x59: {  	_ =	shalt  }
0x5a: {  	_ =	shalt  }
0x5b: {  	_ =	shalt  }
0x5c: {  	_ =	shalt  }
0x5d: {  	_ =	shalt  }
0x5e: {  	_ =	shalt  }
0x5f: {  	_ =	shalt  }
0x60: {  	_ =	shalt  }
0x61: {  	_ =	shalt  }
0x62: {  	_ =	shalt  }
0x63: {  	_ =	shalt  }
0x64: {  	_ =	shalt  }
0x65: {  	_ =	shalt  }
0x66: {  	_ =	shalt  }
0x67: {  	_ =	shalt  }
0x68: {  	_ =	shalt  }
0x69: {  	_ =	shalt  }
0x6a: {  	_ =	shalt  }
0x6b: {  	_ =	shalt  }
0x6c: {  	_ =	shalt  }
0x6d: {  	_ =	shalt  }
0x6e: {  	_ =	shalt  }
0x6f: {  	_ =	shalt  }
0x70: {  	_ =	shalt  }
0x71: {  	_ =	shalt  }
0x72: {  	_ =	shalt  }
0x73: {  	_ =	shalt  }
0x74: {  	_ =	shalt  }
0x75: {  	_ =	shalt  }
0x76: {  	_ =	shalt  }
0x77: {  	_ =	shalt  }
0x78: {  	_ =	shalt  }
0x79: {  	_ =	shalt  }
0x7a: {  	_ =	shalt  }
0x7b: {  	_ =	shalt  }
0x7c: {  	_ =	shalt  }
0x7d: {  	_ =	shalt  }
0x7e: {  	_ =	shalt  }
0x7f: {  	_ =	shalt  }
0x80: {  	_ =	shalt  }
0x81: {  	_ =	shalt  }
0x82: {  	_ =	shalt  }
0x83: {  	_ =	shalt  }
0x84: {  	_ =	shalt  }
0x85: {  	_ =	shalt  }
0x86: {  	_ =	shalt  }
0x87: {  	_ =	shalt  }
.Lfunc_end0:
.L_simem_size_0:
called_computation.4_lowered:
.L_overlay_start_0:
0x88: {  	s2 =	sld [smem:$0x3FD9]  }
0x89: {  	s3 =	sld [smem:$0x3FFE];
	_ =	sdelay $0x1  }
0x8a: {  	s1 =	srdreg.scid  }
0x8b: {  	s0 =	sand.u32 $0x1, s1  }
0x8c: {  	s17 =	sshll.u32 s0, $0xA;
	s2 =	sadd.s32 s3, s2  }
0x8d: {  	s2 =	sadd.s32 s2, s17  }
0x8e: {  	[smem:$0x3FB7] =	sst s2  }
0x8f: {  	_ = 	snop  }
0x90: {  	s2 =	sld [smem:$0x3FD0];
	(tm) =	ssettm $0x1  }
0x91: {  	s18 =	sld [smem:$0x3FFB];
	_ =	sdelay $0x3  }
0x92: {  	_ =	strace s18  }
0x93: {  	s3 =	sld [smem:$0x3FFC];
	_ =	sdelay $0x3  }
0x94: {  	_ =	strace s3  }
0x95: {  	s3 =	sld [smem:$0x3FFD];
	_ =	sdelay $0x3  }
0x96: {  	_ =	strace s3  }
0x97: {  	_ =	strace $0x8FFFFFFF  }
0x98: {  	s19 =	sld [smem:$0x3FDB];
	_ =	sdelay $0x1  }
0x99: {  	s4 =	simm.s32 $_scs_section_size  }
0x9a: {  	s5 =	simm.s32 $_size__tile_overlayer_lowered;
	s6 =	simm.s32 $_tile_overlayer_lowered  }
0x9b: {  	s22 =	simm.s32 $0x1BFF;
	s21 =	sshll.u32 s6, $0x1;
	s3 =	sadd.s32 s4, s19  }
0x9c: {  	s7 =	simm.s32 $0x0;
	s20 =	sshll.u32 s5, $0x1;
	s5 =	sadd.s32 s21, s3  }
0x9d: {  	[timem:s7], [sflag:s22] =	dma.local [hbm:s5], s20  }
0x9e: {  	_ =	swait.ge [sflag:s22], s20  }
0x9f: {  	s4 =	ssub.s32 $0x0, s20;
	[sflag:s22] =	ssyncset.done $0x0  }
0xa0: {  	[sflag:s22] =	ssyncadd.s32 s4;
	_ =	sdelay $0x1  }
0xa1: {  	s23 =	simm.s32 $0x1B8B  }
0xa2: {  	_ =	swait.ge [sflag:s23], $0x1  }
0xa3: {  	[sflag:s23] =	ssyncset.done $0x0  }
0xa4: {  	s25 =	simm.s32 $0x1B8E;
	s24 =	sld [smem:$0x3FFE];
	[sflag:s23] =	ssyncadd.s32 $0xFFFFFFFF  }
0xa5: {  	s26 =	simm.s32 $execute0_lowered;
	[smem:$0x3FD2] =	sst s25  }
0xa6: {  	s5 =	sshll.u32 s26, $0x1;
	_ =	strace $0x80000052;
	[dreg:$0x1] =	wrdreg $0xFFFFFFFF  }
0xa7: {  	s28 =	simm.s32 $_size_execute0_lowered;
	s3 =	sadd.s32 s3, s5;
	[dreg:$0x0] =	wrdreg $0x0  }
0xa8: {  	s5 =	sshll.u32 s28, $0x1;
	[dreg:$0x2] =	wrdreg s3  }
0xa9: {  	[dreg:$0x3] =	wrdreg s5  }
0xaa: {  	[dreg:$0x4] =	wrdreg $0xC0  }
0xab: {  	_ =	task [dreg:s7], $0x5FFFF  }
0xac: {  	[dreg:$0x1] =	wrdreg $0xFFFFFFFF  }
0xad: {  	[dreg:$0x0] =	wrdreg $0x60  }
0xae: {  	[dreg:$0x2] =	wrdreg s24  }
0xaf: {  	[dreg:$0x3] =	wrdreg s2  }
0xb0: {  	[dreg:$0x4] =	wrdreg $0x81000  }
0xb1: {  	[dreg:$0x5] =	wrdreg $0x9  }
0xb2: {  	_ =	task.clear_ibuf [dreg:s7], $0x6FFFF;
	_ =	strace $0x90000052  }
0xb3: {  	s29 =	simm.s32 $0x9;
	_ =	strace $0x80000054  }
0xb4: {  	_ =	swait.ge [sflag:s29], $0x1  }
0xb5: {  	[sflag:s29] =	ssyncadd.s32 $0xFFFFFFFF  }
0xb6: {  	_ =	strace $0x90000054  }
0xb7: {  	_ =	sfence  }
0xb8: {  	s30 =	sld [smem:$0x0];
	_ =	sdelay $0x2  }
0xb9: {  	s31 =	sshll.u32 s1, $0xD;
	s1 =	sshrl.u32 s1, $0x2  }
0xba: {  	s3 =	sand.u32 $0x4000, s31;
	s1 =	sadd.s32 s1, s30  }
0xbb: {  	s0 =	sor.u32 s3, s0;
	s1 =	sshll.u32 s1, $0x11  }
0xbc: {  	s0 =	sor.u32 s1, s0  }
0xbd: {  	s0 =	sadd.s32 $0x8F2B, s0  }
0xbe: {  	[sflag:s0] =	ssyncadd.remote.s32 $0x1  }
0xbf: {  	_ =	sfence.sel $0xFFFF  }
0xc0: {  	[dreg:$0x0] =	wrdreg $0xFFFFFFFF;
	(pc) =	sbr.abs _section_cstart, $3  }
0xc1: {  	[dreg:$0x1] =	wrdreg $0xFFFFFFFF  }
0xc2: {  	_ =	task.clear_ibuf [dreg:s7], $0x2FFFF;
	_ =	strace $0x9FFFFFFF  }
0xc3: {  	(tm) =	ssettm $0x7FFFFFFF  }
tec
execute0_lowered:
.L_overlay_start_1:
0x0: {  	(tag) =	ssettag $0x1  }
0x1: {  	s0 =	rddreg [dreg:$0x0]  }
0x2: {  	s1 =	rddreg [dreg:$0x1]  }
0x3: {  	s2 =	rddreg [dreg:$0x2];
	s3 =	simm.s32 $0x0;
	s10 =	stileid.u32  }
0x4: {  	s4 =	srdreg.scid;
	s26 =	simm.s32 $0x4100;
	s28 =	simm.s32 $0x1  }
0x5: {  	[smem:$0x7FF] =	sst s3;
	s8 =	sand.u32 $0x1, s4;
	s5 =	smul.u32 $0x50000, s10  }
0x6: {  	s4 =	sadd.s32 $0xAAC00, s0;
	s17 =	sshll.u32 s10, $0x4;
	s6 =	smul.u32 $0x280, s10  }
0x7: {  	s23 =	sadd.s32 $0x130000, s2;
	s24 =	sadd.s32 $0x134000, s2;
	p0 =	seq.s32 s10, $0xF  }
0x8: {  	_ =	strace $0x80000053;
	s25 =	smul.u32 $0x2710, s8;
	s21 =	sadd.s32 s17, s0  }
0x9: {  	s0 =	sadd.s32 $0x147200, s0;
	s7 =	ssub.s32 $0x2, s8;
	s8 =	smul.u32 $0x138800, s8  }
0xa: {  	s17 =	sadd.s32 s17, s1;
	s23 =	sshrl.u32 @p0 s23, $0x3;
	s24 =	sshrl.u32 @p0 s24, $0x3  }
0xb: {  	s9 =	sshrl.u32 s7, $0x1;
	s5 =	sshrl.u32 s5, $0x2;
	s21 =	sadd.s32 $0x4A00, s21  }
0xc: {  	s6 =	sadd.s32 s6, s25;
	s20 =	ssub.s32 s7, s9;
	s5 =	sadd.s32 s5, s2  }
0xd: {  	s8 =	sshrl.u32 s8, $0x3;
	s6 =	sshll.u32 s6, $0x4;
	s7 =	sadd.s32 $0x4000, s5  }
0xe: {  	s9 =	sadd.s32 $0x8000, s5;
	s13 =	sadd.s32 $0x10000, s5;
	s20 =	smax.u32 s20, $0x1  }
0xf: {  	s6 =	sadd.s32 s0, s6;
	s0 =	sadd.s32 s0, s8;
	s8 =	sadd.s32 $0x12C000, s2  }
0x10: {  	s31 =	sadd.s32 $0x800, s6;
	s11 =	sadd.s32 $0x1000, s6;
	s12 =	sadd.s32 $0x1800, s6  }
0x11: {  	s14 =	sadd.s32 $0x2000, s6;
	s15 =	sadd.s32 $0x25800, s0;
	s16 =	sadd.s32 $0x26000, s0  }
0x12: {  	s18 =	sadd.s32 $0x26800, s0;
	s19 =	sadd.s32 $0x27000, s0;
	[dreg:$0x4] =	wrdreg s31  }
0x13: {  	s22 =	sshrl.u32 @p0 s8, $0x3;
	s0 =	sadd.s32 $0x138000, s2;
	[dreg:$0x5] =	wrdreg s11  }
0x14: {  	v1 =	vimm.f32 $0.0e+00;
	v0 =	vmov s25;
	s11 =	sadd.s32 $0xC000, s5;
	[dreg:$0x6] =	wrdreg s12;
	s25 =	sshrl.u32 @p0 s0, $0x3  }
.LBB2_1:
0x15: {  	s0 =	simm.s32 $0x0;
	s1 =	simm.s32 $0x200  }
.LBB2_2:
0x16: {  	p1 =	sne.s32 s1, $0xFE00;
	[tilespmem:s0+$0x4170] =	vst v1  }
0x17: {  	[tilespmem:s0+$0x4100] =	vst v1  }
0x18: {  	[tilespmem:s0+$0x4110] =	vst v1  }
.Ltmp0:
0x19: {  	[tilespmem:s0+$0x4120] =	vst v1;
	(pc) =	sbr.rel @p1 .LBB2_2-.Ltmp0, $4  }
0x1a: {  	[tilespmem:s0+$0x4130] =	vst v1  }
0x1b: {  	[tilespmem:s0+$0x4140] =	vst v1  }
0x1c: {  	[tilespmem:s0+$0x4150] =	vst v1  }
0x1d: {  	[tilespmem:s0+$0x4160] =	vst v1;
	s0 =	sshra.s32 s1, $0x2;
	s1 =	sadd.s32 $0x200, s1  }
0x1e: {  	[tilespmem:s0+$0x4170] =	vst v1  }
0x1f: {  	[tilespmem:s0+$0x4100] =	vst v1  }
0x20: {  	[tilespmem:s0+$0x4110] =	vst v1  }
0x21: {  	[tilespmem:s0+$0x4120] =	vst v1  }
0x22: {  	[tilespmem:s0+$0x4130] =	vst v1  }
0x23: {  	[tilespmem:s0+$0x4140] =	vst v1  }
0x24: {  	[tilespmem:s0+$0x4150] =	vst v1  }
0x25: {  	[tilespmem:s0+$0x4160] =	vst v1  }
0x26: {  	[spmem:s5] =	stream.linear.scatter [tilespmem:s26], [sflag:$0x1], $0x4000, $0x38;
	[tilespmem:$0x1C100] =	vst v63  }
0x27: {  	_ =	swait.ge [sflag:s28], $0x4000  }
0x28: {  	[sflag:s28] =	ssyncset.done $0x0  }
0x29: {  	[sflag:s28] =	ssyncadd.s32 $0xFFFFC000  }
0x2a: {  	[spmem:s7] =	stream.linear.scatter [tilespmem:s26], [sflag:$0x1], $0x4000, $0x38;
	[tilespmem:$0x1C100] =	vst v63  }
0x2b: {  	_ =	swait.ge [sflag:s28], $0x4000  }
0x2c: {  	[sflag:s28] =	ssyncset.done $0x0  }
0x2d: {  	[sflag:s28] =	ssyncadd.s32 $0xFFFFC000  }
0x2e: {  	[spmem:s9] =	stream.linear.scatter [tilespmem:s26], [sflag:$0x1], $0x4000, $0x38;
	[tilespmem:$0x1C100] =	vst v63  }
0x2f: {  	_ =	swait.ge [sflag:s28], $0x4000  }
0x30: {  	[sflag:s28] =	ssyncset.done $0x0  }
0x31: {  	[sflag:s28] =	ssyncadd.s32 $0xFFFFC000  }
0x32: {  	[spmem:s11] =	stream.linear.scatter [tilespmem:s26], [sflag:$0x1], $0x4000, $0x38;
	[tilespmem:$0x1C100] =	vst v63  }
0x33: {  	_ =	swait.ge [sflag:s28], $0x4000  }
0x34: {  	[sflag:s28] =	ssyncset.done $0x0  }
0x35: {  	[sflag:s28] =	ssyncadd.s32 $0xFFFFC000  }
0x36: {  	[spmem:s13] =	stream.linear.scatter [tilespmem:s26], [sflag:$0x1], $0x4000, $0x38;
	[tilespmem:$0x1C100] =	vst v63  }
0x37: {  	_ =	swait.ge [sflag:s28], $0x4000  }
0x38: {  	p2 =	sgt.u32 s10, $0x9C3;
	[sflag:s28] =	ssyncset.done $0x0  }
0x39: {  	s0 =	sadd.s32 @!p2 $0x0, s17;
	[sflag:s28] =	ssyncadd.s32 $0xFFFFC000  }
0x3a: {  	s30 =	simm.s32 @!p2 $0x0;
	s29 =	simm.s32 @!p2 $0x2;
	[bflag:$0x0] =	sbarrier.arrive $0xFFFF  }
0x3b: {  	[tilespmem:s30], [sflag:$0x2] =	stream.linear.gather @!p2 [hbm4b:s0+s30], $0x80, $0x38;
	[tilespmem:$0x1C100] =	vst v63  }
0x3c: {  	p1 =	por p2, p2;
	_ =	swait.ge @!p2 [sflag:s29], $0x80  }
0x3d: {  	[sflag:s29] =	ssyncset.done @!p1 $0x0  }
0x3e: {  	s31 =	simm.s32 @!p1 $0x80;
	s0 =	sadd.s32 @!p1 $0x0, s21;
	[sflag:s29] =	ssyncadd.s32 @!p1 $0xFFFFFF80  }
0x3f: {  	[tilespmem:s31], [sflag:$0x2] =	stream.linear.gather @!p1 [hbm4b:s0+s30], $0x80, $0x38;
	[tilespmem:$0x1C100] =	vst v63  }
0x40: {  	_ =	swait.ge @!p1 [sflag:s29], $0x80  }
0x41: {  	[sflag:s29] =	ssyncset.done @!p1 $0x0  }
0x42: {  	[sflag:s29] =	ssyncadd.s32 @!p1 $0xFFFFFF80  }
0x43: {  	v2 =	vld @!p1 [tilespmem:$0x30]  }
0x44: {  	v3 =	vld @!p1 [tilespmem:$0x50]  }
0x45: {  	v4 =	vld @!p1 [tilespmem:$0x60]  }
0x46: {  	v5 =	vld @!p1 [tilespmem:$0x20]  }
0x47: {  	v6 =	vld @!p1 [tilespmem:$0x10]  }
0x48: {  	v8 =	vld @!p1 [tilespmem:$0x0];
	v2 =	vadd.s32 @!p1 v0, v2  }
0x49: {  	v7 =	vld @!p1 [tilespmem:$0x40];
	[tilespmem:$0x30] =	vst @!p1 v2;
	v2 =	vadd.s32 @!p1 v0, v3  }
0x4a: {  	v3 =	vld @!p1 [tilespmem:$0x70];
	[tilespmem:$0x50] =	vst @!p1 v2;
	v2 =	vadd.s32 @!p1 v0, v4  }
0x4b: {  	v4 =	vadd.s32 @!p1 v0, v5;
	[tilespmem:$0x60] =	vst @!p1 v2  }
0x4c: {  	v2 =	vadd.s32 @!p1 v0, v6;
	[tilespmem:$0x20] =	vst @!p1 v4  }
0x4d: {  	v4 =	vadd.s32 @!p1 v0, v8;
	[tilespmem:$0x10] =	vst @!p1 v2  }
0x4e: {  	v2 =	vadd.s32 @!p1 v0, v7;
	[tilespmem:$0x0] =	vst @!p1 v4  }
0x4f: {  	s8 =	stileid.u32;
	s1 =	simm.s32 @!p2 $0x100;
	s0 =	simm.s32 $0x100;
	[tilespmem:$0x40] =	vst @!p1 v2;
	v2 =	vadd.s32 @!p1 v0, v3  }
.LBB2_4:
0x50: {  	[tilespmem:$0x70] =	vst @!p1 v2;
	s8 =	sadd.s32 $0x10, s8;
	s10 =	smov.u32 s0;
	s0 =	sadd.s32 $0x100, s0  }
0x51: {  	[tilespmem:s1], [sflag:$0x2] =	stream.indirect.gather @!p1 [hbm4b:s4+s31], $0x80, s30, s31, $0xb8;
	[tilespmem:$0x1C100] =	vst v63  }
0x52: {  	p2 =	sne.s32 s0, $0x9D00;
	_ =	swait.ge @!p1 [sflag:s29], $0x4000  }
0x53: {  	[sflag:s29] =	ssyncset.done @!p1 $0x0  }
0x54: {  	s12 =	simm.s32 @!p1 $0x1;
	[sflag:s29] =	ssyncadd.s32 @!p1 $0xFFFFC000  }
0x55: {  	[spmem:s2] =	stream.indirect.scatter.add.f32 @!p1 [tilespmem:s1], [sflag:$0x1], $0x80, s31, s31, $0xb8;
	[tilespmem:$0x1C100] =	vst v63  }
0x56: {  	p3 =	sgt.u32 s8, $0x9C3;
	_ =	swait.ge @!p1 [sflag:s12], $0x4000  }
0x57: {  	s30 =	simm.s32 @!p3 $0x0;
	s31 =	sadd.s32 @!p3 s10, s17;
	[sflag:s12] =	ssyncset.done @!p1 $0x0  }
0x58: {  	s29 =	simm.s32 @!p3 $0x2;
	s1 =	simm.s32 @!p3 $0x100;
	[sflag:s12] =	ssyncadd.s32 @!p1 $0xFFFFC000  }
0x59: {  	[tilespmem:s30], [sflag:$0x2] =	stream.linear.gather @!p3 [hbm4b:s31+s30], $0x80, $0x38;
	[tilespmem:$0x1C100] =	vst v63  }
0x5a: {  	p1 =	por p3, p3;
	_ =	swait.ge @!p3 [sflag:s29], $0x80  }
0x5b: {  	s10 =	sadd.s32 @!p1 s10, s21;
	s31 =	simm.s32 @!p1 $0x80;
	[sflag:s29] =	ssyncset.done @!p1 $0x0  }
0x5c: {  	[sflag:s29] =	ssyncadd.s32 @!p1 $0xFFFFFF80  }
0x5d: {  	[tilespmem:s31], [sflag:$0x2] =	stream.linear.gather @!p1 [hbm4b:s10+s30], $0x80, $0x38;
	[tilespmem:$0x1C100] =	vst v63  }
0x5e: {  	_ =	swait.ge @!p1 [sflag:s29], $0x80  }
0x5f: {  	[sflag:s29] =	ssyncset.done @!p1 $0x0  }
0x60: {  	[sflag:s29] =	ssyncadd.s32 @!p1 $0xFFFFFF80  }
0x61: {  	v2 =	vld @!p1 [tilespmem:$0x30]  }
0x62: {  	v3 =	vld @!p1 [tilespmem:$0x50]  }
0x63: {  	v4 =	vld @!p1 [tilespmem:$0x60]  }
0x64: {  	v5 =	vld @!p1 [tilespmem:$0x20]  }
0x65: {  	v6 =	vld @!p1 [tilespmem:$0x10]  }
0x66: {  	v2 =	vadd.s32 @!p1 v0, v2;
	v7 =	vld @!p1 [tilespmem:$0x40]  }
0x67: {  	v8 =	vld @!p1 [tilespmem:$0x0];
	[tilespmem:$0x30] =	vst @!p1 v2;
	v2 =	vadd.s32 @!p1 v0, v3  }
0x68: {  	[tilespmem:$0x50] =	vst @!p1 v2;
	v2 =	vadd.s32 @!p1 v0, v4;
	v3 =	vld @!p1 [tilespmem:$0x70]  }
.Ltmp1:
0x69: {  	v4 =	vadd.s32 @!p1 v0, v5;
	[tilespmem:$0x60] =	vst @!p1 v2;
	(pc) =	sbr.rel @p2 .LBB2_4-.Ltmp1, $4  }
0x6a: {  	v2 =	vadd.s32 @!p1 v0, v6;
	[tilespmem:$0x20] =	vst @!p1 v4  }
0x6b: {  	[tilespmem:$0x10] =	vst @!p1 v2;
	v2 =	vadd.s32 @!p1 v0, v7  }
0x6c: {  	v4 =	vadd.s32 @!p1 v0, v8;
	[tilespmem:$0x40] =	vst @!p1 v2  }
0x6d: {  	[tilespmem:$0x0] =	vst @!p1 v4;
	v2 =	vadd.s32 @!p1 v0, v3  }
0x6e: {  	[tilespmem:$0x70] =	vst @!p1 v2  }
0x6f: {  	[tilespmem:s1], [sflag:$0x2] =	stream.indirect.gather @!p1 [hbm4b:s4+s31], $0x80, s30, s31, $0xb8;
	[tilespmem:$0x1C100] =	vst v63  }
0x70: {  	_ =	swait.ge @!p1 [sflag:s29], $0x4000  }
0x71: {  	[sflag:s29] =	ssyncset.done @!p1 $0x0  }
0x72: {  	s0 =	simm.s32 @!p1 $0x1;
	[sflag:s29] =	ssyncadd.s32 @!p1 $0xFFFFC000  }
0x73: {  	[spmem:s2] =	stream.indirect.scatter.add.f32 @!p1 [tilespmem:s1], [sflag:$0x1], $0x80, s31, s31, $0xb8;
	[tilespmem:$0x1C100] =	vst v63  }
0x74: {  	_ =	swait.ge @!p1 [sflag:s0], $0x4000  }
0x75: {  	[sflag:s0] =	ssyncset.done @!p1 $0x0  }
0x76: {  	[sflag:s0] =	ssyncadd.s32 @!p1 $0xFFFFC000  }
0x77: {  	s1 =	simm.s32 @p0 $0x1;
	s0 =	simm.s32 @p0 $0x1FC1;
	[bflag:$0x0] =	sbarrier.arrive $0xFFFF  }
0x78: {  	[hbm:s15], [sflag:s0] =	dma.local @p0 [spmem:s22], $0x800  }
0x79: {  	_ =	swait.ge @p0 [sflag:s1], $0x800  }
0x7a: {  	[sflag:s1] =	ssyncset.done @p0 $0x0  }
0x7b: {  	[sflag:s1] =	ssyncadd.s32 @p0 $0xFFFFF800  }
0x7c: {  	[hbm:s16], [sflag:s0] =	dma.local @p0 [spmem:s23], $0x800  }
0x7d: {  	_ =	swait.ge @p0 [sflag:s1], $0x800  }
0x7e: {  	[sflag:s1] =	ssyncset.done @p0 $0x0  }
0x7f: {  	[sflag:s1] =	ssyncadd.s32 @p0 $0xFFFFF800  }
0x80: {  	[hbm:s18], [sflag:s0] =	dma.local @p0 [spmem:s24], $0x800  }
0x81: {  	_ =	swait.ge @p0 [sflag:s1], $0x800  }
0x82: {  	[sflag:s1] =	ssyncset.done @p0 $0x0  }
0x83: {  	[sflag:s1] =	ssyncadd.s32 @p0 $0xFFFFF800  }
0x84: {  	[hbm:s19], [sflag:s0] =	dma.local @p0 [spmem:s25], $0x100  }
0x85: {  	s10 =	stileid.u32;
	_ =	swait.ge @p0 [sflag:s1], $0x100  }
0x86: {  	s0 =	sshll.u32 @!p0 s10, $0x6;
	[sflag:s1] =	ssyncset.done @p0 $0x0  }
0x87: {  	s0 =	sor.u32 @!p0 $0x1C01, s0;
	[sflag:s1] =	ssyncadd.s32 @p0 $0xFFFFFF00;
	s1 =	sshrl.u32 @!p0 s5, $0x3  }
0x88: {  	[hbm:s6], [sflag:s0] =	dma.local @!p0 [spmem:s1], $0x800  }
0x89: {  	s1 =	simm.s32 @!p0 $0x1  }
0x8a: {  	_ =	swait.ge @!p0 [sflag:s1], $0x800  }
0x8b: {  	[sflag:s1] =	ssyncset.done @!p0 $0x0  }
0x8c: {  	s8 =	sshrl.u32 @!p0 s7, $0x3;
	s12 =	rddreg [dreg:$0x4];
	[sflag:s1] =	ssyncadd.s32 @!p0 $0xFFFFF800  }
0x8d: {  	[hbm:s12], [sflag:s0] =	dma.local @!p0 [spmem:s8], $0x800  }
0x8e: {  	_ =	swait.ge @!p0 [sflag:s1], $0x800  }
0x8f: {  	[sflag:s1] =	ssyncset.done @!p0 $0x0  }
0x90: {  	s8 =	sshrl.u32 @!p0 s9, $0x3;
	s12 =	rddreg [dreg:$0x5];
	[sflag:s1] =	ssyncadd.s32 @!p0 $0xFFFFF800  }
0x91: {  	[hbm:s12], [sflag:s0] =	dma.local @!p0 [spmem:s8], $0x800  }
0x92: {  	_ =	swait.ge @!p0 [sflag:s1], $0x800  }
0x93: {  	[sflag:s1] =	ssyncset.done @!p0 $0x0  }
0x94: {  	s8 =	sshrl.u32 @!p0 s11, $0x3;
	s12 =	rddreg [dreg:$0x6];
	[sflag:s1] =	ssyncadd.s32 @!p0 $0xFFFFF800  }
0x95: {  	[hbm:s12], [sflag:s0] =	dma.local @!p0 [spmem:s8], $0x800  }
0x96: {  	s3 =	sadd.s32 $0x1, s3;
	_ =	swait.ge @!p0 [sflag:s1], $0x800  }
0x97: {  	p1 =	sne.s32 s3, s20;
	[sflag:s1] =	ssyncset.done @!p0 $0x0  }
.Ltmp2:
0x98: {  	s8 =	sshrl.u32 @!p0 s13, $0x3;
	[sflag:s1] =	ssyncadd.s32 @!p0 $0xFFFFF800;
	(pc) =	sbr.rel @p1 .LBB2_1-.Ltmp2, $4  }
0x99: {  	[hbm:s14], [sflag:s0] =	dma.local @!p0 [spmem:s8], $0x800  }
0x9a: {  	_ =	swait.ge @!p0 [sflag:s1], $0x800  }
0x9b: {  	[sflag:s1] =	ssyncset.done @!p0 $0x0  }
0x9c: {  	[sflag:s1] =	ssyncadd.s32 @!p0 $0xFFFFF800  }
0x9d: {  	_ =	sfence.sel $0x180000  }
0x9e: {  	[bflag:$0x0] =	sbarrier.arrive $0xFFFF  }
0x9f: {  	_ =	strace $0x90000053  }
0xa0: {  	[bflag:$0x2] =	sbarrier.arrive $0xFFFF  }
0xa1: {  	p0 =	sne.s32 s10, $0x0;
	s0 =	rddreg [dreg:$0x3]  }
0xa2: {  	s0 =	sadd.s32 @!p0 $0x100000, s0  }
0xa3: {  	[sflag:s0] =	ssyncadd.tile.s32 @!p0 $0x1;
	_ =	shalt  }
.Lfunc_end2:
_tile_overlayer_lowered:
.L_overlay_start_2:
0xa4: {  	(tag) =	ssettag $0x2  }
0xa5: {  	s0 =	rddreg [dreg:$0x0];
	s2 =	stileid.u32  }
0xa6: {  	s1 =	rddreg [dreg:$0x1];
	p0 =	sne.s32 s2, $0x0  }
0xa7: {  	s3 =	rddreg [dreg:$0x2];
	[bflag:$0x3] =	sbarrier.arrive $0xFFFF;
	s2 =	simm.s32 @!p0 $0x1C01  }
0xa8: {  	[timem:s3], [sflag:s2] =	dma.local @!p0 [hbm:s0], s1  }
0xa9: {  	s0 =	simm.s32 @!p0 $0x1  }
0xaa: {  	_ =	swait.ge @!p0 [sflag:s0], s1  }
0xab: {  	s1 =	ssub.s32 @!p0 $0x0, s1;
	[sflag:s0] =	ssyncset.done @!p0 $0x0  }
0xac: {  	[sflag:s0] =	ssyncadd.s32 @!p0 s1  }
0xad: {  	[bflag:$0x3] =	sbarrier.arrive $0xFFFF  }
0xae: {  	_ =	shalt  }

</sc_bundles>
